<compile_context>
chip_gen: v7x
topology: tpu7x:2x2x1
jax: 0.10.2.dev20260603
libtpu: 0.0.44.dev20260713+nightly
codegen_flags: <defaults>
</compile_context>

<pallas_src>
import functools

import jax
import jax.numpy as jnp
from jax import lax
from jax.experimental import pallas as pl
from jax.experimental.pallas import tpu as pltpu
from jax.experimental.pallas import tpu_sc as plsc

N = 10000
E = 320000
NC, NS = 2, 16
NW = NC * NS
NP = 10240
EP = NW * 10240
KCH = 80
RPT = NP // NS
TCB = 1280
TCG = NP // TCB


def _leaky(v):
    return jnp.where(v >= 0, v, 0.01 * v)


def _mesh():
    return plsc.VectorSubcoreMesh(
        core_axis_name="c", subcore_axis_name="s", num_cores=NC, num_subcores=NS
    )



def _deg_body(dst_hbm, ones_hbm, zeros_hbm, out_hbm, dstv, onesv, acc, sem):
    c = lax.axis_index("c")
    s = lax.axis_index("s")
    wid = s * NC + c
    pltpu.sync_copy(zeros_hbm, acc.at[pl.ds(s * RPT, RPT), :])
    pltpu.sync_copy(ones_hbm, onesv)
    pltpu.sync_copy(dst_hbm.at[wid], dstv)
    plsc.subcore_barrier()

    def step(k, carry):
        pltpu.sync_copy(onesv, acc.at[dstv.at[k]], add=True)
        return carry

    lax.fori_loop(0, KCH, step, 0)
    plsc.subcore_barrier()
    pltpu.sync_copy(
        acc.at[pl.ds(s * RPT, RPT), :],
        out_hbm.at[c, pl.ds(s * RPT, RPT), :],
    )


_deg_kernel = functools.partial(
    pl.kernel,
    _deg_body,
    out_type=jax.ShapeDtypeStruct((NC, NP, 128), jnp.float32),
    mesh=_mesh(),
    scratch_types=[
        pltpu.VMEM((KCH, 128), jnp.int32),
        pltpu.VMEM((128, 128), jnp.float32),
        pltpu.VMEM_SHARED((NP, 128), jnp.float32),
        pltpu.SemaphoreType.DMA,
    ],
)



NBUF = 2
GRP = 16
NGRP = KCH // GRP


K0 = 112
K1 = 2 * KCH - K0


def _agg_body(W, src_hbm, dst_hbm, t_hbm, zeros_hbm, out_hbm,
              srcg, dstg, r0, r1, acc, g0, g1, ssem):
    c = lax.axis_index("c")
    s = lax.axis_index("s")
    rows = (r0, r1)
    gsem = (g0, g1)
    pltpu.sync_copy(zeros_hbm, r0)
    for q in range(RPT // 128):
        pltpu.sync_copy(r0, acc.at[pl.ds(s * RPT + q * 128, 128), :])
    plsc.subcore_barrier()

    def run(base_row, nchunks):
        def group(g, carry):
            row0 = base_row + g * GRP
            pltpu.sync_copy(src_hbm.at[pl.ds(row0, GRP)], srcg)
            pltpu.sync_copy(dst_hbm.at[pl.ds(row0, GRP)], dstg)

            def step(j, carry2):
                gd = [pltpu.async_copy(t_hbm.at[srcg.at[NBUF * j + b]],
                                       rows[b], gsem[b])
                      for b in range(NBUF)]
                sd = []
                for b in range(NBUF):
                    gd[b].wait()
                    sd.append(pltpu.async_copy(rows[b],
                                               acc.at[dstg.at[NBUF * j + b]],
                                               ssem, add=True))
                for d in sd:
                    d.wait()
                return carry2

            lax.fori_loop(0, GRP // NBUF, step, 0)
            return carry

        lax.fori_loop(0, nchunks // GRP, group, 0)

    @pl.when(c == 0)
    def _():
        run(s * K0, K0)

    @pl.when(c == 1)
    def _():
        run(16 * K0 + s * K1, K1)

    plsc.subcore_barrier()
    pltpu.sync_copy(
        acc.at[pl.ds(s * RPT, RPT), :], out_hbm.at[c, pl.ds(s * RPT, RPT), :]
    )


def _agg_kernel(W):
    return functools.partial(
        pl.kernel,
        functools.partial(_agg_body, W),
        out_type=jax.ShapeDtypeStruct((NC, NP, W), jnp.float32),
        mesh=_mesh(),
        scratch_types=[
            pltpu.VMEM((GRP, 128), jnp.int32),
            pltpu.VMEM((GRP, 128), jnp.int32),
            pltpu.VMEM((128, W), jnp.float32),
            pltpu.VMEM((128, W), jnp.float32),
            pltpu.VMEM_SHARED((NP, W), jnp.float32),
            pltpu.SemaphoreType.DMA,
            pltpu.SemaphoreType.DMA,
            pltpu.SemaphoreType.DMA,
        ],
    )



def _dis(degref):
    deg = degref[0, :, :1] + degref[1, :, :1] + 1.0
    return lax.rsqrt(deg)


def _tc1_body(x_ref, w_ref, b_ref, deg_ref, o_ref):
    h = lax.dot_general(x_ref[...], w_ref[...], (((1,), (1,)), ((), ())),
                        preferred_element_type=jnp.float32,
                        precision=lax.Precision.HIGHEST)
    o_ref[...] = _dis(deg_ref) * _leaky(h + b_ref[...])


def _tc2_body(p_ref, t_ref, deg_ref, w1_ref, b1_ref, w2_ref, o_ref):
    dis = _dis(deg_ref)
    g1 = dis * (p_ref[0] + p_ref[1] + t_ref[...])
    h1 = _leaky(
        lax.dot_general(g1, w1_ref[...], (((1,), (1,)), ((), ())),
                        preferred_element_type=jnp.float32,
                        precision=lax.Precision.HIGHEST) + b1_ref[...])
    o_ref[...] = dis * lax.dot_general(
        h1, w2_ref[...], (((1,), (1,)), ((), ())),
        preferred_element_type=jnp.float32,
                        precision=lax.Precision.HIGHEST)


def _tc3_body(p_ref, t_ref, deg_ref, b2_ref, o_ref):
    dis = _dis(deg_ref)
    g2 = dis * (p_ref[0] + p_ref[1] + t_ref[...])
    o_ref[...] = dis * _leaky(g2 + b2_ref[...])


def _tc4_body(p_ref, t_ref, deg_ref, w3_ref, b3_ref, wo_ref, bo_ref, o_ref):
    dis = _dis(deg_ref)
    g3 = dis * (p_ref[0] + p_ref[1] + t_ref[...])
    u3 = lax.dot_general(g3, w3_ref[...], (((1,), (1,)), ((), ())),
                         preferred_element_type=jnp.float32,
                        precision=lax.Precision.HIGHEST) + b3_ref[...]
    h3 = _leaky(u3)
    o_ref[...] = jnp.sum(h3 * wo_ref[...], axis=1, keepdims=True) + bo_ref[...]


def _row_spec(w):
    return pl.BlockSpec((TCB, w), lambda i: (i, 0))


def _part_spec(w):
    return pl.BlockSpec((NC, TCB, w), lambda i: (0, i, 0))


def _full_spec(shape):
    nd = len(shape)
    return pl.BlockSpec(shape, lambda i: (0,) * nd)


_DEG_SPEC = pl.BlockSpec((NC, TCB, 128), lambda i: (0, i, 0))


def kernel(x, edge_index, W_in, b_in, W1, b1, W2, b2, W3, b3, W_out, b_out):
    f32 = jnp.float32
    src = edge_index[0].astype(jnp.int32)
    dst = edge_index[1].astype(jnp.int32)
    pad = jnp.full((EP - E,), N, jnp.int32)
    src3 = jnp.concatenate([src, pad]).reshape(NW, KCH, 128)
    dst3 = jnp.concatenate([dst, pad]).reshape(NW, KCH, 128)
    src2 = src3.reshape(NW * KCH, 128)
    dst2 = dst3.reshape(NW * KCH, 128)
    xp = jnp.pad(x, ((0, NP - N), (0, 0)))

    ones128 = jnp.ones((128, 128), f32)
    z128 = jnp.zeros((RPT, 128), f32)
    zs128 = jnp.zeros((128, 128), f32)

    degP = _deg_kernel()(dst3, ones128, z128)

    th0 = pl.pallas_call(
        _tc1_body,
        grid=(TCG,),
        in_specs=[_row_spec(128), _full_spec((128, 128)),
                  _full_spec((1, 128)), _DEG_SPEC],
        out_specs=_row_spec(128),
        out_shape=jax.ShapeDtypeStruct((NP, 128), f32),
    )(xp, W_in, b_in.reshape(1, 128), degP)

    P1 = _agg_kernel(128)()(src2, dst2, th0, zs128)

    tu2 = pl.pallas_call(
        _tc2_body,
        grid=(TCG,),
        in_specs=[_part_spec(128), _row_spec(128), _DEG_SPEC,
                  _full_spec((256, 128)), _full_spec((1, 256)),
                  _full_spec((128, 256))],
        out_specs=_row_spec(128),
        out_shape=jax.ShapeDtypeStruct((NP, 128), f32),
    )(P1, th0, degP, W1, b1.reshape(1, 256), W2)

    P2 = _agg_kernel(128)()(src2, dst2, tu2, zs128)

    th2 = pl.pallas_call(
        _tc3_body,
        grid=(TCG,),
        in_specs=[_part_spec(128), _row_spec(128), _DEG_SPEC,
                  _full_spec((1, 128))],
        out_specs=_row_spec(128),
        out_shape=jax.ShapeDtypeStruct((NP, 128), f32),
    )(P2, tu2, degP, b2.reshape(1, 128))

    P3 = _agg_kernel(128)()(src2, dst2, th2, zs128)

    y = pl.pallas_call(
        _tc4_body,
        grid=(TCG,),
        in_specs=[_part_spec(128), _row_spec(128), _DEG_SPEC,
                  _full_spec((64, 128)), _full_spec((1, 64)),
                  _full_spec((1, 64)), _full_spec((1, 1))],
        out_specs=_row_spec(1),
        out_shape=jax.ShapeDtypeStruct((NP, 1), f32),
    )(P3, th2, degP, W3, b3.reshape(1, 64), W_out, b_out.reshape(1, 1))

    return y[:N]

# --- scband reference (transcript-rebuilt; emitter-appended) ---
"""Pipeline reference for scband-gcn-35107062677929 (READ-ONLY COPY).

The authoritative reference and input builder live on the scoring server;
editing this copy changes nothing except your own understanding.
"""

import jax, jax.numpy as jnp
import numpy as np

N_NODES = 10000
N_EDGES = 320000
D = 128


def leaky_relu(x):
    return jnp.where(x >= 0, x, 0.01 * x)


def gcn_conv(x, edge_index, W, b):
    # Faithful PyG GCNConv: add self-loops, symmetric normalization, scatter-add aggregation.
    N = x.shape[0]
    src = edge_index[0]
    dst = edge_index[1]
    loop = jnp.arange(N, dtype=src.dtype)
    src = jnp.concatenate([src, loop])
    dst = jnp.concatenate([dst, loop])
    deg = jax.ops.segment_sum(jnp.ones_like(dst, dtype=x.dtype), dst, num_segments=N)
    deg_inv_sqrt = jnp.where(deg > 0, 1.0 / jnp.sqrt(deg), 0.0)
    norm = deg_inv_sqrt[src] * deg_inv_sqrt[dst]
    h = x @ W.T
    msg = h[src] * norm[:, None]
    out = jax.ops.segment_sum(msg, dst, num_segments=N)
    return out + b


def setup_inputs(seed: int = 0) -> dict:
    key = jax.random.key(seed)
    ks = jax.random.split(key, 8)
    x = jax.random.normal(ks[0], (N_NODES, D), dtype=jnp.float32)
    edge_index = jax.random.randint(ks[1], (2, N_EDGES), 0, N_NODES, dtype=jnp.int64)
    # kaiming-style init for weights, zeros for biases (per init_weights)
    W_in = jax.random.normal(ks[2], (D, D), dtype=jnp.float32) * np.sqrt(2.0 / D)
    b_in = jnp.zeros((D,), dtype=jnp.float32)
    W1 = jax.random.normal(ks[3], (2 * D, D), dtype=jnp.float32) * np.sqrt(2.0 / D)
    b1 = jnp.zeros((2 * D,), dtype=jnp.float32)
    W2 = jax.random.normal(ks[4], (D, 2 * D), dtype=jnp.float32) * np.sqrt(2.0 / (2 * D))
    b2 = jnp.zeros((D,), dtype=jnp.float32)
    W3 = jax.random.normal(ks[5], (D // 2, D), dtype=jnp.float32) * np.sqrt(2.0 / D)
    b3 = jnp.zeros((D // 2,), dtype=jnp.float32)
    W_out = jax.random.normal(ks[6], (1, D // 2), dtype=jnp.float32) * np.sqrt(2.0 / (D // 2))
    b_out = jnp.zeros((1,), dtype=jnp.float32)
    return {"x": x, "edge_index": edge_index, "W_in": W_in, "b_in": b_in,
            "W1": W1, "b1": b1, "W2": W2, "b2": b2, "W3": W3, "b3": b3,
            "W_out": W_out, "b_out": b_out}


def reference(x, edge_index, W_in, b_in, W1, b1, W2, b2, W3, b3, W_out, b_out):
    # dropout layers are identity in eval/deterministic mode
    h = leaky_relu(x @ W_in.T + b_in)
    h = leaky_relu(gcn_conv(h, edge_index, W1, b1))
    h = leaky_relu(gcn_conv(h, edge_index, W2, b2))
    h = leaky_relu(gcn_conv(h, edge_index, W3, b3))
    return h @ W_out.T + b_out

if __name__ == "__main__":
    import jax
    _d = setup_inputs()
    print(jax.jit(kernel)(*tuple(_d.values())))

</pallas_src>

<mosaic_0001>
#map = affine_map<(d0, d1) -> (0, 0, 0)>
#map1 = affine_map<(d0, d1) -> (0, 0)>
module attributes {stable_mosaic.version = 14 : i64} {
  func.func @_deg_body(%arg0: i32, %arg1: i32, %arg2: memref<32x80x128xi32, #tpu.memory_space<hbm>>, %arg3: memref<128x128xf32, #tpu.memory_space<hbm>>, %arg4: memref<640x128xf32, #tpu.memory_space<hbm>>, %arg5: memref<2x10240x128xf32, #tpu.memory_space<hbm>>, %arg6: memref<80x128xi32, #tpu.memory_space<vmem>>, %arg7: memref<128x128xf32, #tpu.memory_space<vmem>>, %arg8: memref<10240x128xf32, #tpu.memory_space<vmem_shared>>, %arg9: memref<!tpu.dma_semaphore, #tpu.memory_space<semaphore_mem>>) attributes {dimension_semantics = [#tpu.dimension_semantics<core_parallel>, #tpu.dimension_semantics<subcore_parallel>], iteration_bounds = array<i64: 2, 16>, scalar_prefetch = 0 : i64, scratch_operands = 4 : i64, tpu.core_type = #tpu.core_type<sc_vector_subcore>, window_params = [{transform_indices = #map}, {transform_indices = #map1}, {transform_indices = #map1}, {transform_indices = #map}]} {
    %mul3A = arith.constant 2 : i32
    %mul3A_0 = arith.muli %arg1, %mul3A : i32
    %add3A = arith.addi %mul3A_0, %arg0 : i32
    %mul3A_1 = arith.constant 640 : i32
    %mul3A_2 = arith.muli %arg1, %mul3A_1 : i32
    "tpu.region"() ({
      %run_scoped3A = tpu.sem_alloc : memref<!tpu.dma_semaphore, #tpu.memory_space<semaphore_mem>>
      %dma_start3A = arith.constant 0 : i32
      %dma_start3A_13 = tpu.memref_slice %arg8[%mul3A_2, %dma_start3A] : memref<10240x128xf32, #tpu.memory_space<vmem_shared>> -> memref<640x128xf32, #tpu.memory_space<vmem_shared>>
      tpu.enqueue_dma source(%arg4 : memref<640x128xf32, #tpu.memory_space<hbm>>) target(%dma_start3A_13 : memref<640x128xf32, #tpu.memory_space<vmem_shared>>) target_semaphore(%run_scoped3A : memref<!tpu.dma_semaphore, #tpu.memory_space<semaphore_mem>>)
      %dma_wait3A = arith.constant 0 : i32
      %dma_wait3A_14 = tpu.memref_slice %arg8[%mul3A_2, %dma_wait3A] : memref<10240x128xf32, #tpu.memory_space<vmem_shared>> -> memref<640x128xf32, #tpu.memory_space<vmem_shared>>
      tpu.wait_dma2 semaphore(%run_scoped3A : memref<!tpu.dma_semaphore, #tpu.memory_space<semaphore_mem>>) src(%arg4 : memref<640x128xf32, #tpu.memory_space<hbm>>) dst(%dma_wait3A_14 : memref<640x128xf32, #tpu.memory_space<vmem_shared>>)
      tpu.yield
    }) : () -> ()
    "tpu.region"() ({
      %run_scoped3A = tpu.sem_alloc : memref<!tpu.dma_semaphore, #tpu.memory_space<semaphore_mem>>
      tpu.enqueue_dma source(%arg3 : memref<128x128xf32, #tpu.memory_space<hbm>>) target(%arg7 : memref<128x128xf32, #tpu.memory_space<vmem>>) target_semaphore(%run_scoped3A : memref<!tpu.dma_semaphore, #tpu.memory_space<semaphore_mem>>)
      tpu.wait_dma2 semaphore(%run_scoped3A : memref<!tpu.dma_semaphore, #tpu.memory_space<semaphore_mem>>) src(%arg3 : memref<128x128xf32, #tpu.memory_space<hbm>>) dst(%arg7 : memref<128x128xf32, #tpu.memory_space<vmem>>)
      tpu.yield
    }) : () -> ()
    "tpu.region"() ({
      %run_scoped3A = tpu.sem_alloc : memref<!tpu.dma_semaphore, #tpu.memory_space<semaphore_mem>>
      %dma_start3A = arith.constant 0 : i32
      %dma_start3A_13 = arith.constant 0 : i32
      %dma_start3A_14 = tpu.memref_slice %arg2[%add3A, %dma_start3A, %dma_start3A_13] : memref<32x80x128xi32, #tpu.memory_space<hbm>> -> memref<1x80x128xi32, #tpu.memory_space<hbm>>
      %dma_start3A_15 = tpu.memref_squeeze %dma_start3A_14 : memref<1x80x128xi32, #tpu.memory_space<hbm>> -> memref<80x128xi32, #tpu.memory_space<hbm>>
      %dma_start3A_16 = arith.constant 0 : i32
      %dma_start3A_17 = arith.constant 0 : i32
      %dma_start3A_18 = tpu.memref_slice %arg2[%add3A, %dma_start3A_16, %dma_start3A_17] : memref<32x80x128xi32, #tpu.memory_space<hbm>> -> memref<1x80x128xi32, #tpu.memory_space<hbm>>
      %dma_start3A_19 = tpu.memref_squeeze %dma_start3A_18 : memref<1x80x128xi32, #tpu.memory_space<hbm>> -> memref<80x128xi32, #tpu.memory_space<hbm>>
      tpu.enqueue_dma source(%dma_start3A_19 : memref<80x128xi32, #tpu.memory_space<hbm>>) target(%arg6 : memref<80x128xi32, #tpu.memory_space<vmem>>) target_semaphore(%run_scoped3A : memref<!tpu.dma_semaphore, #tpu.memory_space<semaphore_mem>>)
      %dma_wait3A = arith.constant 0 : i32
      %dma_wait3A_20 = arith.constant 0 : i32
      %dma_wait3A_21 = tpu.memref_slice %arg2[%add3A, %dma_wait3A, %dma_wait3A_20] : memref<32x80x128xi32, #tpu.memory_space<hbm>> -> memref<1x80x128xi32, #tpu.memory_space<hbm>>
      %dma_wait3A_22 = tpu.memref_squeeze %dma_wait3A_21 : memref<1x80x128xi32, #tpu.memory_space<hbm>> -> memref<80x128xi32, #tpu.memory_space<hbm>>
      %dma_wait3A_23 = arith.constant 0 : i32
      %dma_wait3A_24 = arith.constant 0 : i32
      %dma_wait3A_25 = tpu.memref_slice %arg2[%add3A, %dma_wait3A_23, %dma_wait3A_24] : memref<32x80x128xi32, #tpu.memory_space<hbm>> -> memref<1x80x128xi32, #tpu.memory_space<hbm>>
      %dma_wait3A_26 = tpu.memref_squeeze %dma_wait3A_25 : memref<1x80x128xi32, #tpu.memory_space<hbm>> -> memref<80x128xi32, #tpu.memory_space<hbm>>
      tpu.wait_dma2 semaphore(%run_scoped3A : memref<!tpu.dma_semaphore, #tpu.memory_space<semaphore_mem>>) src(%dma_wait3A_26 : memref<80x128xi32, #tpu.memory_space<hbm>>) dst(%arg6 : memref<80x128xi32, #tpu.memory_space<vmem>>)
      tpu.yield
    }) : () -> ()
    %barrier3A = arith.constant 0 : index
    tpu.barrier barrier_id(%barrier3A)
    %scan3A = arith.constant 0 : i32
    %scan3A_3 = arith.constant 0 : i32
    %scan3A_4 = arith.constant 80 : i32
    %scan3A_5 = arith.addi %scan3A_3, %scan3A_4 : i32
    %scan3A_6 = arith.constant 1 : i32
    scf.for %scan3A_13 = %scan3A_3 to %scan3A_5 step %scan3A_6  : i32 {
      "tpu.region"() ({
        %run_scoped3A = tpu.sem_alloc : memref<!tpu.dma_semaphore, #tpu.memory_space<semaphore_mem>>
        %dma_start3A = arith.constant 0 : i32
        %dma_start3A_14 = tpu.memref_slice %arg6[%scan3A_13, %dma_start3A] : memref<80x128xi32, #tpu.memory_space<vmem>> -> memref<1x128xi32, #tpu.memory_space<vmem>>
        %dma_start3A_15 = tpu.memref_squeeze %dma_start3A_14 : memref<1x128xi32, #tpu.memory_space<vmem>> -> memref<128xi32, #tpu.memory_space<vmem>>
        %dma_start3A_16 = arith.constant 0 : i32
        %dma_start3A_17 = arith.constant 0 : i32
        %dma_start3A_18 = tpu.memref_slice %arg8[%dma_start3A_16, %dma_start3A_17] : memref<10240x128xf32, #tpu.memory_space<vmem_shared>> -> memref<10240x128xf32, #tpu.memory_space<vmem_shared>>
        tpu.enqueue_indirect_dma source(%arg7 : memref<128x128xf32, #tpu.memory_space<vmem>>) target(%dma_start3A_18 : memref<10240x128xf32, #tpu.memory_space<vmem_shared>>) offsets(%dma_start3A_15 : memref<128xi32, #tpu.memory_space<vmem>>) semaphore(%run_scoped3A : memref<!tpu.dma_semaphore, #tpu.memory_space<semaphore_mem>>) {add = true}
        %dma_wait3A = arith.constant 0 : i32
        %dma_wait3A_19 = tpu.memref_slice %arg6[%scan3A_13, %dma_wait3A] : memref<80x128xi32, #tpu.memory_space<vmem>> -> memref<1x128xi32, #tpu.memory_space<vmem>>
        %dma_wait3A_20 = tpu.memref_squeeze %dma_wait3A_19 : memref<1x128xi32, #tpu.memory_space<vmem>> -> memref<128xi32, #tpu.memory_space<vmem>>
        %dma_wait3A_21 = arith.constant 0 : i32
        %dma_wait3A_22 = arith.constant 0 : i32
        %dma_wait3A_23 = tpu.memref_slice %arg8[%dma_wait3A_21, %dma_wait3A_22] : memref<10240x128xf32, #tpu.memory_space<vmem_shared>> -> memref<10240x128xf32, #tpu.memory_space<vmem_shared>>
        tpu.wait_indirect_dma semaphore(%run_scoped3A : memref<!tpu.dma_semaphore, #tpu.memory_space<semaphore_mem>>) src(%arg7 : memref<128x128xf32, #tpu.memory_space<vmem>>) dst(%dma_wait3A_23 : memref<10240x128xf32, #tpu.memory_space<vmem_shared>>)
        tpu.yield
      }) : () -> ()
    }
    %scan3A_7 = arith.constant 80 : i32
    %barrier3A_8 = arith.constant 0 : index
    tpu.barrier barrier_id(%barrier3A_8)
    %mul3A_9 = arith.constant 640 : i32
    %mul3A_10 = arith.muli %arg1, %mul3A_9 : i32
    %mul3A_11 = arith.constant 640 : i32
    %mul3A_12 = arith.muli %arg1, %mul3A_11 : i32
    "tpu.region"() ({
      %run_scoped3A = tpu.sem_alloc : memref<!tpu.dma_semaphore, #tpu.memory_space<semaphore_mem>>
      %dma_start3A = arith.constant 0 : i32
      %dma_start3A_13 = tpu.memref_slice %arg5[%arg0, %mul3A_12, %dma_start3A] : memref<2x10240x128xf32, #tpu.memory_space<hbm>> -> memref<1x640x128xf32, #tpu.memory_space<hbm>>
      %dma_start3A_14 = tpu.memref_squeeze %dma_start3A_13 : memref<1x640x128xf32, #tpu.memory_space<hbm>> -> memref<640x128xf32, #tpu.memory_space<hbm>>
      %dma_start3A_15 = arith.constant 0 : i32
      %dma_start3A_16 = tpu.memref_slice %arg8[%mul3A_10, %dma_start3A_15] : memref<10240x128xf32, #tpu.memory_space<vmem_shared>> -> memref<640x128xf32, #tpu.memory_space<vmem_shared>>
      tpu.enqueue_dma source(%dma_start3A_16 : memref<640x128xf32, #tpu.memory_space<vmem_shared>>) target(%dma_start3A_14 : memref<640x128xf32, #tpu.memory_space<hbm>>) target_semaphore(%run_scoped3A : memref<!tpu.dma_semaphore, #tpu.memory_space<semaphore_mem>>)
      %dma_wait3A = arith.constant 0 : i32
      %dma_wait3A_17 = tpu.memref_slice %arg5[%arg0, %mul3A_12, %dma_wait3A] : memref<2x10240x128xf32, #tpu.memory_space<hbm>> -> memref<1x640x128xf32, #tpu.memory_space<hbm>>
      %dma_wait3A_18 = tpu.memref_squeeze %dma_wait3A_17 : memref<1x640x128xf32, #tpu.memory_space<hbm>> -> memref<640x128xf32, #tpu.memory_space<hbm>>
      %dma_wait3A_19 = arith.constant 0 : i32
      %dma_wait3A_20 = tpu.memref_slice %arg8[%mul3A_10, %dma_wait3A_19] : memref<10240x128xf32, #tpu.memory_space<vmem_shared>> -> memref<640x128xf32, #tpu.memory_space<vmem_shared>>
      tpu.wait_dma2 semaphore(%run_scoped3A : memref<!tpu.dma_semaphore, #tpu.memory_space<semaphore_mem>>) src(%dma_wait3A_20 : memref<640x128xf32, #tpu.memory_space<vmem_shared>>) dst(%dma_wait3A_18 : memref<640x128xf32, #tpu.memory_space<hbm>>)
      tpu.yield
    }) : () -> ()
    return
  }
}

#map = affine_map<(d0, d1) -> (0, 0)>
#map1 = affine_map<(d0, d1) -> (0, 0, 0)>
module attributes {stable_mosaic.version = 14 : i64} {
  func.func @_agg_body(%arg0: i32, %arg1: i32, %arg2: memref<2560x128xi32, #tpu.memory_space<hbm>>, %arg3: memref<2560x128xi32, #tpu.memory_space<hbm>>, %arg4: memref<10240x128xf32, #tpu.memory_space<hbm>>, %arg5: memref<128x128xf32, #tpu.memory_space<hbm>>, %arg6: memref<2x10240x128xf32, #tpu.memory_space<hbm>>, %arg7: memref<16x128xi32, #tpu.memory_space<vmem>>, %arg8: memref<16x128xi32, #tpu.memory_space<vmem>>, %arg9: memref<128x128xf32, #tpu.memory_space<vmem>>, %arg10: memref<128x128xf32, #tpu.memory_space<vmem>>, %arg11: memref<10240x128xf32, #tpu.memory_space<vmem_shared>>, %arg12: memref<!tpu.dma_semaphore, #tpu.memory_space<semaphore_mem>>, %arg13: memref<!tpu.dma_semaphore, #tpu.memory_space<semaphore_mem>>, %arg14: memref<!tpu.dma_semaphore, #tpu.memory_space<semaphore_mem>>) attributes {dimension_semantics = [#tpu.dimension_semantics<core_parallel>, #tpu.dimension_semantics<subcore_parallel>], iteration_bounds = array<i64: 2, 16>, scalar_prefetch = 0 : i64, scratch_operands = 8 : i64, tpu.core_type = #tpu.core_type<sc_vector_subcore>, window_params = [{transform_indices = #map}, {transform_indices = #map}, {transform_indices = #map}, {transform_indices = #map}, {transform_indices = #map1}]} {
    "tpu.region"() ({
      %run_scoped3A = tpu.sem_alloc : memref<!tpu.dma_semaphore, #tpu.memory_space<semaphore_mem>>
      tpu.enqueue_dma source(%arg5 : memref<128x128xf32, #tpu.memory_space<hbm>>) target(%arg9 : memref<128x128xf32, #tpu.memory_space<vmem>>) target_semaphore(%run_scoped3A : memref<!tpu.dma_semaphore, #tpu.memory_space<semaphore_mem>>)
      tpu.wait_dma2 semaphore(%run_scoped3A : memref<!tpu.dma_semaphore, #tpu.memory_space<semaphore_mem>>) src(%arg5 : memref<128x128xf32, #tpu.memory_space<hbm>>) dst(%arg9 : memref<128x128xf32, #tpu.memory_space<vmem>>)
      tpu.yield
    }) : () -> ()
    %mul3A = arith.constant 640 : i32
    %mul3A_0 = arith.muli %arg1, %mul3A : i32
    %add3A = arith.constant 0 : i32
    %add3A_1 = arith.addi %mul3A_0, %add3A : i32
    "tpu.region"() ({
      %run_scoped3A = tpu.sem_alloc : memref<!tpu.dma_semaphore, #tpu.memory_space<semaphore_mem>>
      %dma_start3A = arith.constant 0 : i32
      %dma_start3A_30 = tpu.memref_slice %arg11[%add3A_1, %dma_start3A] : memref<10240x128xf32, #tpu.memory_space<vmem_shared>> -> memref<128x128xf32, #tpu.memory_space<vmem_shared>>
      %dma_start3A_31 = arith.constant 0 : i32
      %dma_start3A_32 = tpu.memref_slice %arg11[%add3A_1, %dma_start3A_31] : memref<10240x128xf32, #tpu.memory_space<vmem_shared>> -> memref<128x128xf32, #tpu.memory_space<vmem_shared>>
      tpu.enqueue_dma source(%arg9 : memref<128x128xf32, #tpu.memory_space<vmem>>) target(%dma_start3A_32 : memref<128x128xf32, #tpu.memory_space<vmem_shared>>) target_semaphore(%run_scoped3A : memref<!tpu.dma_semaphore, #tpu.memory_space<semaphore_mem>>)
      %dma_wait3A = arith.constant 0 : i32
      %dma_wait3A_33 = tpu.memref_slice %arg11[%add3A_1, %dma_wait3A] : memref<10240x128xf32, #tpu.memory_space<vmem_shared>> -> memref<128x128xf32, #tpu.memory_space<vmem_shared>>
      %dma_wait3A_34 = arith.constant 0 : i32
      %dma_wait3A_35 = tpu.memref_slice %arg11[%add3A_1, %dma_wait3A_34] : memref<10240x128xf32, #tpu.memory_space<vmem_shared>> -> memref<128x128xf32, #tpu.memory_space<vmem_shared>>
      tpu.wait_dma2 semaphore(%run_scoped3A : memref<!tpu.dma_semaphore, #tpu.memory_space<semaphore_mem>>) src(%arg9 : memref<128x128xf32, #tpu.memory_space<vmem>>) dst(%dma_wait3A_35 : memref<128x128xf32, #tpu.memory_space<vmem_shared>>)
      tpu.yield
    }) : () -> ()
    %mul3A_2 = arith.constant 640 : i32
    %mul3A_3 = arith.muli %arg1, %mul3A_2 : i32
    %add3A_4 = arith.constant 128 : i32
    %add3A_5 = arith.addi %mul3A_3, %add3A_4 : i32
    "tpu.region"() ({
      %run_scoped3A = tpu.sem_alloc : memref<!tpu.dma_semaphore, #tpu.memory_space<semaphore_mem>>
      %dma_start3A = arith.constant 0 : i32
      %dma_start3A_30 = tpu.memref_slice %arg11[%add3A_5, %dma_start3A] : memref<10240x128xf32, #tpu.memory_space<vmem_shared>> -> memref<128x128xf32, #tpu.memory_space<vmem_shared>>
      %dma_start3A_31 = arith.constant 0 : i32
      %dma_start3A_32 = tpu.memref_slice %arg11[%add3A_5, %dma_start3A_31] : memref<10240x128xf32, #tpu.memory_space<vmem_shared>> -> memref<128x128xf32, #tpu.memory_space<vmem_shared>>
      tpu.enqueue_dma source(%arg9 : memref<128x128xf32, #tpu.memory_space<vmem>>) target(%dma_start3A_32 : memref<128x128xf32, #tpu.memory_space<vmem_shared>>) target_semaphore(%run_scoped3A : memref<!tpu.dma_semaphore, #tpu.memory_space<semaphore_mem>>)
      %dma_wait3A = arith.constant 0 : i32
      %dma_wait3A_33 = tpu.memref_slice %arg11[%add3A_5, %dma_wait3A] : memref<10240x128xf32, #tpu.memory_space<vmem_shared>> -> memref<128x128xf32, #tpu.memory_space<vmem_shared>>
      %dma_wait3A_34 = arith.constant 0 : i32
      %dma_wait3A_35 = tpu.memref_slice %arg11[%add3A_5, %dma_wait3A_34] : memref<10240x128xf32, #tpu.memory_space<vmem_shared>> -> memref<128x128xf32, #tpu.memory_space<vmem_shared>>
      tpu.wait_dma2 semaphore(%run_scoped3A : memref<!tpu.dma_semaphore, #tpu.memory_space<semaphore_mem>>) src(%arg9 : memref<128x128xf32, #tpu.memory_space<vmem>>) dst(%dma_wait3A_35 : memref<128x128xf32, #tpu.memory_space<vmem_shared>>)
      tpu.yield
    }) : () -> ()
    %mul3A_6 = arith.constant 640 : i32
    %mul3A_7 = arith.muli %arg1, %mul3A_6 : i32
    %add3A_8 = arith.constant 256 : i32
    %add3A_9 = arith.addi %mul3A_7, %add3A_8 : i32
    "tpu.region"() ({
      %run_scoped3A = tpu.sem_alloc : memref<!tpu.dma_semaphore, #tpu.memory_space<semaphore_mem>>
      %dma_start3A = arith.constant 0 : i32
      %dma_start3A_30 = tpu.memref_slice %arg11[%add3A_9, %dma_start3A] : memref<10240x128xf32, #tpu.memory_space<vmem_shared>> -> memref<128x128xf32, #tpu.memory_space<vmem_shared>>
      %dma_start3A_31 = arith.constant 0 : i32
      %dma_start3A_32 = tpu.memref_slice %arg11[%add3A_9, %dma_start3A_31] : memref<10240x128xf32, #tpu.memory_space<vmem_shared>> -> memref<128x128xf32, #tpu.memory_space<vmem_shared>>
      tpu.enqueue_dma source(%arg9 : memref<128x128xf32, #tpu.memory_space<vmem>>) target(%dma_start3A_32 : memref<128x128xf32, #tpu.memory_space<vmem_shared>>) target_semaphore(%run_scoped3A : memref<!tpu.dma_semaphore, #tpu.memory_space<semaphore_mem>>)
      %dma_wait3A = arith.constant 0 : i32
      %dma_wait3A_33 = tpu.memref_slice %arg11[%add3A_9, %dma_wait3A] : memref<10240x128xf32, #tpu.memory_space<vmem_shared>> -> memref<128x128xf32, #tpu.memory_space<vmem_shared>>
      %dma_wait3A_34 = arith.constant 0 : i32
      %dma_wait3A_35 = tpu.memref_slice %arg11[%add3A_9, %dma_wait3A_34] : memref<10240x128xf32, #tpu.memory_space<vmem_shared>> -> memref<128x128xf32, #tpu.memory_space<vmem_shared>>
      tpu.wait_dma2 semaphore(%run_scoped3A : memref<!tpu.dma_semaphore, #tpu.memory_space<semaphore_mem>>) src(%arg9 : memref<128x128xf32, #tpu.memory_space<vmem>>) dst(%dma_wait3A_35 : memref<128x128xf32, #tpu.memory_space<vmem_shared>>)
      tpu.yield
    }) : () -> ()
    %mul3A_10 = arith.constant 640 : i32
    %mul3A_11 = arith.muli %arg1, %mul3A_10 : i32
    %add3A_12 = arith.constant 384 : i32
    %add3A_13 = arith.addi %mul3A_11, %add3A_12 : i32
    "tpu.region"() ({
      %run_scoped3A = tpu.sem_alloc : memref<!tpu.dma_semaphore, #tpu.memory_space<semaphore_mem>>
      %dma_start3A = arith.constant 0 : i32
      %dma_start3A_30 = tpu.memref_slice %arg11[%add3A_13, %dma_start3A] : memref<10240x128xf32, #tpu.memory_space<vmem_shared>> -> memref<128x128xf32, #tpu.memory_space<vmem_shared>>
      %dma_start3A_31 = arith.constant 0 : i32
      %dma_start3A_32 = tpu.memref_slice %arg11[%add3A_13, %dma_start3A_31] : memref<10240x128xf32, #tpu.memory_space<vmem_shared>> -> memref<128x128xf32, #tpu.memory_space<vmem_shared>>
      tpu.enqueue_dma source(%arg9 : memref<128x128xf32, #tpu.memory_space<vmem>>) target(%dma_start3A_32 : memref<128x128xf32, #tpu.memory_space<vmem_shared>>) target_semaphore(%run_scoped3A : memref<!tpu.dma_semaphore, #tpu.memory_space<semaphore_mem>>)
      %dma_wait3A = arith.constant 0 : i32
      %dma_wait3A_33 = tpu.memref_slice %arg11[%add3A_13, %dma_wait3A] : memref<10240x128xf32, #tpu.memory_space<vmem_shared>> -> memref<128x128xf32, #tpu.memory_space<vmem_shared>>
      %dma_wait3A_34 = arith.constant 0 : i32
      %dma_wait3A_35 = tpu.memref_slice %arg11[%add3A_13, %dma_wait3A_34] : memref<10240x128xf32, #tpu.memory_space<vmem_shared>> -> memref<128x128xf32, #tpu.memory_space<vmem_shared>>
      tpu.wait_dma2 semaphore(%run_scoped3A : memref<!tpu.dma_semaphore, #tpu.memory_space<semaphore_mem>>) src(%arg9 : memref<128x128xf32, #tpu.memory_space<vmem>>) dst(%dma_wait3A_35 : memref<128x128xf32, #tpu.memory_space<vmem_shared>>)
      tpu.yield
    }) : () -> ()
    %mul3A_14 = arith.constant 640 : i32
    %mul3A_15 = arith.muli %arg1, %mul3A_14 : i32
    %add3A_16 = arith.constant 512 : i32
    %add3A_17 = arith.addi %mul3A_15, %add3A_16 : i32
    "tpu.region"() ({
      %run_scoped3A = tpu.sem_alloc : memref<!tpu.dma_semaphore, #tpu.memory_space<semaphore_mem>>
      %dma_start3A = arith.constant 0 : i32
      %dma_start3A_30 = tpu.memref_slice %arg11[%add3A_17, %dma_start3A] : memref<10240x128xf32, #tpu.memory_space<vmem_shared>> -> memref<128x128xf32, #tpu.memory_space<vmem_shared>>
      %dma_start3A_31 = arith.constant 0 : i32
      %dma_start3A_32 = tpu.memref_slice %arg11[%add3A_17, %dma_start3A_31] : memref<10240x128xf32, #tpu.memory_space<vmem_shared>> -> memref<128x128xf32, #tpu.memory_space<vmem_shared>>
      tpu.enqueue_dma source(%arg9 : memref<128x128xf32, #tpu.memory_space<vmem>>) target(%dma_start3A_32 : memref<128x128xf32, #tpu.memory_space<vmem_shared>>) target_semaphore(%run_scoped3A : memref<!tpu.dma_semaphore, #tpu.memory_space<semaphore_mem>>)
      %dma_wait3A = arith.constant 0 : i32
      %dma_wait3A_33 = tpu.memref_slice %arg11[%add3A_17, %dma_wait3A] : memref<10240x128xf32, #tpu.memory_space<vmem_shared>> -> memref<128x128xf32, #tpu.memory_space<vmem_shared>>
      %dma_wait3A_34 = arith.constant 0 : i32
      %dma_wait3A_35 = tpu.memref_slice %arg11[%add3A_17, %dma_wait3A_34] : memref<10240x128xf32, #tpu.memory_space<vmem_shared>> -> memref<128x128xf32, #tpu.memory_space<vmem_shared>>
      tpu.wait_dma2 semaphore(%run_scoped3A : memref<!tpu.dma_semaphore, #tpu.memory_space<semaphore_mem>>) src(%arg9 : memref<128x128xf32, #tpu.memory_space<vmem>>) dst(%dma_wait3A_35 : memref<128x128xf32, #tpu.memory_space<vmem_shared>>)
      tpu.yield
    }) : () -> ()
    %barrier3A = arith.constant 0 : index
    tpu.barrier barrier_id(%barrier3A)
    %eq3A = arith.constant 0 : i32
    %eq3A_18 = arith.cmpi eq, %arg0, %eq3A : i32
    %convert_element_type3A = arith.extui %eq3A_18 : i1 to i32
    %cond3A = arith.constant 0 : i32
    %cond3A_19 = arith.cmpi ne, %convert_element_type3A, %cond3A : i32
    scf.if %cond3A_19 {
      %mul3A_30 = arith.constant 112 : i32
      %mul3A_31 = arith.muli %arg1, %mul3A_30 : i32
      %scan3A = arith.constant 0 : i32
      %scan3A_32 = arith.constant 0 : i32
      %scan3A_33 = arith.constant 7 : i32
      %scan3A_34 = arith.addi %scan3A_32, %scan3A_33 : i32
      %scan3A_35 = arith.constant 1 : i32
      scf.for %scan3A_37 = %scan3A_32 to %scan3A_34 step %scan3A_35  : i32 {
        %mul3A_38 = arith.constant 16 : i32
        %mul3A_39 = arith.muli %scan3A_37, %mul3A_38 : i32
        %add3A_40 = arith.addi %mul3A_31, %mul3A_39 : i32
        "tpu.region"() ({
          %run_scoped3A = tpu.sem_alloc : memref<!tpu.dma_semaphore, #tpu.memory_space<semaphore_mem>>
          %dma_start3A = arith.constant 0 : i32
          %dma_start3A_47 = tpu.memref_slice %arg2[%add3A_40, %dma_start3A] : memref<2560x128xi32, #tpu.memory_space<hbm>> -> memref<16x128xi32, #tpu.memory_space<hbm>>
          %dma_start3A_48 = arith.constant 0 : i32
          %dma_start3A_49 = tpu.memref_slice %arg2[%add3A_40, %dma_start3A_48] : memref<2560x128xi32, #tpu.memory_space<hbm>> -> memref<16x128xi32, #tpu.memory_space<hbm>>
          tpu.enqueue_dma source(%dma_start3A_49 : memref<16x128xi32, #tpu.memory_space<hbm>>) target(%arg7 : memref<16x128xi32, #tpu.memory_space<vmem>>) target_semaphore(%run_scoped3A : memref<!tpu.dma_semaphore, #tpu.memory_space<semaphore_mem>>)
          %dma_wait3A = arith.constant 0 : i32
          %dma_wait3A_50 = tpu.memref_slice %arg2[%add3A_40, %dma_wait3A] : memref<2560x128xi32, #tpu.memory_space<hbm>> -> memref<16x128xi32, #tpu.memory_space<hbm>>
          %dma_wait3A_51 = arith.constant 0 : i32
          %dma_wait3A_52 = tpu.memref_slice %arg2[%add3A_40, %dma_wait3A_51] : memref<2560x128xi32, #tpu.memory_space<hbm>> -> memref<16x128xi32, #tpu.memory_space<hbm>>
          tpu.wait_dma2 semaphore(%run_scoped3A : memref<!tpu.dma_semaphore, #tpu.memory_space<semaphore_mem>>) src(%dma_wait3A_52 : memref<16x128xi32, #tpu.memory_space<hbm>>) dst(%arg7 : memref<16x128xi32, #tpu.memory_space<vmem>>)
          tpu.yield
        }) : () -> ()
        "tpu.region"() ({
          %run_scoped3A = tpu.sem_alloc : memref<!tpu.dma_semaphore, #tpu.memory_space<semaphore_mem>>
          %dma_start3A = arith.constant 0 : i32
          %dma_start3A_47 = tpu.memref_slice %arg3[%add3A_40, %dma_start3A] : memref<2560x128xi32, #tpu.memory_space<hbm>> -> memref<16x128xi32, #tpu.memory_space<hbm>>
          %dma_start3A_48 = arith.constant 0 : i32
          %dma_start3A_49 = tpu.memref_slice %arg3[%add3A_40, %dma_start3A_48] : memref<2560x128xi32, #tpu.memory_space<hbm>> -> memref<16x128xi32, #tpu.memory_space<hbm>>
          tpu.enqueue_dma source(%dma_start3A_49 : memref<16x128xi32, #tpu.memory_space<hbm>>) target(%arg8 : memref<16x128xi32, #tpu.memory_space<vmem>>) target_semaphore(%run_scoped3A : memref<!tpu.dma_semaphore, #tpu.memory_space<semaphore_mem>>)
          %dma_wait3A = arith.constant 0 : i32
          %dma_wait3A_50 = tpu.memref_slice %arg3[%add3A_40, %dma_wait3A] : memref<2560x128xi32, #tpu.memory_space<hbm>> -> memref<16x128xi32, #tpu.memory_space<hbm>>
          %dma_wait3A_51 = arith.constant 0 : i32
          %dma_wait3A_52 = tpu.memref_slice %arg3[%add3A_40, %dma_wait3A_51] : memref<2560x128xi32, #tpu.memory_space<hbm>> -> memref<16x128xi32, #tpu.memory_space<hbm>>
          tpu.wait_dma2 semaphore(%run_scoped3A : memref<!tpu.dma_semaphore, #tpu.memory_space<semaphore_mem>>) src(%dma_wait3A_52 : memref<16x128xi32, #tpu.memory_space<hbm>>) dst(%arg8 : memref<16x128xi32, #tpu.memory_space<vmem>>)
          tpu.yield
        }) : () -> ()
        %scan3A_41 = arith.constant 0 : i32
        %scan3A_42 = arith.constant 0 : i32
        %scan3A_43 = arith.constant 8 : i32
        %scan3A_44 = arith.addi %scan3A_42, %scan3A_43 : i32
        %scan3A_45 = arith.constant 1 : i32
        scf.for %scan3A_47 = %scan3A_42 to %scan3A_44 step %scan3A_45  : i32 {
          %mul3A_48 = arith.constant 2 : i32
          %mul3A_49 = arith.muli %mul3A_48, %scan3A_47 : i32
          %add3A_50 = arith.constant 0 : i32
          %add3A_51 = arith.addi %mul3A_49, %add3A_50 : i32
          %dma_start3A = arith.constant 0 : i32
          %dma_start3A_52 = tpu.memref_slice %arg7[%add3A_51, %dma_start3A] : memref<16x128xi32, #tpu.memory_space<vmem>> -> memref<1x128xi32, #tpu.memory_space<vmem>>
          %dma_start3A_53 = tpu.memref_squeeze %dma_start3A_52 : memref<1x128xi32, #tpu.memory_space<vmem>> -> memref<128xi32, #tpu.memory_space<vmem>>
          %dma_start3A_54 = arith.constant 0 : i32
          %dma_start3A_55 = arith.constant 0 : i32
          %dma_start3A_56 = tpu.memref_slice %arg4[%dma_start3A_54, %dma_start3A_55] : memref<10240x128xf32, #tpu.memory_space<hbm>> -> memref<10240x128xf32, #tpu.memory_space<hbm>>
          tpu.enqueue_indirect_dma source(%dma_start3A_56 : memref<10240x128xf32, #tpu.memory_space<hbm>>) target(%arg9 : memref<128x128xf32, #tpu.memory_space<vmem>>) offsets(%dma_start3A_53 : memref<128xi32, #tpu.memory_space<vmem>>) semaphore(%arg12 : memref<!tpu.dma_semaphore, #tpu.memory_space<semaphore_mem>>)
          %mul3A_57 = arith.constant 2 : i32
          %mul3A_58 = arith.muli %mul3A_57, %scan3A_47 : i32
          %add3A_59 = arith.constant 1 : i32
          %add3A_60 = arith.addi %mul3A_58, %add3A_59 : i32
          %dma_start3A_61 = arith.constant 0 : i32
          %dma_start3A_62 = tpu.memref_slice %arg7[%add3A_60, %dma_start3A_61] : memref<16x128xi32, #tpu.memory_space<vmem>> -> memref<1x128xi32, #tpu.memory_space<vmem>>
          %dma_start3A_63 = tpu.memref_squeeze %dma_start3A_62 : memref<1x128xi32, #tpu.memory_space<vmem>> -> memref<128xi32, #tpu.memory_space<vmem>>
          %dma_start3A_64 = arith.constant 0 : i32
          %dma_start3A_65 = arith.constant 0 : i32
          %dma_start3A_66 = tpu.memref_slice %arg4[%dma_start3A_64, %dma_start3A_65] : memref<10240x128xf32, #tpu.memory_space<hbm>> -> memref<10240x128xf32, #tpu.memory_space<hbm>>
          tpu.enqueue_indirect_dma source(%dma_start3A_66 : memref<10240x128xf32, #tpu.memory_space<hbm>>) target(%arg10 : memref<128x128xf32, #tpu.memory_space<vmem>>) offsets(%dma_start3A_63 : memref<128xi32, #tpu.memory_space<vmem>>) semaphore(%arg13 : memref<!tpu.dma_semaphore, #tpu.memory_space<semaphore_mem>>)
          %dma_wait3A = arith.constant 0 : i32
          %dma_wait3A_67 = tpu.memref_slice %arg7[%add3A_51, %dma_wait3A] : memref<16x128xi32, #tpu.memory_space<vmem>> -> memref<1x128xi32, #tpu.memory_space<vmem>>
          %dma_wait3A_68 = tpu.memref_squeeze %dma_wait3A_67 : memref<1x128xi32, #tpu.memory_space<vmem>> -> memref<128xi32, #tpu.memory_space<vmem>>
          %dma_wait3A_69 = arith.constant 0 : i32
          %dma_wait3A_70 = arith.constant 0 : i32
          %dma_wait3A_71 = tpu.memref_slice %arg4[%dma_wait3A_69, %dma_wait3A_70] : memref<10240x128xf32, #tpu.memory_space<hbm>> -> memref<10240x128xf32, #tpu.memory_space<hbm>>
          tpu.wait_indirect_dma semaphore(%arg12 : memref<!tpu.dma_semaphore, #tpu.memory_space<semaphore_mem>>) src(%dma_wait3A_71 : memref<10240x128xf32, #tpu.memory_space<hbm>>) dst(%arg9 : memref<128x128xf32, #tpu.memory_space<vmem>>)
          %mul3A_72 = arith.constant 2 : i32
          %mul3A_73 = arith.muli %mul3A_72, %scan3A_47 : i32
          %add3A_74 = arith.constant 0 : i32
          %add3A_75 = arith.addi %mul3A_73, %add3A_74 : i32
          %dma_start3A_76 = arith.constant 0 : i32
          %dma_start3A_77 = tpu.memref_slice %arg8[%add3A_75, %dma_start3A_76] : memref<16x128xi32, #tpu.memory_space<vmem>> -> memref<1x128xi32, #tpu.memory_space<vmem>>
          %dma_start3A_78 = tpu.memref_squeeze %dma_start3A_77 : memref<1x128xi32, #tpu.memory_space<vmem>> -> memref<128xi32, #tpu.memory_space<vmem>>
          %dma_start3A_79 = arith.constant 0 : i32
          %dma_start3A_80 = arith.constant 0 : i32
          %dma_start3A_81 = tpu.memref_slice %arg11[%dma_start3A_79, %dma_start3A_80] : memref<10240x128xf32, #tpu.memory_space<vmem_shared>> -> memref<10240x128xf32, #tpu.memory_space<vmem_shared>>
          tpu.enqueue_indirect_dma source(%arg9 : memref<128x128xf32, #tpu.memory_space<vmem>>) target(%dma_start3A_81 : memref<10240x128xf32, #tpu.memory_space<vmem_shared>>) offsets(%dma_start3A_78 : memref<128xi32, #tpu.memory_space<vmem>>) semaphore(%arg14 : memref<!tpu.dma_semaphore, #tpu.memory_space<semaphore_mem>>) {add = true}
          %dma_wait3A_82 = arith.constant 0 : i32
          %dma_wait3A_83 = tpu.memref_slice %arg7[%add3A_60, %dma_wait3A_82] : memref<16x128xi32, #tpu.memory_space<vmem>> -> memref<1x128xi32, #tpu.memory_space<vmem>>
          %dma_wait3A_84 = tpu.memref_squeeze %dma_wait3A_83 : memref<1x128xi32, #tpu.memory_space<vmem>> -> memref<128xi32, #tpu.memory_space<vmem>>
          %dma_wait3A_85 = arith.constant 0 : i32
          %dma_wait3A_86 = arith.constant 0 : i32
          %dma_wait3A_87 = tpu.memref_slice %arg4[%dma_wait3A_85, %dma_wait3A_86] : memref<10240x128xf32, #tpu.memory_space<hbm>> -> memref<10240x128xf32, #tpu.memory_space<hbm>>
          tpu.wait_indirect_dma semaphore(%arg13 : memref<!tpu.dma_semaphore, #tpu.memory_space<semaphore_mem>>) src(%dma_wait3A_87 : memref<10240x128xf32, #tpu.memory_space<hbm>>) dst(%arg10 : memref<128x128xf32, #tpu.memory_space<vmem>>)
          %mul3A_88 = arith.constant 2 : i32
          %mul3A_89 = arith.muli %mul3A_88, %scan3A_47 : i32
          %add3A_90 = arith.constant 1 : i32
          %add3A_91 = arith.addi %mul3A_89, %add3A_90 : i32
          %dma_start3A_92 = arith.constant 0 : i32
          %dma_start3A_93 = tpu.memref_slice %arg8[%add3A_91, %dma_start3A_92] : memref<16x128xi32, #tpu.memory_space<vmem>> -> memref<1x128xi32, #tpu.memory_space<vmem>>
          %dma_start3A_94 = tpu.memref_squeeze %dma_start3A_93 : memref<1x128xi32, #tpu.memory_space<vmem>> -> memref<128xi32, #tpu.memory_space<vmem>>
          %dma_start3A_95 = arith.constant 0 : i32
          %dma_start3A_96 = arith.constant 0 : i32
          %dma_start3A_97 = tpu.memref_slice %arg11[%dma_start3A_95, %dma_start3A_96] : memref<10240x128xf32, #tpu.memory_space<vmem_shared>> -> memref<10240x128xf32, #tpu.memory_space<vmem_shared>>
          tpu.enqueue_indirect_dma source(%arg10 : memref<128x128xf32, #tpu.memory_space<vmem>>) target(%dma_start3A_97 : memref<10240x128xf32, #tpu.memory_space<vmem_shared>>) offsets(%dma_start3A_94 : memref<128xi32, #tpu.memory_space<vmem>>) semaphore(%arg14 : memref<!tpu.dma_semaphore, #tpu.memory_space<semaphore_mem>>) {add = true}
          %dma_wait3A_98 = arith.constant 0 : i32
          %dma_wait3A_99 = tpu.memref_slice %arg8[%add3A_75, %dma_wait3A_98] : memref<16x128xi32, #tpu.memory_space<vmem>> -> memref<1x128xi32, #tpu.memory_space<vmem>>
          %dma_wait3A_100 = tpu.memref_squeeze %dma_wait3A_99 : memref<1x128xi32, #tpu.memory_space<vmem>> -> memref<128xi32, #tpu.memory_space<vmem>>
          %dma_wait3A_101 = arith.constant 0 : i32
          %dma_wait3A_102 = arith.constant 0 : i32
          %dma_wait3A_103 = tpu.memref_slice %arg11[%dma_wait3A_101, %dma_wait3A_102] : memref<10240x128xf32, #tpu.memory_space<vmem_shared>> -> memref<10240x128xf32, #tpu.memory_space<vmem_shared>>
          tpu.wait_indirect_dma semaphore(%arg14 : memref<!tpu.dma_semaphore, #tpu.memory_space<semaphore_mem>>) src(%arg9 : memref<128x128xf32, #tpu.memory_space<vmem>>) dst(%dma_wait3A_103 : memref<10240x128xf32, #tpu.memory_space<vmem_shared>>)
          %dma_wait3A_104 = arith.constant 0 : i32
          %dma_wait3A_105 = tpu.memref_slice %arg8[%add3A_91, %dma_wait3A_104] : memref<16x128xi32, #tpu.memory_space<vmem>> -> memref<1x128xi32, #tpu.memory_space<vmem>>
          %dma_wait3A_106 = tpu.memref_squeeze %dma_wait3A_105 : memref<1x128xi32, #tpu.memory_space<vmem>> -> memref<128xi32, #tpu.memory_space<vmem>>
          %dma_wait3A_107 = arith.constant 0 : i32
          %dma_wait3A_108 = arith.constant 0 : i32
          %dma_wait3A_109 = tpu.memref_slice %arg11[%dma_wait3A_107, %dma_wait3A_108] : memref<10240x128xf32, #tpu.memory_space<vmem_shared>> -> memref<10240x128xf32, #tpu.memory_space<vmem_shared>>
          tpu.wait_indirect_dma semaphore(%arg14 : memref<!tpu.dma_semaphore, #tpu.memory_space<semaphore_mem>>) src(%arg10 : memref<128x128xf32, #tpu.memory_space<vmem>>) dst(%dma_wait3A_109 : memref<10240x128xf32, #tpu.memory_space<vmem_shared>>)
        }
        %scan3A_46 = arith.constant 8 : i32
      }
      %scan3A_36 = arith.constant 7 : i32
    } else {
    }
    %eq3A_20 = arith.constant 1 : i32
    %eq3A_21 = arith.cmpi eq, %arg0, %eq3A_20 : i32
    %convert_element_type3A_22 = arith.extui %eq3A_21 : i1 to i32
    %cond3A_23 = arith.constant 0 : i32
    %cond3A_24 = arith.cmpi ne, %convert_element_type3A_22, %cond3A_23 : i32
    scf.if %cond3A_24 {
      %mul3A_30 = arith.constant 48 : i32
      %mul3A_31 = arith.muli %arg1, %mul3A_30 : i32
      %add3A_32 = arith.constant 1792 : i32
      %add3A_33 = arith.addi %add3A_32, %mul3A_31 : i32
      %scan3A = arith.constant 0 : i32
      %scan3A_34 = arith.constant 0 : i32
      %scan3A_35 = arith.constant 3 : i32
      %scan3A_36 = arith.addi %scan3A_34, %scan3A_35 : i32
      %scan3A_37 = arith.constant 1 : i32
      scf.for %scan3A_39 = %scan3A_34 to %scan3A_36 step %scan3A_37  : i32 {
        %mul3A_40 = arith.constant 16 : i32
        %mul3A_41 = arith.muli %scan3A_39, %mul3A_40 : i32
        %add3A_42 = arith.addi %add3A_33, %mul3A_41 : i32
        "tpu.region"() ({
          %run_scoped3A = tpu.sem_alloc : memref<!tpu.dma_semaphore, #tpu.memory_space<semaphore_mem>>
          %dma_start3A = arith.constant 0 : i32
          %dma_start3A_49 = tpu.memref_slice %arg2[%add3A_42, %dma_start3A] : memref<2560x128xi32, #tpu.memory_space<hbm>> -> memref<16x128xi32, #tpu.memory_space<hbm>>
          %dma_start3A_50 = arith.constant 0 : i32
          %dma_start3A_51 = tpu.memref_slice %arg2[%add3A_42, %dma_start3A_50] : memref<2560x128xi32, #tpu.memory_space<hbm>> -> memref<16x128xi32, #tpu.memory_space<hbm>>
          tpu.enqueue_dma source(%dma_start3A_51 : memref<16x128xi32, #tpu.memory_space<hbm>>) target(%arg7 : memref<16x128xi32, #tpu.memory_space<vmem>>) target_semaphore(%run_scoped3A : memref<!tpu.dma_semaphore, #tpu.memory_space<semaphore_mem>>)
          %dma_wait3A = arith.constant 0 : i32
          %dma_wait3A_52 = tpu.memref_slice %arg2[%add3A_42, %dma_wait3A] : memref<2560x128xi32, #tpu.memory_space<hbm>> -> memref<16x128xi32, #tpu.memory_space<hbm>>
          %dma_wait3A_53 = arith.constant 0 : i32
          %dma_wait3A_54 = tpu.memref_slice %arg2[%add3A_42, %dma_wait3A_53] : memref<2560x128xi32, #tpu.memory_space<hbm>> -> memref<16x128xi32, #tpu.memory_space<hbm>>
          tpu.wait_dma2 semaphore(%run_scoped3A : memref<!tpu.dma_semaphore, #tpu.memory_space<semaphore_mem>>) src(%dma_wait3A_54 : memref<16x128xi32, #tpu.memory_space<hbm>>) dst(%arg7 : memref<16x128xi32, #tpu.memory_space<vmem>>)
          tpu.yield
        }) : () -> ()
        "tpu.region"() ({
          %run_scoped3A = tpu.sem_alloc : memref<!tpu.dma_semaphore, #tpu.memory_space<semaphore_mem>>
          %dma_start3A = arith.constant 0 : i32
          %dma_start3A_49 = tpu.memref_slice %arg3[%add3A_42, %dma_start3A] : memref<2560x128xi32, #tpu.memory_space<hbm>> -> memref<16x128xi32, #tpu.memory_space<hbm>>
          %dma_start3A_50 = arith.constant 0 : i32
          %dma_start3A_51 = tpu.memref_slice %arg3[%add3A_42, %dma_start3A_50] : memref<2560x128xi32, #tpu.memory_space<hbm>> -> memref<16x128xi32, #tpu.memory_space<hbm>>
          tpu.enqueue_dma source(%dma_start3A_51 : memref<16x128xi32, #tpu.memory_space<hbm>>) target(%arg8 : memref<16x128xi32, #tpu.memory_space<vmem>>) target_semaphore(%run_scoped3A : memref<!tpu.dma_semaphore, #tpu.memory_space<semaphore_mem>>)
          %dma_wait3A = arith.constant 0 : i32
          %dma_wait3A_52 = tpu.memref_slice %arg3[%add3A_42, %dma_wait3A] : memref<2560x128xi32, #tpu.memory_space<hbm>> -> memref<16x128xi32, #tpu.memory_space<hbm>>
          %dma_wait3A_53 = arith.constant 0 : i32
          %dma_wait3A_54 = tpu.memref_slice %arg3[%add3A_42, %dma_wait3A_53] : memref<2560x128xi32, #tpu.memory_space<hbm>> -> memref<16x128xi32, #tpu.memory_space<hbm>>
          tpu.wait_dma2 semaphore(%run_scoped3A : memref<!tpu.dma_semaphore, #tpu.memory_space<semaphore_mem>>) src(%dma_wait3A_54 : memref<16x128xi32, #tpu.memory_space<hbm>>) dst(%arg8 : memref<16x128xi32, #tpu.memory_space<vmem>>)
          tpu.yield
        }) : () -> ()
        %scan3A_43 = arith.constant 0 : i32
        %scan3A_44 = arith.constant 0 : i32
        %scan3A_45 = arith.constant 8 : i32
        %scan3A_46 = arith.addi %scan3A_44, %scan3A_45 : i32
        %scan3A_47 = arith.constant 1 : i32
        scf.for %scan3A_49 = %scan3A_44 to %scan3A_46 step %scan3A_47  : i32 {
          %mul3A_50 = arith.constant 2 : i32
          %mul3A_51 = arith.muli %mul3A_50, %scan3A_49 : i32
          %add3A_52 = arith.constant 0 : i32
          %add3A_53 = arith.addi %mul3A_51, %add3A_52 : i32
          %dma_start3A = arith.constant 0 : i32
          %dma_start3A_54 = tpu.memref_slice %arg7[%add3A_53, %dma_start3A] : memref<16x128xi32, #tpu.memory_space<vmem>> -> memref<1x128xi32, #tpu.memory_space<vmem>>
          %dma_start3A_55 = tpu.memref_squeeze %dma_start3A_54 : memref<1x128xi32, #tpu.memory_space<vmem>> -> memref<128xi32, #tpu.memory_space<vmem>>
          %dma_start3A_56 = arith.constant 0 : i32
          %dma_start3A_57 = arith.constant 0 : i32
          %dma_start3A_58 = tpu.memref_slice %arg4[%dma_start3A_56, %dma_start3A_57] : memref<10240x128xf32, #tpu.memory_space<hbm>> -> memref<10240x128xf32, #tpu.memory_space<hbm>>
          tpu.enqueue_indirect_dma source(%dma_start3A_58 : memref<10240x128xf32, #tpu.memory_space<hbm>>) target(%arg9 : memref<128x128xf32, #tpu.memory_space<vmem>>) offsets(%dma_start3A_55 : memref<128xi32, #tpu.memory_space<vmem>>) semaphore(%arg12 : memref<!tpu.dma_semaphore, #tpu.memory_space<semaphore_mem>>)
          %mul3A_59 = arith.constant 2 : i32
          %mul3A_60 = arith.muli %mul3A_59, %scan3A_49 : i32
          %add3A_61 = arith.constant 1 : i32
          %add3A_62 = arith.addi %mul3A_60, %add3A_61 : i32
          %dma_start3A_63 = arith.constant 0 : i32
          %dma_start3A_64 = tpu.memref_slice %arg7[%add3A_62, %dma_start3A_63] : memref<16x128xi32, #tpu.memory_space<vmem>> -> memref<1x128xi32, #tpu.memory_space<vmem>>
          %dma_start3A_65 = tpu.memref_squeeze %dma_start3A_64 : memref<1x128xi32, #tpu.memory_space<vmem>> -> memref<128xi32, #tpu.memory_space<vmem>>
          %dma_start3A_66 = arith.constant 0 : i32
          %dma_start3A_67 = arith.constant 0 : i32
          %dma_start3A_68 = tpu.memref_slice %arg4[%dma_start3A_66, %dma_start3A_67] : memref<10240x128xf32, #tpu.memory_space<hbm>> -> memref<10240x128xf32, #tpu.memory_space<hbm>>
          tpu.enqueue_indirect_dma source(%dma_start3A_68 : memref<10240x128xf32, #tpu.memory_space<hbm>>) target(%arg10 : memref<128x128xf32, #tpu.memory_space<vmem>>) offsets(%dma_start3A_65 : memref<128xi32, #tpu.memory_space<vmem>>) semaphore(%arg13 : memref<!tpu.dma_semaphore, #tpu.memory_space<semaphore_mem>>)
          %dma_wait3A = arith.constant 0 : i32
          %dma_wait3A_69 = tpu.memref_slice %arg7[%add3A_53, %dma_wait3A] : memref<16x128xi32, #tpu.memory_space<vmem>> -> memref<1x128xi32, #tpu.memory_space<vmem>>
          %dma_wait3A_70 = tpu.memref_squeeze %dma_wait3A_69 : memref<1x128xi32, #tpu.memory_space<vmem>> -> memref<128xi32, #tpu.memory_space<vmem>>
          %dma_wait3A_71 = arith.constant 0 : i32
          %dma_wait3A_72 = arith.constant 0 : i32
          %dma_wait3A_73 = tpu.memref_slice %arg4[%dma_wait3A_71, %dma_wait3A_72] : memref<10240x128xf32, #tpu.memory_space<hbm>> -> memref<10240x128xf32, #tpu.memory_space<hbm>>
          tpu.wait_indirect_dma semaphore(%arg12 : memref<!tpu.dma_semaphore, #tpu.memory_space<semaphore_mem>>) src(%dma_wait3A_73 : memref<10240x128xf32, #tpu.memory_space<hbm>>) dst(%arg9 : memref<128x128xf32, #tpu.memory_space<vmem>>)
          %mul3A_74 = arith.constant 2 : i32
          %mul3A_75 = arith.muli %mul3A_74, %scan3A_49 : i32
          %add3A_76 = arith.constant 0 : i32
          %add3A_77 = arith.addi %mul3A_75, %add3A_76 : i32
          %dma_start3A_78 = arith.constant 0 : i32
          %dma_start3A_79 = tpu.memref_slice %arg8[%add3A_77, %dma_start3A_78] : memref<16x128xi32, #tpu.memory_space<vmem>> -> memref<1x128xi32, #tpu.memory_space<vmem>>
          %dma_start3A_80 = tpu.memref_squeeze %dma_start3A_79 : memref<1x128xi32, #tpu.memory_space<vmem>> -> memref<128xi32, #tpu.memory_space<vmem>>
          %dma_start3A_81 = arith.constant 0 : i32
          %dma_start3A_82 = arith.constant 0 : i32
          %dma_start3A_83 = tpu.memref_slice %arg11[%dma_start3A_81, %dma_start3A_82] : memref<10240x128xf32, #tpu.memory_space<vmem_shared>> -> memref<10240x128xf32, #tpu.memory_space<vmem_shared>>
          tpu.enqueue_indirect_dma source(%arg9 : memref<128x128xf32, #tpu.memory_space<vmem>>) target(%dma_start3A_83 : memref<10240x128xf32, #tpu.memory_space<vmem_shared>>) offsets(%dma_start3A_80 : memref<128xi32, #tpu.memory_space<vmem>>) semaphore(%arg14 : memref<!tpu.dma_semaphore, #tpu.memory_space<semaphore_mem>>) {add = true}
          %dma_wait3A_84 = arith.constant 0 : i32
          %dma_wait3A_85 = tpu.memref_slice %arg7[%add3A_62, %dma_wait3A_84] : memref<16x128xi32, #tpu.memory_space<vmem>> -> memref<1x128xi32, #tpu.memory_space<vmem>>
          %dma_wait3A_86 = tpu.memref_squeeze %dma_wait3A_85 : memref<1x128xi32, #tpu.memory_space<vmem>> -> memref<128xi32, #tpu.memory_space<vmem>>
          %dma_wait3A_87 = arith.constant 0 : i32
          %dma_wait3A_88 = arith.constant 0 : i32
          %dma_wait3A_89 = tpu.memref_slice %arg4[%dma_wait3A_87, %dma_wait3A_88] : memref<10240x128xf32, #tpu.memory_space<hbm>> -> memref<10240x128xf32, #tpu.memory_space<hbm>>
          tpu.wait_indirect_dma semaphore(%arg13 : memref<!tpu.dma_semaphore, #tpu.memory_space<semaphore_mem>>) src(%dma_wait3A_89 : memref<10240x128xf32, #tpu.memory_space<hbm>>) dst(%arg10 : memref<128x128xf32, #tpu.memory_space<vmem>>)
          %mul3A_90 = arith.constant 2 : i32
          %mul3A_91 = arith.muli %mul3A_90, %scan3A_49 : i32
          %add3A_92 = arith.constant 1 : i32
          %add3A_93 = arith.addi %mul3A_91, %add3A_92 : i32
          %dma_start3A_94 = arith.constant 0 : i32
          %dma_start3A_95 = tpu.memref_slice %arg8[%add3A_93, %dma_start3A_94] : memref<16x128xi32, #tpu.memory_space<vmem>> -> memref<1x128xi32, #tpu.memory_space<vmem>>
          %dma_start3A_96 = tpu.memref_squeeze %dma_start3A_95 : memref<1x128xi32, #tpu.memory_space<vmem>> -> memref<128xi32, #tpu.memory_space<vmem>>
          %dma_start3A_97 = arith.constant 0 : i32
          %dma_start3A_98 = arith.constant 0 : i32
          %dma_start3A_99 = tpu.memref_slice %arg11[%dma_start3A_97, %dma_start3A_98] : memref<10240x128xf32, #tpu.memory_space<vmem_shared>> -> memref<10240x128xf32, #tpu.memory_space<vmem_shared>>
          tpu.enqueue_indirect_dma source(%arg10 : memref<128x128xf32, #tpu.memory_space<vmem>>) target(%dma_start3A_99 : memref<10240x128xf32, #tpu.memory_space<vmem_shared>>) offsets(%dma_start3A_96 : memref<128xi32, #tpu.memory_space<vmem>>) semaphore(%arg14 : memref<!tpu.dma_semaphore, #tpu.memory_space<semaphore_mem>>) {add = true}
          %dma_wait3A_100 = arith.constant 0 : i32
          %dma_wait3A_101 = tpu.memref_slice %arg8[%add3A_77, %dma_wait3A_100] : memref<16x128xi32, #tpu.memory_space<vmem>> -> memref<1x128xi32, #tpu.memory_space<vmem>>
          %dma_wait3A_102 = tpu.memref_squeeze %dma_wait3A_101 : memref<1x128xi32, #tpu.memory_space<vmem>> -> memref<128xi32, #tpu.memory_space<vmem>>
          %dma_wait3A_103 = arith.constant 0 : i32
          %dma_wait3A_104 = arith.constant 0 : i32
          %dma_wait3A_105 = tpu.memref_slice %arg11[%dma_wait3A_103, %dma_wait3A_104] : memref<10240x128xf32, #tpu.memory_space<vmem_shared>> -> memref<10240x128xf32, #tpu.memory_space<vmem_shared>>
          tpu.wait_indirect_dma semaphore(%arg14 : memref<!tpu.dma_semaphore, #tpu.memory_space<semaphore_mem>>) src(%arg9 : memref<128x128xf32, #tpu.memory_space<vmem>>) dst(%dma_wait3A_105 : memref<10240x128xf32, #tpu.memory_space<vmem_shared>>)
          %dma_wait3A_106 = arith.constant 0 : i32
          %dma_wait3A_107 = tpu.memref_slice %arg8[%add3A_93, %dma_wait3A_106] : memref<16x128xi32, #tpu.memory_space<vmem>> -> memref<1x128xi32, #tpu.memory_space<vmem>>
          %dma_wait3A_108 = tpu.memref_squeeze %dma_wait3A_107 : memref<1x128xi32, #tpu.memory_space<vmem>> -> memref<128xi32, #tpu.memory_space<vmem>>
          %dma_wait3A_109 = arith.constant 0 : i32
          %dma_wait3A_110 = arith.constant 0 : i32
          %dma_wait3A_111 = tpu.memref_slice %arg11[%dma_wait3A_109, %dma_wait3A_110] : memref<10240x128xf32, #tpu.memory_space<vmem_shared>> -> memref<10240x128xf32, #tpu.memory_space<vmem_shared>>
          tpu.wait_indirect_dma semaphore(%arg14 : memref<!tpu.dma_semaphore, #tpu.memory_space<semaphore_mem>>) src(%arg10 : memref<128x128xf32, #tpu.memory_space<vmem>>) dst(%dma_wait3A_111 : memref<10240x128xf32, #tpu.memory_space<vmem_shared>>)
        }
        %scan3A_48 = arith.constant 8 : i32
      }
      %scan3A_38 = arith.constant 3 : i32
    } else {
    }
    %barrier3A_25 = arith.constant 0 : index
    tpu.barrier barrier_id(%barrier3A_25)
    %mul3A_26 = arith.constant 640 : i32
    %mul3A_27 = arith.muli %arg1, %mul3A_26 : i32
    %mul3A_28 = arith.constant 640 : i32
    %mul3A_29 = arith.muli %arg1, %mul3A_28 : i32
    "tpu.region"() ({
      %run_scoped3A = tpu.sem_alloc : memref<!tpu.dma_semaphore, #tpu.memory_space<semaphore_mem>>
      %dma_start3A = arith.constant 0 : i32
      %dma_start3A_30 = tpu.memref_slice %arg6[%arg0, %mul3A_29, %dma_start3A] : memref<2x10240x128xf32, #tpu.memory_space<hbm>> -> memref<1x640x128xf32, #tpu.memory_space<hbm>>
      %dma_start3A_31 = tpu.memref_squeeze %dma_start3A_30 : memref<1x640x128xf32, #tpu.memory_space<hbm>> -> memref<640x128xf32, #tpu.memory_space<hbm>>
      %dma_start3A_32 = arith.constant 0 : i32
      %dma_start3A_33 = tpu.memref_slice %arg11[%mul3A_27, %dma_start3A_32] : memref<10240x128xf32, #tpu.memory_space<vmem_shared>> -> memref<640x128xf32, #tpu.memory_space<vmem_shared>>
      tpu.enqueue_dma source(%dma_start3A_33 : memref<640x128xf32, #tpu.memory_space<vmem_shared>>) target(%dma_start3A_31 : memref<640x128xf32, #tpu.memory_space<hbm>>) target_semaphore(%run_scoped3A : memref<!tpu.dma_semaphore, #tpu.memory_space<semaphore_mem>>)
      %dma_wait3A = arith.constant 0 : i32
      %dma_wait3A_34 = tpu.memref_slice %arg6[%arg0, %mul3A_29, %dma_wait3A] : memref<2x10240x128xf32, #tpu.memory_space<hbm>> -> memref<1x640x128xf32, #tpu.memory_space<hbm>>
      %dma_wait3A_35 = tpu.memref_squeeze %dma_wait3A_34 : memref<1x640x128xf32, #tpu.memory_space<hbm>> -> memref<640x128xf32, #tpu.memory_space<hbm>>
      %dma_wait3A_36 = arith.constant 0 : i32
      %dma_wait3A_37 = tpu.memref_slice %arg11[%mul3A_27, %dma_wait3A_36] : memref<10240x128xf32, #tpu.memory_space<vmem_shared>> -> memref<640x128xf32, #tpu.memory_space<vmem_shared>>
      tpu.wait_dma2 semaphore(%run_scoped3A : memref<!tpu.dma_semaphore, #tpu.memory_space<semaphore_mem>>) src(%dma_wait3A_37 : memref<640x128xf32, #tpu.memory_space<vmem_shared>>) dst(%dma_wait3A_35 : memref<640x128xf32, #tpu.memory_space<hbm>>)
      tpu.yield
    }) : () -> ()
    return
  }
}

#map = affine_map<(d0, d1) -> (0, 0)>
#map1 = affine_map<(d0, d1) -> (0, 0, 0)>
module attributes {stable_mosaic.version = 14 : i64} {
  func.func @_agg_body(%arg0: i32, %arg1: i32, %arg2: memref<2560x128xi32, #tpu.memory_space<hbm>>, %arg3: memref<2560x128xi32, #tpu.memory_space<hbm>>, %arg4: memref<10240x128xf32, #tpu.memory_space<hbm>>, %arg5: memref<128x128xf32, #tpu.memory_space<hbm>>, %arg6: memref<2x10240x128xf32, #tpu.memory_space<hbm>>, %arg7: memref<16x128xi32, #tpu.memory_space<vmem>>, %arg8: memref<16x128xi32, #tpu.memory_space<vmem>>, %arg9: memref<128x128xf32, #tpu.memory_space<vmem>>, %arg10: memref<128x128xf32, #tpu.memory_space<vmem>>, %arg11: memref<10240x128xf32, #tpu.memory_space<vmem_shared>>, %arg12: memref<!tpu.dma_semaphore, #tpu.memory_space<semaphore_mem>>, %arg13: memref<!tpu.dma_semaphore, #tpu.memory_space<semaphore_mem>>, %arg14: memref<!tpu.dma_semaphore, #tpu.memory_space<semaphore_mem>>) attributes {dimension_semantics = [#tpu.dimension_semantics<core_parallel>, #tpu.dimension_semantics<subcore_parallel>], iteration_bounds = array<i64: 2, 16>, scalar_prefetch = 0 : i64, scratch_operands = 8 : i64, tpu.core_type = #tpu.core_type<sc_vector_subcore>, window_params = [{transform_indices = #map}, {transform_indices = #map}, {transform_indices = #map}, {transform_indices = #map}, {transform_indices = #map1}]} {
    "tpu.region"() ({
      %run_scoped3A = tpu.sem_alloc : memref<!tpu.dma_semaphore, #tpu.memory_space<semaphore_mem>>
      tpu.enqueue_dma source(%arg5 : memref<128x128xf32, #tpu.memory_space<hbm>>) target(%arg9 : memref<128x128xf32, #tpu.memory_space<vmem>>) target_semaphore(%run_scoped3A : memref<!tpu.dma_semaphore, #tpu.memory_space<semaphore_mem>>)
      tpu.wait_dma2 semaphore(%run_scoped3A : memref<!tpu.dma_semaphore, #tpu.memory_space<semaphore_mem>>) src(%arg5 : memref<128x128xf32, #tpu.memory_space<hbm>>) dst(%arg9 : memref<128x128xf32, #tpu.memory_space<vmem>>)
      tpu.yield
    }) : () -> ()
    %mul3A = arith.constant 640 : i32
    %mul3A_0 = arith.muli %arg1, %mul3A : i32
    %add3A = arith.constant 0 : i32
    %add3A_1 = arith.addi %mul3A_0, %add3A : i32
    "tpu.region"() ({
      %run_scoped3A = tpu.sem_alloc : memref<!tpu.dma_semaphore, #tpu.memory_space<semaphore_mem>>
      %dma_start3A = arith.constant 0 : i32
      %dma_start3A_30 = tpu.memref_slice %arg11[%add3A_1, %dma_start3A] : memref<10240x128xf32, #tpu.memory_space<vmem_shared>> -> memref<128x128xf32, #tpu.memory_space<vmem_shared>>
      %dma_start3A_31 = arith.constant 0 : i32
      %dma_start3A_32 = tpu.memref_slice %arg11[%add3A_1, %dma_start3A_31] : memref<10240x128xf32, #tpu.memory_space<vmem_shared>> -> memref<128x128xf32, #tpu.memory_space<vmem_shared>>
      tpu.enqueue_dma source(%arg9 : memref<128x128xf32, #tpu.memory_space<vmem>>) target(%dma_start3A_32 : memref<128x128xf32, #tpu.memory_space<vmem_shared>>) target_semaphore(%run_scoped3A : memref<!tpu.dma_semaphore, #tpu.memory_space<semaphore_mem>>)
      %dma_wait3A = arith.constant 0 : i32
      %dma_wait3A_33 = tpu.memref_slice %arg11[%add3A_1, %dma_wait3A] : memref<10240x128xf32, #tpu.memory_space<vmem_shared>> -> memref<128x128xf32, #tpu.memory_space<vmem_shared>>
      %dma_wait3A_34 = arith.constant 0 : i32
      %dma_wait3A_35 = tpu.memref_slice %arg11[%add3A_1, %dma_wait3A_34] : memref<10240x128xf32, #tpu.memory_space<vmem_shared>> -> memref<128x128xf32, #tpu.memory_space<vmem_shared>>
      tpu.wait_dma2 semaphore(%run_scoped3A : memref<!tpu.dma_semaphore, #tpu.memory_space<semaphore_mem>>) src(%arg9 : memref<128x128xf32, #tpu.memory_space<vmem>>) dst(%dma_wait3A_35 : memref<128x128xf32, #tpu.memory_space<vmem_shared>>)
      tpu.yield
    }) : () -> ()
    %mul3A_2 = arith.constant 640 : i32
    %mul3A_3 = arith.muli %arg1, %mul3A_2 : i32
    %add3A_4 = arith.constant 128 : i32
    %add3A_5 = arith.addi %mul3A_3, %add3A_4 : i32
    "tpu.region"() ({
      %run_scoped3A = tpu.sem_alloc : memref<!tpu.dma_semaphore, #tpu.memory_space<semaphore_mem>>
      %dma_start3A = arith.constant 0 : i32
      %dma_start3A_30 = tpu.memref_slice %arg11[%add3A_5, %dma_start3A] : memref<10240x128xf32, #tpu.memory_space<vmem_shared>> -> memref<128x128xf32, #tpu.memory_space<vmem_shared>>
      %dma_start3A_31 = arith.constant 0 : i32
      %dma_start3A_32 = tpu.memref_slice %arg11[%add3A_5, %dma_start3A_31] : memref<10240x128xf32, #tpu.memory_space<vmem_shared>> -> memref<128x128xf32, #tpu.memory_space<vmem_shared>>
      tpu.enqueue_dma source(%arg9 : memref<128x128xf32, #tpu.memory_space<vmem>>) target(%dma_start3A_32 : memref<128x128xf32, #tpu.memory_space<vmem_shared>>) target_semaphore(%run_scoped3A : memref<!tpu.dma_semaphore, #tpu.memory_space<semaphore_mem>>)
      %dma_wait3A = arith.constant 0 : i32
      %dma_wait3A_33 = tpu.memref_slice %arg11[%add3A_5, %dma_wait3A] : memref<10240x128xf32, #tpu.memory_space<vmem_shared>> -> memref<128x128xf32, #tpu.memory_space<vmem_shared>>
      %dma_wait3A_34 = arith.constant 0 : i32
      %dma_wait3A_35 = tpu.memref_slice %arg11[%add3A_5, %dma_wait3A_34] : memref<10240x128xf32, #tpu.memory_space<vmem_shared>> -> memref<128x128xf32, #tpu.memory_space<vmem_shared>>
      tpu.wait_dma2 semaphore(%run_scoped3A : memref<!tpu.dma_semaphore, #tpu.memory_space<semaphore_mem>>) src(%arg9 : memref<128x128xf32, #tpu.memory_space<vmem>>) dst(%dma_wait3A_35 : memref<128x128xf32, #tpu.memory_space<vmem_shared>>)
      tpu.yield
    }) : () -> ()
    %mul3A_6 = arith.constant 640 : i32
    %mul3A_7 = arith.muli %arg1, %mul3A_6 : i32
    %add3A_8 = arith.constant 256 : i32
    %add3A_9 = arith.addi %mul3A_7, %add3A_8 : i32
    "tpu.region"() ({
      %run_scoped3A = tpu.sem_alloc : memref<!tpu.dma_semaphore, #tpu.memory_space<semaphore_mem>>
      %dma_start3A = arith.constant 0 : i32
      %dma_start3A_30 = tpu.memref_slice %arg11[%add3A_9, %dma_start3A] : memref<10240x128xf32, #tpu.memory_space<vmem_shared>> -> memref<128x128xf32, #tpu.memory_space<vmem_shared>>
      %dma_start3A_31 = arith.constant 0 : i32
      %dma_start3A_32 = tpu.memref_slice %arg11[%add3A_9, %dma_start3A_31] : memref<10240x128xf32, #tpu.memory_space<vmem_shared>> -> memref<128x128xf32, #tpu.memory_space<vmem_shared>>
      tpu.enqueue_dma source(%arg9 : memref<128x128xf32, #tpu.memory_space<vmem>>) target(%dma_start3A_32 : memref<128x128xf32, #tpu.memory_space<vmem_shared>>) target_semaphore(%run_scoped3A : memref<!tpu.dma_semaphore, #tpu.memory_space<semaphore_mem>>)
      %dma_wait3A = arith.constant 0 : i32
      %dma_wait3A_33 = tpu.memref_slice %arg11[%add3A_9, %dma_wait3A] : memref<10240x128xf32, #tpu.memory_space<vmem_shared>> -> memref<128x128xf32, #tpu.memory_space<vmem_shared>>
      %dma_wait3A_34 = arith.constant 0 : i32
      %dma_wait3A_35 = tpu.memref_slice %arg11[%add3A_9, %dma_wait3A_34] : memref<10240x128xf32, #tpu.memory_space<vmem_shared>> -> memref<128x128xf32, #tpu.memory_space<vmem_shared>>
      tpu.wait_dma2 semaphore(%run_scoped3A : memref<!tpu.dma_semaphore, #tpu.memory_space<semaphore_mem>>) src(%arg9 : memref<128x128xf32, #tpu.memory_space<vmem>>) dst(%dma_wait3A_35 : memref<128x128xf32, #tpu.memory_space<vmem_shared>>)
      tpu.yield
    }) : () -> ()
    %mul3A_10 = arith.constant 640 : i32
    %mul3A_11 = arith.muli %arg1, %mul3A_10 : i32
    %add3A_12 = arith.constant 384 : i32
    %add3A_13 = arith.addi %mul3A_11, %add3A_12 : i32
    "tpu.region"() ({
      %run_scoped3A = tpu.sem_alloc : memref<!tpu.dma_semaphore, #tpu.memory_space<semaphore_mem>>
      %dma_start3A = arith.constant 0 : i32
      %dma_start3A_30 = tpu.memref_slice %arg11[%add3A_13, %dma_start3A] : memref<10240x128xf32, #tpu.memory_space<vmem_shared>> -> memref<128x128xf32, #tpu.memory_space<vmem_shared>>
      %dma_start3A_31 = arith.constant 0 : i32
      %dma_start3A_32 = tpu.memref_slice %arg11[%add3A_13, %dma_start3A_31] : memref<10240x128xf32, #tpu.memory_space<vmem_shared>> -> memref<128x128xf32, #tpu.memory_space<vmem_shared>>
      tpu.enqueue_dma source(%arg9 : memref<128x128xf32, #tpu.memory_space<vmem>>) target(%dma_start3A_32 : memref<128x128xf32, #tpu.memory_space<vmem_shared>>) target_semaphore(%run_scoped3A : memref<!tpu.dma_semaphore, #tpu.memory_space<semaphore_mem>>)
      %dma_wait3A = arith.constant 0 : i32
      %dma_wait3A_33 = tpu.memref_slice %arg11[%add3A_13, %dma_wait3A] : memref<10240x128xf32, #tpu.memory_space<vmem_shared>> -> memref<128x128xf32, #tpu.memory_space<vmem_shared>>
      %dma_wait3A_34 = arith.constant 0 : i32
      %dma_wait3A_35 = tpu.memref_slice %arg11[%add3A_13, %dma_wait3A_34] : memref<10240x128xf32, #tpu.memory_space<vmem_shared>> -> memref<128x128xf32, #tpu.memory_space<vmem_shared>>
      tpu.wait_dma2 semaphore(%run_scoped3A : memref<!tpu.dma_semaphore, #tpu.memory_space<semaphore_mem>>) src(%arg9 : memref<128x128xf32, #tpu.memory_space<vmem>>) dst(%dma_wait3A_35 : memref<128x128xf32, #tpu.memory_space<vmem_shared>>)
      tpu.yield
    }) : () -> ()
    %mul3A_14 = arith.constant 640 : i32
    %mul3A_15 = arith.muli %arg1, %mul3A_14 : i32
    %add3A_16 = arith.constant 512 : i32
    %add3A_17 = arith.addi %mul3A_15, %add3A_16 : i32
    "tpu.region"() ({
      %run_scoped3A = tpu.sem_alloc : memref<!tpu.dma_semaphore, #tpu.memory_space<semaphore_mem>>
      %dma_start3A = arith.constant 0 : i32
      %dma_start3A_30 = tpu.memref_slice %arg11[%add3A_17, %dma_start3A] : memref<10240x128xf32, #tpu.memory_space<vmem_shared>> -> memref<128x128xf32, #tpu.memory_space<vmem_shared>>
      %dma_start3A_31 = arith.constant 0 : i32
      %dma_start3A_32 = tpu.memref_slice %arg11[%add3A_17, %dma_start3A_31] : memref<10240x128xf32, #tpu.memory_space<vmem_shared>> -> memref<128x128xf32, #tpu.memory_space<vmem_shared>>
      tpu.enqueue_dma source(%arg9 : memref<128x128xf32, #tpu.memory_space<vmem>>) target(%dma_start3A_32 : memref<128x128xf32, #tpu.memory_space<vmem_shared>>) target_semaphore(%run_scoped3A : memref<!tpu.dma_semaphore, #tpu.memory_space<semaphore_mem>>)
      %dma_wait3A = arith.constant 0 : i32
      %dma_wait3A_33 = tpu.memref_slice %arg11[%add3A_17, %dma_wait3A] : memref<10240x128xf32, #tpu.memory_space<vmem_shared>> -> memref<128x128xf32, #tpu.memory_space<vmem_shared>>
      %dma_wait3A_34 = arith.constant 0 : i32
      %dma_wait3A_35 = tpu.memref_slice %arg11[%add3A_17, %dma_wait3A_34] : memref<10240x128xf32, #tpu.memory_space<vmem_shared>> -> memref<128x128xf32, #tpu.memory_space<vmem_shared>>
      tpu.wait_dma2 semaphore(%run_scoped3A : memref<!tpu.dma_semaphore, #tpu.memory_space<semaphore_mem>>) src(%arg9 : memref<128x128xf32, #tpu.memory_space<vmem>>) dst(%dma_wait3A_35 : memref<128x128xf32, #tpu.memory_space<vmem_shared>>)
      tpu.yield
    }) : () -> ()
    %barrier3A = arith.constant 0 : index
    tpu.barrier barrier_id(%barrier3A)
    %eq3A = arith.constant 0 : i32
    %eq3A_18 = arith.cmpi eq, %arg0, %eq3A : i32
    %convert_element_type3A = arith.extui %eq3A_18 : i1 to i32
    %cond3A = arith.constant 0 : i32
    %cond3A_19 = arith.cmpi ne, %convert_element_type3A, %cond3A : i32
    scf.if %cond3A_19 {
      %mul3A_30 = arith.constant 112 : i32
      %mul3A_31 = arith.muli %arg1, %mul3A_30 : i32
      %scan3A = arith.constant 0 : i32
      %scan3A_32 = arith.constant 0 : i32
      %scan3A_33 = arith.constant 7 : i32
      %scan3A_34 = arith.addi %scan3A_32, %scan3A_33 : i32
      %scan3A_35 = arith.constant 1 : i32
      scf.for %scan3A_37 = %scan3A_32 to %scan3A_34 step %scan3A_35  : i32 {
        %mul3A_38 = arith.constant 16 : i32
        %mul3A_39 = arith.muli %scan3A_37, %mul3A_38 : i32
        %add3A_40 = arith.addi %mul3A_31, %mul3A_39 : i32
        "tpu.region"() ({
          %run_scoped3A = tpu.sem_alloc : memref<!tpu.dma_semaphore, #tpu.memory_space<semaphore_mem>>
          %dma_start3A = arith.constant 0 : i32
          %dma_start3A_47 = tpu.memref_slice %arg2[%add3A_40, %dma_start3A] : memref<2560x128xi32, #tpu.memory_space<hbm>> -> memref<16x128xi32, #tpu.memory_space<hbm>>
          %dma_start3A_48 = arith.constant 0 : i32
          %dma_start3A_49 = tpu.memref_slice %arg2[%add3A_40, %dma_start3A_48] : memref<2560x128xi32, #tpu.memory_space<hbm>> -> memref<16x128xi32, #tpu.memory_space<hbm>>
          tpu.enqueue_dma source(%dma_start3A_49 : memref<16x128xi32, #tpu.memory_space<hbm>>) target(%arg7 : memref<16x128xi32, #tpu.memory_space<vmem>>) target_semaphore(%run_scoped3A : memref<!tpu.dma_semaphore, #tpu.memory_space<semaphore_mem>>)
          %dma_wait3A = arith.constant 0 : i32
          %dma_wait3A_50 = tpu.memref_slice %arg2[%add3A_40, %dma_wait3A] : memref<2560x128xi32, #tpu.memory_space<hbm>> -> memref<16x128xi32, #tpu.memory_space<hbm>>
          %dma_wait3A_51 = arith.constant 0 : i32
          %dma_wait3A_52 = tpu.memref_slice %arg2[%add3A_40, %dma_wait3A_51] : memref<2560x128xi32, #tpu.memory_space<hbm>> -> memref<16x128xi32, #tpu.memory_space<hbm>>
          tpu.wait_dma2 semaphore(%run_scoped3A : memref<!tpu.dma_semaphore, #tpu.memory_space<semaphore_mem>>) src(%dma_wait3A_52 : memref<16x128xi32, #tpu.memory_space<hbm>>) dst(%arg7 : memref<16x128xi32, #tpu.memory_space<vmem>>)
          tpu.yield
        }) : () -> ()
        "tpu.region"() ({
          %run_scoped3A = tpu.sem_alloc : memref<!tpu.dma_semaphore, #tpu.memory_space<semaphore_mem>>
          %dma_start3A = arith.constant 0 : i32
          %dma_start3A_47 = tpu.memref_slice %arg3[%add3A_40, %dma_start3A] : memref<2560x128xi32, #tpu.memory_space<hbm>> -> memref<16x128xi32, #tpu.memory_space<hbm>>
          %dma_start3A_48 = arith.constant 0 : i32
          %dma_start3A_49 = tpu.memref_slice %arg3[%add3A_40, %dma_start3A_48] : memref<2560x128xi32, #tpu.memory_space<hbm>> -> memref<16x128xi32, #tpu.memory_space<hbm>>
          tpu.enqueue_dma source(%dma_start3A_49 : memref<16x128xi32, #tpu.memory_space<hbm>>) target(%arg8 : memref<16x128xi32, #tpu.memory_space<vmem>>) target_semaphore(%run_scoped3A : memref<!tpu.dma_semaphore, #tpu.memory_space<semaphore_mem>>)
          %dma_wait3A = arith.constant 0 : i32
          %dma_wait3A_50 = tpu.memref_slice %arg3[%add3A_40, %dma_wait3A] : memref<2560x128xi32, #tpu.memory_space<hbm>> -> memref<16x128xi32, #tpu.memory_space<hbm>>
          %dma_wait3A_51 = arith.constant 0 : i32
          %dma_wait3A_52 = tpu.memref_slice %arg3[%add3A_40, %dma_wait3A_51] : memref<2560x128xi32, #tpu.memory_space<hbm>> -> memref<16x128xi32, #tpu.memory_space<hbm>>
          tpu.wait_dma2 semaphore(%run_scoped3A : memref<!tpu.dma_semaphore, #tpu.memory_space<semaphore_mem>>) src(%dma_wait3A_52 : memref<16x128xi32, #tpu.memory_space<hbm>>) dst(%arg8 : memref<16x128xi32, #tpu.memory_space<vmem>>)
          tpu.yield
        }) : () -> ()
        %scan3A_41 = arith.constant 0 : i32
        %scan3A_42 = arith.constant 0 : i32
        %scan3A_43 = arith.constant 8 : i32
        %scan3A_44 = arith.addi %scan3A_42, %scan3A_43 : i32
        %scan3A_45 = arith.constant 1 : i32
        scf.for %scan3A_47 = %scan3A_42 to %scan3A_44 step %scan3A_45  : i32 {
          %mul3A_48 = arith.constant 2 : i32
          %mul3A_49 = arith.muli %mul3A_48, %scan3A_47 : i32
          %add3A_50 = arith.constant 0 : i32
          %add3A_51 = arith.addi %mul3A_49, %add3A_50 : i32
          %dma_start3A = arith.constant 0 : i32
          %dma_start3A_52 = tpu.memref_slice %arg7[%add3A_51, %dma_start3A] : memref<16x128xi32, #tpu.memory_space<vmem>> -> memref<1x128xi32, #tpu.memory_space<vmem>>
          %dma_start3A_53 = tpu.memref_squeeze %dma_start3A_52 : memref<1x128xi32, #tpu.memory_space<vmem>> -> memref<128xi32, #tpu.memory_space<vmem>>
          %dma_start3A_54 = arith.constant 0 : i32
          %dma_start3A_55 = arith.constant 0 : i32
          %dma_start3A_56 = tpu.memref_slice %arg4[%dma_start3A_54, %dma_start3A_55] : memref<10240x128xf32, #tpu.memory_space<hbm>> -> memref<10240x128xf32, #tpu.memory_space<hbm>>
          tpu.enqueue_indirect_dma source(%dma_start3A_56 : memref<10240x128xf32, #tpu.memory_space<hbm>>) target(%arg9 : memref<128x128xf32, #tpu.memory_space<vmem>>) offsets(%dma_start3A_53 : memref<128xi32, #tpu.memory_space<vmem>>) semaphore(%arg12 : memref<!tpu.dma_semaphore, #tpu.memory_space<semaphore_mem>>)
          %mul3A_57 = arith.constant 2 : i32
          %mul3A_58 = arith.muli %mul3A_57, %scan3A_47 : i32
          %add3A_59 = arith.constant 1 : i32
          %add3A_60 = arith.addi %mul3A_58, %add3A_59 : i32
          %dma_start3A_61 = arith.constant 0 : i32
          %dma_start3A_62 = tpu.memref_slice %arg7[%add3A_60, %dma_start3A_61] : memref<16x128xi32, #tpu.memory_space<vmem>> -> memref<1x128xi32, #tpu.memory_space<vmem>>
          %dma_start3A_63 = tpu.memref_squeeze %dma_start3A_62 : memref<1x128xi32, #tpu.memory_space<vmem>> -> memref<128xi32, #tpu.memory_space<vmem>>
          %dma_start3A_64 = arith.constant 0 : i32
          %dma_start3A_65 = arith.constant 0 : i32
          %dma_start3A_66 = tpu.memref_slice %arg4[%dma_start3A_64, %dma_start3A_65] : memref<10240x128xf32, #tpu.memory_space<hbm>> -> memref<10240x128xf32, #tpu.memory_space<hbm>>
          tpu.enqueue_indirect_dma source(%dma_start3A_66 : memref<10240x128xf32, #tpu.memory_space<hbm>>) target(%arg10 : memref<128x128xf32, #tpu.memory_space<vmem>>) offsets(%dma_start3A_63 : memref<128xi32, #tpu.memory_space<vmem>>) semaphore(%arg13 : memref<!tpu.dma_semaphore, #tpu.memory_space<semaphore_mem>>)
          %dma_wait3A = arith.constant 0 : i32
          %dma_wait3A_67 = tpu.memref_slice %arg7[%add3A_51, %dma_wait3A] : memref<16x128xi32, #tpu.memory_space<vmem>> -> memref<1x128xi32, #tpu.memory_space<vmem>>
          %dma_wait3A_68 = tpu.memref_squeeze %dma_wait3A_67 : memref<1x128xi32, #tpu.memory_space<vmem>> -> memref<128xi32, #tpu.memory_space<vmem>>
          %dma_wait3A_69 = arith.constant 0 : i32
          %dma_wait3A_70 = arith.constant 0 : i32
          %dma_wait3A_71 = tpu.memref_slice %arg4[%dma_wait3A_69, %dma_wait3A_70] : memref<10240x128xf32, #tpu.memory_space<hbm>> -> memref<10240x128xf32, #tpu.memory_space<hbm>>
          tpu.wait_indirect_dma semaphore(%arg12 : memref<!tpu.dma_semaphore, #tpu.memory_space<semaphore_mem>>) src(%dma_wait3A_71 : memref<10240x128xf32, #tpu.memory_space<hbm>>) dst(%arg9 : memref<128x128xf32, #tpu.memory_space<vmem>>)
          %mul3A_72 = arith.constant 2 : i32
          %mul3A_73 = arith.muli %mul3A_72, %scan3A_47 : i32
          %add3A_74 = arith.constant 0 : i32
          %add3A_75 = arith.addi %mul3A_73, %add3A_74 : i32
          %dma_start3A_76 = arith.constant 0 : i32
          %dma_start3A_77 = tpu.memref_slice %arg8[%add3A_75, %dma_start3A_76] : memref<16x128xi32, #tpu.memory_space<vmem>> -> memref<1x128xi32, #tpu.memory_space<vmem>>
          %dma_start3A_78 = tpu.memref_squeeze %dma_start3A_77 : memref<1x128xi32, #tpu.memory_space<vmem>> -> memref<128xi32, #tpu.memory_space<vmem>>
          %dma_start3A_79 = arith.constant 0 : i32
          %dma_start3A_80 = arith.constant 0 : i32
          %dma_start3A_81 = tpu.memref_slice %arg11[%dma_start3A_79, %dma_start3A_80] : memref<10240x128xf32, #tpu.memory_space<vmem_shared>> -> memref<10240x128xf32, #tpu.memory_space<vmem_shared>>
          tpu.enqueue_indirect_dma source(%arg9 : memref<128x128xf32, #tpu.memory_space<vmem>>) target(%dma_start3A_81 : memref<10240x128xf32, #tpu.memory_space<vmem_shared>>) offsets(%dma_start3A_78 : memref<128xi32, #tpu.memory_space<vmem>>) semaphore(%arg14 : memref<!tpu.dma_semaphore, #tpu.memory_space<semaphore_mem>>) {add = true}
          %dma_wait3A_82 = arith.constant 0 : i32
          %dma_wait3A_83 = tpu.memref_slice %arg7[%add3A_60, %dma_wait3A_82] : memref<16x128xi32, #tpu.memory_space<vmem>> -> memref<1x128xi32, #tpu.memory_space<vmem>>
          %dma_wait3A_84 = tpu.memref_squeeze %dma_wait3A_83 : memref<1x128xi32, #tpu.memory_space<vmem>> -> memref<128xi32, #tpu.memory_space<vmem>>
          %dma_wait3A_85 = arith.constant 0 : i32
          %dma_wait3A_86 = arith.constant 0 : i32
          %dma_wait3A_87 = tpu.memref_slice %arg4[%dma_wait3A_85, %dma_wait3A_86] : memref<10240x128xf32, #tpu.memory_space<hbm>> -> memref<10240x128xf32, #tpu.memory_space<hbm>>
          tpu.wait_indirect_dma semaphore(%arg13 : memref<!tpu.dma_semaphore, #tpu.memory_space<semaphore_mem>>) src(%dma_wait3A_87 : memref<10240x128xf32, #tpu.memory_space<hbm>>) dst(%arg10 : memref<128x128xf32, #tpu.memory_space<vmem>>)
          %mul3A_88 = arith.constant 2 : i32
          %mul3A_89 = arith.muli %mul3A_88, %scan3A_47 : i32
          %add3A_90 = arith.constant 1 : i32
          %add3A_91 = arith.addi %mul3A_89, %add3A_90 : i32
          %dma_start3A_92 = arith.constant 0 : i32
          %dma_start3A_93 = tpu.memref_slice %arg8[%add3A_91, %dma_start3A_92] : memref<16x128xi32, #tpu.memory_space<vmem>> -> memref<1x128xi32, #tpu.memory_space<vmem>>
          %dma_start3A_94 = tpu.memref_squeeze %dma_start3A_93 : memref<1x128xi32, #tpu.memory_space<vmem>> -> memref<128xi32, #tpu.memory_space<vmem>>
          %dma_start3A_95 = arith.constant 0 : i32
          %dma_start3A_96 = arith.constant 0 : i32
          %dma_start3A_97 = tpu.memref_slice %arg11[%dma_start3A_95, %dma_start3A_96] : memref<10240x128xf32, #tpu.memory_space<vmem_shared>> -> memref<10240x128xf32, #tpu.memory_space<vmem_shared>>
          tpu.enqueue_indirect_dma source(%arg10 : memref<128x128xf32, #tpu.memory_space<vmem>>) target(%dma_start3A_97 : memref<10240x128xf32, #tpu.memory_space<vmem_shared>>) offsets(%dma_start3A_94 : memref<128xi32, #tpu.memory_space<vmem>>) semaphore(%arg14 : memref<!tpu.dma_semaphore, #tpu.memory_space<semaphore_mem>>) {add = true}
          %dma_wait3A_98 = arith.constant 0 : i32
          %dma_wait3A_99 = tpu.memref_slice %arg8[%add3A_75, %dma_wait3A_98] : memref<16x128xi32, #tpu.memory_space<vmem>> -> memref<1x128xi32, #tpu.memory_space<vmem>>
          %dma_wait3A_100 = tpu.memref_squeeze %dma_wait3A_99 : memref<1x128xi32, #tpu.memory_space<vmem>> -> memref<128xi32, #tpu.memory_space<vmem>>
          %dma_wait3A_101 = arith.constant 0 : i32
          %dma_wait3A_102 = arith.constant 0 : i32
          %dma_wait3A_103 = tpu.memref_slice %arg11[%dma_wait3A_101, %dma_wait3A_102] : memref<10240x128xf32, #tpu.memory_space<vmem_shared>> -> memref<10240x128xf32, #tpu.memory_space<vmem_shared>>
          tpu.wait_indirect_dma semaphore(%arg14 : memref<!tpu.dma_semaphore, #tpu.memory_space<semaphore_mem>>) src(%arg9 : memref<128x128xf32, #tpu.memory_space<vmem>>) dst(%dma_wait3A_103 : memref<10240x128xf32, #tpu.memory_space<vmem_shared>>)
          %dma_wait3A_104 = arith.constant 0 : i32
          %dma_wait3A_105 = tpu.memref_slice %arg8[%add3A_91, %dma_wait3A_104] : memref<16x128xi32, #tpu.memory_space<vmem>> -> memref<1x128xi32, #tpu.memory_space<vmem>>
          %dma_wait3A_106 = tpu.memref_squeeze %dma_wait3A_105 : memref<1x128xi32, #tpu.memory_space<vmem>> -> memref<128xi32, #tpu.memory_space<vmem>>
          %dma_wait3A_107 = arith.constant 0 : i32
          %dma_wait3A_108 = arith.constant 0 : i32
          %dma_wait3A_109 = tpu.memref_slice %arg11[%dma_wait3A_107, %dma_wait3A_108] : memref<10240x128xf32, #tpu.memory_space<vmem_shared>> -> memref<10240x128xf32, #tpu.memory_space<vmem_shared>>
          tpu.wait_indirect_dma semaphore(%arg14 : memref<!tpu.dma_semaphore, #tpu.memory_space<semaphore_mem>>) src(%arg10 : memref<128x128xf32, #tpu.memory_space<vmem>>) dst(%dma_wait3A_109 : memref<10240x128xf32, #tpu.memory_space<vmem_shared>>)
        }
        %scan3A_46 = arith.constant 8 : i32
      }
      %scan3A_36 = arith.constant 7 : i32
    } else {
    }
    %eq3A_20 = arith.constant 1 : i32
    %eq3A_21 = arith.cmpi eq, %arg0, %eq3A_20 : i32
    %convert_element_type3A_22 = arith.extui %eq3A_21 : i1 to i32
    %cond3A_23 = arith.constant 0 : i32
    %cond3A_24 = arith.cmpi ne, %convert_element_type3A_22, %cond3A_23 : i32
    scf.if %cond3A_24 {
      %mul3A_30 = arith.constant 48 : i32
      %mul3A_31 = arith.muli %arg1, %mul3A_30 : i32
      %add3A_32 = arith.constant 1792 : i32
      %add3A_33 = arith.addi %add3A_32, %mul3A_31 : i32
      %scan3A = arith.constant 0 : i32
      %scan3A_34 = arith.constant 0 : i32
      %scan3A_35 = arith.constant 3 : i32
      %scan3A_36 = arith.addi %scan3A_34, %scan3A_35 : i32
      %scan3A_37 = arith.constant 1 : i32
      scf.for %scan3A_39 = %scan3A_34 to %scan3A_36 step %scan3A_37  : i32 {
        %mul3A_40 = arith.constant 16 : i32
        %mul3A_41 = arith.muli %scan3A_39, %mul3A_40 : i32
        %add3A_42 = arith.addi %add3A_33, %mul3A_41 : i32
        "tpu.region"() ({
          %run_scoped3A = tpu.sem_alloc : memref<!tpu.dma_semaphore, #tpu.memory_space<semaphore_mem>>
          %dma_start3A = arith.constant 0 : i32
          %dma_start3A_49 = tpu.memref_slice %arg2[%add3A_42, %dma_start3A] : memref<2560x128xi32, #tpu.memory_space<hbm>> -> memref<16x128xi32, #tpu.memory_space<hbm>>
          %dma_start3A_50 = arith.constant 0 : i32
          %dma_start3A_51 = tpu.memref_slice %arg2[%add3A_42, %dma_start3A_50] : memref<2560x128xi32, #tpu.memory_space<hbm>> -> memref<16x128xi32, #tpu.memory_space<hbm>>
          tpu.enqueue_dma source(%dma_start3A_51 : memref<16x128xi32, #tpu.memory_space<hbm>>) target(%arg7 : memref<16x128xi32, #tpu.memory_space<vmem>>) target_semaphore(%run_scoped3A : memref<!tpu.dma_semaphore, #tpu.memory_space<semaphore_mem>>)
          %dma_wait3A = arith.constant 0 : i32
          %dma_wait3A_52 = tpu.memref_slice %arg2[%add3A_42, %dma_wait3A] : memref<2560x128xi32, #tpu.memory_space<hbm>> -> memref<16x128xi32, #tpu.memory_space<hbm>>
          %dma_wait3A_53 = arith.constant 0 : i32
          %dma_wait3A_54 = tpu.memref_slice %arg2[%add3A_42, %dma_wait3A_53] : memref<2560x128xi32, #tpu.memory_space<hbm>> -> memref<16x128xi32, #tpu.memory_space<hbm>>
          tpu.wait_dma2 semaphore(%run_scoped3A : memref<!tpu.dma_semaphore, #tpu.memory_space<semaphore_mem>>) src(%dma_wait3A_54 : memref<16x128xi32, #tpu.memory_space<hbm>>) dst(%arg7 : memref<16x128xi32, #tpu.memory_space<vmem>>)
          tpu.yield
        }) : () -> ()
        "tpu.region"() ({
          %run_scoped3A = tpu.sem_alloc : memref<!tpu.dma_semaphore, #tpu.memory_space<semaphore_mem>>
          %dma_start3A = arith.constant 0 : i32
          %dma_start3A_49 = tpu.memref_slice %arg3[%add3A_42, %dma_start3A] : memref<2560x128xi32, #tpu.memory_space<hbm>> -> memref<16x128xi32, #tpu.memory_space<hbm>>
          %dma_start3A_50 = arith.constant 0 : i32
          %dma_start3A_51 = tpu.memref_slice %arg3[%add3A_42, %dma_start3A_50] : memref<2560x128xi32, #tpu.memory_space<hbm>> -> memref<16x128xi32, #tpu.memory_space<hbm>>
          tpu.enqueue_dma source(%dma_start3A_51 : memref<16x128xi32, #tpu.memory_space<hbm>>) target(%arg8 : memref<16x128xi32, #tpu.memory_space<vmem>>) target_semaphore(%run_scoped3A : memref<!tpu.dma_semaphore, #tpu.memory_space<semaphore_mem>>)
          %dma_wait3A = arith.constant 0 : i32
          %dma_wait3A_52 = tpu.memref_slice %arg3[%add3A_42, %dma_wait3A] : memref<2560x128xi32, #tpu.memory_space<hbm>> -> memref<16x128xi32, #tpu.memory_space<hbm>>
          %dma_wait3A_53 = arith.constant 0 : i32
          %dma_wait3A_54 = tpu.memref_slice %arg3[%add3A_42, %dma_wait3A_53] : memref<2560x128xi32, #tpu.memory_space<hbm>> -> memref<16x128xi32, #tpu.memory_space<hbm>>
          tpu.wait_dma2 semaphore(%run_scoped3A : memref<!tpu.dma_semaphore, #tpu.memory_space<semaphore_mem>>) src(%dma_wait3A_54 : memref<16x128xi32, #tpu.memory_space<hbm>>) dst(%arg8 : memref<16x128xi32, #tpu.memory_space<vmem>>)
          tpu.yield
        }) : () -> ()
        %scan3A_43 = arith.constant 0 : i32
        %scan3A_44 = arith.constant 0 : i32
        %scan3A_45 = arith.constant 8 : i32
        %scan3A_46 = arith.addi %scan3A_44, %scan3A_45 : i32
        %scan3A_47 = arith.constant 1 : i32
        scf.for %scan3A_49 = %scan3A_44 to %scan3A_46 step %scan3A_47  : i32 {
          %mul3A_50 = arith.constant 2 : i32
          %mul3A_51 = arith.muli %mul3A_50, %scan3A_49 : i32
          %add3A_52 = arith.constant 0 : i32
          %add3A_53 = arith.addi %mul3A_51, %add3A_52 : i32
          %dma_start3A = arith.constant 0 : i32
          %dma_start3A_54 = tpu.memref_slice %arg7[%add3A_53, %dma_start3A] : memref<16x128xi32, #tpu.memory_space<vmem>> -> memref<1x128xi32, #tpu.memory_space<vmem>>
          %dma_start3A_55 = tpu.memref_squeeze %dma_start3A_54 : memref<1x128xi32, #tpu.memory_space<vmem>> -> memref<128xi32, #tpu.memory_space<vmem>>
          %dma_start3A_56 = arith.constant 0 : i32
          %dma_start3A_57 = arith.constant 0 : i32
          %dma_start3A_58 = tpu.memref_slice %arg4[%dma_start3A_56, %dma_start3A_57] : memref<10240x128xf32, #tpu.memory_space<hbm>> -> memref<10240x128xf32, #tpu.memory_space<hbm>>
          tpu.enqueue_indirect_dma source(%dma_start3A_58 : memref<10240x128xf32, #tpu.memory_space<hbm>>) target(%arg9 : memref<128x128xf32, #tpu.memory_space<vmem>>) offsets(%dma_start3A_55 : memref<128xi32, #tpu.memory_space<vmem>>) semaphore(%arg12 : memref<!tpu.dma_semaphore, #tpu.memory_space<semaphore_mem>>)
          %mul3A_59 = arith.constant 2 : i32
          %mul3A_60 = arith.muli %mul3A_59, %scan3A_49 : i32
          %add3A_61 = arith.constant 1 : i32
          %add3A_62 = arith.addi %mul3A_60, %add3A_61 : i32
          %dma_start3A_63 = arith.constant 0 : i32
          %dma_start3A_64 = tpu.memref_slice %arg7[%add3A_62, %dma_start3A_63] : memref<16x128xi32, #tpu.memory_space<vmem>> -> memref<1x128xi32, #tpu.memory_space<vmem>>
          %dma_start3A_65 = tpu.memref_squeeze %dma_start3A_64 : memref<1x128xi32, #tpu.memory_space<vmem>> -> memref<128xi32, #tpu.memory_space<vmem>>
          %dma_start3A_66 = arith.constant 0 : i32
          %dma_start3A_67 = arith.constant 0 : i32
          %dma_start3A_68 = tpu.memref_slice %arg4[%dma_start3A_66, %dma_start3A_67] : memref<10240x128xf32, #tpu.memory_space<hbm>> -> memref<10240x128xf32, #tpu.memory_space<hbm>>
          tpu.enqueue_indirect_dma source(%dma_start3A_68 : memref<10240x128xf32, #tpu.memory_space<hbm>>) target(%arg10 : memref<128x128xf32, #tpu.memory_space<vmem>>) offsets(%dma_start3A_65 : memref<128xi32, #tpu.memory_space<vmem>>) semaphore(%arg13 : memref<!tpu.dma_semaphore, #tpu.memory_space<semaphore_mem>>)
          %dma_wait3A = arith.constant 0 : i32
          %dma_wait3A_69 = tpu.memref_slice %arg7[%add3A_53, %dma_wait3A] : memref<16x128xi32, #tpu.memory_space<vmem>> -> memref<1x128xi32, #tpu.memory_space<vmem>>
          %dma_wait3A_70 = tpu.memref_squeeze %dma_wait3A_69 : memref<1x128xi32, #tpu.memory_space<vmem>> -> memref<128xi32, #tpu.memory_space<vmem>>
          %dma_wait3A_71 = arith.constant 0 : i32
          %dma_wait3A_72 = arith.constant 0 : i32
          %dma_wait3A_73 = tpu.memref_slice %arg4[%dma_wait3A_71, %dma_wait3A_72] : memref<10240x128xf32, #tpu.memory_space<hbm>> -> memref<10240x128xf32, #tpu.memory_space<hbm>>
          tpu.wait_indirect_dma semaphore(%arg12 : memref<!tpu.dma_semaphore, #tpu.memory_space<semaphore_mem>>) src(%dma_wait3A_73 : memref<10240x128xf32, #tpu.memory_space<hbm>>) dst(%arg9 : memref<128x128xf32, #tpu.memory_space<vmem>>)
          %mul3A_74 = arith.constant 2 : i32
          %mul3A_75 = arith.muli %mul3A_74, %scan3A_49 : i32
          %add3A_76 = arith.constant 0 : i32
          %add3A_77 = arith.addi %mul3A_75, %add3A_76 : i32
          %dma_start3A_78 = arith.constant 0 : i32
          %dma_start3A_79 = tpu.memref_slice %arg8[%add3A_77, %dma_start3A_78] : memref<16x128xi32, #tpu.memory_space<vmem>> -> memref<1x128xi32, #tpu.memory_space<vmem>>
          %dma_start3A_80 = tpu.memref_squeeze %dma_start3A_79 : memref<1x128xi32, #tpu.memory_space<vmem>> -> memref<128xi32, #tpu.memory_space<vmem>>
          %dma_start3A_81 = arith.constant 0 : i32
          %dma_start3A_82 = arith.constant 0 : i32
          %dma_start3A_83 = tpu.memref_slice %arg11[%dma_start3A_81, %dma_start3A_82] : memref<10240x128xf32, #tpu.memory_space<vmem_shared>> -> memref<10240x128xf32, #tpu.memory_space<vmem_shared>>
          tpu.enqueue_indirect_dma source(%arg9 : memref<128x128xf32, #tpu.memory_space<vmem>>) target(%dma_start3A_83 : memref<10240x128xf32, #tpu.memory_space<vmem_shared>>) offsets(%dma_start3A_80 : memref<128xi32, #tpu.memory_space<vmem>>) semaphore(%arg14 : memref<!tpu.dma_semaphore, #tpu.memory_space<semaphore_mem>>) {add = true}
          %dma_wait3A_84 = arith.constant 0 : i32
          %dma_wait3A_85 = tpu.memref_slice %arg7[%add3A_62, %dma_wait3A_84] : memref<16x128xi32, #tpu.memory_space<vmem>> -> memref<1x128xi32, #tpu.memory_space<vmem>>
          %dma_wait3A_86 = tpu.memref_squeeze %dma_wait3A_85 : memref<1x128xi32, #tpu.memory_space<vmem>> -> memref<128xi32, #tpu.memory_space<vmem>>
          %dma_wait3A_87 = arith.constant 0 : i32
          %dma_wait3A_88 = arith.constant 0 : i32
          %dma_wait3A_89 = tpu.memref_slice %arg4[%dma_wait3A_87, %dma_wait3A_88] : memref<10240x128xf32, #tpu.memory_space<hbm>> -> memref<10240x128xf32, #tpu.memory_space<hbm>>
          tpu.wait_indirect_dma semaphore(%arg13 : memref<!tpu.dma_semaphore, #tpu.memory_space<semaphore_mem>>) src(%dma_wait3A_89 : memref<10240x128xf32, #tpu.memory_space<hbm>>) dst(%arg10 : memref<128x128xf32, #tpu.memory_space<vmem>>)
          %mul3A_90 = arith.constant 2 : i32
          %mul3A_91 = arith.muli %mul3A_90, %scan3A_49 : i32
          %add3A_92 = arith.constant 1 : i32
          %add3A_93 = arith.addi %mul3A_91, %add3A_92 : i32
          %dma_start3A_94 = arith.constant 0 : i32
          %dma_start3A_95 = tpu.memref_slice %arg8[%add3A_93, %dma_start3A_94] : memref<16x128xi32, #tpu.memory_space<vmem>> -> memref<1x128xi32, #tpu.memory_space<vmem>>
          %dma_start3A_96 = tpu.memref_squeeze %dma_start3A_95 : memref<1x128xi32, #tpu.memory_space<vmem>> -> memref<128xi32, #tpu.memory_space<vmem>>
          %dma_start3A_97 = arith.constant 0 : i32
          %dma_start3A_98 = arith.constant 0 : i32
          %dma_start3A_99 = tpu.memref_slice %arg11[%dma_start3A_97, %dma_start3A_98] : memref<10240x128xf32, #tpu.memory_space<vmem_shared>> -> memref<10240x128xf32, #tpu.memory_space<vmem_shared>>
          tpu.enqueue_indirect_dma source(%arg10 : memref<128x128xf32, #tpu.memory_space<vmem>>) target(%dma_start3A_99 : memref<10240x128xf32, #tpu.memory_space<vmem_shared>>) offsets(%dma_start3A_96 : memref<128xi32, #tpu.memory_space<vmem>>) semaphore(%arg14 : memref<!tpu.dma_semaphore, #tpu.memory_space<semaphore_mem>>) {add = true}
          %dma_wait3A_100 = arith.constant 0 : i32
          %dma_wait3A_101 = tpu.memref_slice %arg8[%add3A_77, %dma_wait3A_100] : memref<16x128xi32, #tpu.memory_space<vmem>> -> memref<1x128xi32, #tpu.memory_space<vmem>>
          %dma_wait3A_102 = tpu.memref_squeeze %dma_wait3A_101 : memref<1x128xi32, #tpu.memory_space<vmem>> -> memref<128xi32, #tpu.memory_space<vmem>>
          %dma_wait3A_103 = arith.constant 0 : i32
          %dma_wait3A_104 = arith.constant 0 : i32
          %dma_wait3A_105 = tpu.memref_slice %arg11[%dma_wait3A_103, %dma_wait3A_104] : memref<10240x128xf32, #tpu.memory_space<vmem_shared>> -> memref<10240x128xf32, #tpu.memory_space<vmem_shared>>
          tpu.wait_indirect_dma semaphore(%arg14 : memref<!tpu.dma_semaphore, #tpu.memory_space<semaphore_mem>>) src(%arg9 : memref<128x128xf32, #tpu.memory_space<vmem>>) dst(%dma_wait3A_105 : memref<10240x128xf32, #tpu.memory_space<vmem_shared>>)
          %dma_wait3A_106 = arith.constant 0 : i32
          %dma_wait3A_107 = tpu.memref_slice %arg8[%add3A_93, %dma_wait3A_106] : memref<16x128xi32, #tpu.memory_space<vmem>> -> memref<1x128xi32, #tpu.memory_space<vmem>>
          %dma_wait3A_108 = tpu.memref_squeeze %dma_wait3A_107 : memref<1x128xi32, #tpu.memory_space<vmem>> -> memref<128xi32, #tpu.memory_space<vmem>>
          %dma_wait3A_109 = arith.constant 0 : i32
          %dma_wait3A_110 = arith.constant 0 : i32
          %dma_wait3A_111 = tpu.memref_slice %arg11[%dma_wait3A_109, %dma_wait3A_110] : memref<10240x128xf32, #tpu.memory_space<vmem_shared>> -> memref<10240x128xf32, #tpu.memory_space<vmem_shared>>
          tpu.wait_indirect_dma semaphore(%arg14 : memref<!tpu.dma_semaphore, #tpu.memory_space<semaphore_mem>>) src(%arg10 : memref<128x128xf32, #tpu.memory_space<vmem>>) dst(%dma_wait3A_111 : memref<10240x128xf32, #tpu.memory_space<vmem_shared>>)
        }
        %scan3A_48 = arith.constant 8 : i32
      }
      %scan3A_38 = arith.constant 3 : i32
    } else {
    }
    %barrier3A_25 = arith.constant 0 : index
    tpu.barrier barrier_id(%barrier3A_25)
    %mul3A_26 = arith.constant 640 : i32
    %mul3A_27 = arith.muli %arg1, %mul3A_26 : i32
    %mul3A_28 = arith.constant 640 : i32
    %mul3A_29 = arith.muli %arg1, %mul3A_28 : i32
    "tpu.region"() ({
      %run_scoped3A = tpu.sem_alloc : memref<!tpu.dma_semaphore, #tpu.memory_space<semaphore_mem>>
      %dma_start3A = arith.constant 0 : i32
      %dma_start3A_30 = tpu.memref_slice %arg6[%arg0, %mul3A_29, %dma_start3A] : memref<2x10240x128xf32, #tpu.memory_space<hbm>> -> memref<1x640x128xf32, #tpu.memory_space<hbm>>
      %dma_start3A_31 = tpu.memref_squeeze %dma_start3A_30 : memref<1x640x128xf32, #tpu.memory_space<hbm>> -> memref<640x128xf32, #tpu.memory_space<hbm>>
      %dma_start3A_32 = arith.constant 0 : i32
      %dma_start3A_33 = tpu.memref_slice %arg11[%mul3A_27, %dma_start3A_32] : memref<10240x128xf32, #tpu.memory_space<vmem_shared>> -> memref<640x128xf32, #tpu.memory_space<vmem_shared>>
      tpu.enqueue_dma source(%dma_start3A_33 : memref<640x128xf32, #tpu.memory_space<vmem_shared>>) target(%dma_start3A_31 : memref<640x128xf32, #tpu.memory_space<hbm>>) target_semaphore(%run_scoped3A : memref<!tpu.dma_semaphore, #tpu.memory_space<semaphore_mem>>)
      %dma_wait3A = arith.constant 0 : i32
      %dma_wait3A_34 = tpu.memref_slice %arg6[%arg0, %mul3A_29, %dma_wait3A] : memref<2x10240x128xf32, #tpu.memory_space<hbm>> -> memref<1x640x128xf32, #tpu.memory_space<hbm>>
      %dma_wait3A_35 = tpu.memref_squeeze %dma_wait3A_34 : memref<1x640x128xf32, #tpu.memory_space<hbm>> -> memref<640x128xf32, #tpu.memory_space<hbm>>
      %dma_wait3A_36 = arith.constant 0 : i32
      %dma_wait3A_37 = tpu.memref_slice %arg11[%mul3A_27, %dma_wait3A_36] : memref<10240x128xf32, #tpu.memory_space<vmem_shared>> -> memref<640x128xf32, #tpu.memory_space<vmem_shared>>
      tpu.wait_dma2 semaphore(%run_scoped3A : memref<!tpu.dma_semaphore, #tpu.memory_space<semaphore_mem>>) src(%dma_wait3A_37 : memref<640x128xf32, #tpu.memory_space<vmem_shared>>) dst(%dma_wait3A_35 : memref<640x128xf32, #tpu.memory_space<hbm>>)
      tpu.yield
    }) : () -> ()
    return
  }
}

#map = affine_map<(d0, d1) -> (0, 0)>
#map1 = affine_map<(d0, d1) -> (0, 0, 0)>
module attributes {stable_mosaic.version = 14 : i64} {
  func.func @_agg_body(%arg0: i32, %arg1: i32, %arg2: memref<2560x128xi32, #tpu.memory_space<hbm>>, %arg3: memref<2560x128xi32, #tpu.memory_space<hbm>>, %arg4: memref<10240x128xf32, #tpu.memory_space<hbm>>, %arg5: memref<128x128xf32, #tpu.memory_space<hbm>>, %arg6: memref<2x10240x128xf32, #tpu.memory_space<hbm>>, %arg7: memref<16x128xi32, #tpu.memory_space<vmem>>, %arg8: memref<16x128xi32, #tpu.memory_space<vmem>>, %arg9: memref<128x128xf32, #tpu.memory_space<vmem>>, %arg10: memref<128x128xf32, #tpu.memory_space<vmem>>, %arg11: memref<10240x128xf32, #tpu.memory_space<vmem_shared>>, %arg12: memref<!tpu.dma_semaphore, #tpu.memory_space<semaphore_mem>>, %arg13: memref<!tpu.dma_semaphore, #tpu.memory_space<semaphore_mem>>, %arg14: memref<!tpu.dma_semaphore, #tpu.memory_space<semaphore_mem>>) attributes {dimension_semantics = [#tpu.dimension_semantics<core_parallel>, #tpu.dimension_semantics<subcore_parallel>], iteration_bounds = array<i64: 2, 16>, scalar_prefetch = 0 : i64, scratch_operands = 8 : i64, tpu.core_type = #tpu.core_type<sc_vector_subcore>, window_params = [{transform_indices = #map}, {transform_indices = #map}, {transform_indices = #map}, {transform_indices = #map}, {transform_indices = #map1}]} {
    "tpu.region"() ({
      %run_scoped3A = tpu.sem_alloc : memref<!tpu.dma_semaphore, #tpu.memory_space<semaphore_mem>>
      tpu.enqueue_dma source(%arg5 : memref<128x128xf32, #tpu.memory_space<hbm>>) target(%arg9 : memref<128x128xf32, #tpu.memory_space<vmem>>) target_semaphore(%run_scoped3A : memref<!tpu.dma_semaphore, #tpu.memory_space<semaphore_mem>>)
      tpu.wait_dma2 semaphore(%run_scoped3A : memref<!tpu.dma_semaphore, #tpu.memory_space<semaphore_mem>>) src(%arg5 : memref<128x128xf32, #tpu.memory_space<hbm>>) dst(%arg9 : memref<128x128xf32, #tpu.memory_space<vmem>>)
      tpu.yield
    }) : () -> ()
    %mul3A = arith.constant 640 : i32
    %mul3A_0 = arith.muli %arg1, %mul3A : i32
    %add3A = arith.constant 0 : i32
    %add3A_1 = arith.addi %mul3A_0, %add3A : i32
    "tpu.region"() ({
      %run_scoped3A = tpu.sem_alloc : memref<!tpu.dma_semaphore, #tpu.memory_space<semaphore_mem>>
      %dma_start3A = arith.constant 0 : i32
      %dma_start3A_30 = tpu.memref_slice %arg11[%add3A_1, %dma_start3A] : memref<10240x128xf32, #tpu.memory_space<vmem_shared>> -> memref<128x128xf32, #tpu.memory_space<vmem_shared>>
      %dma_start3A_31 = arith.constant 0 : i32
      %dma_start3A_32 = tpu.memref_slice %arg11[%add3A_1, %dma_start3A_31] : memref<10240x128xf32, #tpu.memory_space<vmem_shared>> -> memref<128x128xf32, #tpu.memory_space<vmem_shared>>
      tpu.enqueue_dma source(%arg9 : memref<128x128xf32, #tpu.memory_space<vmem>>) target(%dma_start3A_32 : memref<128x128xf32, #tpu.memory_space<vmem_shared>>) target_semaphore(%run_scoped3A : memref<!tpu.dma_semaphore, #tpu.memory_space<semaphore_mem>>)
      %dma_wait3A = arith.constant 0 : i32
      %dma_wait3A_33 = tpu.memref_slice %arg11[%add3A_1, %dma_wait3A] : memref<10240x128xf32, #tpu.memory_space<vmem_shared>> -> memref<128x128xf32, #tpu.memory_space<vmem_shared>>
      %dma_wait3A_34 = arith.constant 0 : i32
      %dma_wait3A_35 = tpu.memref_slice %arg11[%add3A_1, %dma_wait3A_34] : memref<10240x128xf32, #tpu.memory_space<vmem_shared>> -> memref<128x128xf32, #tpu.memory_space<vmem_shared>>
      tpu.wait_dma2 semaphore(%run_scoped3A : memref<!tpu.dma_semaphore, #tpu.memory_space<semaphore_mem>>) src(%arg9 : memref<128x128xf32, #tpu.memory_space<vmem>>) dst(%dma_wait3A_35 : memref<128x128xf32, #tpu.memory_space<vmem_shared>>)
      tpu.yield
    }) : () -> ()
    %mul3A_2 = arith.constant 640 : i32
    %mul3A_3 = arith.muli %arg1, %mul3A_2 : i32
    %add3A_4 = arith.constant 128 : i32
    %add3A_5 = arith.addi %mul3A_3, %add3A_4 : i32
    "tpu.region"() ({
      %run_scoped3A = tpu.sem_alloc : memref<!tpu.dma_semaphore, #tpu.memory_space<semaphore_mem>>
      %dma_start3A = arith.constant 0 : i32
      %dma_start3A_30 = tpu.memref_slice %arg11[%add3A_5, %dma_start3A] : memref<10240x128xf32, #tpu.memory_space<vmem_shared>> -> memref<128x128xf32, #tpu.memory_space<vmem_shared>>
      %dma_start3A_31 = arith.constant 0 : i32
      %dma_start3A_32 = tpu.memref_slice %arg11[%add3A_5, %dma_start3A_31] : memref<10240x128xf32, #tpu.memory_space<vmem_shared>> -> memref<128x128xf32, #tpu.memory_space<vmem_shared>>
      tpu.enqueue_dma source(%arg9 : memref<128x128xf32, #tpu.memory_space<vmem>>) target(%dma_start3A_32 : memref<128x128xf32, #tpu.memory_space<vmem_shared>>) target_semaphore(%run_scoped3A : memref<!tpu.dma_semaphore, #tpu.memory_space<semaphore_mem>>)
      %dma_wait3A = arith.constant 0 : i32
      %dma_wait3A_33 = tpu.memref_slice %arg11[%add3A_5, %dma_wait3A] : memref<10240x128xf32, #tpu.memory_space<vmem_shared>> -> memref<128x128xf32, #tpu.memory_space<vmem_shared>>
      %dma_wait3A_34 = arith.constant 0 : i32
      %dma_wait3A_35 = tpu.memref_slice %arg11[%add3A_5, %dma_wait3A_34] : memref<10240x128xf32, #tpu.memory_space<vmem_shared>> -> memref<128x128xf32, #tpu.memory_space<vmem_shared>>
      tpu.wait_dma2 semaphore(%run_scoped3A : memref<!tpu.dma_semaphore, #tpu.memory_space<semaphore_mem>>) src(%arg9 : memref<128x128xf32, #tpu.memory_space<vmem>>) dst(%dma_wait3A_35 : memref<128x128xf32, #tpu.memory_space<vmem_shared>>)
      tpu.yield
    }) : () -> ()
    %mul3A_6 = arith.constant 640 : i32
    %mul3A_7 = arith.muli %arg1, %mul3A_6 : i32
    %add3A_8 = arith.constant 256 : i32
    %add3A_9 = arith.addi %mul3A_7, %add3A_8 : i32
    "tpu.region"() ({
      %run_scoped3A = tpu.sem_alloc : memref<!tpu.dma_semaphore, #tpu.memory_space<semaphore_mem>>
      %dma_start3A = arith.constant 0 : i32
      %dma_start3A_30 = tpu.memref_slice %arg11[%add3A_9, %dma_start3A] : memref<10240x128xf32, #tpu.memory_space<vmem_shared>> -> memref<128x128xf32, #tpu.memory_space<vmem_shared>>
      %dma_start3A_31 = arith.constant 0 : i32
      %dma_start3A_32 = tpu.memref_slice %arg11[%add3A_9, %dma_start3A_31] : memref<10240x128xf32, #tpu.memory_space<vmem_shared>> -> memref<128x128xf32, #tpu.memory_space<vmem_shared>>
      tpu.enqueue_dma source(%arg9 : memref<128x128xf32, #tpu.memory_space<vmem>>) target(%dma_start3A_32 : memref<128x128xf32, #tpu.memory_space<vmem_shared>>) target_semaphore(%run_scoped3A : memref<!tpu.dma_semaphore, #tpu.memory_space<semaphore_mem>>)
      %dma_wait3A = arith.constant 0 : i32
      %dma_wait3A_33 = tpu.memref_slice %arg11[%add3A_9, %dma_wait3A] : memref<10240x128xf32, #tpu.memory_space<vmem_shared>> -> memref<128x128xf32, #tpu.memory_space<vmem_shared>>
      %dma_wait3A_34 = arith.constant 0 : i32
      %dma_wait3A_35 = tpu.memref_slice %arg11[%add3A_9, %dma_wait3A_34] : memref<10240x128xf32, #tpu.memory_space<vmem_shared>> -> memref<128x128xf32, #tpu.memory_space<vmem_shared>>
      tpu.wait_dma2 semaphore(%run_scoped3A : memref<!tpu.dma_semaphore, #tpu.memory_space<semaphore_mem>>) src(%arg9 : memref<128x128xf32, #tpu.memory_space<vmem>>) dst(%dma_wait3A_35 : memref<128x128xf32, #tpu.memory_space<vmem_shared>>)
      tpu.yield
    }) : () -> ()
    %mul3A_10 = arith.constant 640 : i32
    %mul3A_11 = arith.muli %arg1, %mul3A_10 : i32
    %add3A_12 = arith.constant 384 : i32
    %add3A_13 = arith.addi %mul3A_11, %add3A_12 : i32
    "tpu.region"() ({
      %run_scoped3A = tpu.sem_alloc : memref<!tpu.dma_semaphore, #tpu.memory_space<semaphore_mem>>
      %dma_start3A = arith.constant 0 : i32
      %dma_start3A_30 = tpu.memref_slice %arg11[%add3A_13, %dma_start3A] : memref<10240x128xf32, #tpu.memory_space<vmem_shared>> -> memref<128x128xf32, #tpu.memory_space<vmem_shared>>
      %dma_start3A_31 = arith.constant 0 : i32
      %dma_start3A_32 = tpu.memref_slice %arg11[%add3A_13, %dma_start3A_31] : memref<10240x128xf32, #tpu.memory_space<vmem_shared>> -> memref<128x128xf32, #tpu.memory_space<vmem_shared>>
      tpu.enqueue_dma source(%arg9 : memref<128x128xf32, #tpu.memory_space<vmem>>) target(%dma_start3A_32 : memref<128x128xf32, #tpu.memory_space<vmem_shared>>) target_semaphore(%run_scoped3A : memref<!tpu.dma_semaphore, #tpu.memory_space<semaphore_mem>>)
      %dma_wait3A = arith.constant 0 : i32
      %dma_wait3A_33 = tpu.memref_slice %arg11[%add3A_13, %dma_wait3A] : memref<10240x128xf32, #tpu.memory_space<vmem_shared>> -> memref<128x128xf32, #tpu.memory_space<vmem_shared>>
      %dma_wait3A_34 = arith.constant 0 : i32
      %dma_wait3A_35 = tpu.memref_slice %arg11[%add3A_13, %dma_wait3A_34] : memref<10240x128xf32, #tpu.memory_space<vmem_shared>> -> memref<128x128xf32, #tpu.memory_space<vmem_shared>>
      tpu.wait_dma2 semaphore(%run_scoped3A : memref<!tpu.dma_semaphore, #tpu.memory_space<semaphore_mem>>) src(%arg9 : memref<128x128xf32, #tpu.memory_space<vmem>>) dst(%dma_wait3A_35 : memref<128x128xf32, #tpu.memory_space<vmem_shared>>)
      tpu.yield
    }) : () -> ()
    %mul3A_14 = arith.constant 640 : i32
    %mul3A_15 = arith.muli %arg1, %mul3A_14 : i32
    %add3A_16 = arith.constant 512 : i32
    %add3A_17 = arith.addi %mul3A_15, %add3A_16 : i32
    "tpu.region"() ({
      %run_scoped3A = tpu.sem_alloc : memref<!tpu.dma_semaphore, #tpu.memory_space<semaphore_mem>>
      %dma_start3A = arith.constant 0 : i32
      %dma_start3A_30 = tpu.memref_slice %arg11[%add3A_17, %dma_start3A] : memref<10240x128xf32, #tpu.memory_space<vmem_shared>> -> memref<128x128xf32, #tpu.memory_space<vmem_shared>>
      %dma_start3A_31 = arith.constant 0 : i32
      %dma_start3A_32 = tpu.memref_slice %arg11[%add3A_17, %dma_start3A_31] : memref<10240x128xf32, #tpu.memory_space<vmem_shared>> -> memref<128x128xf32, #tpu.memory_space<vmem_shared>>
      tpu.enqueue_dma source(%arg9 : memref<128x128xf32, #tpu.memory_space<vmem>>) target(%dma_start3A_32 : memref<128x128xf32, #tpu.memory_space<vmem_shared>>) target_semaphore(%run_scoped3A : memref<!tpu.dma_semaphore, #tpu.memory_space<semaphore_mem>>)
      %dma_wait3A = arith.constant 0 : i32
      %dma_wait3A_33 = tpu.memref_slice %arg11[%add3A_17, %dma_wait3A] : memref<10240x128xf32, #tpu.memory_space<vmem_shared>> -> memref<128x128xf32, #tpu.memory_space<vmem_shared>>
      %dma_wait3A_34 = arith.constant 0 : i32
      %dma_wait3A_35 = tpu.memref_slice %arg11[%add3A_17, %dma_wait3A_34] : memref<10240x128xf32, #tpu.memory_space<vmem_shared>> -> memref<128x128xf32, #tpu.memory_space<vmem_shared>>
      tpu.wait_dma2 semaphore(%run_scoped3A : memref<!tpu.dma_semaphore, #tpu.memory_space<semaphore_mem>>) src(%arg9 : memref<128x128xf32, #tpu.memory_space<vmem>>) dst(%dma_wait3A_35 : memref<128x128xf32, #tpu.memory_space<vmem_shared>>)
      tpu.yield
    }) : () -> ()
    %barrier3A = arith.constant 0 : index
    tpu.barrier barrier_id(%barrier3A)
    %eq3A = arith.constant 0 : i32
    %eq3A_18 = arith.cmpi eq, %arg0, %eq3A : i32
    %convert_element_type3A = arith.extui %eq3A_18 : i1 to i32
    %cond3A = arith.constant 0 : i32
    %cond3A_19 = arith.cmpi ne, %convert_element_type3A, %cond3A : i32
    scf.if %cond3A_19 {
      %mul3A_30 = arith.constant 112 : i32
      %mul3A_31 = arith.muli %arg1, %mul3A_30 : i32
      %scan3A = arith.constant 0 : i32
      %scan3A_32 = arith.constant 0 : i32
      %scan3A_33 = arith.constant 7 : i32
      %scan3A_34 = arith.addi %scan3A_32, %scan3A_33 : i32
      %scan3A_35 = arith.constant 1 : i32
      scf.for %scan3A_37 = %scan3A_32 to %scan3A_34 step %scan3A_35  : i32 {
        %mul3A_38 = arith.constant 16 : i32
        %mul3A_39 = arith.muli %scan3A_37, %mul3A_38 : i32
        %add3A_40 = arith.addi %mul3A_31, %mul3A_39 : i32
        "tpu.region"() ({
          %run_scoped3A = tpu.sem_alloc : memref<!tpu.dma_semaphore, #tpu.memory_space<semaphore_mem>>
          %dma_start3A = arith.constant 0 : i32
          %dma_start3A_47 = tpu.memref_slice %arg2[%add3A_40, %dma_start3A] : memref<2560x128xi32, #tpu.memory_space<hbm>> -> memref<16x128xi32, #tpu.memory_space<hbm>>
          %dma_start3A_48 = arith.constant 0 : i32
          %dma_start3A_49 = tpu.memref_slice %arg2[%add3A_40, %dma_start3A_48] : memref<2560x128xi32, #tpu.memory_space<hbm>> -> memref<16x128xi32, #tpu.memory_space<hbm>>
          tpu.enqueue_dma source(%dma_start3A_49 : memref<16x128xi32, #tpu.memory_space<hbm>>) target(%arg7 : memref<16x128xi32, #tpu.memory_space<vmem>>) target_semaphore(%run_scoped3A : memref<!tpu.dma_semaphore, #tpu.memory_space<semaphore_mem>>)
          %dma_wait3A = arith.constant 0 : i32
          %dma_wait3A_50 = tpu.memref_slice %arg2[%add3A_40, %dma_wait3A] : memref<2560x128xi32, #tpu.memory_space<hbm>> -> memref<16x128xi32, #tpu.memory_space<hbm>>
          %dma_wait3A_51 = arith.constant 0 : i32
          %dma_wait3A_52 = tpu.memref_slice %arg2[%add3A_40, %dma_wait3A_51] : memref<2560x128xi32, #tpu.memory_space<hbm>> -> memref<16x128xi32, #tpu.memory_space<hbm>>
          tpu.wait_dma2 semaphore(%run_scoped3A : memref<!tpu.dma_semaphore, #tpu.memory_space<semaphore_mem>>) src(%dma_wait3A_52 : memref<16x128xi32, #tpu.memory_space<hbm>>) dst(%arg7 : memref<16x128xi32, #tpu.memory_space<vmem>>)
          tpu.yield
        }) : () -> ()
        "tpu.region"() ({
          %run_scoped3A = tpu.sem_alloc : memref<!tpu.dma_semaphore, #tpu.memory_space<semaphore_mem>>
          %dma_start3A = arith.constant 0 : i32
          %dma_start3A_47 = tpu.memref_slice %arg3[%add3A_40, %dma_start3A] : memref<2560x128xi32, #tpu.memory_space<hbm>> -> memref<16x128xi32, #tpu.memory_space<hbm>>
          %dma_start3A_48 = arith.constant 0 : i32
          %dma_start3A_49 = tpu.memref_slice %arg3[%add3A_40, %dma_start3A_48] : memref<2560x128xi32, #tpu.memory_space<hbm>> -> memref<16x128xi32, #tpu.memory_space<hbm>>
          tpu.enqueue_dma source(%dma_start3A_49 : memref<16x128xi32, #tpu.memory_space<hbm>>) target(%arg8 : memref<16x128xi32, #tpu.memory_space<vmem>>) target_semaphore(%run_scoped3A : memref<!tpu.dma_semaphore, #tpu.memory_space<semaphore_mem>>)
          %dma_wait3A = arith.constant 0 : i32
          %dma_wait3A_50 = tpu.memref_slice %arg3[%add3A_40, %dma_wait3A] : memref<2560x128xi32, #tpu.memory_space<hbm>> -> memref<16x128xi32, #tpu.memory_space<hbm>>
          %dma_wait3A_51 = arith.constant 0 : i32
          %dma_wait3A_52 = tpu.memref_slice %arg3[%add3A_40, %dma_wait3A_51] : memref<2560x128xi32, #tpu.memory_space<hbm>> -> memref<16x128xi32, #tpu.memory_space<hbm>>
          tpu.wait_dma2 semaphore(%run_scoped3A : memref<!tpu.dma_semaphore, #tpu.memory_space<semaphore_mem>>) src(%dma_wait3A_52 : memref<16x128xi32, #tpu.memory_space<hbm>>) dst(%arg8 : memref<16x128xi32, #tpu.memory_space<vmem>>)
          tpu.yield
        }) : () -> ()
        %scan3A_41 = arith.constant 0 : i32
        %scan3A_42 = arith.constant 0 : i32
        %scan3A_43 = arith.constant 8 : i32
        %scan3A_44 = arith.addi %scan3A_42, %scan3A_43 : i32
        %scan3A_45 = arith.constant 1 : i32
        scf.for %scan3A_47 = %scan3A_42 to %scan3A_44 step %scan3A_45  : i32 {
          %mul3A_48 = arith.constant 2 : i32
          %mul3A_49 = arith.muli %mul3A_48, %scan3A_47 : i32
          %add3A_50 = arith.constant 0 : i32
          %add3A_51 = arith.addi %mul3A_49, %add3A_50 : i32
          %dma_start3A = arith.constant 0 : i32
          %dma_start3A_52 = tpu.memref_slice %arg7[%add3A_51, %dma_start3A] : memref<16x128xi32, #tpu.memory_space<vmem>> -> memref<1x128xi32, #tpu.memory_space<vmem>>
          %dma_start3A_53 = tpu.memref_squeeze %dma_start3A_52 : memref<1x128xi32, #tpu.memory_space<vmem>> -> memref<128xi32, #tpu.memory_space<vmem>>
          %dma_start3A_54 = arith.constant 0 : i32
          %dma_start3A_55 = arith.constant 0 : i32
          %dma_start3A_56 = tpu.memref_slice %arg4[%dma_start3A_54, %dma_start3A_55] : memref<10240x128xf32, #tpu.memory_space<hbm>> -> memref<10240x128xf32, #tpu.memory_space<hbm>>
          tpu.enqueue_indirect_dma source(%dma_start3A_56 : memref<10240x128xf32, #tpu.memory_space<hbm>>) target(%arg9 : memref<128x128xf32, #tpu.memory_space<vmem>>) offsets(%dma_start3A_53 : memref<128xi32, #tpu.memory_space<vmem>>) semaphore(%arg12 : memref<!tpu.dma_semaphore, #tpu.memory_space<semaphore_mem>>)
          %mul3A_57 = arith.constant 2 : i32
          %mul3A_58 = arith.muli %mul3A_57, %scan3A_47 : i32
          %add3A_59 = arith.constant 1 : i32
          %add3A_60 = arith.addi %mul3A_58, %add3A_59 : i32
          %dma_start3A_61 = arith.constant 0 : i32
          %dma_start3A_62 = tpu.memref_slice %arg7[%add3A_60, %dma_start3A_61] : memref<16x128xi32, #tpu.memory_space<vmem>> -> memref<1x128xi32, #tpu.memory_space<vmem>>
          %dma_start3A_63 = tpu.memref_squeeze %dma_start3A_62 : memref<1x128xi32, #tpu.memory_space<vmem>> -> memref<128xi32, #tpu.memory_space<vmem>>
          %dma_start3A_64 = arith.constant 0 : i32
          %dma_start3A_65 = arith.constant 0 : i32
          %dma_start3A_66 = tpu.memref_slice %arg4[%dma_start3A_64, %dma_start3A_65] : memref<10240x128xf32, #tpu.memory_space<hbm>> -> memref<10240x128xf32, #tpu.memory_space<hbm>>
          tpu.enqueue_indirect_dma source(%dma_start3A_66 : memref<10240x128xf32, #tpu.memory_space<hbm>>) target(%arg10 : memref<128x128xf32, #tpu.memory_space<vmem>>) offsets(%dma_start3A_63 : memref<128xi32, #tpu.memory_space<vmem>>) semaphore(%arg13 : memref<!tpu.dma_semaphore, #tpu.memory_space<semaphore_mem>>)
          %dma_wait3A = arith.constant 0 : i32
          %dma_wait3A_67 = tpu.memref_slice %arg7[%add3A_51, %dma_wait3A] : memref<16x128xi32, #tpu.memory_space<vmem>> -> memref<1x128xi32, #tpu.memory_space<vmem>>
          %dma_wait3A_68 = tpu.memref_squeeze %dma_wait3A_67 : memref<1x128xi32, #tpu.memory_space<vmem>> -> memref<128xi32, #tpu.memory_space<vmem>>
          %dma_wait3A_69 = arith.constant 0 : i32
          %dma_wait3A_70 = arith.constant 0 : i32
          %dma_wait3A_71 = tpu.memref_slice %arg4[%dma_wait3A_69, %dma_wait3A_70] : memref<10240x128xf32, #tpu.memory_space<hbm>> -> memref<10240x128xf32, #tpu.memory_space<hbm>>
          tpu.wait_indirect_dma semaphore(%arg12 : memref<!tpu.dma_semaphore, #tpu.memory_space<semaphore_mem>>) src(%dma_wait3A_71 : memref<10240x128xf32, #tpu.memory_space<hbm>>) dst(%arg9 : memref<128x128xf32, #tpu.memory_space<vmem>>)
          %mul3A_72 = arith.constant 2 : i32
          %mul3A_73 = arith.muli %mul3A_72, %scan3A_47 : i32
          %add3A_74 = arith.constant 0 : i32
          %add3A_75 = arith.addi %mul3A_73, %add3A_74 : i32
          %dma_start3A_76 = arith.constant 0 : i32
          %dma_start3A_77 = tpu.memref_slice %arg8[%add3A_75, %dma_start3A_76] : memref<16x128xi32, #tpu.memory_space<vmem>> -> memref<1x128xi32, #tpu.memory_space<vmem>>
          %dma_start3A_78 = tpu.memref_squeeze %dma_start3A_77 : memref<1x128xi32, #tpu.memory_space<vmem>> -> memref<128xi32, #tpu.memory_space<vmem>>
          %dma_start3A_79 = arith.constant 0 : i32
          %dma_start3A_80 = arith.constant 0 : i32
          %dma_start3A_81 = tpu.memref_slice %arg11[%dma_start3A_79, %dma_start3A_80] : memref<10240x128xf32, #tpu.memory_space<vmem_shared>> -> memref<10240x128xf32, #tpu.memory_space<vmem_shared>>
          tpu.enqueue_indirect_dma source(%arg9 : memref<128x128xf32, #tpu.memory_space<vmem>>) target(%dma_start3A_81 : memref<10240x128xf32, #tpu.memory_space<vmem_shared>>) offsets(%dma_start3A_78 : memref<128xi32, #tpu.memory_space<vmem>>) semaphore(%arg14 : memref<!tpu.dma_semaphore, #tpu.memory_space<semaphore_mem>>) {add = true}
          %dma_wait3A_82 = arith.constant 0 : i32
          %dma_wait3A_83 = tpu.memref_slice %arg7[%add3A_60, %dma_wait3A_82] : memref<16x128xi32, #tpu.memory_space<vmem>> -> memref<1x128xi32, #tpu.memory_space<vmem>>
          %dma_wait3A_84 = tpu.memref_squeeze %dma_wait3A_83 : memref<1x128xi32, #tpu.memory_space<vmem>> -> memref<128xi32, #tpu.memory_space<vmem>>
          %dma_wait3A_85 = arith.constant 0 : i32
          %dma_wait3A_86 = arith.constant 0 : i32
          %dma_wait3A_87 = tpu.memref_slice %arg4[%dma_wait3A_85, %dma_wait3A_86] : memref<10240x128xf32, #tpu.memory_space<hbm>> -> memref<10240x128xf32, #tpu.memory_space<hbm>>
          tpu.wait_indirect_dma semaphore(%arg13 : memref<!tpu.dma_semaphore, #tpu.memory_space<semaphore_mem>>) src(%dma_wait3A_87 : memref<10240x128xf32, #tpu.memory_space<hbm>>) dst(%arg10 : memref<128x128xf32, #tpu.memory_space<vmem>>)
          %mul3A_88 = arith.constant 2 : i32
          %mul3A_89 = arith.muli %mul3A_88, %scan3A_47 : i32
          %add3A_90 = arith.constant 1 : i32
          %add3A_91 = arith.addi %mul3A_89, %add3A_90 : i32
          %dma_start3A_92 = arith.constant 0 : i32
          %dma_start3A_93 = tpu.memref_slice %arg8[%add3A_91, %dma_start3A_92] : memref<16x128xi32, #tpu.memory_space<vmem>> -> memref<1x128xi32, #tpu.memory_space<vmem>>
          %dma_start3A_94 = tpu.memref_squeeze %dma_start3A_93 : memref<1x128xi32, #tpu.memory_space<vmem>> -> memref<128xi32, #tpu.memory_space<vmem>>
          %dma_start3A_95 = arith.constant 0 : i32
          %dma_start3A_96 = arith.constant 0 : i32
          %dma_start3A_97 = tpu.memref_slice %arg11[%dma_start3A_95, %dma_start3A_96] : memref<10240x128xf32, #tpu.memory_space<vmem_shared>> -> memref<10240x128xf32, #tpu.memory_space<vmem_shared>>
          tpu.enqueue_indirect_dma source(%arg10 : memref<128x128xf32, #tpu.memory_space<vmem>>) target(%dma_start3A_97 : memref<10240x128xf32, #tpu.memory_space<vmem_shared>>) offsets(%dma_start3A_94 : memref<128xi32, #tpu.memory_space<vmem>>) semaphore(%arg14 : memref<!tpu.dma_semaphore, #tpu.memory_space<semaphore_mem>>) {add = true}
          %dma_wait3A_98 = arith.constant 0 : i32
          %dma_wait3A_99 = tpu.memref_slice %arg8[%add3A_75, %dma_wait3A_98] : memref<16x128xi32, #tpu.memory_space<vmem>> -> memref<1x128xi32, #tpu.memory_space<vmem>>
          %dma_wait3A_100 = tpu.memref_squeeze %dma_wait3A_99 : memref<1x128xi32, #tpu.memory_space<vmem>> -> memref<128xi32, #tpu.memory_space<vmem>>
          %dma_wait3A_101 = arith.constant 0 : i32
          %dma_wait3A_102 = arith.constant 0 : i32
          %dma_wait3A_103 = tpu.memref_slice %arg11[%dma_wait3A_101, %dma_wait3A_102] : memref<10240x128xf32, #tpu.memory_space<vmem_shared>> -> memref<10240x128xf32, #tpu.memory_space<vmem_shared>>
          tpu.wait_indirect_dma semaphore(%arg14 : memref<!tpu.dma_semaphore, #tpu.memory_space<semaphore_mem>>) src(%arg9 : memref<128x128xf32, #tpu.memory_space<vmem>>) dst(%dma_wait3A_103 : memref<10240x128xf32, #tpu.memory_space<vmem_shared>>)
          %dma_wait3A_104 = arith.constant 0 : i32
          %dma_wait3A_105 = tpu.memref_slice %arg8[%add3A_91, %dma_wait3A_104] : memref<16x128xi32, #tpu.memory_space<vmem>> -> memref<1x128xi32, #tpu.memory_space<vmem>>
          %dma_wait3A_106 = tpu.memref_squeeze %dma_wait3A_105 : memref<1x128xi32, #tpu.memory_space<vmem>> -> memref<128xi32, #tpu.memory_space<vmem>>
          %dma_wait3A_107 = arith.constant 0 : i32
          %dma_wait3A_108 = arith.constant 0 : i32
          %dma_wait3A_109 = tpu.memref_slice %arg11[%dma_wait3A_107, %dma_wait3A_108] : memref<10240x128xf32, #tpu.memory_space<vmem_shared>> -> memref<10240x128xf32, #tpu.memory_space<vmem_shared>>
          tpu.wait_indirect_dma semaphore(%arg14 : memref<!tpu.dma_semaphore, #tpu.memory_space<semaphore_mem>>) src(%arg10 : memref<128x128xf32, #tpu.memory_space<vmem>>) dst(%dma_wait3A_109 : memref<10240x128xf32, #tpu.memory_space<vmem_shared>>)
        }
        %scan3A_46 = arith.constant 8 : i32
      }
      %scan3A_36 = arith.constant 7 : i32
    } else {
    }
    %eq3A_20 = arith.constant 1 : i32
    %eq3A_21 = arith.cmpi eq, %arg0, %eq3A_20 : i32
    %convert_element_type3A_22 = arith.extui %eq3A_21 : i1 to i32
    %cond3A_23 = arith.constant 0 : i32
    %cond3A_24 = arith.cmpi ne, %convert_element_type3A_22, %cond3A_23 : i32
    scf.if %cond3A_24 {
      %mul3A_30 = arith.constant 48 : i32
      %mul3A_31 = arith.muli %arg1, %mul3A_30 : i32
      %add3A_32 = arith.constant 1792 : i32
      %add3A_33 = arith.addi %add3A_32, %mul3A_31 : i32
      %scan3A = arith.constant 0 : i32
      %scan3A_34 = arith.constant 0 : i32
      %scan3A_35 = arith.constant 3 : i32
      %scan3A_36 = arith.addi %scan3A_34, %scan3A_35 : i32
      %scan3A_37 = arith.constant 1 : i32
      scf.for %scan3A_39 = %scan3A_34 to %scan3A_36 step %scan3A_37  : i32 {
        %mul3A_40 = arith.constant 16 : i32
        %mul3A_41 = arith.muli %scan3A_39, %mul3A_40 : i32
        %add3A_42 = arith.addi %add3A_33, %mul3A_41 : i32
        "tpu.region"() ({
          %run_scoped3A = tpu.sem_alloc : memref<!tpu.dma_semaphore, #tpu.memory_space<semaphore_mem>>
          %dma_start3A = arith.constant 0 : i32
          %dma_start3A_49 = tpu.memref_slice %arg2[%add3A_42, %dma_start3A] : memref<2560x128xi32, #tpu.memory_space<hbm>> -> memref<16x128xi32, #tpu.memory_space<hbm>>
          %dma_start3A_50 = arith.constant 0 : i32
          %dma_start3A_51 = tpu.memref_slice %arg2[%add3A_42, %dma_start3A_50] : memref<2560x128xi32, #tpu.memory_space<hbm>> -> memref<16x128xi32, #tpu.memory_space<hbm>>
          tpu.enqueue_dma source(%dma_start3A_51 : memref<16x128xi32, #tpu.memory_space<hbm>>) target(%arg7 : memref<16x128xi32, #tpu.memory_space<vmem>>) target_semaphore(%run_scoped3A : memref<!tpu.dma_semaphore, #tpu.memory_space<semaphore_mem>>)
          %dma_wait3A = arith.constant 0 : i32
          %dma_wait3A_52 = tpu.memref_slice %arg2[%add3A_42, %dma_wait3A] : memref<2560x128xi32, #tpu.memory_space<hbm>> -> memref<16x128xi32, #tpu.memory_space<hbm>>
          %dma_wait3A_53 = arith.constant 0 : i32
          %dma_wait3A_54 = tpu.memref_slice %arg2[%add3A_42, %dma_wait3A_53] : memref<2560x128xi32, #tpu.memory_space<hbm>> -> memref<16x128xi32, #tpu.memory_space<hbm>>
          tpu.wait_dma2 semaphore(%run_scoped3A : memref<!tpu.dma_semaphore, #tpu.memory_space<semaphore_mem>>) src(%dma_wait3A_54 : memref<16x128xi32, #tpu.memory_space<hbm>>) dst(%arg7 : memref<16x128xi32, #tpu.memory_space<vmem>>)
          tpu.yield
        }) : () -> ()
        "tpu.region"() ({
          %run_scoped3A = tpu.sem_alloc : memref<!tpu.dma_semaphore, #tpu.memory_space<semaphore_mem>>
          %dma_start3A = arith.constant 0 : i32
          %dma_start3A_49 = tpu.memref_slice %arg3[%add3A_42, %dma_start3A] : memref<2560x128xi32, #tpu.memory_space<hbm>> -> memref<16x128xi32, #tpu.memory_space<hbm>>
          %dma_start3A_50 = arith.constant 0 : i32
          %dma_start3A_51 = tpu.memref_slice %arg3[%add3A_42, %dma_start3A_50] : memref<2560x128xi32, #tpu.memory_space<hbm>> -> memref<16x128xi32, #tpu.memory_space<hbm>>
          tpu.enqueue_dma source(%dma_start3A_51 : memref<16x128xi32, #tpu.memory_space<hbm>>) target(%arg8 : memref<16x128xi32, #tpu.memory_space<vmem>>) target_semaphore(%run_scoped3A : memref<!tpu.dma_semaphore, #tpu.memory_space<semaphore_mem>>)
          %dma_wait3A = arith.constant 0 : i32
          %dma_wait3A_52 = tpu.memref_slice %arg3[%add3A_42, %dma_wait3A] : memref<2560x128xi32, #tpu.memory_space<hbm>> -> memref<16x128xi32, #tpu.memory_space<hbm>>
          %dma_wait3A_53 = arith.constant 0 : i32
          %dma_wait3A_54 = tpu.memref_slice %arg3[%add3A_42, %dma_wait3A_53] : memref<2560x128xi32, #tpu.memory_space<hbm>> -> memref<16x128xi32, #tpu.memory_space<hbm>>
          tpu.wait_dma2 semaphore(%run_scoped3A : memref<!tpu.dma_semaphore, #tpu.memory_space<semaphore_mem>>) src(%dma_wait3A_54 : memref<16x128xi32, #tpu.memory_space<hbm>>) dst(%arg8 : memref<16x128xi32, #tpu.memory_space<vmem>>)
          tpu.yield
        }) : () -> ()
        %scan3A_43 = arith.constant 0 : i32
        %scan3A_44 = arith.constant 0 : i32
        %scan3A_45 = arith.constant 8 : i32
        %scan3A_46 = arith.addi %scan3A_44, %scan3A_45 : i32
        %scan3A_47 = arith.constant 1 : i32
        scf.for %scan3A_49 = %scan3A_44 to %scan3A_46 step %scan3A_47  : i32 {
          %mul3A_50 = arith.constant 2 : i32
          %mul3A_51 = arith.muli %mul3A_50, %scan3A_49 : i32
          %add3A_52 = arith.constant 0 : i32
          %add3A_53 = arith.addi %mul3A_51, %add3A_52 : i32
          %dma_start3A = arith.constant 0 : i32
          %dma_start3A_54 = tpu.memref_slice %arg7[%add3A_53, %dma_start3A] : memref<16x128xi32, #tpu.memory_space<vmem>> -> memref<1x128xi32, #tpu.memory_space<vmem>>
          %dma_start3A_55 = tpu.memref_squeeze %dma_start3A_54 : memref<1x128xi32, #tpu.memory_space<vmem>> -> memref<128xi32, #tpu.memory_space<vmem>>
          %dma_start3A_56 = arith.constant 0 : i32
          %dma_start3A_57 = arith.constant 0 : i32
          %dma_start3A_58 = tpu.memref_slice %arg4[%dma_start3A_56, %dma_start3A_57] : memref<10240x128xf32, #tpu.memory_space<hbm>> -> memref<10240x128xf32, #tpu.memory_space<hbm>>
          tpu.enqueue_indirect_dma source(%dma_start3A_58 : memref<10240x128xf32, #tpu.memory_space<hbm>>) target(%arg9 : memref<128x128xf32, #tpu.memory_space<vmem>>) offsets(%dma_start3A_55 : memref<128xi32, #tpu.memory_space<vmem>>) semaphore(%arg12 : memref<!tpu.dma_semaphore, #tpu.memory_space<semaphore_mem>>)
          %mul3A_59 = arith.constant 2 : i32
          %mul3A_60 = arith.muli %mul3A_59, %scan3A_49 : i32
          %add3A_61 = arith.constant 1 : i32
          %add3A_62 = arith.addi %mul3A_60, %add3A_61 : i32
          %dma_start3A_63 = arith.constant 0 : i32
          %dma_start3A_64 = tpu.memref_slice %arg7[%add3A_62, %dma_start3A_63] : memref<16x128xi32, #tpu.memory_space<vmem>> -> memref<1x128xi32, #tpu.memory_space<vmem>>
          %dma_start3A_65 = tpu.memref_squeeze %dma_start3A_64 : memref<1x128xi32, #tpu.memory_space<vmem>> -> memref<128xi32, #tpu.memory_space<vmem>>
          %dma_start3A_66 = arith.constant 0 : i32
          %dma_start3A_67 = arith.constant 0 : i32
          %dma_start3A_68 = tpu.memref_slice %arg4[%dma_start3A_66, %dma_start3A_67] : memref<10240x128xf32, #tpu.memory_space<hbm>> -> memref<10240x128xf32, #tpu.memory_space<hbm>>
          tpu.enqueue_indirect_dma source(%dma_start3A_68 : memref<10240x128xf32, #tpu.memory_space<hbm>>) target(%arg10 : memref<128x128xf32, #tpu.memory_space<vmem>>) offsets(%dma_start3A_65 : memref<128xi32, #tpu.memory_space<vmem>>) semaphore(%arg13 : memref<!tpu.dma_semaphore, #tpu.memory_space<semaphore_mem>>)
          %dma_wait3A = arith.constant 0 : i32
          %dma_wait3A_69 = tpu.memref_slice %arg7[%add3A_53, %dma_wait3A] : memref<16x128xi32, #tpu.memory_space<vmem>> -> memref<1x128xi32, #tpu.memory_space<vmem>>
          %dma_wait3A_70 = tpu.memref_squeeze %dma_wait3A_69 : memref<1x128xi32, #tpu.memory_space<vmem>> -> memref<128xi32, #tpu.memory_space<vmem>>
          %dma_wait3A_71 = arith.constant 0 : i32
          %dma_wait3A_72 = arith.constant 0 : i32
          %dma_wait3A_73 = tpu.memref_slice %arg4[%dma_wait3A_71, %dma_wait3A_72] : memref<10240x128xf32, #tpu.memory_space<hbm>> -> memref<10240x128xf32, #tpu.memory_space<hbm>>
          tpu.wait_indirect_dma semaphore(%arg12 : memref<!tpu.dma_semaphore, #tpu.memory_space<semaphore_mem>>) src(%dma_wait3A_73 : memref<10240x128xf32, #tpu.memory_space<hbm>>) dst(%arg9 : memref<128x128xf32, #tpu.memory_space<vmem>>)
          %mul3A_74 = arith.constant 2 : i32
          %mul3A_75 = arith.muli %mul3A_74, %scan3A_49 : i32
          %add3A_76 = arith.constant 0 : i32
          %add3A_77 = arith.addi %mul3A_75, %add3A_76 : i32
          %dma_start3A_78 = arith.constant 0 : i32
          %dma_start3A_79 = tpu.memref_slice %arg8[%add3A_77, %dma_start3A_78] : memref<16x128xi32, #tpu.memory_space<vmem>> -> memref<1x128xi32, #tpu.memory_space<vmem>>
          %dma_start3A_80 = tpu.memref_squeeze %dma_start3A_79 : memref<1x128xi32, #tpu.memory_space<vmem>> -> memref<128xi32, #tpu.memory_space<vmem>>
          %dma_start3A_81 = arith.constant 0 : i32
          %dma_start3A_82 = arith.constant 0 : i32
          %dma_start3A_83 = tpu.memref_slice %arg11[%dma_start3A_81, %dma_start3A_82] : memref<10240x128xf32, #tpu.memory_space<vmem_shared>> -> memref<10240x128xf32, #tpu.memory_space<vmem_shared>>
          tpu.enqueue_indirect_dma source(%arg9 : memref<128x128xf32, #tpu.memory_space<vmem>>) target(%dma_start3A_83 : memref<10240x128xf32, #tpu.memory_space<vmem_shared>>) offsets(%dma_start3A_80 : memref<128xi32, #tpu.memory_space<vmem>>) semaphore(%arg14 : memref<!tpu.dma_semaphore, #tpu.memory_space<semaphore_mem>>) {add = true}
          %dma_wait3A_84 = arith.constant 0 : i32
          %dma_wait3A_85 = tpu.memref_slice %arg7[%add3A_62, %dma_wait3A_84] : memref<16x128xi32, #tpu.memory_space<vmem>> -> memref<1x128xi32, #tpu.memory_space<vmem>>
          %dma_wait3A_86 = tpu.memref_squeeze %dma_wait3A_85 : memref<1x128xi32, #tpu.memory_space<vmem>> -> memref<128xi32, #tpu.memory_space<vmem>>
          %dma_wait3A_87 = arith.constant 0 : i32
          %dma_wait3A_88 = arith.constant 0 : i32
          %dma_wait3A_89 = tpu.memref_slice %arg4[%dma_wait3A_87, %dma_wait3A_88] : memref<10240x128xf32, #tpu.memory_space<hbm>> -> memref<10240x128xf32, #tpu.memory_space<hbm>>
          tpu.wait_indirect_dma semaphore(%arg13 : memref<!tpu.dma_semaphore, #tpu.memory_space<semaphore_mem>>) src(%dma_wait3A_89 : memref<10240x128xf32, #tpu.memory_space<hbm>>) dst(%arg10 : memref<128x128xf32, #tpu.memory_space<vmem>>)
          %mul3A_90 = arith.constant 2 : i32
          %mul3A_91 = arith.muli %mul3A_90, %scan3A_49 : i32
          %add3A_92 = arith.constant 1 : i32
          %add3A_93 = arith.addi %mul3A_91, %add3A_92 : i32
          %dma_start3A_94 = arith.constant 0 : i32
          %dma_start3A_95 = tpu.memref_slice %arg8[%add3A_93, %dma_start3A_94] : memref<16x128xi32, #tpu.memory_space<vmem>> -> memref<1x128xi32, #tpu.memory_space<vmem>>
          %dma_start3A_96 = tpu.memref_squeeze %dma_start3A_95 : memref<1x128xi32, #tpu.memory_space<vmem>> -> memref<128xi32, #tpu.memory_space<vmem>>
          %dma_start3A_97 = arith.constant 0 : i32
          %dma_start3A_98 = arith.constant 0 : i32
          %dma_start3A_99 = tpu.memref_slice %arg11[%dma_start3A_97, %dma_start3A_98] : memref<10240x128xf32, #tpu.memory_space<vmem_shared>> -> memref<10240x128xf32, #tpu.memory_space<vmem_shared>>
          tpu.enqueue_indirect_dma source(%arg10 : memref<128x128xf32, #tpu.memory_space<vmem>>) target(%dma_start3A_99 : memref<10240x128xf32, #tpu.memory_space<vmem_shared>>) offsets(%dma_start3A_96 : memref<128xi32, #tpu.memory_space<vmem>>) semaphore(%arg14 : memref<!tpu.dma_semaphore, #tpu.memory_space<semaphore_mem>>) {add = true}
          %dma_wait3A_100 = arith.constant 0 : i32
          %dma_wait3A_101 = tpu.memref_slice %arg8[%add3A_77, %dma_wait3A_100] : memref<16x128xi32, #tpu.memory_space<vmem>> -> memref<1x128xi32, #tpu.memory_space<vmem>>
          %dma_wait3A_102 = tpu.memref_squeeze %dma_wait3A_101 : memref<1x128xi32, #tpu.memory_space<vmem>> -> memref<128xi32, #tpu.memory_space<vmem>>
          %dma_wait3A_103 = arith.constant 0 : i32
          %dma_wait3A_104 = arith.constant 0 : i32
          %dma_wait3A_105 = tpu.memref_slice %arg11[%dma_wait3A_103, %dma_wait3A_104] : memref<10240x128xf32, #tpu.memory_space<vmem_shared>> -> memref<10240x128xf32, #tpu.memory_space<vmem_shared>>
          tpu.wait_indirect_dma semaphore(%arg14 : memref<!tpu.dma_semaphore, #tpu.memory_space<semaphore_mem>>) src(%arg9 : memref<128x128xf32, #tpu.memory_space<vmem>>) dst(%dma_wait3A_105 : memref<10240x128xf32, #tpu.memory_space<vmem_shared>>)
          %dma_wait3A_106 = arith.constant 0 : i32
          %dma_wait3A_107 = tpu.memref_slice %arg8[%add3A_93, %dma_wait3A_106] : memref<16x128xi32, #tpu.memory_space<vmem>> -> memref<1x128xi32, #tpu.memory_space<vmem>>
          %dma_wait3A_108 = tpu.memref_squeeze %dma_wait3A_107 : memref<1x128xi32, #tpu.memory_space<vmem>> -> memref<128xi32, #tpu.memory_space<vmem>>
          %dma_wait3A_109 = arith.constant 0 : i32
          %dma_wait3A_110 = arith.constant 0 : i32
          %dma_wait3A_111 = tpu.memref_slice %arg11[%dma_wait3A_109, %dma_wait3A_110] : memref<10240x128xf32, #tpu.memory_space<vmem_shared>> -> memref<10240x128xf32, #tpu.memory_space<vmem_shared>>
          tpu.wait_indirect_dma semaphore(%arg14 : memref<!tpu.dma_semaphore, #tpu.memory_space<semaphore_mem>>) src(%arg10 : memref<128x128xf32, #tpu.memory_space<vmem>>) dst(%dma_wait3A_111 : memref<10240x128xf32, #tpu.memory_space<vmem_shared>>)
        }
        %scan3A_48 = arith.constant 8 : i32
      }
      %scan3A_38 = arith.constant 3 : i32
    } else {
    }
    %barrier3A_25 = arith.constant 0 : index
    tpu.barrier barrier_id(%barrier3A_25)
    %mul3A_26 = arith.constant 640 : i32
    %mul3A_27 = arith.muli %arg1, %mul3A_26 : i32
    %mul3A_28 = arith.constant 640 : i32
    %mul3A_29 = arith.muli %arg1, %mul3A_28 : i32
    "tpu.region"() ({
      %run_scoped3A = tpu.sem_alloc : memref<!tpu.dma_semaphore, #tpu.memory_space<semaphore_mem>>
      %dma_start3A = arith.constant 0 : i32
      %dma_start3A_30 = tpu.memref_slice %arg6[%arg0, %mul3A_29, %dma_start3A] : memref<2x10240x128xf32, #tpu.memory_space<hbm>> -> memref<1x640x128xf32, #tpu.memory_space<hbm>>
      %dma_start3A_31 = tpu.memref_squeeze %dma_start3A_30 : memref<1x640x128xf32, #tpu.memory_space<hbm>> -> memref<640x128xf32, #tpu.memory_space<hbm>>
      %dma_start3A_32 = arith.constant 0 : i32
      %dma_start3A_33 = tpu.memref_slice %arg11[%mul3A_27, %dma_start3A_32] : memref<10240x128xf32, #tpu.memory_space<vmem_shared>> -> memref<640x128xf32, #tpu.memory_space<vmem_shared>>
      tpu.enqueue_dma source(%dma_start3A_33 : memref<640x128xf32, #tpu.memory_space<vmem_shared>>) target(%dma_start3A_31 : memref<640x128xf32, #tpu.memory_space<hbm>>) target_semaphore(%run_scoped3A : memref<!tpu.dma_semaphore, #tpu.memory_space<semaphore_mem>>)
      %dma_wait3A = arith.constant 0 : i32
      %dma_wait3A_34 = tpu.memref_slice %arg6[%arg0, %mul3A_29, %dma_wait3A] : memref<2x10240x128xf32, #tpu.memory_space<hbm>> -> memref<1x640x128xf32, #tpu.memory_space<hbm>>
      %dma_wait3A_35 = tpu.memref_squeeze %dma_wait3A_34 : memref<1x640x128xf32, #tpu.memory_space<hbm>> -> memref<640x128xf32, #tpu.memory_space<hbm>>
      %dma_wait3A_36 = arith.constant 0 : i32
      %dma_wait3A_37 = tpu.memref_slice %arg11[%mul3A_27, %dma_wait3A_36] : memref<10240x128xf32, #tpu.memory_space<vmem_shared>> -> memref<640x128xf32, #tpu.memory_space<vmem_shared>>
      tpu.wait_dma2 semaphore(%run_scoped3A : memref<!tpu.dma_semaphore, #tpu.memory_space<semaphore_mem>>) src(%dma_wait3A_37 : memref<640x128xf32, #tpu.memory_space<vmem_shared>>) dst(%dma_wait3A_35 : memref<640x128xf32, #tpu.memory_space<hbm>>)
      tpu.yield
    }) : () -> ()
    return
  }
}

module attributes {stable_mosaic.version = 14 : i64} {
  func.func @_tc1_body(%arg0: i32, %arg1: memref<1280x128xf32, #tpu.memory_space<vmem>>, %arg2: memref<128x128xf32, #tpu.memory_space<vmem>>, %arg3: memref<1x128xf32, #tpu.memory_space<vmem>>, %arg4: memref<2x1280x128xf32, #tpu.memory_space<vmem>>, %arg5: memref<1280x128xf32, #tpu.memory_space<vmem>>) attributes {dimension_semantics = [#tpu.dimension_semantics<arbitrary>], iteration_bounds = array<i64: 8>, scalar_prefetch = 0 : i64, scratch_operands = 0 : i64, tpu.core_type = #tpu.core_type<tc>, window_params = [{transform_indices = @transform_0, window_bounds = array<i64: 1280, 128>}, {pipeline_mode = #tpu.pipeline_mode<synchronous>, transform_indices = @transform_1, window_bounds = array<i64: 128, 128>}, {pipeline_mode = #tpu.pipeline_mode<synchronous>, transform_indices = @transform_2, window_bounds = array<i64: 1, 128>}, {transform_indices = @transform_3, window_bounds = array<i64: 2, 1280, 128>}, {transform_indices = @transform_4, window_bounds = array<i64: 1280, 128>}]} {
    %get3A = arith.constant 0 : index
    %get3A_0 = arith.constant 0 : index
    %get3A_1 = vector.load %arg1[%get3A, %get3A_0] : memref<1280x128xf32, #tpu.memory_space<vmem>>, vector<1280x128xf32>
    %get3A_2 = arith.constant 0 : index
    %get3A_3 = arith.constant 0 : index
    %get3A_4 = vector.load %arg2[%get3A_2, %get3A_3] : memref<128x128xf32, #tpu.memory_space<vmem>>, vector<128x128xf32>
    %dot_general3A = arith.constant dense<0.000000e+00> : vector<1280x128xf32>
    %dot_general3A_5 = tpu.matmul %get3A_1, %get3A_4, %dot_general3A {dimension_numbers = #tpu.dot_dimension_numbers<[1], [1], [0], [0], [0, 0, 1, 0], [], []>, precision = #tpu.contract_precision<fp32>, transpose_lhs_hint = false} : vector<1280x128xf32>, vector<128x128xf32>, vector<1280x128xf32> -> vector<1280x128xf32>
    %get3A_6 = arith.constant 0 : index
    %get3A_7 = arith.constant 0 : index
    %get3A_8 = arith.constant 0 : index
    %get3A_9 = vector.load %arg4[%get3A_6, %get3A_7, %get3A_8] : memref<2x1280x128xf32, #tpu.memory_space<vmem>>, vector<1x1280x1xf32>
    %get3A_10 = vector.shape_cast %get3A_9 : vector<1x1280x1xf32> to vector<1280x1xf32>
    %get3A_11 = arith.constant 1 : index
    %get3A_12 = arith.constant 0 : index
    %get3A_13 = arith.constant 0 : index
    %get3A_14 = vector.load %arg4[%get3A_11, %get3A_12, %get3A_13] : memref<2x1280x128xf32, #tpu.memory_space<vmem>>, vector<1x1280x1xf32>
    %get3A_15 = vector.shape_cast %get3A_14 : vector<1x1280x1xf32> to vector<1280x1xf32>
    %add3A = arith.addf %get3A_10, %get3A_15 : vector<1280x1xf32>
    %add3A_16 = arith.constant 1.000000e+00 : f32
    %add3A_17 = vector.broadcast %add3A_16 : f32 to vector<1280x1xf32>
    %add3A_18 = arith.addf %add3A, %add3A_17 : vector<1280x1xf32>
    %rsqrt3A = math.rsqrt %add3A_18 : vector<1280x1xf32>
    %get3A_19 = arith.constant 0 : index
    %get3A_20 = arith.constant 0 : index
    %get3A_21 = vector.load %arg3[%get3A_19, %get3A_20] : memref<1x128xf32, #tpu.memory_space<vmem>>, vector<1x128xf32>
    %add3A_22 = vector.broadcast %get3A_21 : vector<1x128xf32> to vector<1280x128xf32>
    %add3A_23 = arith.addf %dot_general3A_5, %add3A_22 : vector<1280x128xf32>
    %ge3A = arith.constant 0.000000e+00 : f32
    %ge3A_24 = vector.broadcast %ge3A : f32 to vector<1280x128xf32>
    %ge3A_25 = arith.cmpf oge, %add3A_23, %ge3A_24 : vector<1280x128xf32>
    %mul3A = arith.constant 0.00999999977 : f32
    %mul3A_26 = vector.broadcast %mul3A : f32 to vector<1280x128xf32>
    %mul3A_27 = arith.mulf %mul3A_26, %add3A_23 : vector<1280x128xf32>
    %select_n3A = arith.select %ge3A_25, %add3A_23, %mul3A_27 : vector<1280x128xi1>, vector<1280x128xf32>
    %mul3A_28 = vector.broadcast %rsqrt3A : vector<1280x1xf32> to vector<1280x128xf32>
    %mul3A_29 = arith.mulf %mul3A_28, %select_n3A : vector<1280x128xf32>
    %swap3A = arith.constant 0 : index
    %swap3A_30 = arith.constant 0 : index
    %swap3A_31 = vector.load %arg5[%swap3A, %swap3A_30] : memref<1280x128xf32, #tpu.memory_space<vmem>>, vector<1280x128xf32>
    tpu.vector_store %arg5[%swap3A, %swap3A_30], %mul3A_29 {strides = array<i32>} : memref<1280x128xf32, #tpu.memory_space<vmem>>, vector<1280x128xf32>,
    return
  }
  func.func @transform_0(%arg0: i32) -> (i32, i32) {
    %c0_i32 = arith.constant 0 : i32
    %c0_i32_0 = arith.constant 0 : i32
    return %arg0, %c0_i32 : i32, i32
  }
  func.func @transform_1(%arg0: i32) -> (i32, i32) {
    %c0_i32 = arith.constant 0 : i32
    %c0_i32_0 = arith.constant 0 : i32
    %c0_i32_1 = arith.constant 0 : i32
    return %c0_i32, %c0_i32_0 : i32, i32
  }
  func.func @transform_2(%arg0: i32) -> (i32, i32) {
    %c0_i32 = arith.constant 0 : i32
    %c0_i32_0 = arith.constant 0 : i32
    %c0_i32_1 = arith.constant 0 : i32
    return %c0_i32, %c0_i32_0 : i32, i32
  }
  func.func @transform_3(%arg0: i32) -> (i32, i32, i32) {
    %c0_i32 = arith.constant 0 : i32
    %c0_i32_0 = arith.constant 0 : i32
    %c0_i32_1 = arith.constant 0 : i32
    return %c0_i32, %arg0, %c0_i32_0 : i32, i32, i32
  }
  func.func @transform_4(%arg0: i32) -> (i32, i32) {
    %c0_i32 = arith.constant 0 : i32
    %c0_i32_0 = arith.constant 0 : i32
    return %arg0, %c0_i32 : i32, i32
  }
}

module attributes {stable_mosaic.version = 14 : i64} {
  func.func @_tc3_body(%arg0: i32, %arg1: memref<2x1280x128xf32, #tpu.memory_space<vmem>>, %arg2: memref<1280x128xf32, #tpu.memory_space<vmem>>, %arg3: memref<2x1280x128xf32, #tpu.memory_space<vmem>>, %arg4: memref<1x128xf32, #tpu.memory_space<vmem>>, %arg5: memref<1280x128xf32, #tpu.memory_space<vmem>>) attributes {dimension_semantics = [#tpu.dimension_semantics<arbitrary>], iteration_bounds = array<i64: 8>, scalar_prefetch = 0 : i64, scratch_operands = 0 : i64, tpu.core_type = #tpu.core_type<tc>, window_params = [{transform_indices = @transform_0, window_bounds = array<i64: 2, 1280, 128>}, {transform_indices = @transform_1, window_bounds = array<i64: 1280, 128>}, {transform_indices = @transform_2, window_bounds = array<i64: 2, 1280, 128>}, {pipeline_mode = #tpu.pipeline_mode<synchronous>, transform_indices = @transform_3, window_bounds = array<i64: 1, 128>}, {transform_indices = @transform_4, window_bounds = array<i64: 1280, 128>}]} {
    %get3A = arith.constant 0 : index
    %get3A_0 = arith.constant 0 : index
    %get3A_1 = arith.constant 0 : index
    %get3A_2 = vector.load %arg3[%get3A, %get3A_0, %get3A_1] : memref<2x1280x128xf32, #tpu.memory_space<vmem>>, vector<1x1280x1xf32>
    %get3A_3 = vector.shape_cast %get3A_2 : vector<1x1280x1xf32> to vector<1280x1xf32>
    %get3A_4 = arith.constant 1 : index
    %get3A_5 = arith.constant 0 : index
    %get3A_6 = arith.constant 0 : index
    %get3A_7 = vector.load %arg3[%get3A_4, %get3A_5, %get3A_6] : memref<2x1280x128xf32, #tpu.memory_space<vmem>>, vector<1x1280x1xf32>
    %get3A_8 = vector.shape_cast %get3A_7 : vector<1x1280x1xf32> to vector<1280x1xf32>
    %add3A = arith.addf %get3A_3, %get3A_8 : vector<1280x1xf32>
    %add3A_9 = arith.constant 1.000000e+00 : f32
    %add3A_10 = vector.broadcast %add3A_9 : f32 to vector<1280x1xf32>
    %add3A_11 = arith.addf %add3A, %add3A_10 : vector<1280x1xf32>
    %rsqrt3A = math.rsqrt %add3A_11 : vector<1280x1xf32>
    %get3A_12 = arith.constant 0 : index
    %get3A_13 = arith.constant 0 : index
    %get3A_14 = arith.constant 0 : index
    %get3A_15 = vector.load %arg1[%get3A_12, %get3A_13, %get3A_14] : memref<2x1280x128xf32, #tpu.memory_space<vmem>>, vector<1x1280x128xf32>
    %get3A_16 = vector.shape_cast %get3A_15 : vector<1x1280x128xf32> to vector<1280x128xf32>
    %get3A_17 = arith.constant 1 : index
    %get3A_18 = arith.constant 0 : index
    %get3A_19 = arith.constant 0 : index
    %get3A_20 = vector.load %arg1[%get3A_17, %get3A_18, %get3A_19] : memref<2x1280x128xf32, #tpu.memory_space<vmem>>, vector<1x1280x128xf32>
    %get3A_21 = vector.shape_cast %get3A_20 : vector<1x1280x128xf32> to vector<1280x128xf32>
    %add3A_22 = arith.addf %get3A_16, %get3A_21 : vector<1280x128xf32>
    %get3A_23 = arith.constant 0 : index
    %get3A_24 = arith.constant 0 : index
    %get3A_25 = vector.load %arg2[%get3A_23, %get3A_24] : memref<1280x128xf32, #tpu.memory_space<vmem>>, vector<1280x128xf32>
    %add3A_26 = arith.addf %add3A_22, %get3A_25 : vector<1280x128xf32>
    %mul3A = vector.broadcast %rsqrt3A : vector<1280x1xf32> to vector<1280x128xf32>
    %mul3A_27 = arith.mulf %mul3A, %add3A_26 : vector<1280x128xf32>
    %get3A_28 = arith.constant 0 : index
    %get3A_29 = arith.constant 0 : index
    %get3A_30 = vector.load %arg4[%get3A_28, %get3A_29] : memref<1x128xf32, #tpu.memory_space<vmem>>, vector<1x128xf32>
    %add3A_31 = vector.broadcast %get3A_30 : vector<1x128xf32> to vector<1280x128xf32>
    %add3A_32 = arith.addf %mul3A_27, %add3A_31 : vector<1280x128xf32>
    %ge3A = arith.constant 0.000000e+00 : f32
    %ge3A_33 = vector.broadcast %ge3A : f32 to vector<1280x128xf32>
    %ge3A_34 = arith.cmpf oge, %add3A_32, %ge3A_33 : vector<1280x128xf32>
    %mul3A_35 = arith.constant 0.00999999977 : f32
    %mul3A_36 = vector.broadcast %mul3A_35 : f32 to vector<1280x128xf32>
    %mul3A_37 = arith.mulf %mul3A_36, %add3A_32 : vector<1280x128xf32>
    %select_n3A = arith.select %ge3A_34, %add3A_32, %mul3A_37 : vector<1280x128xi1>, vector<1280x128xf32>
    %mul3A_38 = vector.broadcast %rsqrt3A : vector<1280x1xf32> to vector<1280x128xf32>
    %mul3A_39 = arith.mulf %mul3A_38, %select_n3A : vector<1280x128xf32>
    %swap3A = arith.constant 0 : index
    %swap3A_40 = arith.constant 0 : index
    %swap3A_41 = vector.load %arg5[%swap3A, %swap3A_40] : memref<1280x128xf32, #tpu.memory_space<vmem>>, vector<1280x128xf32>
    tpu.vector_store %arg5[%swap3A, %swap3A_40], %mul3A_39 {strides = array<i32>} : memref<1280x128xf32, #tpu.memory_space<vmem>>, vector<1280x128xf32>,
    return
  }
  func.func @transform_0(%arg0: i32) -> (i32, i32, i32) {
    %c0_i32 = arith.constant 0 : i32
    %c0_i32_0 = arith.constant 0 : i32
    %c0_i32_1 = arith.constant 0 : i32
    return %c0_i32, %arg0, %c0_i32_0 : i32, i32, i32
  }
  func.func @transform_1(%arg0: i32) -> (i32, i32) {
    %c0_i32 = arith.constant 0 : i32
    %c0_i32_0 = arith.constant 0 : i32
    return %arg0, %c0_i32 : i32, i32
  }
  func.func @transform_2(%arg0: i32) -> (i32, i32, i32) {
    %c0_i32 = arith.constant 0 : i32
    %c0_i32_0 = arith.constant 0 : i32
    %c0_i32_1 = arith.constant 0 : i32
    return %c0_i32, %arg0, %c0_i32_0 : i32, i32, i32
  }
  func.func @transform_3(%arg0: i32) -> (i32, i32) {
    %c0_i32 = arith.constant 0 : i32
    %c0_i32_0 = arith.constant 0 : i32
    %c0_i32_1 = arith.constant 0 : i32
    return %c0_i32, %c0_i32_0 : i32, i32
  }
  func.func @transform_4(%arg0: i32) -> (i32, i32) {
    %c0_i32 = arith.constant 0 : i32
    %c0_i32_0 = arith.constant 0 : i32
    return %arg0, %c0_i32 : i32, i32
  }
}

module attributes {stable_mosaic.version = 14 : i64} {
  func.func @_tc2_body(%arg0: i32, %arg1: memref<2x1280x128xf32, #tpu.memory_space<vmem>>, %arg2: memref<1280x128xf32, #tpu.memory_space<vmem>>, %arg3: memref<2x1280x128xf32, #tpu.memory_space<vmem>>, %arg4: memref<256x128xf32, #tpu.memory_space<vmem>>, %arg5: memref<1x256xf32, #tpu.memory_space<vmem>>, %arg6: memref<128x256xf32, #tpu.memory_space<vmem>>, %arg7: memref<1280x128xf32, #tpu.memory_space<vmem>>) attributes {dimension_semantics = [#tpu.dimension_semantics<arbitrary>], iteration_bounds = array<i64: 8>, scalar_prefetch = 0 : i64, scratch_operands = 0 : i64, tpu.core_type = #tpu.core_type<tc>, window_params = [{transform_indices = @transform_0, window_bounds = array<i64: 2, 1280, 128>}, {transform_indices = @transform_1, window_bounds = array<i64: 1280, 128>}, {transform_indices = @transform_2, window_bounds = array<i64: 2, 1280, 128>}, {pipeline_mode = #tpu.pipeline_mode<synchronous>, transform_indices = @transform_3, window_bounds = array<i64: 256, 128>}, {pipeline_mode = #tpu.pipeline_mode<synchronous>, transform_indices = @transform_4, window_bounds = array<i64: 1, 256>}, {pipeline_mode = #tpu.pipeline_mode<synchronous>, transform_indices = @transform_5, window_bounds = array<i64: 128, 256>}, {transform_indices = @transform_6, window_bounds = array<i64: 1280, 128>}]} {
    %get3A = arith.constant 0 : index
    %get3A_0 = arith.constant 0 : index
    %get3A_1 = arith.constant 0 : index
    %get3A_2 = vector.load %arg3[%get3A, %get3A_0, %get3A_1] : memref<2x1280x128xf32, #tpu.memory_space<vmem>>, vector<1x1280x1xf32>
    %get3A_3 = vector.shape_cast %get3A_2 : vector<1x1280x1xf32> to vector<1280x1xf32>
    %get3A_4 = arith.constant 1 : index
    %get3A_5 = arith.constant 0 : index
    %get3A_6 = arith.constant 0 : index
    %get3A_7 = vector.load %arg3[%get3A_4, %get3A_5, %get3A_6] : memref<2x1280x128xf32, #tpu.memory_space<vmem>>, vector<1x1280x1xf32>
    %get3A_8 = vector.shape_cast %get3A_7 : vector<1x1280x1xf32> to vector<1280x1xf32>
    %add3A = arith.addf %get3A_3, %get3A_8 : vector<1280x1xf32>
    %add3A_9 = arith.constant 1.000000e+00 : f32
    %add3A_10 = vector.broadcast %add3A_9 : f32 to vector<1280x1xf32>
    %add3A_11 = arith.addf %add3A, %add3A_10 : vector<1280x1xf32>
    %rsqrt3A = math.rsqrt %add3A_11 : vector<1280x1xf32>
    %get3A_12 = arith.constant 0 : index
    %get3A_13 = arith.constant 0 : index
    %get3A_14 = arith.constant 0 : index
    %get3A_15 = vector.load %arg1[%get3A_12, %get3A_13, %get3A_14] : memref<2x1280x128xf32, #tpu.memory_space<vmem>>, vector<1x1280x128xf32>
    %get3A_16 = vector.shape_cast %get3A_15 : vector<1x1280x128xf32> to vector<1280x128xf32>
    %get3A_17 = arith.constant 1 : index
    %get3A_18 = arith.constant 0 : index
    %get3A_19 = arith.constant 0 : index
    %get3A_20 = vector.load %arg1[%get3A_17, %get3A_18, %get3A_19] : memref<2x1280x128xf32, #tpu.memory_space<vmem>>, vector<1x1280x128xf32>
    %get3A_21 = vector.shape_cast %get3A_20 : vector<1x1280x128xf32> to vector<1280x128xf32>
    %add3A_22 = arith.addf %get3A_16, %get3A_21 : vector<1280x128xf32>
    %get3A_23 = arith.constant 0 : index
    %get3A_24 = arith.constant 0 : index
    %get3A_25 = vector.load %arg2[%get3A_23, %get3A_24] : memref<1280x128xf32, #tpu.memory_space<vmem>>, vector<1280x128xf32>
    %add3A_26 = arith.addf %add3A_22, %get3A_25 : vector<1280x128xf32>
    %mul3A = vector.broadcast %rsqrt3A : vector<1280x1xf32> to vector<1280x128xf32>
    %mul3A_27 = arith.mulf %mul3A, %add3A_26 : vector<1280x128xf32>
    %get3A_28 = arith.constant 0 : index
    %get3A_29 = arith.constant 0 : index
    %get3A_30 = vector.load %arg4[%get3A_28, %get3A_29] : memref<256x128xf32, #tpu.memory_space<vmem>>, vector<256x128xf32>
    %dot_general3A = arith.constant dense<0.000000e+00> : vector<1280x256xf32>
    %dot_general3A_31 = tpu.matmul %mul3A_27, %get3A_30, %dot_general3A {dimension_numbers = #tpu.dot_dimension_numbers<[1], [1], [0], [0], [0, 0, 1, 0], [], []>, precision = #tpu.contract_precision<fp32>, transpose_lhs_hint = false} : vector<1280x128xf32>, vector<256x128xf32>, vector<1280x256xf32> -> vector<1280x256xf32>
    %get3A_32 = arith.constant 0 : index
    %get3A_33 = arith.constant 0 : index
    %get3A_34 = vector.load %arg5[%get3A_32, %get3A_33] : memref<1x256xf32, #tpu.memory_space<vmem>>, vector<1x256xf32>
    %add3A_35 = vector.broadcast %get3A_34 : vector<1x256xf32> to vector<1280x256xf32>
    %add3A_36 = arith.addf %dot_general3A_31, %add3A_35 : vector<1280x256xf32>
    %ge3A = arith.constant 0.000000e+00 : f32
    %ge3A_37 = vector.broadcast %ge3A : f32 to vector<1280x256xf32>
    %ge3A_38 = arith.cmpf oge, %add3A_36, %ge3A_37 : vector<1280x256xf32>
    %mul3A_39 = arith.constant 0.00999999977 : f32
    %mul3A_40 = vector.broadcast %mul3A_39 : f32 to vector<1280x256xf32>
    %mul3A_41 = arith.mulf %mul3A_40, %add3A_36 : vector<1280x256xf32>
    %select_n3A = arith.select %ge3A_38, %add3A_36, %mul3A_41 : vector<1280x256xi1>, vector<1280x256xf32>
    %get3A_42 = arith.constant 0 : index
    %get3A_43 = arith.constant 0 : index
    %get3A_44 = vector.load %arg6[%get3A_42, %get3A_43] : memref<128x256xf32, #tpu.memory_space<vmem>>, vector<128x256xf32>
    %dot_general3A_45 = arith.constant dense<0.000000e+00> : vector<1280x128xf32>
    %dot_general3A_46 = tpu.matmul %select_n3A, %get3A_44, %dot_general3A_45 {dimension_numbers = #tpu.dot_dimension_numbers<[1], [1], [0], [0], [0, 0, 1, 0], [], []>, precision = #tpu.contract_precision<fp32>, transpose_lhs_hint = false} : vector<1280x256xf32>, vector<128x256xf32>, vector<1280x128xf32> -> vector<1280x128xf32>
    %mul3A_47 = vector.broadcast %rsqrt3A : vector<1280x1xf32> to vector<1280x128xf32>
    %mul3A_48 = arith.mulf %mul3A_47, %dot_general3A_46 : vector<1280x128xf32>
    %swap3A = arith.constant 0 : index
    %swap3A_49 = arith.constant 0 : index
    %swap3A_50 = vector.load %arg7[%swap3A, %swap3A_49] : memref<1280x128xf32, #tpu.memory_space<vmem>>, vector<1280x128xf32>
    tpu.vector_store %arg7[%swap3A, %swap3A_49], %mul3A_48 {strides = array<i32>} : memref<1280x128xf32, #tpu.memory_space<vmem>>, vector<1280x128xf32>,
    return
  }
  func.func @transform_0(%arg0: i32) -> (i32, i32, i32) {
    %c0_i32 = arith.constant 0 : i32
    %c0_i32_0 = arith.constant 0 : i32
    %c0_i32_1 = arith.constant 0 : i32
    return %c0_i32, %arg0, %c0_i32_0 : i32, i32, i32
  }
  func.func @transform_1(%arg0: i32) -> (i32, i32) {
    %c0_i32 = arith.constant 0 : i32
    %c0_i32_0 = arith.constant 0 : i32
    return %arg0, %c0_i32 : i32, i32
  }
  func.func @transform_2(%arg0: i32) -> (i32, i32, i32) {
    %c0_i32 = arith.constant 0 : i32
    %c0_i32_0 = arith.constant 0 : i32
    %c0_i32_1 = arith.constant 0 : i32
    return %c0_i32, %arg0, %c0_i32_0 : i32, i32, i32
  }
  func.func @transform_3(%arg0: i32) -> (i32, i32) {
    %c0_i32 = arith.constant 0 : i32
    %c0_i32_0 = arith.constant 0 : i32
    %c0_i32_1 = arith.constant 0 : i32
    return %c0_i32, %c0_i32_0 : i32, i32
  }
  func.func @transform_4(%arg0: i32) -> (i32, i32) {
    %c0_i32 = arith.constant 0 : i32
    %c0_i32_0 = arith.constant 0 : i32
    %c0_i32_1 = arith.constant 0 : i32
    return %c0_i32, %c0_i32_0 : i32, i32
  }
  func.func @transform_5(%arg0: i32) -> (i32, i32) {
    %c0_i32 = arith.constant 0 : i32
    %c0_i32_0 = arith.constant 0 : i32
    %c0_i32_1 = arith.constant 0 : i32
    return %c0_i32, %c0_i32_0 : i32, i32
  }
  func.func @transform_6(%arg0: i32) -> (i32, i32) {
    %c0_i32 = arith.constant 0 : i32
    %c0_i32_0 = arith.constant 0 : i32
    return %arg0, %c0_i32 : i32, i32
  }
}

module attributes {stable_mosaic.version = 14 : i64} {
  func.func @_tc4_body(%arg0: i32, %arg1: memref<2x1280x128xf32, #tpu.memory_space<vmem>>, %arg2: memref<1280x128xf32, #tpu.memory_space<vmem>>, %arg3: memref<2x1280x128xf32, #tpu.memory_space<vmem>>, %arg4: memref<64x128xf32, #tpu.memory_space<vmem>>, %arg5: memref<1x64xf32, #tpu.memory_space<vmem>>, %arg6: memref<1x64xf32, #tpu.memory_space<vmem>>, %arg7: memref<1x1xf32, #tpu.memory_space<vmem>>, %arg8: memref<1280x1xf32, #tpu.memory_space<vmem>>) attributes {dimension_semantics = [#tpu.dimension_semantics<arbitrary>], iteration_bounds = array<i64: 8>, scalar_prefetch = 0 : i64, scratch_operands = 0 : i64, tpu.core_type = #tpu.core_type<tc>, window_params = [{transform_indices = @transform_0, window_bounds = array<i64: 2, 1280, 128>}, {transform_indices = @transform_1, window_bounds = array<i64: 1280, 128>}, {transform_indices = @transform_2, window_bounds = array<i64: 2, 1280, 128>}, {pipeline_mode = #tpu.pipeline_mode<synchronous>, transform_indices = @transform_3, window_bounds = array<i64: 64, 128>}, {pipeline_mode = #tpu.pipeline_mode<synchronous>, transform_indices = @transform_4, window_bounds = array<i64: 1, 64>}, {pipeline_mode = #tpu.pipeline_mode<synchronous>, transform_indices = @transform_5, window_bounds = array<i64: 1, 64>}, {pipeline_mode = #tpu.pipeline_mode<synchronous>, transform_indices = @transform_6, window_bounds = array<i64: 1, 1>}, {transform_indices = @transform_7, window_bounds = array<i64: 1280, 1>}]} {
    %get3A = arith.constant 0 : index
    %get3A_0 = arith.constant 0 : index
    %get3A_1 = arith.constant 0 : index
    %get3A_2 = vector.load %arg3[%get3A, %get3A_0, %get3A_1] : memref<2x1280x128xf32, #tpu.memory_space<vmem>>, vector<1x1280x1xf32>
    %get3A_3 = vector.shape_cast %get3A_2 : vector<1x1280x1xf32> to vector<1280x1xf32>
    %get3A_4 = arith.constant 1 : index
    %get3A_5 = arith.constant 0 : index
    %get3A_6 = arith.constant 0 : index
    %get3A_7 = vector.load %arg3[%get3A_4, %get3A_5, %get3A_6] : memref<2x1280x128xf32, #tpu.memory_space<vmem>>, vector<1x1280x1xf32>
    %get3A_8 = vector.shape_cast %get3A_7 : vector<1x1280x1xf32> to vector<1280x1xf32>
    %add3A = arith.addf %get3A_3, %get3A_8 : vector<1280x1xf32>
    %add3A_9 = arith.constant 1.000000e+00 : f32
    %add3A_10 = vector.broadcast %add3A_9 : f32 to vector<1280x1xf32>
    %add3A_11 = arith.addf %add3A, %add3A_10 : vector<1280x1xf32>
    %rsqrt3A = math.rsqrt %add3A_11 : vector<1280x1xf32>
    %get3A_12 = arith.constant 0 : index
    %get3A_13 = arith.constant 0 : index
    %get3A_14 = arith.constant 0 : index
    %get3A_15 = vector.load %arg1[%get3A_12, %get3A_13, %get3A_14] : memref<2x1280x128xf32, #tpu.memory_space<vmem>>, vector<1x1280x128xf32>
    %get3A_16 = vector.shape_cast %get3A_15 : vector<1x1280x128xf32> to vector<1280x128xf32>
    %get3A_17 = arith.constant 1 : index
    %get3A_18 = arith.constant 0 : index
    %get3A_19 = arith.constant 0 : index
    %get3A_20 = vector.load %arg1[%get3A_17, %get3A_18, %get3A_19] : memref<2x1280x128xf32, #tpu.memory_space<vmem>>, vector<1x1280x128xf32>
    %get3A_21 = vector.shape_cast %get3A_20 : vector<1x1280x128xf32> to vector<1280x128xf32>
    %add3A_22 = arith.addf %get3A_16, %get3A_21 : vector<1280x128xf32>
    %get3A_23 = arith.constant 0 : index
    %get3A_24 = arith.constant 0 : index
    %get3A_25 = vector.load %arg2[%get3A_23, %get3A_24] : memref<1280x128xf32, #tpu.memory_space<vmem>>, vector<1280x128xf32>
    %add3A_26 = arith.addf %add3A_22, %get3A_25 : vector<1280x128xf32>
    %mul3A = vector.broadcast %rsqrt3A : vector<1280x1xf32> to vector<1280x128xf32>
    %mul3A_27 = arith.mulf %mul3A, %add3A_26 : vector<1280x128xf32>
    %get3A_28 = arith.constant 0 : index
    %get3A_29 = arith.constant 0 : index
    %get3A_30 = vector.load %arg4[%get3A_28, %get3A_29] : memref<64x128xf32, #tpu.memory_space<vmem>>, vector<64x128xf32>
    %dot_general3A = arith.constant dense<0.000000e+00> : vector<1280x64xf32>
    %dot_general3A_31 = tpu.matmul %mul3A_27, %get3A_30, %dot_general3A {dimension_numbers = #tpu.dot_dimension_numbers<[1], [1], [0], [0], [0, 0, 1, 0], [], []>, precision = #tpu.contract_precision<fp32>, transpose_lhs_hint = false} : vector<1280x128xf32>, vector<64x128xf32>, vector<1280x64xf32> -> vector<1280x64xf32>
    %get3A_32 = arith.constant 0 : index
    %get3A_33 = arith.constant 0 : index
    %get3A_34 = vector.load %arg5[%get3A_32, %get3A_33] : memref<1x64xf32, #tpu.memory_space<vmem>>, vector<1x64xf32>
    %add3A_35 = vector.broadcast %get3A_34 : vector<1x64xf32> to vector<1280x64xf32>
    %add3A_36 = arith.addf %dot_general3A_31, %add3A_35 : vector<1280x64xf32>
    %ge3A = arith.constant 0.000000e+00 : f32
    %ge3A_37 = vector.broadcast %ge3A : f32 to vector<1280x64xf32>
    %ge3A_38 = arith.cmpf oge, %add3A_36, %ge3A_37 : vector<1280x64xf32>
    %mul3A_39 = arith.constant 0.00999999977 : f32
    %mul3A_40 = vector.broadcast %mul3A_39 : f32 to vector<1280x64xf32>
    %mul3A_41 = arith.mulf %mul3A_40, %add3A_36 : vector<1280x64xf32>
    %select_n3A = arith.select %ge3A_38, %add3A_36, %mul3A_41 : vector<1280x64xi1>, vector<1280x64xf32>
    %get3A_42 = arith.constant 0 : index
    %get3A_43 = arith.constant 0 : index
    %get3A_44 = vector.load %arg6[%get3A_42, %get3A_43] : memref<1x64xf32, #tpu.memory_space<vmem>>, vector<1x64xf32>
    %mul3A_45 = vector.broadcast %get3A_44 : vector<1x64xf32> to vector<1280x64xf32>
    %mul3A_46 = arith.mulf %select_n3A, %mul3A_45 : vector<1280x64xf32>
    %reduce_sum3A = arith.constant dense<0.000000e+00> : vector<1280xf32>
    %reduce_sum3A_47 = vector.multi_reduction <add>, %mul3A_46, %reduce_sum3A [1] : vector<1280x64xf32> to vector<1280xf32>
    %broadcast_in_dim3A = vector.shape_cast %reduce_sum3A_47 : vector<1280xf32> to vector<1280x1xf32>
    %get3A_48 = arith.constant 0 : index
    %get3A_49 = arith.constant 0 : index
    %get3A_50 = vector.load %arg7[%get3A_48, %get3A_49] : memref<1x1xf32, #tpu.memory_space<vmem>>, vector<1x1xf32>
    %add3A_51 = vector.broadcast %get3A_50 : vector<1x1xf32> to vector<1280x1xf32>
    %add3A_52 = arith.addf %broadcast_in_dim3A, %add3A_51 : vector<1280x1xf32>
    %swap3A = arith.constant 0 : index
    %swap3A_53 = arith.constant 0 : index
    %swap3A_54 = vector.load %arg8[%swap3A, %swap3A_53] : memref<1280x1xf32, #tpu.memory_space<vmem>>, vector<1280x1xf32>
    tpu.vector_store %arg8[%swap3A, %swap3A_53], %add3A_52 {strides = array<i32>} : memref<1280x1xf32, #tpu.memory_space<vmem>>, vector<1280x1xf32>,
    return
  }
  func.func @transform_0(%arg0: i32) -> (i32, i32, i32) {
    %c0_i32 = arith.constant 0 : i32
    %c0_i32_0 = arith.constant 0 : i32
    %c0_i32_1 = arith.constant 0 : i32
    return %c0_i32, %arg0, %c0_i32_0 : i32, i32, i32
  }
  func.func @transform_1(%arg0: i32) -> (i32, i32) {
    %c0_i32 = arith.constant 0 : i32
    %c0_i32_0 = arith.constant 0 : i32
    return %arg0, %c0_i32 : i32, i32
  }
  func.func @transform_2(%arg0: i32) -> (i32, i32, i32) {
    %c0_i32 = arith.constant 0 : i32
    %c0_i32_0 = arith.constant 0 : i32
    %c0_i32_1 = arith.constant 0 : i32
    return %c0_i32, %arg0, %c0_i32_0 : i32, i32, i32
  }
  func.func @transform_3(%arg0: i32) -> (i32, i32) {
    %c0_i32 = arith.constant 0 : i32
    %c0_i32_0 = arith.constant 0 : i32
    %c0_i32_1 = arith.constant 0 : i32
    return %c0_i32, %c0_i32_0 : i32, i32
  }
  func.func @transform_4(%arg0: i32) -> (i32, i32) {
    %c0_i32 = arith.constant 0 : i32
    %c0_i32_0 = arith.constant 0 : i32
    %c0_i32_1 = arith.constant 0 : i32
    return %c0_i32, %c0_i32_0 : i32, i32
  }
  func.func @transform_5(%arg0: i32) -> (i32, i32) {
    %c0_i32 = arith.constant 0 : i32
    %c0_i32_0 = arith.constant 0 : i32
    %c0_i32_1 = arith.constant 0 : i32
    return %c0_i32, %c0_i32_0 : i32, i32
  }
  func.func @transform_6(%arg0: i32) -> (i32, i32) {
    %c0_i32 = arith.constant 0 : i32
    %c0_i32_0 = arith.constant 0 : i32
    %c0_i32_1 = arith.constant 0 : i32
    return %c0_i32, %c0_i32_0 : i32, i32
  }
  func.func @transform_7(%arg0: i32) -> (i32, i32) {
    %c0_i32 = arith.constant 0 : i32
    %c0_i32_0 = arith.constant 0 : i32
    return %arg0, %c0_i32 : i32, i32
  }
}

</mosaic_0001>

<sc_bundles>
// kernel: kernel.10.cloned.1.call-start
scs
__scs_entry_jumppad:
0x0: {  	(pc) =	sbr.rel $0x88, $3  }
0x1: {  	(tag) =	ssettag $0x0;
	lr =	simm.s32 $0x1  }
0x2: {  	[smem:$0x3F95] =	sst lr;
	_ =	strace $0xD0000000  }
0x3: {  	_ = 	snop  }
0x4: {  	_ = 	snop  }
0x5: {  	_ = 	snop  }
0x6: {  	_ = 	snop  }
0x7: {  	_ = 	snop  }
__scs_overlays_trampoline_lowered:
0x8: {  	[smem:$0x3FA4] =	sst s0  }
0x9: {  	[smem:$0x3FA5] =	sst s1  }
0xa: {  	[smem:$0x3FA6] =	sst s2  }
0xb: {  	[smem:$0x3FA7] =	sst s3  }
0xc: {  	[smem:$0x3FA8] =	sst s4  }
0xd: {  	[smem:$0x3FA9] =	sst s5  }
0xe: {  	[smem:$0x3FAA] =	sst s6  }
0xf: {  	[smem:$0x3FAB] =	sst s7  }
0x10: {  	[smem:$0x3FAC] =	sst s8  }
0x11: {  	[smem:$0x3FAD] =	sst s9;
	s0 =	simm.s32 @!p0 $0x0  }
0x12: {  	s1 =	sld [smem:$0x3F93];
	s0 =	simm.s32 @p0 $0x1  }
0x13: {  	[smem:$0x3FAE] =	sst s0;
	s0 =	simm.s32 @!p1 $0x0  }
0x14: {  	s2 =	sld [smem:$0x3F92];
	s0 =	simm.s32 @p1 $0x1  }
0x15: {  	[smem:$0x3FAF] =	sst s0;
	s0 =	simm.s32 @!p2 $0x0  }
0x16: {  	s3 =	sld [smem:$0x3FDB];
	s0 =	simm.s32 @p2 $0x1  }
0x17: {  	s4 =	simm.s32 $0x1BF5;
	[smem:$0x3FB1] =	sst s0  }
0x18: {  	s0 =	sld [smem:$0x3F94];
	_ =	swait.ge [sflag:s4], $0x0  }
0x19: {  	s7 =	sld [smem:$0x3F95]  }
0x1a: {  	s8 =	sadd.s32 $0xFFFFE003, lr  }
0x1b: {  	s9 =	sadd.s32 $0xFFFFFEF7, lr;
	s5 =	simm.s32 $0xFFFFFFFF;
	p2 =	slt.u32 s8, $0xFFFFF086  }
0x1c: {  	p1 =	slt.u32 s9, $0xF7A;
	s5 =	simm.s32 @!p2 $0x0  }
0x1d: {  	s5 =	simm.s32 @p1 $0x1;
	p0 =	seq.s32 s7, s2  }
0x1e: {  	s7 =	smul.u32 @!p0 $0xF7A, s2;
	p2 =	seq.s32 @!p0 s5, $0x0  }
0x1f: {  	s9 =	smul.u32 $0xF7A, s1;
	s8 =	simm.s32 @!p0 $0x1BF5;
	p2 =	por !p2, p0  }
0x20: {  	[sflag:s8] =	ssyncset.s32 @!p0 $0xFFFFF086;
	s6 =	sadd.s32 @!p0 s3, s7;
	s7 =	simm.s32 @!p0 $0x108  }
0x21: {  	s3 =	sadd.s32 s3, s9;
	s6 =	sadd.s32 @!p0 $0x88, s6;
	s7 =	simm.s32 @p2 $0x1082  }
0x22: {  	[simem:s7], [sflag:s8] =	dma.local @!p0 [hbm:s6], $0xF7A  }
0x23: {  	s9 =	sor.u32 $0xD0000000, s2;
	s6 =	simm.s32 $0x108;
	_ =	swait.ge @!p0 [sflag:s8], $0x0  }
0x24: {  	s3 =	sadd.s32 $0x88, s3;
	s6 =	simm.s32 @!p1 $0x1082;
	[sflag:s4] =	ssyncset.s32 $0xFFFFF086  }
0x25: {  	[simem:s6], [sflag:s4] =	dma.local [hbm:s3], $0xF7A  }
0x26: {  	[smem:$0x3F95] =	sst s1;
	(tag) =	ssettag s2;
	_ =	strace s9  }
0x27: {  	s1 =	sld [smem:$0x3FA5]  }
0x28: {  	s2 =	sld [smem:$0x3FA6]  }
0x29: {  	s4 =	sld [smem:$0x3FA8]  }
0x2a: {  	p0 =	seq.s32 s5, $0x0;
	s5 =	sld [smem:$0x3FA9]  }
0x2b: {  	s6 =	sld [smem:$0x3FAA]  }
0x2c: {  	s7 =	sld [smem:$0x3FAB]  }
0x2d: {  	s3 =	simm.s32 $0x108;
	s8 =	sld [smem:$0x3FAC]  }
0x2e: {  	s3 =	simm.s32 @!p0 $0x1082;
	s9 =	sld [smem:$0x3FAD]  }
0x2f: {  	lr =	sadd.s32 s0, s3;
	s0 =	sld [smem:$0x3FA4]  }
0x30: {  	s3 =	sld [smem:$0x3FA7]  }
0x31: {  	[smem:$0x3FB0] =	sst s10  }
0x32: {  	s10 =	sld [smem:$0x3FAE];
	_ =	sdelay $0x3  }
0x33: {  	p0 =	seq.s32 s10, $0x1;
	s10 =	sld [smem:$0x3FB0];
	_ =	sdelay $0x3  }
0x34: {  	[smem:$0x3FB0] =	sst s10  }
0x35: {  	s10 =	sld [smem:$0x3FAF];
	_ =	sdelay $0x3  }
0x36: {  	p1 =	seq.s32 s10, $0x1;
	s10 =	sld [smem:$0x3FB0];
	_ =	sdelay $0x3  }
0x37: {  	[smem:$0x3FB0] =	sst s10  }
0x38: {  	s10 =	sld [smem:$0x3FB1]  }
0x39: {  	_ = 	snop;
	(pc) =	sbr.ind lr, $3  }
0x3a: {  	_ = 	snop  }
0x3b: {  	_ = 	snop  }
0x3c: {  	p2 =	seq.s32 s10, $0x1;
	s10 =	sld [smem:$0x3FB0]  }
0x3d: {  	_ =	shalt  }
0x3e: {  	_ =	shalt  }
0x3f: {  	_ =	shalt  }
0x40: {  	_ =	shalt  }
0x41: {  	_ =	shalt  }
0x42: {  	_ =	shalt  }
0x43: {  	_ =	shalt  }
0x44: {  	_ =	shalt  }
0x45: {  	_ =	shalt  }
0x46: {  	_ =	shalt  }
0x47: {  	_ =	shalt  }
0x48: {  	_ =	shalt  }
0x49: {  	_ =	shalt  }
0x4a: {  	_ =	shalt  }
0x4b: {  	_ =	shalt  }
0x4c: {  	_ =	shalt  }
0x4d: {  	_ =	shalt  }
0x4e: {  	_ =	shalt  }
0x4f: {  	_ =	shalt  }
0x50: {  	_ =	shalt  }
0x51: {  	_ =	shalt  }
0x52: {  	_ =	shalt  }
0x53: {  	_ =	shalt  }
0x54: {  	_ =	shalt  }
0x55: {  	_ =	shalt  }
0x56: {  	_ =	shalt  }
0x57: {  	_ =	shalt  }
0x58: {  	_ =	shalt  }
0x59: {  	_ =	shalt  }
0x5a: {  	_ =	shalt  }
0x5b: {  	_ =	shalt  }
0x5c: {  	_ =	shalt  }
0x5d: {  	_ =	shalt  }
0x5e: {  	_ =	shalt  }
0x5f: {  	_ =	shalt  }
0x60: {  	_ =	shalt  }
0x61: {  	_ =	shalt  }
0x62: {  	_ =	shalt  }
0x63: {  	_ =	shalt  }
0x64: {  	_ =	shalt  }
0x65: {  	_ =	shalt  }
0x66: {  	_ =	shalt  }
0x67: {  	_ =	shalt  }
0x68: {  	_ =	shalt  }
0x69: {  	_ =	shalt  }
0x6a: {  	_ =	shalt  }
0x6b: {  	_ =	shalt  }
0x6c: {  	_ =	shalt  }
0x6d: {  	_ =	shalt  }
0x6e: {  	_ =	shalt  }
0x6f: {  	_ =	shalt  }
0x70: {  	_ =	shalt  }
0x71: {  	_ =	shalt  }
0x72: {  	_ =	shalt  }
0x73: {  	_ =	shalt  }
0x74: {  	_ =	shalt  }
0x75: {  	_ =	shalt  }
0x76: {  	_ =	shalt  }
0x77: {  	_ =	shalt  }
0x78: {  	_ =	shalt  }
0x79: {  	_ =	shalt  }
0x7a: {  	_ =	shalt  }
0x7b: {  	_ =	shalt  }
0x7c: {  	_ =	shalt  }
0x7d: {  	_ =	shalt  }
0x7e: {  	_ =	shalt  }
0x7f: {  	_ =	shalt  }
0x80: {  	_ =	shalt  }
0x81: {  	_ =	shalt  }
0x82: {  	_ =	shalt  }
0x83: {  	_ =	shalt  }
0x84: {  	_ =	shalt  }
0x85: {  	_ =	shalt  }
0x86: {  	_ =	shalt  }
0x87: {  	_ =	shalt  }
.Lfunc_end0:
.L_simem_size_0:
called_computation_lowered:
.L_overlay_start_0:
0x88: {  	s2 =	sld [smem:$0x3FD9]  }
0x89: {  	s3 =	sld [smem:$0x3FFE];
	_ =	sdelay $0x1  }
0x8a: {  	s1 =	srdreg.scid  }
0x8b: {  	s0 =	sand.u32 $0x1, s1  }
0x8c: {  	s16 =	sshll.u32 s0, $0xA;
	s2 =	sadd.s32 s3, s2  }
0x8d: {  	s2 =	sadd.s32 s2, s16  }
0x8e: {  	[smem:$0x3FBC] =	sst s2  }
0x8f: {  	_ = 	snop  }
0x90: {  	(tm) =	ssettm $0x1  }
0x91: {  	s17 =	sld [smem:$0x3FFB];
	_ =	sdelay $0x3  }
0x92: {  	_ =	strace s17  }
0x93: {  	s2 =	sld [smem:$0x3FFC];
	_ =	sdelay $0x3  }
0x94: {  	_ =	strace s2  }
0x95: {  	s2 =	sld [smem:$0x3FFD];
	_ =	sdelay $0x3  }
0x96: {  	_ =	strace s2  }
0x97: {  	_ =	strace $0x8FFFFFFF  }
0x98: {  	s18 =	sld [smem:$0x3FDB];
	_ =	sdelay $0x1  }
0x99: {  	s19 =	simm.s32 $_scs_section_size  }
0x9a: {  	s4 =	simm.s32 $_size__tile_overlayer_lowered;
	s5 =	simm.s32 $_tile_overlayer_lowered  }
0x9b: {  	s22 =	simm.s32 $0x1BFF;
	s21 =	sshll.u32 s5, $0x1;
	s2 =	sadd.s32 s19, s18  }
0x9c: {  	s6 =	simm.s32 $0x0;
	s20 =	sshll.u32 s4, $0x1;
	s4 =	sadd.s32 s21, s2  }
0x9d: {  	[timem:s6], [sflag:s22] =	dma.local [hbm:s4], s20  }
0x9e: {  	_ =	swait.ge [sflag:s22], s20  }
0x9f: {  	s3 =	ssub.s32 $0x0, s20;
	[sflag:s22] =	ssyncset.done $0x0  }
0xa0: {  	[sflag:s22] =	ssyncadd.s32 s3;
	_ =	sdelay $0x1  }
0xa1: {  	s23 =	simm.s32 $0x1B8B  }
0xa2: {  	_ =	swait.ge [sflag:s23], $0x1  }
0xa3: {  	[sflag:s23] =	ssyncset.done $0x0  }
0xa4: {  	s25 =	simm.s32 $0x1B8E;
	s24 =	sld [smem:$0x3FFE];
	[sflag:s23] =	ssyncadd.s32 $0xFFFFFFFF  }
0xa5: {  	s26 =	simm.s32 $execute0_lowered;
	[smem:$0x3FD2] =	sst s25  }
0xa6: {  	s4 =	sshll.u32 s26, $0x1;
	_ =	strace $0x80000046;
	[dreg:$0x1] =	wrdreg $0xFFFFFFFF  }
0xa7: {  	s28 =	simm.s32 $_size_execute0_lowered;
	s2 =	sadd.s32 s2, s4;
	[dreg:$0x0] =	wrdreg $0x0  }
0xa8: {  	s4 =	sshll.u32 s28, $0x1;
	[dreg:$0x2] =	wrdreg s2  }
0xa9: {  	[dreg:$0x3] =	wrdreg s4  }
0xaa: {  	[dreg:$0x4] =	wrdreg $0xC0  }
0xab: {  	_ =	task [dreg:s6], $0x5FFFF  }
0xac: {  	[dreg:$0x1] =	wrdreg $0xFFFFFFFF  }
0xad: {  	[dreg:$0x0] =	wrdreg $0x60  }
0xae: {  	[dreg:$0x2] =	wrdreg s24  }
0xaf: {  	[dreg:$0x3] =	wrdreg $0x68000  }
0xb0: {  	[dreg:$0x4] =	wrdreg $0x9  }
0xb1: {  	_ =	task.clear_ibuf [dreg:s6], $0x5FFFF;
	_ =	strace $0x90000046  }
0xb2: {  	s29 =	simm.s32 $0x9;
	_ =	strace $0x80000048  }
0xb3: {  	_ =	swait.ge [sflag:s29], $0x1  }
0xb4: {  	[sflag:s29] =	ssyncadd.s32 $0xFFFFFFFF  }
0xb5: {  	_ =	strace $0x90000048  }
0xb6: {  	_ =	sfence  }
0xb7: {  	s30 =	sld [smem:$0x0];
	_ =	sdelay $0x2  }
0xb8: {  	s31 =	sshll.u32 s1, $0xD;
	s1 =	sshrl.u32 s1, $0x2  }
0xb9: {  	s3 =	sand.u32 $0x4000, s31;
	s1 =	sadd.s32 s1, s30  }
0xba: {  	s0 =	sor.u32 s3, s0;
	s1 =	sshll.u32 s1, $0x11  }
0xbb: {  	s0 =	sor.u32 s1, s0  }
0xbc: {  	s0 =	sadd.s32 $0x8F2B, s0  }
0xbd: {  	[sflag:s0] =	ssyncadd.remote.s32 $0x1  }
0xbe: {  	_ =	sfence.sel $0xFFFF  }
0xbf: {  	[dreg:$0x0] =	wrdreg $0xFFFFFFFF;
	(pc) =	sbr.abs _section_cstart, $3  }
0xc0: {  	[dreg:$0x1] =	wrdreg $0xFFFFFFFF  }
0xc1: {  	_ =	task.clear_ibuf [dreg:s6], $0x2FFFF;
	_ =	strace $0x9FFFFFFF  }
0xc2: {  	(tm) =	ssettm $0x7FFFFFFF  }
0xc3: {  	_ =	shalt  }
tec
execute0_lowered:
.L_overlay_start_1:
0x0: {  	(tag) =	ssettag $0x1  }
0x1: {  	s1 =	srdreg.scid  }
0x2: {  	s0 =	stileid.u32;
	s7 =	rddreg [dreg:$0x0]  }
0x3: {  	s2 =	rddreg [dreg:$0x1];
	s3 =	simm.s32 $0x0;
	s12 =	simm.s32 $0x2800  }
0x4: {  	s13 =	simm.s32 $0x80;
	s14 =	simm.s32 $0x0;
	s8 =	smul.u32 $0x14000, s0  }
0x5: {  	s6 =	sand.u32 $0x1, s1;
	s29 =	sshll.u32 s0, $0x1;
	s10 =	smul.u32 $0x50000, s0  }
0x6: {  	[smem:$0x7FF] =	sst s3;
	s1 =	sor.u32 s6, s29;
	s5 =	smul.u32 $0x140000, s6  }
0x7: {  	s31 =	sshll.u32 s0, $0x6;
	s6 =	ssub.s32 $0x2, s6;
	s4 =	smul.u32 $0x500, s1  }
0x8: {  	s1 =	rddreg [dreg:$0x2];
	_ =	strace $0x80000047;
	s30 =	sshrl.u32 s6, $0x1  }
0x9: {  	s10 =	sshrl.u32 s10, $0x2;
	s8 =	sadd.s32 s8, s5;
	s5 =	sadd.s32 $0x17E00, s7  }
0xa: {  	s11 =	ssub.s32 s6, s30;
	s10 =	sadd.s32 s10, s2;
	s6 =	sor.u32 $0x1C01, s31  }
0xb: {  	s9 =	sadd.s32 s4, s7;
	s4 =	sadd.s32 $0x1A600, s7;
	s8 =	sshrl.u32 s8, $0x3  }
0xc: {  	s10 =	sshrl.u32 s10, $0x3;
	s8 =	sadd.s32 s8, s7;
	s7 =	sadd.s32 $0x3E00, s9  }
0xd: {  	s9 =	smax.u32 s11, $0x1;
	s11 =	simm.s32 $0x1;
	s8 =	sadd.s32 $0x1AE00, s8  }
.LBB2_1:
0xe: {  	[spmem:s10], [sflag:s6] =	dma.local [hbm:s5], $0x2800  }
0xf: {  	_ =	swait.ge [sflag:s11], $0x2800  }
0x10: {  	[sflag:s11] =	ssyncset.done $0x0  }
0x11: {  	[sflag:s11] =	ssyncadd.s32 $0xFFFFD800  }
0x12: {  	[tilespmem:s12], [sflag:$0x1] =	stream.linear.gather [hbm4b:s4+s3], $0x4000, $0x38;
	[tilespmem:$0x1A800] =	vst v63  }
0x13: {  	_ =	swait.ge [sflag:s11], $0x4000  }
0x14: {  	[sflag:s11] =	ssyncset.done $0x0  }
0x15: {  	[sflag:s11] =	ssyncadd.s32 $0xFFFFC000  }
0x16: {  	[tilespmem:s3], [sflag:$0x1] =	stream.linear.gather [hbm4b:s7+s3], $0x2800, $0x38;
	[tilespmem:$0x1A800] =	vst v63  }
0x17: {  	_ =	swait.ge [sflag:s11], $0x2800  }
0x18: {  	[sflag:s11] =	ssyncset.done $0x0  }
0x19: {  	[sflag:s11] =	ssyncadd.s32 $0xFFFFD800  }
0x1a: {  	s15 =	simm.s32 $0x0;
	[bflag:$0x0] =	sbarrier.arrive $0xFFFF  }
0x1b: {  	[spmem:s2] =	stream.indirect.scatter.add.f32 [tilespmem:s12], [sflag:$0x1], $0x80, s15, s13, $0xb8;
	[tilespmem:$0x1A800] =	vst v63  }
0x1c: {  	_ =	swait.ge [sflag:s11], $0x4000  }
0x1d: {  	s15 =	simm.s32 $0x200;
	[sflag:s11] =	ssyncset.done $0x0  }
.LBB2_2:
0x1e: {  	s16 =	sshra.s32 s15, $0x2;
	[sflag:s11] =	ssyncadd.s32 $0xFFFFC000;
	p0 =	sne.s32 s15, $0x9E00  }
0x1f: {  	[spmem:s2] =	stream.indirect.scatter.add.f32 [tilespmem:s12], [sflag:$0x1], $0x80, s16, s13, $0xb8;
	[tilespmem:$0x1A800] =	vst v63  }
.Ltmp0:
0x20: {  	_ = 	snop;
	(pc) =	sbr.rel @p0 .LBB2_2-.Ltmp0, $4  }
0x21: {  	_ = 	snop  }
0x22: {  	s15 =	sadd.s32 $0x200, s15  }
0x23: {  	_ =	swait.ge [sflag:s11], $0x4000  }
0x24: {  	[sflag:s11] =	ssyncset.done $0x0  }
0x25: {  	s14 =	sadd.s32 $0x1, s14  }
0x26: {  	[sflag:s11] =	ssyncadd.s32 $0xFFFFC000;
	p0 =	sne.s32 s14, s9  }
.Ltmp1:
0x27: {  	[bflag:$0x0] =	sbarrier.arrive $0xFFFF;
	(pc) =	sbr.rel @p0 .LBB2_1-.Ltmp1, $4  }
0x28: {  	[hbm:s8], [sflag:s6] =	dma.local [spmem:s10], $0x2800  }
0x29: {  	_ =	swait.ge [sflag:s11], $0x2800  }
0x2a: {  	[sflag:s11] =	ssyncset.done $0x0  }
0x2b: {  	[sflag:s11] =	ssyncadd.s32 $0xFFFFD800  }
0x2c: {  	_ =	sfence.sel $0x180000  }
0x2d: {  	[bflag:$0x0] =	sbarrier.arrive $0xFFFF  }
0x2e: {  	p0 =	sne.s32 s0, $0x0;
	_ =	strace $0x90000047  }
0x2f: {  	s0 =	sadd.s32 @!p0 $0x100000, s1;
	[bflag:$0x2] =	sbarrier.arrive $0xFFFF  }
0x30: {  	[sflag:s0] =	ssyncadd.tile.s32 @!p0 $0x1;
	_ =	shalt  }
.Lfunc_end2:
_tile_overlayer_lowered:
.L_overlay_start_2:
0x31: {  	(tag) =	ssettag $0x2  }
0x32: {  	s0 =	rddreg [dreg:$0x0];
	s2 =	stileid.u32  }
0x33: {  	s1 =	rddreg [dreg:$0x1];
	p0 =	sne.s32 s2, $0x0  }
0x34: {  	s3 =	rddreg [dreg:$0x2];
	[bflag:$0x3] =	sbarrier.arrive $0xFFFF;
	s2 =	simm.s32 @!p0 $0x1C01  }
0x35: {  	[timem:s3], [sflag:s2] =	dma.local @!p0 [hbm:s0], s1  }
0x36: {  	s0 =	simm.s32 @!p0 $0x1  }
0x37: {  	_ =	swait.ge @!p0 [sflag:s0], s1  }
0x38: {  	s1 =	ssub.s32 @!p0 $0x0, s1;
	[sflag:s0] =	ssyncset.done @!p0 $0x0  }
0x39: {  	[sflag:s0] =	ssyncadd.s32 @!p0 s1  }
0x3a: {  	[bflag:$0x3] =	sbarrier.arrive $0xFFFF  }
0x3b: {  	_ =	shalt  }

// kernel: kernel.13.cloned.1.call-start
scs
__scs_entry_jumppad:
0x0: {  	(pc) =	sbr.rel $0x88, $3  }
0x1: {  	(tag) =	ssettag $0x0;
	lr =	simm.s32 $0x1  }
0x2: {  	[smem:$0x3F95] =	sst lr;
	_ =	strace $0xD0000000  }
0x3: {  	_ = 	snop  }
0x4: {  	_ = 	snop  }
0x5: {  	_ = 	snop  }
0x6: {  	_ = 	snop  }
0x7: {  	_ = 	snop  }
__scs_overlays_trampoline_lowered:
0x8: {  	[smem:$0x3FA4] =	sst s0  }
0x9: {  	[smem:$0x3FA5] =	sst s1  }
0xa: {  	[smem:$0x3FA6] =	sst s2  }
0xb: {  	[smem:$0x3FA7] =	sst s3  }
0xc: {  	[smem:$0x3FA8] =	sst s4  }
0xd: {  	[smem:$0x3FA9] =	sst s5  }
0xe: {  	[smem:$0x3FAA] =	sst s6  }
0xf: {  	[smem:$0x3FAB] =	sst s7  }
0x10: {  	[smem:$0x3FAC] =	sst s8  }
0x11: {  	[smem:$0x3FAD] =	sst s9;
	s0 =	simm.s32 @!p0 $0x0  }
0x12: {  	s1 =	sld [smem:$0x3F93];
	s0 =	simm.s32 @p0 $0x1  }
0x13: {  	[smem:$0x3FAE] =	sst s0;
	s0 =	simm.s32 @!p1 $0x0  }
0x14: {  	s2 =	sld [smem:$0x3F92];
	s0 =	simm.s32 @p1 $0x1  }
0x15: {  	[smem:$0x3FAF] =	sst s0;
	s0 =	simm.s32 @!p2 $0x0  }
0x16: {  	s3 =	sld [smem:$0x3FDB];
	s0 =	simm.s32 @p2 $0x1  }
0x17: {  	s4 =	simm.s32 $0x1BF5;
	[smem:$0x3FB1] =	sst s0  }
0x18: {  	s0 =	sld [smem:$0x3F94];
	_ =	swait.ge [sflag:s4], $0x0  }
0x19: {  	s7 =	sld [smem:$0x3F95]  }
0x1a: {  	s8 =	sadd.s32 $0xFFFFE003, lr  }
0x1b: {  	s9 =	sadd.s32 $0xFFFFFEF7, lr;
	s5 =	simm.s32 $0xFFFFFFFF;
	p2 =	slt.u32 s8, $0xFFFFF086  }
0x1c: {  	p1 =	slt.u32 s9, $0xF7A;
	s5 =	simm.s32 @!p2 $0x0  }
0x1d: {  	s5 =	simm.s32 @p1 $0x1;
	p0 =	seq.s32 s7, s2  }
0x1e: {  	s7 =	smul.u32 @!p0 $0xF7A, s2;
	p2 =	seq.s32 @!p0 s5, $0x0  }
0x1f: {  	s9 =	smul.u32 $0xF7A, s1;
	s8 =	simm.s32 @!p0 $0x1BF5;
	p2 =	por !p2, p0  }
0x20: {  	[sflag:s8] =	ssyncset.s32 @!p0 $0xFFFFF086;
	s6 =	sadd.s32 @!p0 s3, s7;
	s7 =	simm.s32 @!p0 $0x108  }
0x21: {  	s3 =	sadd.s32 s3, s9;
	s6 =	sadd.s32 @!p0 $0x88, s6;
	s7 =	simm.s32 @p2 $0x1082  }
0x22: {  	[simem:s7], [sflag:s8] =	dma.local @!p0 [hbm:s6], $0xF7A  }
0x23: {  	s9 =	sor.u32 $0xD0000000, s2;
	s6 =	simm.s32 $0x108;
	_ =	swait.ge @!p0 [sflag:s8], $0x0  }
0x24: {  	s3 =	sadd.s32 $0x88, s3;
	s6 =	simm.s32 @!p1 $0x1082;
	[sflag:s4] =	ssyncset.s32 $0xFFFFF086  }
0x25: {  	[simem:s6], [sflag:s4] =	dma.local [hbm:s3], $0xF7A  }
0x26: {  	[smem:$0x3F95] =	sst s1;
	(tag) =	ssettag s2;
	_ =	strace s9  }
0x27: {  	s1 =	sld [smem:$0x3FA5]  }
0x28: {  	s2 =	sld [smem:$0x3FA6]  }
0x29: {  	s4 =	sld [smem:$0x3FA8]  }
0x2a: {  	p0 =	seq.s32 s5, $0x0;
	s5 =	sld [smem:$0x3FA9]  }
0x2b: {  	s6 =	sld [smem:$0x3FAA]  }
0x2c: {  	s7 =	sld [smem:$0x3FAB]  }
0x2d: {  	s3 =	simm.s32 $0x108;
	s8 =	sld [smem:$0x3FAC]  }
0x2e: {  	s3 =	simm.s32 @!p0 $0x1082;
	s9 =	sld [smem:$0x3FAD]  }
0x2f: {  	lr =	sadd.s32 s0, s3;
	s0 =	sld [smem:$0x3FA4]  }
0x30: {  	s3 =	sld [smem:$0x3FA7]  }
0x31: {  	[smem:$0x3FB0] =	sst s10  }
0x32: {  	s10 =	sld [smem:$0x3FAE];
	_ =	sdelay $0x3  }
0x33: {  	p0 =	seq.s32 s10, $0x1;
	s10 =	sld [smem:$0x3FB0];
	_ =	sdelay $0x3  }
0x34: {  	[smem:$0x3FB0] =	sst s10  }
0x35: {  	s10 =	sld [smem:$0x3FAF];
	_ =	sdelay $0x3  }
0x36: {  	p1 =	seq.s32 s10, $0x1;
	s10 =	sld [smem:$0x3FB0];
	_ =	sdelay $0x3  }
0x37: {  	[smem:$0x3FB0] =	sst s10  }
0x38: {  	s10 =	sld [smem:$0x3FB1]  }
0x39: {  	_ = 	snop;
	(pc) =	sbr.ind lr, $3  }
0x3a: {  	_ = 	snop  }
0x3b: {  	_ = 	snop  }
0x3c: {  	p2 =	seq.s32 s10, $0x1;
	s10 =	sld [smem:$0x3FB0]  }
0x3d: {  	_ =	shalt  }
0x3e: {  	_ =	shalt  }
0x3f: {  	_ =	shalt  }
0x40: {  	_ =	shalt  }
0x41: {  	_ =	shalt  }
0x42: {  	_ =	shalt  }
0x43: {  	_ =	shalt  }
0x44: {  	_ =	shalt  }
0x45: {  	_ =	shalt  }
0x46: {  	_ =	shalt  }
0x47: {  	_ =	shalt  }
0x48: {  	_ =	shalt  }
0x49: {  	_ =	shalt  }
0x4a: {  	_ =	shalt  }
0x4b: {  	_ =	shalt  }
0x4c: {  	_ =	shalt  }
0x4d: {  	_ =	shalt  }
0x4e: {  	_ =	shalt  }
0x4f: {  	_ =	shalt  }
0x50: {  	_ =	shalt  }
0x51: {  	_ =	shalt  }
0x52: {  	_ =	shalt  }
0x53: {  	_ =	shalt  }
0x54: {  	_ =	shalt  }
0x55: {  	_ =	shalt  }
0x56: {  	_ =	shalt  }
0x57: {  	_ =	shalt  }
0x58: {  	_ =	shalt  }
0x59: {  	_ =	shalt  }
0x5a: {  	_ =	shalt  }
0x5b: {  	_ =	shalt  }
0x5c: {  	_ =	shalt  }
0x5d: {  	_ =	shalt  }
0x5e: {  	_ =	shalt  }
0x5f: {  	_ =	shalt  }
0x60: {  	_ =	shalt  }
0x61: {  	_ =	shalt  }
0x62: {  	_ =	shalt  }
0x63: {  	_ =	shalt  }
0x64: {  	_ =	shalt  }
0x65: {  	_ =	shalt  }
0x66: {  	_ =	shalt  }
0x67: {  	_ =	shalt  }
0x68: {  	_ =	shalt  }
0x69: {  	_ =	shalt  }
0x6a: {  	_ =	shalt  }
0x6b: {  	_ =	shalt  }
0x6c: {  	_ =	shalt  }
0x6d: {  	_ =	shalt  }
0x6e: {  	_ =	shalt  }
0x6f: {  	_ =	shalt  }
0x70: {  	_ =	shalt  }
0x71: {  	_ =	shalt  }
0x72: {  	_ =	shalt  }
0x73: {  	_ =	shalt  }
0x74: {  	_ =	shalt  }
0x75: {  	_ =	shalt  }
0x76: {  	_ =	shalt  }
0x77: {  	_ =	shalt  }
0x78: {  	_ =	shalt  }
0x79: {  	_ =	shalt  }
0x7a: {  	_ =	shalt  }
0x7b: {  	_ =	shalt  }
0x7c: {  	_ =	shalt  }
0x7d: {  	_ =	shalt  }
0x7e: {  	_ =	shalt  }
0x7f: {  	_ =	shalt  }
0x80: {  	_ =	shalt  }
0x81: {  	_ =	shalt  }
0x82: {  	_ =	shalt  }
0x83: {  	_ =	shalt  }
0x84: {  	_ =	shalt  }
0x85: {  	_ =	shalt  }
0x86: {  	_ =	shalt  }
0x87: {  	_ =	shalt  }
.Lfunc_end0:
.L_simem_size_0:
called_computation.1_lowered:
.L_overlay_start_0:
0x88: {  	s2 =	sld [smem:$0x3FD9]  }
0x89: {  	s3 =	sld [smem:$0x3FFE];
	_ =	sdelay $0x1  }
0x8a: {  	s1 =	srdreg.scid  }
0x8b: {  	s0 =	sand.u32 $0x1, s1  }
0x8c: {  	s16 =	sshll.u32 s0, $0xA;
	s2 =	sadd.s32 s3, s2  }
0x8d: {  	s2 =	sadd.s32 s2, s16  }
0x8e: {  	[smem:$0x3FBC] =	sst s2  }
0x8f: {  	_ = 	snop  }
0x90: {  	(tm) =	ssettm $0x1  }
0x91: {  	s17 =	sld [smem:$0x3FFB];
	_ =	sdelay $0x3  }
0x92: {  	_ =	strace s17  }
0x93: {  	s2 =	sld [smem:$0x3FFC];
	_ =	sdelay $0x3  }
0x94: {  	_ =	strace s2  }
0x95: {  	s2 =	sld [smem:$0x3FFD];
	_ =	sdelay $0x3  }
0x96: {  	_ =	strace s2  }
0x97: {  	_ =	strace $0x8FFFFFFF  }
0x98: {  	s18 =	sld [smem:$0x3FDB];
	_ =	sdelay $0x1  }
0x99: {  	s19 =	simm.s32 $_scs_section_size  }
0x9a: {  	s4 =	simm.s32 $_size__tile_overlayer_lowered;
	s5 =	simm.s32 $_tile_overlayer_lowered  }
0x9b: {  	s22 =	simm.s32 $0x1BFF;
	s21 =	sshll.u32 s5, $0x1;
	s2 =	sadd.s32 s19, s18  }
0x9c: {  	s6 =	simm.s32 $0x0;
	s20 =	sshll.u32 s4, $0x1;
	s4 =	sadd.s32 s21, s2  }
0x9d: {  	[timem:s6], [sflag:s22] =	dma.local [hbm:s4], s20  }
0x9e: {  	_ =	swait.ge [sflag:s22], s20  }
0x9f: {  	s3 =	ssub.s32 $0x0, s20;
	[sflag:s22] =	ssyncset.done $0x0  }
0xa0: {  	[sflag:s22] =	ssyncadd.s32 s3;
	_ =	sdelay $0x1  }
0xa1: {  	s23 =	simm.s32 $0x1B8B  }
0xa2: {  	_ =	swait.ge [sflag:s23], $0x1  }
0xa3: {  	[sflag:s23] =	ssyncset.done $0x0  }
0xa4: {  	s25 =	simm.s32 $0x1B8E;
	s24 =	sld [smem:$0x3FFE];
	[sflag:s23] =	ssyncadd.s32 $0xFFFFFFFF  }
0xa5: {  	s26 =	simm.s32 $execute0_lowered;
	[smem:$0x3FD2] =	sst s25  }
0xa6: {  	s4 =	sshll.u32 s26, $0x1;
	_ =	strace $0x80000049;
	[dreg:$0x1] =	wrdreg $0xFFFFFFFF  }
0xa7: {  	s28 =	simm.s32 $_size_execute0_lowered;
	s2 =	sadd.s32 s2, s4;
	[dreg:$0x0] =	wrdreg $0x0  }
0xa8: {  	s4 =	sshll.u32 s28, $0x1;
	[dreg:$0x2] =	wrdreg s2  }
0xa9: {  	[dreg:$0x3] =	wrdreg s4  }
0xaa: {  	[dreg:$0x4] =	wrdreg $0xC0  }
0xab: {  	_ =	task [dreg:s6], $0x5FFFF  }
0xac: {  	[dreg:$0x1] =	wrdreg $0xFFFFFFFF  }
0xad: {  	[dreg:$0x0] =	wrdreg $0x60  }
0xae: {  	[dreg:$0x2] =	wrdreg s24  }
0xaf: {  	[dreg:$0x3] =	wrdreg $0x90000  }
0xb0: {  	[dreg:$0x4] =	wrdreg $0x9  }
0xb1: {  	_ =	task.clear_ibuf [dreg:s6], $0x5FFFF;
	_ =	strace $0x90000049  }
0xb2: {  	s29 =	simm.s32 $0x9;
	_ =	strace $0x8000004B  }
0xb3: {  	_ =	swait.ge [sflag:s29], $0x1  }
0xb4: {  	[sflag:s29] =	ssyncadd.s32 $0xFFFFFFFF  }
0xb5: {  	_ =	strace $0x9000004B  }
0xb6: {  	_ =	sfence  }
0xb7: {  	s30 =	sld [smem:$0x0];
	_ =	sdelay $0x2  }
0xb8: {  	s31 =	sshll.u32 s1, $0xD;
	s1 =	sshrl.u32 s1, $0x2  }
0xb9: {  	s3 =	sand.u32 $0x4000, s31;
	s1 =	sadd.s32 s1, s30  }
0xba: {  	s0 =	sor.u32 s3, s0;
	s1 =	sshll.u32 s1, $0x11  }
0xbb: {  	s0 =	sor.u32 s1, s0  }
0xbc: {  	s0 =	sadd.s32 $0x8F2B, s0  }
0xbd: {  	[sflag:s0] =	ssyncadd.remote.s32 $0x1  }
0xbe: {  	_ =	sfence.sel $0xFFFF  }
0xbf: {  	[dreg:$0x0] =	wrdreg $0xFFFFFFFF;
	(pc) =	sbr.abs _section_cstart, $3  }
0xc0: {  	[dreg:$0x1] =	wrdreg $0xFFFFFFFF  }
0xc1: {  	_ =	task.clear_ibuf [dreg:s6], $0x2FFFF;
	_ =	strace $0x9FFFFFFF  }
0xc2: {  	(tm) =	ssettm $0x7FFFFFFF  }
0xc3: {  	_ =	shalt  }
tec
execute0_lowered:
.L_overlay_start_1:
0x0: {  	(tag) =	ssettag $0x1  }
0x1: {  	s0 =	rddreg [dreg:$0x0]  }
0x2: {  	s1 =	rddreg [dreg:$0x1]  }
0x3: {  	s3 =	simm.s32 $0x0;
	s2 =	srdreg.scid;
	s11 =	stileid.u32  }
0x4: {  	s12 =	simm.s32 $0x580;
	s28 =	simm.s32 $0x780;
	s29 =	simm.s32 $0xF00  }
0x5: {  	s30 =	simm.s32 $0xF80;
	[smem:$0x7FF] =	sst s3;
	s7 =	smul.u32 $0x14000, s11  }
0x6: {  	s2 =	sand.u32 $0x1, s2;
	s6 =	sadd.s32 $0x6AE00, s0;
	s9 =	smul.u32 $0x50000, s11  }
0x7: {  	s8 =	sadd.s32 $0xDE00, s0;
	s4 =	sadd.s32 $0x74E00, s0;
	s18 =	smul.u32 $0x700, s11  }
0x8: {  	s10 =	sadd.s32 $0x17E00, s0;
	s20 =	smul.u32 $0x300, s11;
	s11 =	simm.s32 $0x500  }
0x9: {  	s5 =	smul.u32 $0x140000, s2;
	_ =	strace $0x8000004A;
	[dreg:$0x7] =	wrdreg s10  }
0xa: {  	s13 =	ssub.s32 $0x2, s2;
	p0 =	seq.s32 s2, $0x1;
	s10 =	simm.s32 $0xC80  }
0xb: {  	s2 =	simm.s32 $0x0;
	s14 =	sshrl.u32 s13, $0x1;
	s9 =	sshrl.u32 s9, $0x2  }
0xc: {  	s21 =	sadd.s32 s18, s8;
	s22 =	sadd.s32 s18, s6;
	s23 =	sadd.s32 s20, s8  }
0xd: {  	s25 =	sadd.s32 s20, s6;
	s18 =	simm.s32 $0x1;
	s8 =	simm.s32 $0x480  }
0xe: {  	s6 =	simm.s32 $0xD00;
	s20 =	simm.s32 $0xD80;
	s5 =	sadd.s32 s7, s5  }
0xf: {  	s15 =	ssub.s32 s13, s14;
	s31 =	sadd.s32 s9, s1;
	[dreg:$0x3] =	wrdreg s21  }
0x10: {  	[dreg:$0x4] =	wrdreg s22;
	s24 =	sadd.s32 $0x7000, s23;
	s26 =	sadd.s32 $0x7000, s25  }
0x11: {  	s13 =	simm.s32 $0x1000;
	s14 =	simm.s32 $0x4;
	s21 =	simm.s32 $0x3  }
0x12: {  	s7 =	simm.s32 $0x400;
	s22 =	simm.s32 $0x600;
	[dreg:$0x5] =	wrdreg s24  }
0x13: {  	s23 =	simm.s32 $0x680;
	s25 =	simm.s32 $0xE80;
	[dreg:$0x6] =	wrdreg s26  }
0x14: {  	s5 =	sshrl.u32 s5, $0x3;
	s16 =	sadd.s32 $0x4000, s31;
	[dreg:$0x8] =	wrdreg s31  }
0x15: {  	s17 =	sadd.s32 $0x8000, s31;
	s9 =	sadd.s32 $0xC000, s31;
	[dreg:$0x9] =	wrdreg s16  }
0x16: {  	s19 =	sadd.s32 $0x10000, s31;
	s24 =	simm.s32 $0xE00;
	[dreg:$0xa] =	wrdreg s17  }
.Ltmp0:
0x17: {  	s26 =	simm.s32 $0x700;
	[dreg:$0xb] =	wrdreg s9;
	(pc) =	sbr.rel .LBB2_1-.Ltmp0, $4  }
0x18: {  	s0 =	sadd.s32 s5, s0;
	[dreg:$0xc] =	wrdreg s19;
	s5 =	smax.u32 s15, $0x1  }
0x19: {  	s15 =	simm.s32 $0x800;
	s16 =	simm.s32 $0x80;
	s17 =	simm.s32 $0x5000  }
0x1a: {  	s19 =	simm.s32 $0x2;
	s0 =	sadd.s32 $0x9CE00, s0;
	[dreg:$0xe] =	wrdreg s5  }
0x1b: {  	s9 =	simm.s32 $0xC00;
	s5 =	simm.s32 $0xB80;
	[dreg:$0xd] =	wrdreg s0  }
.LBB2_7:
0x1c: {  	[sflag:s21] =	ssyncadd.s32 $0xFFFFC000  }
.LBB2_8:
0x1d: {  	s0 =	stileid.u32;
	[bflag:$0x0] =	sbarrier.arrive $0xFFFF  }
0x1e: {  	s0 =	sshll.u32 s0, $0x6;
	s2 =	rddreg [dreg:$0x8]  }
0x1f: {  	s31 =	rddreg [dreg:$0xd];
	s0 =	sor.u32 $0x1C04, s0  }
0x20: {  	[dreg:$0x10] =	wrdreg s0  }
0x21: {  	s2 =	sshrl.u32 s2, $0x3;
	s0 =	rddreg [dreg:$0x10]  }
0x22: {  	[hbm:s31], [sflag:s0] =	dma.local [spmem:s2], $0x2800  }
0x23: {  	s31 =	rddreg [dreg:$0x8];
	_ =	swait.ge [sflag:s14], $0x2800  }
0x24: {  	s0 =	rddreg [dreg:$0xf]  }
0x25: {  	s2 =	sadd.s32 $0x1, s0;
	s0 =	rddreg [dreg:$0xe]  }
0x26: {  	p1 =	sne.s32 s2, s0  }
.Ltmp1:
0x27: {  	_ = 	snop;
	(pc) =	sbr.rel @!p1 .LBB2_9-.Ltmp1, $3  }
0x28: {  	_ =	sdelay $0x1  }
0x29: {  	[sflag:s14] =	ssyncset.done $0x0  }
0x2a: {  	[sflag:s14] =	ssyncadd.s32 $0xFFFFD800  }
.LBB2_1:
0x2b: {  	[dreg:$0xf] =	wrdreg s2  }
0x2c: {  	s0 =	rddreg [dreg:$0x7]  }
0x2d: {  	[tilespmem:s13], [sflag:$0x4] =	stream.linear.gather [hbm4b:s0+s3], $0x4000, $0x38;
	[tilespmem:$0x1D000] =	vst v63  }
0x2e: {  	_ =	swait.ge [sflag:s14], $0x4000  }
0x2f: {  	[sflag:s14] =	ssyncset.done $0x0  }
0x30: {  	[sflag:s14] =	ssyncadd.s32 $0xFFFFC000  }
0x31: {  	[spmem:s31] =	stream.linear.scatter [tilespmem:s13], [sflag:$0x4], $0x4000, $0x38;
	[tilespmem:$0x1D000] =	vst v63  }
0x32: {  	_ =	swait.ge [sflag:s14], $0x4000  }
0x33: {  	[sflag:s14] =	ssyncset.done $0x0  }
0x34: {  	s2 =	rddreg [dreg:$0x9];
	[sflag:s14] =	ssyncadd.s32 $0xFFFFC000  }
0x35: {  	[spmem:s2] =	stream.linear.scatter [tilespmem:s13], [sflag:$0x4], $0x4000, $0x38;
	[tilespmem:$0x1D000] =	vst v63  }
0x36: {  	_ =	swait.ge [sflag:s14], $0x4000  }
0x37: {  	[sflag:s14] =	ssyncset.done $0x0  }
0x38: {  	s31 =	rddreg [dreg:$0xa];
	[sflag:s14] =	ssyncadd.s32 $0xFFFFC000  }
0x39: {  	[spmem:s31] =	stream.linear.scatter [tilespmem:s13], [sflag:$0x4], $0x4000, $0x38;
	[tilespmem:$0x1D000] =	vst v63  }
0x3a: {  	_ =	swait.ge [sflag:s14], $0x4000  }
0x3b: {  	[sflag:s14] =	ssyncset.done $0x0  }
0x3c: {  	s2 =	rddreg [dreg:$0xb];
	[sflag:s14] =	ssyncadd.s32 $0xFFFFC000  }
0x3d: {  	[spmem:s2] =	stream.linear.scatter [tilespmem:s13], [sflag:$0x4], $0x4000, $0x38;
	[tilespmem:$0x1D000] =	vst v63  }
0x3e: {  	_ =	swait.ge [sflag:s14], $0x4000  }
0x3f: {  	[sflag:s14] =	ssyncset.done $0x0  }
0x40: {  	s31 =	rddreg [dreg:$0xc];
	[sflag:s14] =	ssyncadd.s32 $0xFFFFC000  }
0x41: {  	[spmem:s31] =	stream.linear.scatter [tilespmem:s13], [sflag:$0x4], $0x4000, $0x38;
	[tilespmem:$0x1D000] =	vst v63  }
.Ltmp2:
0x42: {  	_ =	swait.ge [sflag:s14], $0x4000;
	(pc) =	sbr.rel @!p0 .LBB2_2-.Ltmp2, $3  }
0x43: {  	[sflag:s14] =	ssyncset.done $0x0  }
0x44: {  	[sflag:s14] =	ssyncadd.s32 $0xFFFFC000  }
0x45: {  	[bflag:$0x0] =	sbarrier.arrive $0xFFFF;
	_ =	sdelay $0x1  }
0x46: {  	s0 =	rddreg [dreg:$0x6]  }
0x47: {  	s0 =	sadd.s32 $0x0, s0  }
0x48: {  	[tilespmem:s3], [sflag:$0x4] =	stream.linear.gather [hbm4b:s0+s3], $0x800, $0x38;
	[tilespmem:$0x1D000] =	vst v63  }
0x49: {  	_ =	swait.ge [sflag:s14], $0x800  }
0x4a: {  	s2 =	rddreg [dreg:$0x5];
	[sflag:s14] =	ssyncset.done $0x0  }
0x4b: {  	[sflag:s14] =	ssyncadd.s32 $0xFFFFF800;
	s0 =	sadd.s32 $0x0, s2  }
0x4c: {  	[tilespmem:s15], [sflag:$0x4] =	stream.linear.gather [hbm4b:s0+s3], $0x800, $0x38;
	[tilespmem:$0x1D000] =	vst v63  }
0x4d: {  	_ =	swait.ge [sflag:s14], $0x800  }
0x4e: {  	[sflag:s14] =	ssyncset.done $0x0  }
0x4f: {  	[sflag:s14] =	ssyncadd.s32 $0xFFFFF800  }
0x50: {  	[tilespmem:s13], [sflag:$0x1] =	stream.indirect.gather [hbm4b:s4+s16], $0x80, s3, s16, $0xb8;
	[tilespmem:$0x1D000] =	vst v63  }
0x51: {  	_ = 	snop  }
0x52: {  	[tilespmem:s17], [sflag:$0x2] =	stream.indirect.gather [hbm4b:s4+s16], $0x80, s16, s16, $0xb8;
	[tilespmem:$0x1D000] =	vst v63  }
0x53: {  	_ =	swait.ge [sflag:s18], $0x4000  }
0x54: {  	[sflag:s18] =	ssyncset.done $0x0  }
0x55: {  	[sflag:s18] =	ssyncadd.s32 $0xFFFFC000  }
0x56: {  	[spmem:s1] =	stream.indirect.scatter.add.f32 [tilespmem:s13], [sflag:$0x3], $0x80, s15, s16, $0xb8;
	[tilespmem:$0x1D000] =	vst v63  }
0x57: {  	_ =	swait.ge [sflag:s19], $0x4000  }
0x58: {  	[sflag:s19] =	ssyncset.done $0x0  }
0x59: {  	s2 =	simm.s32 $0x880;
	[sflag:s19] =	ssyncadd.s32 $0xFFFFC000  }
0x5a: {  	[spmem:s1] =	stream.indirect.scatter.add.f32 [tilespmem:s17], [sflag:$0x3], $0x80, s2, s16, $0xb8;
	[tilespmem:$0x1D000] =	vst v63  }
0x5b: {  	_ =	swait.ge [sflag:s21], $0x4000  }
0x5c: {  	[sflag:s21] =	ssyncset.done $0x0  }
0x5d: {  	[sflag:s21] =	ssyncadd.s32 $0xFFFFC000  }
0x5e: {  	_ =	swait.ge [sflag:s21], $0x4000  }
0x5f: {  	[sflag:s21] =	ssyncset.done $0x0  }
0x60: {  	s2 =	simm.s32 $0x100;
	[sflag:s21] =	ssyncadd.s32 $0xFFFFC000  }
0x61: {  	[tilespmem:s13], [sflag:$0x1] =	stream.indirect.gather [hbm4b:s4+s16], $0x80, s2, s16, $0xb8;
	[tilespmem:$0x1D000] =	vst v63  }
0x62: {  	s2 =	simm.s32 $0x180  }
0x63: {  	[tilespmem:s17], [sflag:$0x2] =	stream.indirect.gather [hbm4b:s4+s16], $0x80, s2, s16, $0xb8;
	[tilespmem:$0x1D000] =	vst v63  }
0x64: {  	_ =	swait.ge [sflag:s18], $0x4000  }
0x65: {  	[sflag:s18] =	ssyncset.done $0x0  }
0x66: {  	s2 =	simm.s32 $0x900;
	[sflag:s18] =	ssyncadd.s32 $0xFFFFC000  }
0x67: {  	[spmem:s1] =	stream.indirect.scatter.add.f32 [tilespmem:s13], [sflag:$0x3], $0x80, s2, s16, $0xb8;
	[tilespmem:$0x1D000] =	vst v63  }
0x68: {  	_ =	swait.ge [sflag:s19], $0x4000  }
0x69: {  	[sflag:s19] =	ssyncset.done $0x0  }
0x6a: {  	s2 =	simm.s32 $0x980;
	[sflag:s19] =	ssyncadd.s32 $0xFFFFC000  }
0x6b: {  	[spmem:s1] =	stream.indirect.scatter.add.f32 [tilespmem:s17], [sflag:$0x3], $0x80, s2, s16, $0xb8;
	[tilespmem:$0x1D000] =	vst v63  }
0x6c: {  	_ =	swait.ge [sflag:s21], $0x4000  }
0x6d: {  	[sflag:s21] =	ssyncset.done $0x0  }
0x6e: {  	[sflag:s21] =	ssyncadd.s32 $0xFFFFC000  }
0x6f: {  	_ =	swait.ge [sflag:s21], $0x4000  }
0x70: {  	[sflag:s21] =	ssyncset.done $0x0  }
0x71: {  	s2 =	simm.s32 $0x200;
	[sflag:s21] =	ssyncadd.s32 $0xFFFFC000  }
0x72: {  	[tilespmem:s13], [sflag:$0x1] =	stream.indirect.gather [hbm4b:s4+s16], $0x80, s2, s16, $0xb8;
	[tilespmem:$0x1D000] =	vst v63  }
0x73: {  	s2 =	simm.s32 $0x280  }
0x74: {  	[tilespmem:s17], [sflag:$0x2] =	stream.indirect.gather [hbm4b:s4+s16], $0x80, s2, s16, $0xb8;
	[tilespmem:$0x1D000] =	vst v63  }
0x75: {  	_ =	swait.ge [sflag:s18], $0x4000  }
0x76: {  	[sflag:s18] =	ssyncset.done $0x0  }
0x77: {  	s2 =	simm.s32 $0xA00;
	[sflag:s18] =	ssyncadd.s32 $0xFFFFC000  }
0x78: {  	[spmem:s1] =	stream.indirect.scatter.add.f32 [tilespmem:s13], [sflag:$0x3], $0x80, s2, s16, $0xb8;
	[tilespmem:$0x1D000] =	vst v63  }
0x79: {  	_ =	swait.ge [sflag:s19], $0x4000  }
0x7a: {  	[sflag:s19] =	ssyncset.done $0x0  }
0x7b: {  	s2 =	simm.s32 $0xA80;
	[sflag:s19] =	ssyncadd.s32 $0xFFFFC000  }
0x7c: {  	[spmem:s1] =	stream.indirect.scatter.add.f32 [tilespmem:s17], [sflag:$0x3], $0x80, s2, s16, $0xb8;
	[tilespmem:$0x1D000] =	vst v63  }
0x7d: {  	_ =	swait.ge [sflag:s21], $0x4000  }
0x7e: {  	[sflag:s21] =	ssyncset.done $0x0  }
0x7f: {  	[sflag:s21] =	ssyncadd.s32 $0xFFFFC000  }
0x80: {  	_ =	swait.ge [sflag:s21], $0x4000  }
0x81: {  	[sflag:s21] =	ssyncset.done $0x0  }
0x82: {  	s2 =	simm.s32 $0x300;
	[sflag:s21] =	ssyncadd.s32 $0xFFFFC000  }
0x83: {  	[tilespmem:s13], [sflag:$0x1] =	stream.indirect.gather [hbm4b:s4+s16], $0x80, s2, s16, $0xb8;
	[tilespmem:$0x1D000] =	vst v63  }
0x84: {  	s2 =	simm.s32 $0x380  }
0x85: {  	[tilespmem:s17], [sflag:$0x2] =	stream.indirect.gather [hbm4b:s4+s16], $0x80, s2, s16, $0xb8;
	[tilespmem:$0x1D000] =	vst v63  }
0x86: {  	_ =	swait.ge [sflag:s18], $0x4000  }
0x87: {  	[sflag:s18] =	ssyncset.done $0x0  }
0x88: {  	s2 =	simm.s32 $0xB00;
	[sflag:s18] =	ssyncadd.s32 $0xFFFFC000  }
0x89: {  	[spmem:s1] =	stream.indirect.scatter.add.f32 [tilespmem:s13], [sflag:$0x3], $0x80, s2, s16, $0xb8;
	[tilespmem:$0x1D000] =	vst v63  }
0x8a: {  	_ =	swait.ge [sflag:s19], $0x4000  }
0x8b: {  	[sflag:s19] =	ssyncset.done $0x0  }
0x8c: {  	[sflag:s19] =	ssyncadd.s32 $0xFFFFC000  }
0x8d: {  	[spmem:s1] =	stream.indirect.scatter.add.f32 [tilespmem:s17], [sflag:$0x3], $0x80, s5, s16, $0xb8;
	[tilespmem:$0x1D000] =	vst v63  }
0x8e: {  	_ =	swait.ge [sflag:s21], $0x4000  }
0x8f: {  	[sflag:s21] =	ssyncset.done $0x0  }
0x90: {  	[sflag:s21] =	ssyncadd.s32 $0xFFFFC000  }
0x91: {  	_ =	swait.ge [sflag:s21], $0x4000  }
0x92: {  	[sflag:s21] =	ssyncset.done $0x0  }
0x93: {  	[sflag:s21] =	ssyncadd.s32 $0xFFFFC000  }
0x94: {  	[tilespmem:s13], [sflag:$0x1] =	stream.indirect.gather [hbm4b:s4+s16], $0x80, s7, s16, $0xb8;
	[tilespmem:$0x1D000] =	vst v63  }
0x95: {  	_ = 	snop  }
0x96: {  	[tilespmem:s17], [sflag:$0x2] =	stream.indirect.gather [hbm4b:s4+s16], $0x80, s8, s16, $0xb8;
	[tilespmem:$0x1D000] =	vst v63  }
0x97: {  	_ =	swait.ge [sflag:s18], $0x4000  }
0x98: {  	[sflag:s18] =	ssyncset.done $0x0  }
0x99: {  	[sflag:s18] =	ssyncadd.s32 $0xFFFFC000  }
0x9a: {  	[spmem:s1] =	stream.indirect.scatter.add.f32 [tilespmem:s13], [sflag:$0x3], $0x80, s9, s16, $0xb8;
	[tilespmem:$0x1D000] =	vst v63  }
0x9b: {  	_ =	swait.ge [sflag:s19], $0x4000  }
0x9c: {  	[sflag:s19] =	ssyncset.done $0x0  }
0x9d: {  	[sflag:s19] =	ssyncadd.s32 $0xFFFFC000  }
0x9e: {  	[spmem:s1] =	stream.indirect.scatter.add.f32 [tilespmem:s17], [sflag:$0x3], $0x80, s10, s16, $0xb8;
	[tilespmem:$0x1D000] =	vst v63  }
0x9f: {  	_ =	swait.ge [sflag:s21], $0x4000  }
0xa0: {  	[sflag:s21] =	ssyncset.done $0x0  }
0xa1: {  	[sflag:s21] =	ssyncadd.s32 $0xFFFFC000  }
0xa2: {  	_ =	swait.ge [sflag:s21], $0x4000  }
0xa3: {  	[sflag:s21] =	ssyncset.done $0x0  }
0xa4: {  	[sflag:s21] =	ssyncadd.s32 $0xFFFFC000  }
0xa5: {  	[tilespmem:s13], [sflag:$0x1] =	stream.indirect.gather [hbm4b:s4+s16], $0x80, s11, s16, $0xb8;
	[tilespmem:$0x1D000] =	vst v63  }
0xa6: {  	_ = 	snop  }
0xa7: {  	[tilespmem:s17], [sflag:$0x2] =	stream.indirect.gather [hbm4b:s4+s16], $0x80, s12, s16, $0xb8;
	[tilespmem:$0x1D000] =	vst v63  }
0xa8: {  	_ =	swait.ge [sflag:s18], $0x4000  }
0xa9: {  	[sflag:s18] =	ssyncset.done $0x0  }
0xaa: {  	[sflag:s18] =	ssyncadd.s32 $0xFFFFC000  }
0xab: {  	[spmem:s1] =	stream.indirect.scatter.add.f32 [tilespmem:s13], [sflag:$0x3], $0x80, s6, s16, $0xb8;
	[tilespmem:$0x1D000] =	vst v63  }
0xac: {  	_ =	swait.ge [sflag:s19], $0x4000  }
0xad: {  	[sflag:s19] =	ssyncset.done $0x0  }
0xae: {  	[sflag:s19] =	ssyncadd.s32 $0xFFFFC000  }
0xaf: {  	[spmem:s1] =	stream.indirect.scatter.add.f32 [tilespmem:s17], [sflag:$0x3], $0x80, s20, s16, $0xb8;
	[tilespmem:$0x1D000] =	vst v63  }
0xb0: {  	_ =	swait.ge [sflag:s21], $0x4000  }
0xb1: {  	[sflag:s21] =	ssyncset.done $0x0  }
0xb2: {  	[sflag:s21] =	ssyncadd.s32 $0xFFFFC000  }
0xb3: {  	_ =	swait.ge [sflag:s21], $0x4000  }
0xb4: {  	[sflag:s21] =	ssyncset.done $0x0  }
0xb5: {  	[sflag:s21] =	ssyncadd.s32 $0xFFFFC000  }
0xb6: {  	[tilespmem:s13], [sflag:$0x1] =	stream.indirect.gather [hbm4b:s4+s16], $0x80, s22, s16, $0xb8;
	[tilespmem:$0x1D000] =	vst v63  }
0xb7: {  	_ = 	snop  }
0xb8: {  	[tilespmem:s17], [sflag:$0x2] =	stream.indirect.gather [hbm4b:s4+s16], $0x80, s23, s16, $0xb8;
	[tilespmem:$0x1D000] =	vst v63  }
0xb9: {  	_ =	swait.ge [sflag:s18], $0x4000  }
0xba: {  	[sflag:s18] =	ssyncset.done $0x0  }
0xbb: {  	[sflag:s18] =	ssyncadd.s32 $0xFFFFC000  }
0xbc: {  	[spmem:s1] =	stream.indirect.scatter.add.f32 [tilespmem:s13], [sflag:$0x3], $0x80, s24, s16, $0xb8;
	[tilespmem:$0x1D000] =	vst v63  }
0xbd: {  	_ =	swait.ge [sflag:s19], $0x4000  }
0xbe: {  	[sflag:s19] =	ssyncset.done $0x0  }
0xbf: {  	[sflag:s19] =	ssyncadd.s32 $0xFFFFC000  }
0xc0: {  	[spmem:s1] =	stream.indirect.scatter.add.f32 [tilespmem:s17], [sflag:$0x3], $0x80, s25, s16, $0xb8;
	[tilespmem:$0x1D000] =	vst v63  }
0xc1: {  	_ =	swait.ge [sflag:s21], $0x4000  }
0xc2: {  	[sflag:s21] =	ssyncset.done $0x0  }
0xc3: {  	[sflag:s21] =	ssyncadd.s32 $0xFFFFC000  }
0xc4: {  	_ =	swait.ge [sflag:s21], $0x4000  }
0xc5: {  	[sflag:s21] =	ssyncset.done $0x0  }
0xc6: {  	[sflag:s21] =	ssyncadd.s32 $0xFFFFC000  }
0xc7: {  	[tilespmem:s13], [sflag:$0x1] =	stream.indirect.gather [hbm4b:s4+s16], $0x80, s26, s16, $0xb8;
	[tilespmem:$0x1D000] =	vst v63  }
0xc8: {  	_ = 	snop  }
0xc9: {  	[tilespmem:s17], [sflag:$0x2] =	stream.indirect.gather [hbm4b:s4+s16], $0x80, s28, s16, $0xb8;
	[tilespmem:$0x1D000] =	vst v63  }
0xca: {  	_ =	swait.ge [sflag:s18], $0x4000  }
0xcb: {  	[sflag:s18] =	ssyncset.done $0x0  }
0xcc: {  	[sflag:s18] =	ssyncadd.s32 $0xFFFFC000  }
0xcd: {  	[spmem:s1] =	stream.indirect.scatter.add.f32 [tilespmem:s13], [sflag:$0x3], $0x80, s29, s16, $0xb8;
	[tilespmem:$0x1D000] =	vst v63  }
0xce: {  	_ =	swait.ge [sflag:s19], $0x4000  }
0xcf: {  	[sflag:s19] =	ssyncset.done $0x0  }
0xd0: {  	[sflag:s19] =	ssyncadd.s32 $0xFFFFC000  }
0xd1: {  	[spmem:s1] =	stream.indirect.scatter.add.f32 [tilespmem:s17], [sflag:$0x3], $0x80, s30, s16, $0xb8;
	[tilespmem:$0x1D000] =	vst v63  }
0xd2: {  	_ =	swait.ge [sflag:s21], $0x4000  }
0xd3: {  	[sflag:s21] =	ssyncset.done $0x0  }
0xd4: {  	[sflag:s21] =	ssyncadd.s32 $0xFFFFC000  }
0xd5: {  	_ =	swait.ge [sflag:s21], $0x4000  }
0xd6: {  	s31 =	simm.s32 $0x100;
	[sflag:s21] =	ssyncset.done $0x0  }
.LBB2_6:
0xd7: {  	s0 =	rddreg [dreg:$0x6];
	s2 =	smov.u32 s31  }
0xd8: {  	[sflag:s21] =	ssyncadd.s32 $0xFFFFC000;
	s0 =	sadd.s32 s2, s0  }
0xd9: {  	[tilespmem:s3], [sflag:$0x4] =	stream.linear.gather [hbm4b:s0+s3], $0x800, $0x38;
	[tilespmem:$0x1D000] =	vst v63  }
0xda: {  	_ =	swait.ge [sflag:s14], $0x800  }
0xdb: {  	s0 =	rddreg [dreg:$0x5];
	[sflag:s14] =	ssyncset.done $0x0  }
0xdc: {  	[sflag:s14] =	ssyncadd.s32 $0xFFFFF800;
	s0 =	sadd.s32 s2, s0  }
0xdd: {  	[tilespmem:s15], [sflag:$0x4] =	stream.linear.gather [hbm4b:s0+s3], $0x800, $0x38;
	[tilespmem:$0x1D000] =	vst v63  }
0xde: {  	_ =	swait.ge [sflag:s14], $0x800  }
0xdf: {  	[sflag:s14] =	ssyncset.done $0x0  }
0xe0: {  	[sflag:s14] =	ssyncadd.s32 $0xFFFFF800  }
0xe1: {  	[tilespmem:s13], [sflag:$0x1] =	stream.indirect.gather [hbm4b:s4+s16], $0x80, s3, s16, $0xb8;
	[tilespmem:$0x1D000] =	vst v63  }
0xe2: {  	_ = 	snop  }
0xe3: {  	[tilespmem:s17], [sflag:$0x2] =	stream.indirect.gather [hbm4b:s4+s16], $0x80, s16, s16, $0xb8;
	[tilespmem:$0x1D000] =	vst v63  }
0xe4: {  	_ =	swait.ge [sflag:s18], $0x4000  }
0xe5: {  	[sflag:s18] =	ssyncset.done $0x0  }
0xe6: {  	[sflag:s18] =	ssyncadd.s32 $0xFFFFC000  }
0xe7: {  	[spmem:s1] =	stream.indirect.scatter.add.f32 [tilespmem:s13], [sflag:$0x3], $0x80, s15, s16, $0xb8;
	[tilespmem:$0x1D000] =	vst v63  }
0xe8: {  	_ =	swait.ge [sflag:s19], $0x4000  }
0xe9: {  	[sflag:s19] =	ssyncset.done $0x0  }
0xea: {  	s2 =	simm.s32 $0x880;
	[sflag:s19] =	ssyncadd.s32 $0xFFFFC000  }
0xeb: {  	[spmem:s1] =	stream.indirect.scatter.add.f32 [tilespmem:s17], [sflag:$0x3], $0x80, s2, s16, $0xb8;
	[tilespmem:$0x1D000] =	vst v63  }
0xec: {  	_ =	swait.ge [sflag:s21], $0x4000  }
0xed: {  	[sflag:s21] =	ssyncset.done $0x0  }
0xee: {  	[sflag:s21] =	ssyncadd.s32 $0xFFFFC000  }
0xef: {  	_ =	swait.ge [sflag:s21], $0x4000  }
0xf0: {  	[sflag:s21] =	ssyncset.done $0x0  }
0xf1: {  	s0 =	simm.s32 $0x100;
	[sflag:s21] =	ssyncadd.s32 $0xFFFFC000  }
0xf2: {  	[tilespmem:s13], [sflag:$0x1] =	stream.indirect.gather [hbm4b:s4+s16], $0x80, s0, s16, $0xb8;
	[tilespmem:$0x1D000] =	vst v63  }
0xf3: {  	s2 =	simm.s32 $0x180  }
0xf4: {  	[tilespmem:s17], [sflag:$0x2] =	stream.indirect.gather [hbm4b:s4+s16], $0x80, s2, s16, $0xb8;
	[tilespmem:$0x1D000] =	vst v63  }
0xf5: {  	_ =	swait.ge [sflag:s18], $0x4000  }
0xf6: {  	[sflag:s18] =	ssyncset.done $0x0  }
0xf7: {  	s2 =	simm.s32 $0x900;
	[sflag:s18] =	ssyncadd.s32 $0xFFFFC000  }
0xf8: {  	[spmem:s1] =	stream.indirect.scatter.add.f32 [tilespmem:s13], [sflag:$0x3], $0x80, s2, s16, $0xb8;
	[tilespmem:$0x1D000] =	vst v63  }
0xf9: {  	_ =	swait.ge [sflag:s19], $0x4000  }
0xfa: {  	[sflag:s19] =	ssyncset.done $0x0  }
0xfb: {  	s2 =	simm.s32 $0x980;
	[sflag:s19] =	ssyncadd.s32 $0xFFFFC000  }
0xfc: {  	[spmem:s1] =	stream.indirect.scatter.add.f32 [tilespmem:s17], [sflag:$0x3], $0x80, s2, s16, $0xb8;
	[tilespmem:$0x1D000] =	vst v63  }
0xfd: {  	_ =	swait.ge [sflag:s21], $0x4000  }
0xfe: {  	[sflag:s21] =	ssyncset.done $0x0  }
0xff: {  	[sflag:s21] =	ssyncadd.s32 $0xFFFFC000  }
0x100: {  	_ =	swait.ge [sflag:s21], $0x4000  }
0x101: {  	[sflag:s21] =	ssyncset.done $0x0  }
0x102: {  	s2 =	simm.s32 $0x200;
	[sflag:s21] =	ssyncadd.s32 $0xFFFFC000  }
0x103: {  	[tilespmem:s13], [sflag:$0x1] =	stream.indirect.gather [hbm4b:s4+s16], $0x80, s2, s16, $0xb8;
	[tilespmem:$0x1D000] =	vst v63  }
0x104: {  	s2 =	simm.s32 $0x280  }
0x105: {  	[tilespmem:s17], [sflag:$0x2] =	stream.indirect.gather [hbm4b:s4+s16], $0x80, s2, s16, $0xb8;
	[tilespmem:$0x1D000] =	vst v63  }
0x106: {  	_ =	swait.ge [sflag:s18], $0x4000  }
0x107: {  	[sflag:s18] =	ssyncset.done $0x0  }
0x108: {  	s2 =	simm.s32 $0xA00;
	[sflag:s18] =	ssyncadd.s32 $0xFFFFC000  }
0x109: {  	[spmem:s1] =	stream.indirect.scatter.add.f32 [tilespmem:s13], [sflag:$0x3], $0x80, s2, s16, $0xb8;
	[tilespmem:$0x1D000] =	vst v63  }
0x10a: {  	_ =	swait.ge [sflag:s19], $0x4000  }
0x10b: {  	[sflag:s19] =	ssyncset.done $0x0  }
0x10c: {  	s2 =	simm.s32 $0xA80;
	[sflag:s19] =	ssyncadd.s32 $0xFFFFC000  }
0x10d: {  	[spmem:s1] =	stream.indirect.scatter.add.f32 [tilespmem:s17], [sflag:$0x3], $0x80, s2, s16, $0xb8;
	[tilespmem:$0x1D000] =	vst v63  }
0x10e: {  	_ =	swait.ge [sflag:s21], $0x4000  }
0x10f: {  	[sflag:s21] =	ssyncset.done $0x0  }
0x110: {  	[sflag:s21] =	ssyncadd.s32 $0xFFFFC000  }
0x111: {  	_ =	swait.ge [sflag:s21], $0x4000  }
0x112: {  	[sflag:s21] =	ssyncset.done $0x0  }
0x113: {  	s2 =	simm.s32 $0x300;
	[sflag:s21] =	ssyncadd.s32 $0xFFFFC000  }
0x114: {  	[tilespmem:s13], [sflag:$0x1] =	stream.indirect.gather [hbm4b:s4+s16], $0x80, s2, s16, $0xb8;
	[tilespmem:$0x1D000] =	vst v63  }
0x115: {  	s2 =	simm.s32 $0x380  }
0x116: {  	[tilespmem:s17], [sflag:$0x2] =	stream.indirect.gather [hbm4b:s4+s16], $0x80, s2, s16, $0xb8;
	[tilespmem:$0x1D000] =	vst v63  }
0x117: {  	_ =	swait.ge [sflag:s18], $0x4000  }
0x118: {  	[sflag:s18] =	ssyncset.done $0x0  }
0x119: {  	s2 =	simm.s32 $0xB00;
	[sflag:s18] =	ssyncadd.s32 $0xFFFFC000  }
0x11a: {  	[spmem:s1] =	stream.indirect.scatter.add.f32 [tilespmem:s13], [sflag:$0x3], $0x80, s2, s16, $0xb8;
	[tilespmem:$0x1D000] =	vst v63  }
0x11b: {  	_ =	swait.ge [sflag:s19], $0x4000  }
0x11c: {  	[sflag:s19] =	ssyncset.done $0x0  }
0x11d: {  	[sflag:s19] =	ssyncadd.s32 $0xFFFFC000  }
0x11e: {  	[spmem:s1] =	stream.indirect.scatter.add.f32 [tilespmem:s17], [sflag:$0x3], $0x80, s5, s16, $0xb8;
	[tilespmem:$0x1D000] =	vst v63  }
0x11f: {  	_ =	swait.ge [sflag:s21], $0x4000  }
0x120: {  	[sflag:s21] =	ssyncset.done $0x0  }
0x121: {  	[sflag:s21] =	ssyncadd.s32 $0xFFFFC000  }
0x122: {  	_ =	swait.ge [sflag:s21], $0x4000  }
0x123: {  	[sflag:s21] =	ssyncset.done $0x0  }
0x124: {  	[sflag:s21] =	ssyncadd.s32 $0xFFFFC000  }
0x125: {  	[tilespmem:s13], [sflag:$0x1] =	stream.indirect.gather [hbm4b:s4+s16], $0x80, s7, s16, $0xb8;
	[tilespmem:$0x1D000] =	vst v63  }
0x126: {  	_ = 	snop  }
0x127: {  	[tilespmem:s17], [sflag:$0x2] =	stream.indirect.gather [hbm4b:s4+s16], $0x80, s8, s16, $0xb8;
	[tilespmem:$0x1D000] =	vst v63  }
0x128: {  	_ =	swait.ge [sflag:s18], $0x4000  }
0x129: {  	[sflag:s18] =	ssyncset.done $0x0  }
0x12a: {  	[sflag:s18] =	ssyncadd.s32 $0xFFFFC000  }
0x12b: {  	[spmem:s1] =	stream.indirect.scatter.add.f32 [tilespmem:s13], [sflag:$0x3], $0x80, s9, s16, $0xb8;
	[tilespmem:$0x1D000] =	vst v63  }
0x12c: {  	_ =	swait.ge [sflag:s19], $0x4000  }
0x12d: {  	[sflag:s19] =	ssyncset.done $0x0  }
0x12e: {  	[sflag:s19] =	ssyncadd.s32 $0xFFFFC000  }
0x12f: {  	[spmem:s1] =	stream.indirect.scatter.add.f32 [tilespmem:s17], [sflag:$0x3], $0x80, s10, s16, $0xb8;
	[tilespmem:$0x1D000] =	vst v63  }
0x130: {  	_ =	swait.ge [sflag:s21], $0x4000  }
0x131: {  	[sflag:s21] =	ssyncset.done $0x0  }
0x132: {  	[sflag:s21] =	ssyncadd.s32 $0xFFFFC000  }
0x133: {  	_ =	swait.ge [sflag:s21], $0x4000  }
0x134: {  	[sflag:s21] =	ssyncset.done $0x0  }
0x135: {  	[sflag:s21] =	ssyncadd.s32 $0xFFFFC000  }
0x136: {  	[tilespmem:s13], [sflag:$0x1] =	stream.indirect.gather [hbm4b:s4+s16], $0x80, s11, s16, $0xb8;
	[tilespmem:$0x1D000] =	vst v63  }
0x137: {  	_ = 	snop  }
0x138: {  	[tilespmem:s17], [sflag:$0x2] =	stream.indirect.gather [hbm4b:s4+s16], $0x80, s12, s16, $0xb8;
	[tilespmem:$0x1D000] =	vst v63  }
0x139: {  	_ =	swait.ge [sflag:s18], $0x4000  }
0x13a: {  	[sflag:s18] =	ssyncset.done $0x0  }
0x13b: {  	[sflag:s18] =	ssyncadd.s32 $0xFFFFC000  }
0x13c: {  	[spmem:s1] =	stream.indirect.scatter.add.f32 [tilespmem:s13], [sflag:$0x3], $0x80, s6, s16, $0xb8;
	[tilespmem:$0x1D000] =	vst v63  }
0x13d: {  	_ =	swait.ge [sflag:s19], $0x4000  }
0x13e: {  	[sflag:s19] =	ssyncset.done $0x0  }
0x13f: {  	[sflag:s19] =	ssyncadd.s32 $0xFFFFC000  }
0x140: {  	[spmem:s1] =	stream.indirect.scatter.add.f32 [tilespmem:s17], [sflag:$0x3], $0x80, s20, s16, $0xb8;
	[tilespmem:$0x1D000] =	vst v63  }
0x141: {  	_ =	swait.ge [sflag:s21], $0x4000  }
0x142: {  	[sflag:s21] =	ssyncset.done $0x0  }
0x143: {  	[sflag:s21] =	ssyncadd.s32 $0xFFFFC000  }
0x144: {  	_ =	swait.ge [sflag:s21], $0x4000  }
0x145: {  	[sflag:s21] =	ssyncset.done $0x0  }
0x146: {  	[sflag:s21] =	ssyncadd.s32 $0xFFFFC000  }
0x147: {  	[tilespmem:s13], [sflag:$0x1] =	stream.indirect.gather [hbm4b:s4+s16], $0x80, s22, s16, $0xb8;
	[tilespmem:$0x1D000] =	vst v63  }
0x148: {  	_ = 	snop  }
0x149: {  	[tilespmem:s17], [sflag:$0x2] =	stream.indirect.gather [hbm4b:s4+s16], $0x80, s23, s16, $0xb8;
	[tilespmem:$0x1D000] =	vst v63  }
0x14a: {  	_ =	swait.ge [sflag:s18], $0x4000  }
0x14b: {  	[sflag:s18] =	ssyncset.done $0x0  }
0x14c: {  	[sflag:s18] =	ssyncadd.s32 $0xFFFFC000  }
0x14d: {  	[spmem:s1] =	stream.indirect.scatter.add.f32 [tilespmem:s13], [sflag:$0x3], $0x80, s24, s16, $0xb8;
	[tilespmem:$0x1D000] =	vst v63  }
0x14e: {  	_ =	swait.ge [sflag:s19], $0x4000  }
0x14f: {  	[sflag:s19] =	ssyncset.done $0x0  }
0x150: {  	[sflag:s19] =	ssyncadd.s32 $0xFFFFC000  }
0x151: {  	[spmem:s1] =	stream.indirect.scatter.add.f32 [tilespmem:s17], [sflag:$0x3], $0x80, s25, s16, $0xb8;
	[tilespmem:$0x1D000] =	vst v63  }
0x152: {  	_ =	swait.ge [sflag:s21], $0x4000  }
0x153: {  	[sflag:s21] =	ssyncset.done $0x0  }
0x154: {  	[sflag:s21] =	ssyncadd.s32 $0xFFFFC000  }
0x155: {  	_ =	swait.ge [sflag:s21], $0x4000  }
0x156: {  	[sflag:s21] =	ssyncset.done $0x0  }
0x157: {  	[sflag:s21] =	ssyncadd.s32 $0xFFFFC000  }
0x158: {  	[tilespmem:s13], [sflag:$0x1] =	stream.indirect.gather [hbm4b:s4+s16], $0x80, s26, s16, $0xb8;
	[tilespmem:$0x1D000] =	vst v63  }
0x159: {  	_ = 	snop  }
0x15a: {  	[tilespmem:s17], [sflag:$0x2] =	stream.indirect.gather [hbm4b:s4+s16], $0x80, s28, s16, $0xb8;
	[tilespmem:$0x1D000] =	vst v63  }
0x15b: {  	_ =	swait.ge [sflag:s18], $0x4000  }
0x15c: {  	[sflag:s18] =	ssyncset.done $0x0  }
0x15d: {  	[sflag:s18] =	ssyncadd.s32 $0xFFFFC000  }
0x15e: {  	[spmem:s1] =	stream.indirect.scatter.add.f32 [tilespmem:s13], [sflag:$0x3], $0x80, s29, s16, $0xb8;
	[tilespmem:$0x1D000] =	vst v63  }
0x15f: {  	_ =	swait.ge [sflag:s19], $0x4000  }
0x160: {  	[sflag:s19] =	ssyncset.done $0x0  }
0x161: {  	p1 =	sne.s32 s31, $0x200;
	[sflag:s19] =	ssyncadd.s32 $0xFFFFC000  }
0x162: {  	[spmem:s1] =	stream.indirect.scatter.add.f32 [tilespmem:s17], [sflag:$0x3], $0x80, s30, s16, $0xb8;
	[tilespmem:$0x1D000] =	vst v63  }
.Ltmp3:
0x163: {  	_ =	swait.ge [sflag:s21], $0x4000;
	(pc) =	sbr.rel @p1 .LBB2_6-.Ltmp3, $4  }
0x164: {  	[sflag:s21] =	ssyncset.done $0x0  }
0x165: {  	[sflag:s21] =	ssyncadd.s32 $0xFFFFC000  }
0x166: {  	_ =	swait.ge [sflag:s21], $0x4000  }
0x167: {  	s31 =	sadd.s32 $0x100, s31;
	[sflag:s21] =	ssyncset.done $0x0  }
.Ltmp4:
0x168: {  	_ = 	snop;
	(pc) =	sbr.rel .LBB2_7-.Ltmp4, $1  }
0x169: {  	_ =	sdelay $0x3  }
.LBB2_2:
0x16a: {  	s31 =	rddreg [dreg:$0x4]  }
0x16b: {  	s31 =	sadd.s32 $0x0, s31  }
0x16c: {  	[tilespmem:s3], [sflag:$0x4] =	stream.linear.gather [hbm4b:s31+s3], $0x800, $0x38;
	[tilespmem:$0x1D000] =	vst v63  }
0x16d: {  	_ =	swait.ge [sflag:s14], $0x800  }
0x16e: {  	s31 =	rddreg [dreg:$0x3];
	[sflag:s14] =	ssyncset.done $0x0  }
0x16f: {  	[sflag:s14] =	ssyncadd.s32 $0xFFFFF800;
	s31 =	sadd.s32 $0x0, s31  }
0x170: {  	[tilespmem:s15], [sflag:$0x4] =	stream.linear.gather [hbm4b:s31+s3], $0x800, $0x38;
	[tilespmem:$0x1D000] =	vst v63  }
0x171: {  	_ =	swait.ge [sflag:s14], $0x800  }
0x172: {  	[sflag:s14] =	ssyncset.done $0x0  }
0x173: {  	[sflag:s14] =	ssyncadd.s32 $0xFFFFF800  }
0x174: {  	[tilespmem:s13], [sflag:$0x1] =	stream.indirect.gather [hbm4b:s4+s16], $0x80, s3, s16, $0xb8;
	[tilespmem:$0x1D000] =	vst v63  }
0x175: {  	_ = 	snop  }
0x176: {  	[tilespmem:s17], [sflag:$0x2] =	stream.indirect.gather [hbm4b:s4+s16], $0x80, s16, s16, $0xb8;
	[tilespmem:$0x1D000] =	vst v63  }
0x177: {  	_ =	swait.ge [sflag:s18], $0x4000  }
0x178: {  	[sflag:s18] =	ssyncset.done $0x0  }
0x179: {  	[sflag:s18] =	ssyncadd.s32 $0xFFFFC000  }
0x17a: {  	[spmem:s1] =	stream.indirect.scatter.add.f32 [tilespmem:s13], [sflag:$0x3], $0x80, s15, s16, $0xb8;
	[tilespmem:$0x1D000] =	vst v63  }
0x17b: {  	_ =	swait.ge [sflag:s19], $0x4000  }
0x17c: {  	[sflag:s19] =	ssyncset.done $0x0  }
0x17d: {  	s0 =	simm.s32 $0x880;
	[sflag:s19] =	ssyncadd.s32 $0xFFFFC000  }
0x17e: {  	[spmem:s1] =	stream.indirect.scatter.add.f32 [tilespmem:s17], [sflag:$0x3], $0x80, s0, s16, $0xb8;
	[tilespmem:$0x1D000] =	vst v63  }
0x17f: {  	_ =	swait.ge [sflag:s21], $0x4000  }
0x180: {  	[sflag:s21] =	ssyncset.done $0x0  }
0x181: {  	[sflag:s21] =	ssyncadd.s32 $0xFFFFC000  }
0x182: {  	_ =	swait.ge [sflag:s21], $0x4000  }
0x183: {  	[sflag:s21] =	ssyncset.done $0x0  }
0x184: {  	s2 =	simm.s32 $0x100;
	[sflag:s21] =	ssyncadd.s32 $0xFFFFC000  }
0x185: {  	[tilespmem:s13], [sflag:$0x1] =	stream.indirect.gather [hbm4b:s4+s16], $0x80, s2, s16, $0xb8;
	[tilespmem:$0x1D000] =	vst v63  }
0x186: {  	s2 =	simm.s32 $0x180  }
0x187: {  	[tilespmem:s17], [sflag:$0x2] =	stream.indirect.gather [hbm4b:s4+s16], $0x80, s2, s16, $0xb8;
	[tilespmem:$0x1D000] =	vst v63  }
0x188: {  	_ =	swait.ge [sflag:s18], $0x4000  }
0x189: {  	[sflag:s18] =	ssyncset.done $0x0  }
0x18a: {  	s2 =	simm.s32 $0x900;
	[sflag:s18] =	ssyncadd.s32 $0xFFFFC000  }
0x18b: {  	[spmem:s1] =	stream.indirect.scatter.add.f32 [tilespmem:s13], [sflag:$0x3], $0x80, s2, s16, $0xb8;
	[tilespmem:$0x1D000] =	vst v63  }
0x18c: {  	_ =	swait.ge [sflag:s19], $0x4000  }
0x18d: {  	[sflag:s19] =	ssyncset.done $0x0  }
0x18e: {  	s2 =	simm.s32 $0x980;
	[sflag:s19] =	ssyncadd.s32 $0xFFFFC000  }
0x18f: {  	[spmem:s1] =	stream.indirect.scatter.add.f32 [tilespmem:s17], [sflag:$0x3], $0x80, s2, s16, $0xb8;
	[tilespmem:$0x1D000] =	vst v63  }
0x190: {  	_ =	swait.ge [sflag:s21], $0x4000  }
0x191: {  	[sflag:s21] =	ssyncset.done $0x0  }
0x192: {  	[sflag:s21] =	ssyncadd.s32 $0xFFFFC000  }
0x193: {  	_ =	swait.ge [sflag:s21], $0x4000  }
0x194: {  	[sflag:s21] =	ssyncset.done $0x0  }
0x195: {  	s2 =	simm.s32 $0x200;
	[sflag:s21] =	ssyncadd.s32 $0xFFFFC000  }
0x196: {  	[tilespmem:s13], [sflag:$0x1] =	stream.indirect.gather [hbm4b:s4+s16], $0x80, s2, s16, $0xb8;
	[tilespmem:$0x1D000] =	vst v63  }
0x197: {  	s2 =	simm.s32 $0x280  }
0x198: {  	[tilespmem:s17], [sflag:$0x2] =	stream.indirect.gather [hbm4b:s4+s16], $0x80, s2, s16, $0xb8;
	[tilespmem:$0x1D000] =	vst v63  }
0x199: {  	_ =	swait.ge [sflag:s18], $0x4000  }
0x19a: {  	[sflag:s18] =	ssyncset.done $0x0  }
0x19b: {  	s2 =	simm.s32 $0xA00;
	[sflag:s18] =	ssyncadd.s32 $0xFFFFC000  }
0x19c: {  	[spmem:s1] =	stream.indirect.scatter.add.f32 [tilespmem:s13], [sflag:$0x3], $0x80, s2, s16, $0xb8;
	[tilespmem:$0x1D000] =	vst v63  }
0x19d: {  	_ =	swait.ge [sflag:s19], $0x4000  }
0x19e: {  	[sflag:s19] =	ssyncset.done $0x0  }
0x19f: {  	s2 =	simm.s32 $0xA80;
	[sflag:s19] =	ssyncadd.s32 $0xFFFFC000  }
0x1a0: {  	[spmem:s1] =	stream.indirect.scatter.add.f32 [tilespmem:s17], [sflag:$0x3], $0x80, s2, s16, $0xb8;
	[tilespmem:$0x1D000] =	vst v63  }
0x1a1: {  	_ =	swait.ge [sflag:s21], $0x4000  }
0x1a2: {  	[sflag:s21] =	ssyncset.done $0x0  }
0x1a3: {  	[sflag:s21] =	ssyncadd.s32 $0xFFFFC000  }
0x1a4: {  	_ =	swait.ge [sflag:s21], $0x4000  }
0x1a5: {  	[sflag:s21] =	ssyncset.done $0x0  }
0x1a6: {  	s2 =	simm.s32 $0x300;
	[sflag:s21] =	ssyncadd.s32 $0xFFFFC000  }
0x1a7: {  	[tilespmem:s13], [sflag:$0x1] =	stream.indirect.gather [hbm4b:s4+s16], $0x80, s2, s16, $0xb8;
	[tilespmem:$0x1D000] =	vst v63  }
0x1a8: {  	s2 =	simm.s32 $0x380  }
0x1a9: {  	[tilespmem:s17], [sflag:$0x2] =	stream.indirect.gather [hbm4b:s4+s16], $0x80, s2, s16, $0xb8;
	[tilespmem:$0x1D000] =	vst v63  }
0x1aa: {  	_ =	swait.ge [sflag:s18], $0x4000  }
0x1ab: {  	[sflag:s18] =	ssyncset.done $0x0  }
0x1ac: {  	s2 =	simm.s32 $0xB00;
	[sflag:s18] =	ssyncadd.s32 $0xFFFFC000  }
0x1ad: {  	[spmem:s1] =	stream.indirect.scatter.add.f32 [tilespmem:s13], [sflag:$0x3], $0x80, s2, s16, $0xb8;
	[tilespmem:$0x1D000] =	vst v63  }
0x1ae: {  	_ =	swait.ge [sflag:s19], $0x4000  }
0x1af: {  	[sflag:s19] =	ssyncset.done $0x0  }
0x1b0: {  	[sflag:s19] =	ssyncadd.s32 $0xFFFFC000  }
0x1b1: {  	[spmem:s1] =	stream.indirect.scatter.add.f32 [tilespmem:s17], [sflag:$0x3], $0x80, s5, s16, $0xb8;
	[tilespmem:$0x1D000] =	vst v63  }
0x1b2: {  	_ =	swait.ge [sflag:s21], $0x4000  }
0x1b3: {  	[sflag:s21] =	ssyncset.done $0x0  }
0x1b4: {  	[sflag:s21] =	ssyncadd.s32 $0xFFFFC000  }
0x1b5: {  	_ =	swait.ge [sflag:s21], $0x4000  }
0x1b6: {  	[sflag:s21] =	ssyncset.done $0x0  }
0x1b7: {  	[sflag:s21] =	ssyncadd.s32 $0xFFFFC000  }
0x1b8: {  	[tilespmem:s13], [sflag:$0x1] =	stream.indirect.gather [hbm4b:s4+s16], $0x80, s7, s16, $0xb8;
	[tilespmem:$0x1D000] =	vst v63  }
0x1b9: {  	_ = 	snop  }
0x1ba: {  	[tilespmem:s17], [sflag:$0x2] =	stream.indirect.gather [hbm4b:s4+s16], $0x80, s8, s16, $0xb8;
	[tilespmem:$0x1D000] =	vst v63  }
0x1bb: {  	_ =	swait.ge [sflag:s18], $0x4000  }
0x1bc: {  	[sflag:s18] =	ssyncset.done $0x0  }
0x1bd: {  	[sflag:s18] =	ssyncadd.s32 $0xFFFFC000  }
0x1be: {  	[spmem:s1] =	stream.indirect.scatter.add.f32 [tilespmem:s13], [sflag:$0x3], $0x80, s9, s16, $0xb8;
	[tilespmem:$0x1D000] =	vst v63  }
0x1bf: {  	_ =	swait.ge [sflag:s19], $0x4000  }
0x1c0: {  	[sflag:s19] =	ssyncset.done $0x0  }
0x1c1: {  	[sflag:s19] =	ssyncadd.s32 $0xFFFFC000  }
0x1c2: {  	[spmem:s1] =	stream.indirect.scatter.add.f32 [tilespmem:s17], [sflag:$0x3], $0x80, s10, s16, $0xb8;
	[tilespmem:$0x1D000] =	vst v63  }
0x1c3: {  	_ =	swait.ge [sflag:s21], $0x4000  }
0x1c4: {  	[sflag:s21] =	ssyncset.done $0x0  }
0x1c5: {  	[sflag:s21] =	ssyncadd.s32 $0xFFFFC000  }
0x1c6: {  	_ =	swait.ge [sflag:s21], $0x4000  }
0x1c7: {  	[sflag:s21] =	ssyncset.done $0x0  }
0x1c8: {  	[sflag:s21] =	ssyncadd.s32 $0xFFFFC000  }
0x1c9: {  	[tilespmem:s13], [sflag:$0x1] =	stream.indirect.gather [hbm4b:s4+s16], $0x80, s11, s16, $0xb8;
	[tilespmem:$0x1D000] =	vst v63  }
0x1ca: {  	_ = 	snop  }
0x1cb: {  	[tilespmem:s17], [sflag:$0x2] =	stream.indirect.gather [hbm4b:s4+s16], $0x80, s12, s16, $0xb8;
	[tilespmem:$0x1D000] =	vst v63  }
0x1cc: {  	_ =	swait.ge [sflag:s18], $0x4000  }
0x1cd: {  	[sflag:s18] =	ssyncset.done $0x0  }
0x1ce: {  	[sflag:s18] =	ssyncadd.s32 $0xFFFFC000  }
0x1cf: {  	[spmem:s1] =	stream.indirect.scatter.add.f32 [tilespmem:s13], [sflag:$0x3], $0x80, s6, s16, $0xb8;
	[tilespmem:$0x1D000] =	vst v63  }
0x1d0: {  	_ =	swait.ge [sflag:s19], $0x4000  }
0x1d1: {  	[sflag:s19] =	ssyncset.done $0x0  }
0x1d2: {  	[sflag:s19] =	ssyncadd.s32 $0xFFFFC000  }
0x1d3: {  	[spmem:s1] =	stream.indirect.scatter.add.f32 [tilespmem:s17], [sflag:$0x3], $0x80, s20, s16, $0xb8;
	[tilespmem:$0x1D000] =	vst v63  }
0x1d4: {  	_ =	swait.ge [sflag:s21], $0x4000  }
0x1d5: {  	[sflag:s21] =	ssyncset.done $0x0  }
0x1d6: {  	[sflag:s21] =	ssyncadd.s32 $0xFFFFC000  }
0x1d7: {  	_ =	swait.ge [sflag:s21], $0x4000  }
0x1d8: {  	[sflag:s21] =	ssyncset.done $0x0  }
0x1d9: {  	[sflag:s21] =	ssyncadd.s32 $0xFFFFC000  }
0x1da: {  	[tilespmem:s13], [sflag:$0x1] =	stream.indirect.gather [hbm4b:s4+s16], $0x80, s22, s16, $0xb8;
	[tilespmem:$0x1D000] =	vst v63  }
0x1db: {  	_ = 	snop  }
0x1dc: {  	[tilespmem:s17], [sflag:$0x2] =	stream.indirect.gather [hbm4b:s4+s16], $0x80, s23, s16, $0xb8;
	[tilespmem:$0x1D000] =	vst v63  }
0x1dd: {  	_ =	swait.ge [sflag:s18], $0x4000  }
0x1de: {  	[sflag:s18] =	ssyncset.done $0x0  }
0x1df: {  	[sflag:s18] =	ssyncadd.s32 $0xFFFFC000  }
0x1e0: {  	[spmem:s1] =	stream.indirect.scatter.add.f32 [tilespmem:s13], [sflag:$0x3], $0x80, s24, s16, $0xb8;
	[tilespmem:$0x1D000] =	vst v63  }
0x1e1: {  	_ =	swait.ge [sflag:s19], $0x4000  }
0x1e2: {  	[sflag:s19] =	ssyncset.done $0x0  }
0x1e3: {  	[sflag:s19] =	ssyncadd.s32 $0xFFFFC000  }
0x1e4: {  	[spmem:s1] =	stream.indirect.scatter.add.f32 [tilespmem:s17], [sflag:$0x3], $0x80, s25, s16, $0xb8;
	[tilespmem:$0x1D000] =	vst v63  }
0x1e5: {  	_ =	swait.ge [sflag:s21], $0x4000  }
0x1e6: {  	[sflag:s21] =	ssyncset.done $0x0  }
0x1e7: {  	[sflag:s21] =	ssyncadd.s32 $0xFFFFC000  }
0x1e8: {  	_ =	swait.ge [sflag:s21], $0x4000  }
0x1e9: {  	[sflag:s21] =	ssyncset.done $0x0  }
0x1ea: {  	[sflag:s21] =	ssyncadd.s32 $0xFFFFC000  }
0x1eb: {  	[tilespmem:s13], [sflag:$0x1] =	stream.indirect.gather [hbm4b:s4+s16], $0x80, s26, s16, $0xb8;
	[tilespmem:$0x1D000] =	vst v63  }
0x1ec: {  	_ = 	snop  }
0x1ed: {  	[tilespmem:s17], [sflag:$0x2] =	stream.indirect.gather [hbm4b:s4+s16], $0x80, s28, s16, $0xb8;
	[tilespmem:$0x1D000] =	vst v63  }
0x1ee: {  	_ =	swait.ge [sflag:s18], $0x4000  }
0x1ef: {  	[sflag:s18] =	ssyncset.done $0x0  }
0x1f0: {  	[sflag:s18] =	ssyncadd.s32 $0xFFFFC000  }
0x1f1: {  	[spmem:s1] =	stream.indirect.scatter.add.f32 [tilespmem:s13], [sflag:$0x3], $0x80, s29, s16, $0xb8;
	[tilespmem:$0x1D000] =	vst v63  }
0x1f2: {  	_ =	swait.ge [sflag:s19], $0x4000  }
0x1f3: {  	[sflag:s19] =	ssyncset.done $0x0  }
0x1f4: {  	[sflag:s19] =	ssyncadd.s32 $0xFFFFC000  }
0x1f5: {  	[spmem:s1] =	stream.indirect.scatter.add.f32 [tilespmem:s17], [sflag:$0x3], $0x80, s30, s16, $0xb8;
	[tilespmem:$0x1D000] =	vst v63  }
0x1f6: {  	_ =	swait.ge [sflag:s21], $0x4000  }
0x1f7: {  	[sflag:s21] =	ssyncset.done $0x0  }
0x1f8: {  	[sflag:s21] =	ssyncadd.s32 $0xFFFFC000  }
0x1f9: {  	_ =	swait.ge [sflag:s21], $0x4000  }
0x1fa: {  	s31 =	simm.s32 $0x100;
	[sflag:s21] =	ssyncset.done $0x0  }
.LBB2_3:
0x1fb: {  	s0 =	rddreg [dreg:$0x4];
	s2 =	smov.u32 s31  }
0x1fc: {  	[sflag:s21] =	ssyncadd.s32 $0xFFFFC000;
	s0 =	sadd.s32 s2, s0  }
0x1fd: {  	[tilespmem:s3], [sflag:$0x4] =	stream.linear.gather [hbm4b:s0+s3], $0x800, $0x38;
	[tilespmem:$0x1D000] =	vst v63  }
0x1fe: {  	_ =	swait.ge [sflag:s14], $0x800  }
0x1ff: {  	s0 =	rddreg [dreg:$0x3];
	[sflag:s14] =	ssyncset.done $0x0  }
0x200: {  	[sflag:s14] =	ssyncadd.s32 $0xFFFFF800;
	s0 =	sadd.s32 s2, s0  }
0x201: {  	[tilespmem:s15], [sflag:$0x4] =	stream.linear.gather [hbm4b:s0+s3], $0x800, $0x38;
	[tilespmem:$0x1D000] =	vst v63  }
0x202: {  	_ =	swait.ge [sflag:s14], $0x800  }
0x203: {  	[sflag:s14] =	ssyncset.done $0x0  }
0x204: {  	[sflag:s14] =	ssyncadd.s32 $0xFFFFF800  }
0x205: {  	[tilespmem:s13], [sflag:$0x1] =	stream.indirect.gather [hbm4b:s4+s16], $0x80, s3, s16, $0xb8;
	[tilespmem:$0x1D000] =	vst v63  }
0x206: {  	_ = 	snop  }
0x207: {  	[tilespmem:s17], [sflag:$0x2] =	stream.indirect.gather [hbm4b:s4+s16], $0x80, s16, s16, $0xb8;
	[tilespmem:$0x1D000] =	vst v63  }
0x208: {  	_ =	swait.ge [sflag:s18], $0x4000  }
0x209: {  	[sflag:s18] =	ssyncset.done $0x0  }
0x20a: {  	[sflag:s18] =	ssyncadd.s32 $0xFFFFC000  }
0x20b: {  	[spmem:s1] =	stream.indirect.scatter.add.f32 [tilespmem:s13], [sflag:$0x3], $0x80, s15, s16, $0xb8;
	[tilespmem:$0x1D000] =	vst v63  }
0x20c: {  	_ =	swait.ge [sflag:s19], $0x4000  }
0x20d: {  	[sflag:s19] =	ssyncset.done $0x0  }
0x20e: {  	s2 =	simm.s32 $0x880;
	[sflag:s19] =	ssyncadd.s32 $0xFFFFC000  }
0x20f: {  	[spmem:s1] =	stream.indirect.scatter.add.f32 [tilespmem:s17], [sflag:$0x3], $0x80, s2, s16, $0xb8;
	[tilespmem:$0x1D000] =	vst v63  }
0x210: {  	_ =	swait.ge [sflag:s21], $0x4000  }
0x211: {  	[sflag:s21] =	ssyncset.done $0x0  }
0x212: {  	[sflag:s21] =	ssyncadd.s32 $0xFFFFC000  }
0x213: {  	_ =	swait.ge [sflag:s21], $0x4000  }
0x214: {  	[sflag:s21] =	ssyncset.done $0x0  }
0x215: {  	s0 =	simm.s32 $0x100;
	[sflag:s21] =	ssyncadd.s32 $0xFFFFC000  }
0x216: {  	[tilespmem:s13], [sflag:$0x1] =	stream.indirect.gather [hbm4b:s4+s16], $0x80, s0, s16, $0xb8;
	[tilespmem:$0x1D000] =	vst v63  }
0x217: {  	s2 =	simm.s32 $0x180  }
0x218: {  	[tilespmem:s17], [sflag:$0x2] =	stream.indirect.gather [hbm4b:s4+s16], $0x80, s2, s16, $0xb8;
	[tilespmem:$0x1D000] =	vst v63  }
0x219: {  	_ =	swait.ge [sflag:s18], $0x4000  }
0x21a: {  	[sflag:s18] =	ssyncset.done $0x0  }
0x21b: {  	s2 =	simm.s32 $0x900;
	[sflag:s18] =	ssyncadd.s32 $0xFFFFC000  }
0x21c: {  	[spmem:s1] =	stream.indirect.scatter.add.f32 [tilespmem:s13], [sflag:$0x3], $0x80, s2, s16, $0xb8;
	[tilespmem:$0x1D000] =	vst v63  }
0x21d: {  	_ =	swait.ge [sflag:s19], $0x4000  }
0x21e: {  	[sflag:s19] =	ssyncset.done $0x0  }
0x21f: {  	s2 =	simm.s32 $0x980;
	[sflag:s19] =	ssyncadd.s32 $0xFFFFC000  }
0x220: {  	[spmem:s1] =	stream.indirect.scatter.add.f32 [tilespmem:s17], [sflag:$0x3], $0x80, s2, s16, $0xb8;
	[tilespmem:$0x1D000] =	vst v63  }
0x221: {  	_ =	swait.ge [sflag:s21], $0x4000  }
0x222: {  	[sflag:s21] =	ssyncset.done $0x0  }
0x223: {  	[sflag:s21] =	ssyncadd.s32 $0xFFFFC000  }
0x224: {  	_ =	swait.ge [sflag:s21], $0x4000  }
0x225: {  	[sflag:s21] =	ssyncset.done $0x0  }
0x226: {  	s2 =	simm.s32 $0x200;
	[sflag:s21] =	ssyncadd.s32 $0xFFFFC000  }
0x227: {  	[tilespmem:s13], [sflag:$0x1] =	stream.indirect.gather [hbm4b:s4+s16], $0x80, s2, s16, $0xb8;
	[tilespmem:$0x1D000] =	vst v63  }
0x228: {  	s2 =	simm.s32 $0x280  }
0x229: {  	[tilespmem:s17], [sflag:$0x2] =	stream.indirect.gather [hbm4b:s4+s16], $0x80, s2, s16, $0xb8;
	[tilespmem:$0x1D000] =	vst v63  }
0x22a: {  	_ =	swait.ge [sflag:s18], $0x4000  }
0x22b: {  	[sflag:s18] =	ssyncset.done $0x0  }
0x22c: {  	s2 =	simm.s32 $0xA00;
	[sflag:s18] =	ssyncadd.s32 $0xFFFFC000  }
0x22d: {  	[spmem:s1] =	stream.indirect.scatter.add.f32 [tilespmem:s13], [sflag:$0x3], $0x80, s2, s16, $0xb8;
	[tilespmem:$0x1D000] =	vst v63  }
0x22e: {  	_ =	swait.ge [sflag:s19], $0x4000  }
0x22f: {  	[sflag:s19] =	ssyncset.done $0x0  }
0x230: {  	s2 =	simm.s32 $0xA80;
	[sflag:s19] =	ssyncadd.s32 $0xFFFFC000  }
0x231: {  	[spmem:s1] =	stream.indirect.scatter.add.f32 [tilespmem:s17], [sflag:$0x3], $0x80, s2, s16, $0xb8;
	[tilespmem:$0x1D000] =	vst v63  }
0x232: {  	_ =	swait.ge [sflag:s21], $0x4000  }
0x233: {  	[sflag:s21] =	ssyncset.done $0x0  }
0x234: {  	[sflag:s21] =	ssyncadd.s32 $0xFFFFC000  }
0x235: {  	_ =	swait.ge [sflag:s21], $0x4000  }
0x236: {  	[sflag:s21] =	ssyncset.done $0x0  }
0x237: {  	s2 =	simm.s32 $0x300;
	[sflag:s21] =	ssyncadd.s32 $0xFFFFC000  }
0x238: {  	[tilespmem:s13], [sflag:$0x1] =	stream.indirect.gather [hbm4b:s4+s16], $0x80, s2, s16, $0xb8;
	[tilespmem:$0x1D000] =	vst v63  }
0x239: {  	s2 =	simm.s32 $0x380  }
0x23a: {  	[tilespmem:s17], [sflag:$0x2] =	stream.indirect.gather [hbm4b:s4+s16], $0x80, s2, s16, $0xb8;
	[tilespmem:$0x1D000] =	vst v63  }
0x23b: {  	_ =	swait.ge [sflag:s18], $0x4000  }
0x23c: {  	[sflag:s18] =	ssyncset.done $0x0  }
0x23d: {  	s2 =	simm.s32 $0xB00;
	[sflag:s18] =	ssyncadd.s32 $0xFFFFC000  }
0x23e: {  	[spmem:s1] =	stream.indirect.scatter.add.f32 [tilespmem:s13], [sflag:$0x3], $0x80, s2, s16, $0xb8;
	[tilespmem:$0x1D000] =	vst v63  }
0x23f: {  	_ =	swait.ge [sflag:s19], $0x4000  }
0x240: {  	[sflag:s19] =	ssyncset.done $0x0  }
0x241: {  	[sflag:s19] =	ssyncadd.s32 $0xFFFFC000  }
0x242: {  	[spmem:s1] =	stream.indirect.scatter.add.f32 [tilespmem:s17], [sflag:$0x3], $0x80, s5, s16, $0xb8;
	[tilespmem:$0x1D000] =	vst v63  }
0x243: {  	_ =	swait.ge [sflag:s21], $0x4000  }
0x244: {  	[sflag:s21] =	ssyncset.done $0x0  }
0x245: {  	[sflag:s21] =	ssyncadd.s32 $0xFFFFC000  }
0x246: {  	_ =	swait.ge [sflag:s21], $0x4000  }
0x247: {  	[sflag:s21] =	ssyncset.done $0x0  }
0x248: {  	[sflag:s21] =	ssyncadd.s32 $0xFFFFC000  }
0x249: {  	[tilespmem:s13], [sflag:$0x1] =	stream.indirect.gather [hbm4b:s4+s16], $0x80, s7, s16, $0xb8;
	[tilespmem:$0x1D000] =	vst v63  }
0x24a: {  	_ = 	snop  }
0x24b: {  	[tilespmem:s17], [sflag:$0x2] =	stream.indirect.gather [hbm4b:s4+s16], $0x80, s8, s16, $0xb8;
	[tilespmem:$0x1D000] =	vst v63  }
0x24c: {  	_ =	swait.ge [sflag:s18], $0x4000  }
0x24d: {  	[sflag:s18] =	ssyncset.done $0x0  }
0x24e: {  	[sflag:s18] =	ssyncadd.s32 $0xFFFFC000  }
0x24f: {  	[spmem:s1] =	stream.indirect.scatter.add.f32 [tilespmem:s13], [sflag:$0x3], $0x80, s9, s16, $0xb8;
	[tilespmem:$0x1D000] =	vst v63  }
0x250: {  	_ =	swait.ge [sflag:s19], $0x4000  }
0x251: {  	[sflag:s19] =	ssyncset.done $0x0  }
0x252: {  	[sflag:s19] =	ssyncadd.s32 $0xFFFFC000  }
0x253: {  	[spmem:s1] =	stream.indirect.scatter.add.f32 [tilespmem:s17], [sflag:$0x3], $0x80, s10, s16, $0xb8;
	[tilespmem:$0x1D000] =	vst v63  }
0x254: {  	_ =	swait.ge [sflag:s21], $0x4000  }
0x255: {  	[sflag:s21] =	ssyncset.done $0x0  }
0x256: {  	[sflag:s21] =	ssyncadd.s32 $0xFFFFC000  }
0x257: {  	_ =	swait.ge [sflag:s21], $0x4000  }
0x258: {  	[sflag:s21] =	ssyncset.done $0x0  }
0x259: {  	[sflag:s21] =	ssyncadd.s32 $0xFFFFC000  }
0x25a: {  	[tilespmem:s13], [sflag:$0x1] =	stream.indirect.gather [hbm4b:s4+s16], $0x80, s11, s16, $0xb8;
	[tilespmem:$0x1D000] =	vst v63  }
0x25b: {  	_ = 	snop  }
0x25c: {  	[tilespmem:s17], [sflag:$0x2] =	stream.indirect.gather [hbm4b:s4+s16], $0x80, s12, s16, $0xb8;
	[tilespmem:$0x1D000] =	vst v63  }
0x25d: {  	_ =	swait.ge [sflag:s18], $0x4000  }
0x25e: {  	[sflag:s18] =	ssyncset.done $0x0  }
0x25f: {  	[sflag:s18] =	ssyncadd.s32 $0xFFFFC000  }
0x260: {  	[spmem:s1] =	stream.indirect.scatter.add.f32 [tilespmem:s13], [sflag:$0x3], $0x80, s6, s16, $0xb8;
	[tilespmem:$0x1D000] =	vst v63  }
0x261: {  	_ =	swait.ge [sflag:s19], $0x4000  }
0x262: {  	[sflag:s19] =	ssyncset.done $0x0  }
0x263: {  	[sflag:s19] =	ssyncadd.s32 $0xFFFFC000  }
0x264: {  	[spmem:s1] =	stream.indirect.scatter.add.f32 [tilespmem:s17], [sflag:$0x3], $0x80, s20, s16, $0xb8;
	[tilespmem:$0x1D000] =	vst v63  }
0x265: {  	_ =	swait.ge [sflag:s21], $0x4000  }
0x266: {  	[sflag:s21] =	ssyncset.done $0x0  }
0x267: {  	[sflag:s21] =	ssyncadd.s32 $0xFFFFC000  }
0x268: {  	_ =	swait.ge [sflag:s21], $0x4000  }
0x269: {  	[sflag:s21] =	ssyncset.done $0x0  }
0x26a: {  	[sflag:s21] =	ssyncadd.s32 $0xFFFFC000  }
0x26b: {  	[tilespmem:s13], [sflag:$0x1] =	stream.indirect.gather [hbm4b:s4+s16], $0x80, s22, s16, $0xb8;
	[tilespmem:$0x1D000] =	vst v63  }
0x26c: {  	_ = 	snop  }
0x26d: {  	[tilespmem:s17], [sflag:$0x2] =	stream.indirect.gather [hbm4b:s4+s16], $0x80, s23, s16, $0xb8;
	[tilespmem:$0x1D000] =	vst v63  }
0x26e: {  	_ =	swait.ge [sflag:s18], $0x4000  }
0x26f: {  	[sflag:s18] =	ssyncset.done $0x0  }
0x270: {  	[sflag:s18] =	ssyncadd.s32 $0xFFFFC000  }
0x271: {  	[spmem:s1] =	stream.indirect.scatter.add.f32 [tilespmem:s13], [sflag:$0x3], $0x80, s24, s16, $0xb8;
	[tilespmem:$0x1D000] =	vst v63  }
0x272: {  	_ =	swait.ge [sflag:s19], $0x4000  }
0x273: {  	[sflag:s19] =	ssyncset.done $0x0  }
0x274: {  	[sflag:s19] =	ssyncadd.s32 $0xFFFFC000  }
0x275: {  	[spmem:s1] =	stream.indirect.scatter.add.f32 [tilespmem:s17], [sflag:$0x3], $0x80, s25, s16, $0xb8;
	[tilespmem:$0x1D000] =	vst v63  }
0x276: {  	_ =	swait.ge [sflag:s21], $0x4000  }
0x277: {  	[sflag:s21] =	ssyncset.done $0x0  }
0x278: {  	[sflag:s21] =	ssyncadd.s32 $0xFFFFC000  }
0x279: {  	_ =	swait.ge [sflag:s21], $0x4000  }
0x27a: {  	[sflag:s21] =	ssyncset.done $0x0  }
0x27b: {  	[sflag:s21] =	ssyncadd.s32 $0xFFFFC000  }
0x27c: {  	[tilespmem:s13], [sflag:$0x1] =	stream.indirect.gather [hbm4b:s4+s16], $0x80, s26, s16, $0xb8;
	[tilespmem:$0x1D000] =	vst v63  }
0x27d: {  	_ = 	snop  }
0x27e: {  	[tilespmem:s17], [sflag:$0x2] =	stream.indirect.gather [hbm4b:s4+s16], $0x80, s28, s16, $0xb8;
	[tilespmem:$0x1D000] =	vst v63  }
0x27f: {  	_ =	swait.ge [sflag:s18], $0x4000  }
0x280: {  	[sflag:s18] =	ssyncset.done $0x0  }
0x281: {  	[sflag:s18] =	ssyncadd.s32 $0xFFFFC000  }
0x282: {  	[spmem:s1] =	stream.indirect.scatter.add.f32 [tilespmem:s13], [sflag:$0x3], $0x80, s29, s16, $0xb8;
	[tilespmem:$0x1D000] =	vst v63  }
0x283: {  	_ =	swait.ge [sflag:s19], $0x4000  }
0x284: {  	[sflag:s19] =	ssyncset.done $0x0  }
0x285: {  	p1 =	seq.s32 s31, $0x600;
	[sflag:s19] =	ssyncadd.s32 $0xFFFFC000  }
0x286: {  	[spmem:s1] =	stream.indirect.scatter.add.f32 [tilespmem:s17], [sflag:$0x3], $0x80, s30, s16, $0xb8;
	[tilespmem:$0x1D000] =	vst v63  }
.Ltmp5:
0x287: {  	_ =	swait.ge [sflag:s21], $0x4000;
	(pc) =	sbr.rel @!p1 .LBB2_3-.Ltmp5, $4  }
0x288: {  	[sflag:s21] =	ssyncset.done $0x0  }
0x289: {  	[sflag:s21] =	ssyncadd.s32 $0xFFFFC000  }
0x28a: {  	_ =	swait.ge [sflag:s21], $0x4000  }
0x28b: {  	s31 =	sadd.s32 $0x100, s31;
	[sflag:s21] =	ssyncset.done $0x0  }
.Ltmp6:
0x28c: {  	(pc) =	sbr.rel .LBB2_8-.Ltmp6, $2  }
0x28d: {  	_ =	sdelay $0x2  }
0x28e: {  	[sflag:s21] =	ssyncadd.s32 $0xFFFFC000  }
.LBB2_9:
0x28f: {  	_ =	sfence.sel $0x180000  }
0x290: {  	[bflag:$0x0] =	sbarrier.arrive $0xFFFF  }
0x291: {  	_ =	strace $0x9000004A  }
0x292: {  	s0 =	stileid.u32;
	[bflag:$0x2] =	sbarrier.arrive $0xFFFF  }
0x293: {  	p0 =	sne.s32 s0, $0x0;
	s0 =	rddreg [dreg:$0x2]  }
0x294: {  	s0 =	sadd.s32 @!p0 $0x100000, s0  }
0x295: {  	[sflag:s0] =	ssyncadd.tile.s32 @!p0 $0x1;
	_ =	shalt  }
.Lfunc_end2:
_tile_overlayer_lowered:
.L_overlay_start_2:
0x296: {  	(tag) =	ssettag $0x2  }
0x297: {  	s0 =	rddreg [dreg:$0x0];
	s2 =	stileid.u32  }
0x298: {  	s1 =	rddreg [dreg:$0x1];
	p0 =	sne.s32 s2, $0x0  }
0x299: {  	s3 =	rddreg [dreg:$0x2];
	[bflag:$0x3] =	sbarrier.arrive $0xFFFF;
	s2 =	simm.s32 @!p0 $0x1C04  }
0x29a: {  	[timem:s3], [sflag:s2] =	dma.local @!p0 [hbm:s0], s1  }
0x29b: {  	s0 =	simm.s32 @!p0 $0x4  }
0x29c: {  	_ =	swait.ge @!p0 [sflag:s0], s1  }
0x29d: {  	s1 =	ssub.s32 @!p0 $0x0, s1;
	[sflag:s0] =	ssyncset.done @!p0 $0x0  }
0x29e: {  	[sflag:s0] =	ssyncadd.s32 @!p0 s1  }
0x29f: {  	[bflag:$0x3] =	sbarrier.arrive $0xFFFF  }
0x2a0: {  	_ =	shalt  }

// kernel: kernel.16.cloned.1.call-start
scs
__scs_entry_jumppad:
0x0: {  	(pc) =	sbr.rel $0x88, $3  }
0x1: {  	(tag) =	ssettag $0x0;
	lr =	simm.s32 $0x1  }
0x2: {  	[smem:$0x3F95] =	sst lr;
	_ =	strace $0xD0000000  }
0x3: {  	_ = 	snop  }
0x4: {  	_ = 	snop  }
0x5: {  	_ = 	snop  }
0x6: {  	_ = 	snop  }
0x7: {  	_ = 	snop  }
__scs_overlays_trampoline_lowered:
0x8: {  	[smem:$0x3FA4] =	sst s0  }
0x9: {  	[smem:$0x3FA5] =	sst s1  }
0xa: {  	[smem:$0x3FA6] =	sst s2  }
0xb: {  	[smem:$0x3FA7] =	sst s3  }
0xc: {  	[smem:$0x3FA8] =	sst s4  }
0xd: {  	[smem:$0x3FA9] =	sst s5  }
0xe: {  	[smem:$0x3FAA] =	sst s6  }
0xf: {  	[smem:$0x3FAB] =	sst s7  }
0x10: {  	[smem:$0x3FAC] =	sst s8  }
0x11: {  	[smem:$0x3FAD] =	sst s9;
	s0 =	simm.s32 @!p0 $0x0  }
0x12: {  	s1 =	sld [smem:$0x3F93];
	s0 =	simm.s32 @p0 $0x1  }
0x13: {  	[smem:$0x3FAE] =	sst s0;
	s0 =	simm.s32 @!p1 $0x0  }
0x14: {  	s2 =	sld [smem:$0x3F92];
	s0 =	simm.s32 @p1 $0x1  }
0x15: {  	[smem:$0x3FAF] =	sst s0;
	s0 =	simm.s32 @!p2 $0x0  }
0x16: {  	s3 =	sld [smem:$0x3FDB];
	s0 =	simm.s32 @p2 $0x1  }
0x17: {  	s4 =	simm.s32 $0x1BF5;
	[smem:$0x3FB1] =	sst s0  }
0x18: {  	s0 =	sld [smem:$0x3F94];
	_ =	swait.ge [sflag:s4], $0x0  }
0x19: {  	s7 =	sld [smem:$0x3F95]  }
0x1a: {  	s8 =	sadd.s32 $0xFFFFE003, lr  }
0x1b: {  	s9 =	sadd.s32 $0xFFFFFEF7, lr;
	s5 =	simm.s32 $0xFFFFFFFF;
	p2 =	slt.u32 s8, $0xFFFFF086  }
0x1c: {  	p1 =	slt.u32 s9, $0xF7A;
	s5 =	simm.s32 @!p2 $0x0  }
0x1d: {  	s5 =	simm.s32 @p1 $0x1;
	p0 =	seq.s32 s7, s2  }
0x1e: {  	s7 =	smul.u32 @!p0 $0xF7A, s2;
	p2 =	seq.s32 @!p0 s5, $0x0  }
0x1f: {  	s9 =	smul.u32 $0xF7A, s1;
	s8 =	simm.s32 @!p0 $0x1BF5;
	p2 =	por !p2, p0  }
0x20: {  	[sflag:s8] =	ssyncset.s32 @!p0 $0xFFFFF086;
	s6 =	sadd.s32 @!p0 s3, s7;
	s7 =	simm.s32 @!p0 $0x108  }
0x21: {  	s3 =	sadd.s32 s3, s9;
	s6 =	sadd.s32 @!p0 $0x88, s6;
	s7 =	simm.s32 @p2 $0x1082  }
0x22: {  	[simem:s7], [sflag:s8] =	dma.local @!p0 [hbm:s6], $0xF7A  }
0x23: {  	s9 =	sor.u32 $0xD0000000, s2;
	s6 =	simm.s32 $0x108;
	_ =	swait.ge @!p0 [sflag:s8], $0x0  }
0x24: {  	s3 =	sadd.s32 $0x88, s3;
	s6 =	simm.s32 @!p1 $0x1082;
	[sflag:s4] =	ssyncset.s32 $0xFFFFF086  }
0x25: {  	[simem:s6], [sflag:s4] =	dma.local [hbm:s3], $0xF7A  }
0x26: {  	[smem:$0x3F95] =	sst s1;
	(tag) =	ssettag s2;
	_ =	strace s9  }
0x27: {  	s1 =	sld [smem:$0x3FA5]  }
0x28: {  	s2 =	sld [smem:$0x3FA6]  }
0x29: {  	s4 =	sld [smem:$0x3FA8]  }
0x2a: {  	p0 =	seq.s32 s5, $0x0;
	s5 =	sld [smem:$0x3FA9]  }
0x2b: {  	s6 =	sld [smem:$0x3FAA]  }
0x2c: {  	s7 =	sld [smem:$0x3FAB]  }
0x2d: {  	s3 =	simm.s32 $0x108;
	s8 =	sld [smem:$0x3FAC]  }
0x2e: {  	s3 =	simm.s32 @!p0 $0x1082;
	s9 =	sld [smem:$0x3FAD]  }
0x2f: {  	lr =	sadd.s32 s0, s3;
	s0 =	sld [smem:$0x3FA4]  }
0x30: {  	s3 =	sld [smem:$0x3FA7]  }
0x31: {  	[smem:$0x3FB0] =	sst s10  }
0x32: {  	s10 =	sld [smem:$0x3FAE];
	_ =	sdelay $0x3  }
0x33: {  	p0 =	seq.s32 s10, $0x1;
	s10 =	sld [smem:$0x3FB0];
	_ =	sdelay $0x3  }
0x34: {  	[smem:$0x3FB0] =	sst s10  }
0x35: {  	s10 =	sld [smem:$0x3FAF];
	_ =	sdelay $0x3  }
0x36: {  	p1 =	seq.s32 s10, $0x1;
	s10 =	sld [smem:$0x3FB0];
	_ =	sdelay $0x3  }
0x37: {  	[smem:$0x3FB0] =	sst s10  }
0x38: {  	s10 =	sld [smem:$0x3FB1]  }
0x39: {  	_ = 	snop;
	(pc) =	sbr.ind lr, $3  }
0x3a: {  	_ = 	snop  }
0x3b: {  	_ = 	snop  }
0x3c: {  	p2 =	seq.s32 s10, $0x1;
	s10 =	sld [smem:$0x3FB0]  }
0x3d: {  	_ =	shalt  }
0x3e: {  	_ =	shalt  }
0x3f: {  	_ =	shalt  }
0x40: {  	_ =	shalt  }
0x41: {  	_ =	shalt  }
0x42: {  	_ =	shalt  }
0x43: {  	_ =	shalt  }
0x44: {  	_ =	shalt  }
0x45: {  	_ =	shalt  }
0x46: {  	_ =	shalt  }
0x47: {  	_ =	shalt  }
0x48: {  	_ =	shalt  }
0x49: {  	_ =	shalt  }
0x4a: {  	_ =	shalt  }
0x4b: {  	_ =	shalt  }
0x4c: {  	_ =	shalt  }
0x4d: {  	_ =	shalt  }
0x4e: {  	_ =	shalt  }
0x4f: {  	_ =	shalt  }
0x50: {  	_ =	shalt  }
0x51: {  	_ =	shalt  }
0x52: {  	_ =	shalt  }
0x53: {  	_ =	shalt  }
0x54: {  	_ =	shalt  }
0x55: {  	_ =	shalt  }
0x56: {  	_ =	shalt  }
0x57: {  	_ =	shalt  }
0x58: {  	_ =	shalt  }
0x59: {  	_ =	shalt  }
0x5a: {  	_ =	shalt  }
0x5b: {  	_ =	shalt  }
0x5c: {  	_ =	shalt  }
0x5d: {  	_ =	shalt  }
0x5e: {  	_ =	shalt  }
0x5f: {  	_ =	shalt  }
0x60: {  	_ =	shalt  }
0x61: {  	_ =	shalt  }
0x62: {  	_ =	shalt  }
0x63: {  	_ =	shalt  }
0x64: {  	_ =	shalt  }
0x65: {  	_ =	shalt  }
0x66: {  	_ =	shalt  }
0x67: {  	_ =	shalt  }
0x68: {  	_ =	shalt  }
0x69: {  	_ =	shalt  }
0x6a: {  	_ =	shalt  }
0x6b: {  	_ =	shalt  }
0x6c: {  	_ =	shalt  }
0x6d: {  	_ =	shalt  }
0x6e: {  	_ =	shalt  }
0x6f: {  	_ =	shalt  }
0x70: {  	_ =	shalt  }
0x71: {  	_ =	shalt  }
0x72: {  	_ =	shalt  }
0x73: {  	_ =	shalt  }
0x74: {  	_ =	shalt  }
0x75: {  	_ =	shalt  }
0x76: {  	_ =	shalt  }
0x77: {  	_ =	shalt  }
0x78: {  	_ =	shalt  }
0x79: {  	_ =	shalt  }
0x7a: {  	_ =	shalt  }
0x7b: {  	_ =	shalt  }
0x7c: {  	_ =	shalt  }
0x7d: {  	_ =	shalt  }
0x7e: {  	_ =	shalt  }
0x7f: {  	_ =	shalt  }
0x80: {  	_ =	shalt  }
0x81: {  	_ =	shalt  }
0x82: {  	_ =	shalt  }
0x83: {  	_ =	shalt  }
0x84: {  	_ =	shalt  }
0x85: {  	_ =	shalt  }
0x86: {  	_ =	shalt  }
0x87: {  	_ =	shalt  }
.Lfunc_end0:
.L_simem_size_0:
called_computation.2_lowered:
.L_overlay_start_0:
0x88: {  	s2 =	sld [smem:$0x3FD9]  }
0x89: {  	s3 =	sld [smem:$0x3FFE];
	_ =	sdelay $0x1  }
0x8a: {  	s1 =	srdreg.scid  }
0x8b: {  	s0 =	sand.u32 $0x1, s1  }
0x8c: {  	s16 =	sshll.u32 s0, $0xA;
	s2 =	sadd.s32 s3, s2  }
0x8d: {  	s2 =	sadd.s32 s2, s16  }
0x8e: {  	[smem:$0x3FBC] =	sst s2  }
0x8f: {  	_ = 	snop  }
0x90: {  	(tm) =	ssettm $0x1  }
0x91: {  	s17 =	sld [smem:$0x3FFB];
	_ =	sdelay $0x3  }
0x92: {  	_ =	strace s17  }
0x93: {  	s2 =	sld [smem:$0x3FFC];
	_ =	sdelay $0x3  }
0x94: {  	_ =	strace s2  }
0x95: {  	s2 =	sld [smem:$0x3FFD];
	_ =	sdelay $0x3  }
0x96: {  	_ =	strace s2  }
0x97: {  	_ =	strace $0x8FFFFFFF  }
0x98: {  	s18 =	sld [smem:$0x3FDB];
	_ =	sdelay $0x1  }
0x99: {  	s19 =	simm.s32 $_scs_section_size  }
0x9a: {  	s4 =	simm.s32 $_size__tile_overlayer_lowered;
	s5 =	simm.s32 $_tile_overlayer_lowered  }
0x9b: {  	s22 =	simm.s32 $0x1BFF;
	s21 =	sshll.u32 s5, $0x1;
	s2 =	sadd.s32 s19, s18  }
0x9c: {  	s6 =	simm.s32 $0x0;
	s20 =	sshll.u32 s4, $0x1;
	s4 =	sadd.s32 s21, s2  }
0x9d: {  	[timem:s6], [sflag:s22] =	dma.local [hbm:s4], s20  }
0x9e: {  	_ =	swait.ge [sflag:s22], s20  }
0x9f: {  	s3 =	ssub.s32 $0x0, s20;
	[sflag:s22] =	ssyncset.done $0x0  }
0xa0: {  	[sflag:s22] =	ssyncadd.s32 s3;
	_ =	sdelay $0x1  }
0xa1: {  	s23 =	simm.s32 $0x1B8B  }
0xa2: {  	_ =	swait.ge [sflag:s23], $0x1  }
0xa3: {  	[sflag:s23] =	ssyncset.done $0x0  }
0xa4: {  	s25 =	simm.s32 $0x1B8E;
	s24 =	sld [smem:$0x3FFE];
	[sflag:s23] =	ssyncadd.s32 $0xFFFFFFFF  }
0xa5: {  	s26 =	simm.s32 $execute0_lowered;
	[smem:$0x3FD2] =	sst s25  }
0xa6: {  	s4 =	sshll.u32 s26, $0x1;
	_ =	strace $0x8000004C;
	[dreg:$0x1] =	wrdreg $0xFFFFFFFF  }
0xa7: {  	s28 =	simm.s32 $_size_execute0_lowered;
	s2 =	sadd.s32 s2, s4;
	[dreg:$0x0] =	wrdreg $0x0  }
0xa8: {  	s4 =	sshll.u32 s28, $0x1;
	[dreg:$0x2] =	wrdreg s2  }
0xa9: {  	[dreg:$0x3] =	wrdreg s4  }
0xaa: {  	[dreg:$0x4] =	wrdreg $0xC0  }
0xab: {  	_ =	task [dreg:s6], $0x5FFFF  }
0xac: {  	[dreg:$0x1] =	wrdreg $0xFFFFFFFF  }
0xad: {  	[dreg:$0x0] =	wrdreg $0x60  }
0xae: {  	[dreg:$0x2] =	wrdreg s24  }
0xaf: {  	[dreg:$0x3] =	wrdreg $0x90000  }
0xb0: {  	[dreg:$0x4] =	wrdreg $0x9  }
0xb1: {  	_ =	task.clear_ibuf [dreg:s6], $0x5FFFF;
	_ =	strace $0x9000004C  }
0xb2: {  	s29 =	simm.s32 $0x9;
	_ =	strace $0x8000004E  }
0xb3: {  	_ =	swait.ge [sflag:s29], $0x1  }
0xb4: {  	[sflag:s29] =	ssyncadd.s32 $0xFFFFFFFF  }
0xb5: {  	_ =	strace $0x9000004E  }
0xb6: {  	_ =	sfence  }
0xb7: {  	s30 =	sld [smem:$0x0];
	_ =	sdelay $0x2  }
0xb8: {  	s31 =	sshll.u32 s1, $0xD;
	s1 =	sshrl.u32 s1, $0x2  }
0xb9: {  	s3 =	sand.u32 $0x4000, s31;
	s1 =	sadd.s32 s1, s30  }
0xba: {  	s0 =	sor.u32 s3, s0;
	s1 =	sshll.u32 s1, $0x11  }
0xbb: {  	s0 =	sor.u32 s1, s0  }
0xbc: {  	s0 =	sadd.s32 $0x8F2B, s0  }
0xbd: {  	[sflag:s0] =	ssyncadd.remote.s32 $0x1  }
0xbe: {  	_ =	sfence.sel $0xFFFF  }
0xbf: {  	[dreg:$0x0] =	wrdreg $0xFFFFFFFF;
	(pc) =	sbr.abs _section_cstart, $3  }
0xc0: {  	[dreg:$0x1] =	wrdreg $0xFFFFFFFF  }
0xc1: {  	_ =	task.clear_ibuf [dreg:s6], $0x2FFFF;
	_ =	strace $0x9FFFFFFF  }
0xc2: {  	(tm) =	ssettm $0x7FFFFFFF  }
0xc3: {  	_ =	shalt  }
tec
execute0_lowered:
.L_overlay_start_1:
0x0: {  	(tag) =	ssettag $0x1  }
0x1: {  	s0 =	rddreg [dreg:$0x0]  }
0x2: {  	s1 =	rddreg [dreg:$0x1]  }
0x3: {  	s3 =	simm.s32 $0x0;
	s2 =	srdreg.scid;
	s11 =	stileid.u32  }
0x4: {  	s12 =	simm.s32 $0x580;
	s28 =	simm.s32 $0x780;
	s29 =	simm.s32 $0xF00  }
0x5: {  	s30 =	simm.s32 $0xF80;
	[smem:$0x7FF] =	sst s3;
	s7 =	smul.u32 $0x14000, s11  }
0x6: {  	s2 =	sand.u32 $0x1, s2;
	s6 =	sadd.s32 $0x6AE00, s0;
	s9 =	smul.u32 $0x50000, s11  }
0x7: {  	s8 =	sadd.s32 $0xDE00, s0;
	s4 =	sadd.s32 $0x74E00, s0;
	s18 =	smul.u32 $0x700, s11  }
0x8: {  	s10 =	sadd.s32 $0x17E00, s0;
	s20 =	smul.u32 $0x300, s11;
	s11 =	simm.s32 $0x500  }
0x9: {  	s5 =	smul.u32 $0x140000, s2;
	_ =	strace $0x8000004D;
	[dreg:$0x7] =	wrdreg s10  }
0xa: {  	s13 =	ssub.s32 $0x2, s2;
	p0 =	seq.s32 s2, $0x1;
	s10 =	simm.s32 $0xC80  }
0xb: {  	s2 =	simm.s32 $0x0;
	s14 =	sshrl.u32 s13, $0x1;
	s9 =	sshrl.u32 s9, $0x2  }
0xc: {  	s21 =	sadd.s32 s18, s8;
	s22 =	sadd.s32 s18, s6;
	s23 =	sadd.s32 s20, s8  }
0xd: {  	s25 =	sadd.s32 s20, s6;
	s18 =	simm.s32 $0x1;
	s8 =	simm.s32 $0x480  }
0xe: {  	s6 =	simm.s32 $0xD00;
	s20 =	simm.s32 $0xD80;
	s5 =	sadd.s32 s7, s5  }
0xf: {  	s15 =	ssub.s32 s13, s14;
	s31 =	sadd.s32 s9, s1;
	[dreg:$0x3] =	wrdreg s21  }
0x10: {  	[dreg:$0x4] =	wrdreg s22;
	s24 =	sadd.s32 $0x7000, s23;
	s26 =	sadd.s32 $0x7000, s25  }
0x11: {  	s13 =	simm.s32 $0x1000;
	s14 =	simm.s32 $0x4;
	s21 =	simm.s32 $0x3  }
0x12: {  	s7 =	simm.s32 $0x400;
	s22 =	simm.s32 $0x600;
	[dreg:$0x5] =	wrdreg s24  }
0x13: {  	s23 =	simm.s32 $0x680;
	s25 =	simm.s32 $0xE80;
	[dreg:$0x6] =	wrdreg s26  }
0x14: {  	s5 =	sshrl.u32 s5, $0x3;
	s16 =	sadd.s32 $0x4000, s31;
	[dreg:$0x8] =	wrdreg s31  }
0x15: {  	s17 =	sadd.s32 $0x8000, s31;
	s9 =	sadd.s32 $0xC000, s31;
	[dreg:$0x9] =	wrdreg s16  }
0x16: {  	s19 =	sadd.s32 $0x10000, s31;
	s24 =	simm.s32 $0xE00;
	[dreg:$0xa] =	wrdreg s17  }
.Ltmp0:
0x17: {  	s26 =	simm.s32 $0x700;
	[dreg:$0xb] =	wrdreg s9;
	(pc) =	sbr.rel .LBB2_1-.Ltmp0, $4  }
0x18: {  	s0 =	sadd.s32 s5, s0;
	[dreg:$0xc] =	wrdreg s19;
	s5 =	smax.u32 s15, $0x1  }
0x19: {  	s15 =	simm.s32 $0x800;
	s16 =	simm.s32 $0x80;
	s17 =	simm.s32 $0x5000  }
0x1a: {  	s19 =	simm.s32 $0x2;
	s0 =	sadd.s32 $0x9CE00, s0;
	[dreg:$0xe] =	wrdreg s5  }
0x1b: {  	s9 =	simm.s32 $0xC00;
	s5 =	simm.s32 $0xB80;
	[dreg:$0xd] =	wrdreg s0  }
.LBB2_7:
0x1c: {  	[sflag:s21] =	ssyncadd.s32 $0xFFFFC000  }
.LBB2_8:
0x1d: {  	s0 =	stileid.u32;
	[bflag:$0x0] =	sbarrier.arrive $0xFFFF  }
0x1e: {  	s0 =	sshll.u32 s0, $0x6;
	s2 =	rddreg [dreg:$0x8]  }
0x1f: {  	s31 =	rddreg [dreg:$0xd];
	s0 =	sor.u32 $0x1C04, s0  }
0x20: {  	[dreg:$0x10] =	wrdreg s0  }
0x21: {  	s2 =	sshrl.u32 s2, $0x3;
	s0 =	rddreg [dreg:$0x10]  }
0x22: {  	[hbm:s31], [sflag:s0] =	dma.local [spmem:s2], $0x2800  }
0x23: {  	s31 =	rddreg [dreg:$0x8];
	_ =	swait.ge [sflag:s14], $0x2800  }
0x24: {  	s0 =	rddreg [dreg:$0xf]  }
0x25: {  	s2 =	sadd.s32 $0x1, s0;
	s0 =	rddreg [dreg:$0xe]  }
0x26: {  	p1 =	sne.s32 s2, s0  }
.Ltmp1:
0x27: {  	_ = 	snop;
	(pc) =	sbr.rel @!p1 .LBB2_9-.Ltmp1, $3  }
0x28: {  	_ =	sdelay $0x1  }
0x29: {  	[sflag:s14] =	ssyncset.done $0x0  }
0x2a: {  	[sflag:s14] =	ssyncadd.s32 $0xFFFFD800  }
.LBB2_1:
0x2b: {  	[dreg:$0xf] =	wrdreg s2  }
0x2c: {  	s0 =	rddreg [dreg:$0x7]  }
0x2d: {  	[tilespmem:s13], [sflag:$0x4] =	stream.linear.gather [hbm4b:s0+s3], $0x4000, $0x38;
	[tilespmem:$0x1D000] =	vst v63  }
0x2e: {  	_ =	swait.ge [sflag:s14], $0x4000  }
0x2f: {  	[sflag:s14] =	ssyncset.done $0x0  }
0x30: {  	[sflag:s14] =	ssyncadd.s32 $0xFFFFC000  }
0x31: {  	[spmem:s31] =	stream.linear.scatter [tilespmem:s13], [sflag:$0x4], $0x4000, $0x38;
	[tilespmem:$0x1D000] =	vst v63  }
0x32: {  	_ =	swait.ge [sflag:s14], $0x4000  }
0x33: {  	[sflag:s14] =	ssyncset.done $0x0  }
0x34: {  	s2 =	rddreg [dreg:$0x9];
	[sflag:s14] =	ssyncadd.s32 $0xFFFFC000  }
0x35: {  	[spmem:s2] =	stream.linear.scatter [tilespmem:s13], [sflag:$0x4], $0x4000, $0x38;
	[tilespmem:$0x1D000] =	vst v63  }
0x36: {  	_ =	swait.ge [sflag:s14], $0x4000  }
0x37: {  	[sflag:s14] =	ssyncset.done $0x0  }
0x38: {  	s31 =	rddreg [dreg:$0xa];
	[sflag:s14] =	ssyncadd.s32 $0xFFFFC000  }
0x39: {  	[spmem:s31] =	stream.linear.scatter [tilespmem:s13], [sflag:$0x4], $0x4000, $0x38;
	[tilespmem:$0x1D000] =	vst v63  }
0x3a: {  	_ =	swait.ge [sflag:s14], $0x4000  }
0x3b: {  	[sflag:s14] =	ssyncset.done $0x0  }
0x3c: {  	s2 =	rddreg [dreg:$0xb];
	[sflag:s14] =	ssyncadd.s32 $0xFFFFC000  }
0x3d: {  	[spmem:s2] =	stream.linear.scatter [tilespmem:s13], [sflag:$0x4], $0x4000, $0x38;
	[tilespmem:$0x1D000] =	vst v63  }
0x3e: {  	_ =	swait.ge [sflag:s14], $0x4000  }
0x3f: {  	[sflag:s14] =	ssyncset.done $0x0  }
0x40: {  	s31 =	rddreg [dreg:$0xc];
	[sflag:s14] =	ssyncadd.s32 $0xFFFFC000  }
0x41: {  	[spmem:s31] =	stream.linear.scatter [tilespmem:s13], [sflag:$0x4], $0x4000, $0x38;
	[tilespmem:$0x1D000] =	vst v63  }
.Ltmp2:
0x42: {  	_ =	swait.ge [sflag:s14], $0x4000;
	(pc) =	sbr.rel @!p0 .LBB2_2-.Ltmp2, $3  }
0x43: {  	[sflag:s14] =	ssyncset.done $0x0  }
0x44: {  	[sflag:s14] =	ssyncadd.s32 $0xFFFFC000  }
0x45: {  	[bflag:$0x0] =	sbarrier.arrive $0xFFFF;
	_ =	sdelay $0x1  }
0x46: {  	s0 =	rddreg [dreg:$0x6]  }
0x47: {  	s0 =	sadd.s32 $0x0, s0  }
0x48: {  	[tilespmem:s3], [sflag:$0x4] =	stream.linear.gather [hbm4b:s0+s3], $0x800, $0x38;
	[tilespmem:$0x1D000] =	vst v63  }
0x49: {  	_ =	swait.ge [sflag:s14], $0x800  }
0x4a: {  	s2 =	rddreg [dreg:$0x5];
	[sflag:s14] =	ssyncset.done $0x0  }
0x4b: {  	[sflag:s14] =	ssyncadd.s32 $0xFFFFF800;
	s0 =	sadd.s32 $0x0, s2  }
0x4c: {  	[tilespmem:s15], [sflag:$0x4] =	stream.linear.gather [hbm4b:s0+s3], $0x800, $0x38;
	[tilespmem:$0x1D000] =	vst v63  }
0x4d: {  	_ =	swait.ge [sflag:s14], $0x800  }
0x4e: {  	[sflag:s14] =	ssyncset.done $0x0  }
0x4f: {  	[sflag:s14] =	ssyncadd.s32 $0xFFFFF800  }
0x50: {  	[tilespmem:s13], [sflag:$0x1] =	stream.indirect.gather [hbm4b:s4+s16], $0x80, s3, s16, $0xb8;
	[tilespmem:$0x1D000] =	vst v63  }
0x51: {  	_ = 	snop  }
0x52: {  	[tilespmem:s17], [sflag:$0x2] =	stream.indirect.gather [hbm4b:s4+s16], $0x80, s16, s16, $0xb8;
	[tilespmem:$0x1D000] =	vst v63  }
0x53: {  	_ =	swait.ge [sflag:s18], $0x4000  }
0x54: {  	[sflag:s18] =	ssyncset.done $0x0  }
0x55: {  	[sflag:s18] =	ssyncadd.s32 $0xFFFFC000  }
0x56: {  	[spmem:s1] =	stream.indirect.scatter.add.f32 [tilespmem:s13], [sflag:$0x3], $0x80, s15, s16, $0xb8;
	[tilespmem:$0x1D000] =	vst v63  }
0x57: {  	_ =	swait.ge [sflag:s19], $0x4000  }
0x58: {  	[sflag:s19] =	ssyncset.done $0x0  }
0x59: {  	s2 =	simm.s32 $0x880;
	[sflag:s19] =	ssyncadd.s32 $0xFFFFC000  }
0x5a: {  	[spmem:s1] =	stream.indirect.scatter.add.f32 [tilespmem:s17], [sflag:$0x3], $0x80, s2, s16, $0xb8;
	[tilespmem:$0x1D000] =	vst v63  }
0x5b: {  	_ =	swait.ge [sflag:s21], $0x4000  }
0x5c: {  	[sflag:s21] =	ssyncset.done $0x0  }
0x5d: {  	[sflag:s21] =	ssyncadd.s32 $0xFFFFC000  }
0x5e: {  	_ =	swait.ge [sflag:s21], $0x4000  }
0x5f: {  	[sflag:s21] =	ssyncset.done $0x0  }
0x60: {  	s2 =	simm.s32 $0x100;
	[sflag:s21] =	ssyncadd.s32 $0xFFFFC000  }
0x61: {  	[tilespmem:s13], [sflag:$0x1] =	stream.indirect.gather [hbm4b:s4+s16], $0x80, s2, s16, $0xb8;
	[tilespmem:$0x1D000] =	vst v63  }
0x62: {  	s2 =	simm.s32 $0x180  }
0x63: {  	[tilespmem:s17], [sflag:$0x2] =	stream.indirect.gather [hbm4b:s4+s16], $0x80, s2, s16, $0xb8;
	[tilespmem:$0x1D000] =	vst v63  }
0x64: {  	_ =	swait.ge [sflag:s18], $0x4000  }
0x65: {  	[sflag:s18] =	ssyncset.done $0x0  }
0x66: {  	s2 =	simm.s32 $0x900;
	[sflag:s18] =	ssyncadd.s32 $0xFFFFC000  }
0x67: {  	[spmem:s1] =	stream.indirect.scatter.add.f32 [tilespmem:s13], [sflag:$0x3], $0x80, s2, s16, $0xb8;
	[tilespmem:$0x1D000] =	vst v63  }
0x68: {  	_ =	swait.ge [sflag:s19], $0x4000  }
0x69: {  	[sflag:s19] =	ssyncset.done $0x0  }
0x6a: {  	s2 =	simm.s32 $0x980;
	[sflag:s19] =	ssyncadd.s32 $0xFFFFC000  }
0x6b: {  	[spmem:s1] =	stream.indirect.scatter.add.f32 [tilespmem:s17], [sflag:$0x3], $0x80, s2, s16, $0xb8;
	[tilespmem:$0x1D000] =	vst v63  }
0x6c: {  	_ =	swait.ge [sflag:s21], $0x4000  }
0x6d: {  	[sflag:s21] =	ssyncset.done $0x0  }
0x6e: {  	[sflag:s21] =	ssyncadd.s32 $0xFFFFC000  }
0x6f: {  	_ =	swait.ge [sflag:s21], $0x4000  }
0x70: {  	[sflag:s21] =	ssyncset.done $0x0  }
0x71: {  	s2 =	simm.s32 $0x200;
	[sflag:s21] =	ssyncadd.s32 $0xFFFFC000  }
0x72: {  	[tilespmem:s13], [sflag:$0x1] =	stream.indirect.gather [hbm4b:s4+s16], $0x80, s2, s16, $0xb8;
	[tilespmem:$0x1D000] =	vst v63  }
0x73: {  	s2 =	simm.s32 $0x280  }
0x74: {  	[tilespmem:s17], [sflag:$0x2] =	stream.indirect.gather [hbm4b:s4+s16], $0x80, s2, s16, $0xb8;
	[tilespmem:$0x1D000] =	vst v63  }
0x75: {  	_ =	swait.ge [sflag:s18], $0x4000  }
0x76: {  	[sflag:s18] =	ssyncset.done $0x0  }
0x77: {  	s2 =	simm.s32 $0xA00;
	[sflag:s18] =	ssyncadd.s32 $0xFFFFC000  }
0x78: {  	[spmem:s1] =	stream.indirect.scatter.add.f32 [tilespmem:s13], [sflag:$0x3], $0x80, s2, s16, $0xb8;
	[tilespmem:$0x1D000] =	vst v63  }
0x79: {  	_ =	swait.ge [sflag:s19], $0x4000  }
0x7a: {  	[sflag:s19] =	ssyncset.done $0x0  }
0x7b: {  	s2 =	simm.s32 $0xA80;
	[sflag:s19] =	ssyncadd.s32 $0xFFFFC000  }
0x7c: {  	[spmem:s1] =	stream.indirect.scatter.add.f32 [tilespmem:s17], [sflag:$0x3], $0x80, s2, s16, $0xb8;
	[tilespmem:$0x1D000] =	vst v63  }
0x7d: {  	_ =	swait.ge [sflag:s21], $0x4000  }
0x7e: {  	[sflag:s21] =	ssyncset.done $0x0  }
0x7f: {  	[sflag:s21] =	ssyncadd.s32 $0xFFFFC000  }
0x80: {  	_ =	swait.ge [sflag:s21], $0x4000  }
0x81: {  	[sflag:s21] =	ssyncset.done $0x0  }
0x82: {  	s2 =	simm.s32 $0x300;
	[sflag:s21] =	ssyncadd.s32 $0xFFFFC000  }
0x83: {  	[tilespmem:s13], [sflag:$0x1] =	stream.indirect.gather [hbm4b:s4+s16], $0x80, s2, s16, $0xb8;
	[tilespmem:$0x1D000] =	vst v63  }
0x84: {  	s2 =	simm.s32 $0x380  }
0x85: {  	[tilespmem:s17], [sflag:$0x2] =	stream.indirect.gather [hbm4b:s4+s16], $0x80, s2, s16, $0xb8;
	[tilespmem:$0x1D000] =	vst v63  }
0x86: {  	_ =	swait.ge [sflag:s18], $0x4000  }
0x87: {  	[sflag:s18] =	ssyncset.done $0x0  }
0x88: {  	s2 =	simm.s32 $0xB00;
	[sflag:s18] =	ssyncadd.s32 $0xFFFFC000  }
0x89: {  	[spmem:s1] =	stream.indirect.scatter.add.f32 [tilespmem:s13], [sflag:$0x3], $0x80, s2, s16, $0xb8;
	[tilespmem:$0x1D000] =	vst v63  }
0x8a: {  	_ =	swait.ge [sflag:s19], $0x4000  }
0x8b: {  	[sflag:s19] =	ssyncset.done $0x0  }
0x8c: {  	[sflag:s19] =	ssyncadd.s32 $0xFFFFC000  }
0x8d: {  	[spmem:s1] =	stream.indirect.scatter.add.f32 [tilespmem:s17], [sflag:$0x3], $0x80, s5, s16, $0xb8;
	[tilespmem:$0x1D000] =	vst v63  }
0x8e: {  	_ =	swait.ge [sflag:s21], $0x4000  }
0x8f: {  	[sflag:s21] =	ssyncset.done $0x0  }
0x90: {  	[sflag:s21] =	ssyncadd.s32 $0xFFFFC000  }
0x91: {  	_ =	swait.ge [sflag:s21], $0x4000  }
0x92: {  	[sflag:s21] =	ssyncset.done $0x0  }
0x93: {  	[sflag:s21] =	ssyncadd.s32 $0xFFFFC000  }
0x94: {  	[tilespmem:s13], [sflag:$0x1] =	stream.indirect.gather [hbm4b:s4+s16], $0x80, s7, s16, $0xb8;
	[tilespmem:$0x1D000] =	vst v63  }
0x95: {  	_ = 	snop  }
0x96: {  	[tilespmem:s17], [sflag:$0x2] =	stream.indirect.gather [hbm4b:s4+s16], $0x80, s8, s16, $0xb8;
	[tilespmem:$0x1D000] =	vst v63  }
0x97: {  	_ =	swait.ge [sflag:s18], $0x4000  }
0x98: {  	[sflag:s18] =	ssyncset.done $0x0  }
0x99: {  	[sflag:s18] =	ssyncadd.s32 $0xFFFFC000  }
0x9a: {  	[spmem:s1] =	stream.indirect.scatter.add.f32 [tilespmem:s13], [sflag:$0x3], $0x80, s9, s16, $0xb8;
	[tilespmem:$0x1D000] =	vst v63  }
0x9b: {  	_ =	swait.ge [sflag:s19], $0x4000  }
0x9c: {  	[sflag:s19] =	ssyncset.done $0x0  }
0x9d: {  	[sflag:s19] =	ssyncadd.s32 $0xFFFFC000  }
0x9e: {  	[spmem:s1] =	stream.indirect.scatter.add.f32 [tilespmem:s17], [sflag:$0x3], $0x80, s10, s16, $0xb8;
	[tilespmem:$0x1D000] =	vst v63  }
0x9f: {  	_ =	swait.ge [sflag:s21], $0x4000  }
0xa0: {  	[sflag:s21] =	ssyncset.done $0x0  }
0xa1: {  	[sflag:s21] =	ssyncadd.s32 $0xFFFFC000  }
0xa2: {  	_ =	swait.ge [sflag:s21], $0x4000  }
0xa3: {  	[sflag:s21] =	ssyncset.done $0x0  }
0xa4: {  	[sflag:s21] =	ssyncadd.s32 $0xFFFFC000  }
0xa5: {  	[tilespmem:s13], [sflag:$0x1] =	stream.indirect.gather [hbm4b:s4+s16], $0x80, s11, s16, $0xb8;
	[tilespmem:$0x1D000] =	vst v63  }
0xa6: {  	_ = 	snop  }
0xa7: {  	[tilespmem:s17], [sflag:$0x2] =	stream.indirect.gather [hbm4b:s4+s16], $0x80, s12, s16, $0xb8;
	[tilespmem:$0x1D000] =	vst v63  }
0xa8: {  	_ =	swait.ge [sflag:s18], $0x4000  }
0xa9: {  	[sflag:s18] =	ssyncset.done $0x0  }
0xaa: {  	[sflag:s18] =	ssyncadd.s32 $0xFFFFC000  }
0xab: {  	[spmem:s1] =	stream.indirect.scatter.add.f32 [tilespmem:s13], [sflag:$0x3], $0x80, s6, s16, $0xb8;
	[tilespmem:$0x1D000] =	vst v63  }
0xac: {  	_ =	swait.ge [sflag:s19], $0x4000  }
0xad: {  	[sflag:s19] =	ssyncset.done $0x0  }
0xae: {  	[sflag:s19] =	ssyncadd.s32 $0xFFFFC000  }
0xaf: {  	[spmem:s1] =	stream.indirect.scatter.add.f32 [tilespmem:s17], [sflag:$0x3], $0x80, s20, s16, $0xb8;
	[tilespmem:$0x1D000] =	vst v63  }
0xb0: {  	_ =	swait.ge [sflag:s21], $0x4000  }
0xb1: {  	[sflag:s21] =	ssyncset.done $0x0  }
0xb2: {  	[sflag:s21] =	ssyncadd.s32 $0xFFFFC000  }
0xb3: {  	_ =	swait.ge [sflag:s21], $0x4000  }
0xb4: {  	[sflag:s21] =	ssyncset.done $0x0  }
0xb5: {  	[sflag:s21] =	ssyncadd.s32 $0xFFFFC000  }
0xb6: {  	[tilespmem:s13], [sflag:$0x1] =	stream.indirect.gather [hbm4b:s4+s16], $0x80, s22, s16, $0xb8;
	[tilespmem:$0x1D000] =	vst v63  }
0xb7: {  	_ = 	snop  }
0xb8: {  	[tilespmem:s17], [sflag:$0x2] =	stream.indirect.gather [hbm4b:s4+s16], $0x80, s23, s16, $0xb8;
	[tilespmem:$0x1D000] =	vst v63  }
0xb9: {  	_ =	swait.ge [sflag:s18], $0x4000  }
0xba: {  	[sflag:s18] =	ssyncset.done $0x0  }
0xbb: {  	[sflag:s18] =	ssyncadd.s32 $0xFFFFC000  }
0xbc: {  	[spmem:s1] =	stream.indirect.scatter.add.f32 [tilespmem:s13], [sflag:$0x3], $0x80, s24, s16, $0xb8;
	[tilespmem:$0x1D000] =	vst v63  }
0xbd: {  	_ =	swait.ge [sflag:s19], $0x4000  }
0xbe: {  	[sflag:s19] =	ssyncset.done $0x0  }
0xbf: {  	[sflag:s19] =	ssyncadd.s32 $0xFFFFC000  }
0xc0: {  	[spmem:s1] =	stream.indirect.scatter.add.f32 [tilespmem:s17], [sflag:$0x3], $0x80, s25, s16, $0xb8;
	[tilespmem:$0x1D000] =	vst v63  }
0xc1: {  	_ =	swait.ge [sflag:s21], $0x4000  }
0xc2: {  	[sflag:s21] =	ssyncset.done $0x0  }
0xc3: {  	[sflag:s21] =	ssyncadd.s32 $0xFFFFC000  }
0xc4: {  	_ =	swait.ge [sflag:s21], $0x4000  }
0xc5: {  	[sflag:s21] =	ssyncset.done $0x0  }
0xc6: {  	[sflag:s21] =	ssyncadd.s32 $0xFFFFC000  }
0xc7: {  	[tilespmem:s13], [sflag:$0x1] =	stream.indirect.gather [hbm4b:s4+s16], $0x80, s26, s16, $0xb8;
	[tilespmem:$0x1D000] =	vst v63  }
0xc8: {  	_ = 	snop  }
0xc9: {  	[tilespmem:s17], [sflag:$0x2] =	stream.indirect.gather [hbm4b:s4+s16], $0x80, s28, s16, $0xb8;
	[tilespmem:$0x1D000] =	vst v63  }
0xca: {  	_ =	swait.ge [sflag:s18], $0x4000  }
0xcb: {  	[sflag:s18] =	ssyncset.done $0x0  }
0xcc: {  	[sflag:s18] =	ssyncadd.s32 $0xFFFFC000  }
0xcd: {  	[spmem:s1] =	stream.indirect.scatter.add.f32 [tilespmem:s13], [sflag:$0x3], $0x80, s29, s16, $0xb8;
	[tilespmem:$0x1D000] =	vst v63  }
0xce: {  	_ =	swait.ge [sflag:s19], $0x4000  }
0xcf: {  	[sflag:s19] =	ssyncset.done $0x0  }
0xd0: {  	[sflag:s19] =	ssyncadd.s32 $0xFFFFC000  }
0xd1: {  	[spmem:s1] =	stream.indirect.scatter.add.f32 [tilespmem:s17], [sflag:$0x3], $0x80, s30, s16, $0xb8;
	[tilespmem:$0x1D000] =	vst v63  }
0xd2: {  	_ =	swait.ge [sflag:s21], $0x4000  }
0xd3: {  	[sflag:s21] =	ssyncset.done $0x0  }
0xd4: {  	[sflag:s21] =	ssyncadd.s32 $0xFFFFC000  }
0xd5: {  	_ =	swait.ge [sflag:s21], $0x4000  }
0xd6: {  	s31 =	simm.s32 $0x100;
	[sflag:s21] =	ssyncset.done $0x0  }
.LBB2_6:
0xd7: {  	s0 =	rddreg [dreg:$0x6];
	s2 =	smov.u32 s31  }
0xd8: {  	[sflag:s21] =	ssyncadd.s32 $0xFFFFC000;
	s0 =	sadd.s32 s2, s0  }
0xd9: {  	[tilespmem:s3], [sflag:$0x4] =	stream.linear.gather [hbm4b:s0+s3], $0x800, $0x38;
	[tilespmem:$0x1D000] =	vst v63  }
0xda: {  	_ =	swait.ge [sflag:s14], $0x800  }
0xdb: {  	s0 =	rddreg [dreg:$0x5];
	[sflag:s14] =	ssyncset.done $0x0  }
0xdc: {  	[sflag:s14] =	ssyncadd.s32 $0xFFFFF800;
	s0 =	sadd.s32 s2, s0  }
0xdd: {  	[tilespmem:s15], [sflag:$0x4] =	stream.linear.gather [hbm4b:s0+s3], $0x800, $0x38;
	[tilespmem:$0x1D000] =	vst v63  }
0xde: {  	_ =	swait.ge [sflag:s14], $0x800  }
0xdf: {  	[sflag:s14] =	ssyncset.done $0x0  }
0xe0: {  	[sflag:s14] =	ssyncadd.s32 $0xFFFFF800  }
0xe1: {  	[tilespmem:s13], [sflag:$0x1] =	stream.indirect.gather [hbm4b:s4+s16], $0x80, s3, s16, $0xb8;
	[tilespmem:$0x1D000] =	vst v63  }
0xe2: {  	_ = 	snop  }
0xe3: {  	[tilespmem:s17], [sflag:$0x2] =	stream.indirect.gather [hbm4b:s4+s16], $0x80, s16, s16, $0xb8;
	[tilespmem:$0x1D000] =	vst v63  }
0xe4: {  	_ =	swait.ge [sflag:s18], $0x4000  }
0xe5: {  	[sflag:s18] =	ssyncset.done $0x0  }
0xe6: {  	[sflag:s18] =	ssyncadd.s32 $0xFFFFC000  }
0xe7: {  	[spmem:s1] =	stream.indirect.scatter.add.f32 [tilespmem:s13], [sflag:$0x3], $0x80, s15, s16, $0xb8;
	[tilespmem:$0x1D000] =	vst v63  }
0xe8: {  	_ =	swait.ge [sflag:s19], $0x4000  }
0xe9: {  	[sflag:s19] =	ssyncset.done $0x0  }
0xea: {  	s2 =	simm.s32 $0x880;
	[sflag:s19] =	ssyncadd.s32 $0xFFFFC000  }
0xeb: {  	[spmem:s1] =	stream.indirect.scatter.add.f32 [tilespmem:s17], [sflag:$0x3], $0x80, s2, s16, $0xb8;
	[tilespmem:$0x1D000] =	vst v63  }
0xec: {  	_ =	swait.ge [sflag:s21], $0x4000  }
0xed: {  	[sflag:s21] =	ssyncset.done $0x0  }
0xee: {  	[sflag:s21] =	ssyncadd.s32 $0xFFFFC000  }
0xef: {  	_ =	swait.ge [sflag:s21], $0x4000  }
0xf0: {  	[sflag:s21] =	ssyncset.done $0x0  }
0xf1: {  	s0 =	simm.s32 $0x100;
	[sflag:s21] =	ssyncadd.s32 $0xFFFFC000  }
0xf2: {  	[tilespmem:s13], [sflag:$0x1] =	stream.indirect.gather [hbm4b:s4+s16], $0x80, s0, s16, $0xb8;
	[tilespmem:$0x1D000] =	vst v63  }
0xf3: {  	s2 =	simm.s32 $0x180  }
0xf4: {  	[tilespmem:s17], [sflag:$0x2] =	stream.indirect.gather [hbm4b:s4+s16], $0x80, s2, s16, $0xb8;
	[tilespmem:$0x1D000] =	vst v63  }
0xf5: {  	_ =	swait.ge [sflag:s18], $0x4000  }
0xf6: {  	[sflag:s18] =	ssyncset.done $0x0  }
0xf7: {  	s2 =	simm.s32 $0x900;
	[sflag:s18] =	ssyncadd.s32 $0xFFFFC000  }
0xf8: {  	[spmem:s1] =	stream.indirect.scatter.add.f32 [tilespmem:s13], [sflag:$0x3], $0x80, s2, s16, $0xb8;
	[tilespmem:$0x1D000] =	vst v63  }
0xf9: {  	_ =	swait.ge [sflag:s19], $0x4000  }
0xfa: {  	[sflag:s19] =	ssyncset.done $0x0  }
0xfb: {  	s2 =	simm.s32 $0x980;
	[sflag:s19] =	ssyncadd.s32 $0xFFFFC000  }
0xfc: {  	[spmem:s1] =	stream.indirect.scatter.add.f32 [tilespmem:s17], [sflag:$0x3], $0x80, s2, s16, $0xb8;
	[tilespmem:$0x1D000] =	vst v63  }
0xfd: {  	_ =	swait.ge [sflag:s21], $0x4000  }
0xfe: {  	[sflag:s21] =	ssyncset.done $0x0  }
0xff: {  	[sflag:s21] =	ssyncadd.s32 $0xFFFFC000  }
0x100: {  	_ =	swait.ge [sflag:s21], $0x4000  }
0x101: {  	[sflag:s21] =	ssyncset.done $0x0  }
0x102: {  	s2 =	simm.s32 $0x200;
	[sflag:s21] =	ssyncadd.s32 $0xFFFFC000  }
0x103: {  	[tilespmem:s13], [sflag:$0x1] =	stream.indirect.gather [hbm4b:s4+s16], $0x80, s2, s16, $0xb8;
	[tilespmem:$0x1D000] =	vst v63  }
0x104: {  	s2 =	simm.s32 $0x280  }
0x105: {  	[tilespmem:s17], [sflag:$0x2] =	stream.indirect.gather [hbm4b:s4+s16], $0x80, s2, s16, $0xb8;
	[tilespmem:$0x1D000] =	vst v63  }
0x106: {  	_ =	swait.ge [sflag:s18], $0x4000  }
0x107: {  	[sflag:s18] =	ssyncset.done $0x0  }
0x108: {  	s2 =	simm.s32 $0xA00;
	[sflag:s18] =	ssyncadd.s32 $0xFFFFC000  }
0x109: {  	[spmem:s1] =	stream.indirect.scatter.add.f32 [tilespmem:s13], [sflag:$0x3], $0x80, s2, s16, $0xb8;
	[tilespmem:$0x1D000] =	vst v63  }
0x10a: {  	_ =	swait.ge [sflag:s19], $0x4000  }
0x10b: {  	[sflag:s19] =	ssyncset.done $0x0  }
0x10c: {  	s2 =	simm.s32 $0xA80;
	[sflag:s19] =	ssyncadd.s32 $0xFFFFC000  }
0x10d: {  	[spmem:s1] =	stream.indirect.scatter.add.f32 [tilespmem:s17], [sflag:$0x3], $0x80, s2, s16, $0xb8;
	[tilespmem:$0x1D000] =	vst v63  }
0x10e: {  	_ =	swait.ge [sflag:s21], $0x4000  }
0x10f: {  	[sflag:s21] =	ssyncset.done $0x0  }
0x110: {  	[sflag:s21] =	ssyncadd.s32 $0xFFFFC000  }
0x111: {  	_ =	swait.ge [sflag:s21], $0x4000  }
0x112: {  	[sflag:s21] =	ssyncset.done $0x0  }
0x113: {  	s2 =	simm.s32 $0x300;
	[sflag:s21] =	ssyncadd.s32 $0xFFFFC000  }
0x114: {  	[tilespmem:s13], [sflag:$0x1] =	stream.indirect.gather [hbm4b:s4+s16], $0x80, s2, s16, $0xb8;
	[tilespmem:$0x1D000] =	vst v63  }
0x115: {  	s2 =	simm.s32 $0x380  }
0x116: {  	[tilespmem:s17], [sflag:$0x2] =	stream.indirect.gather [hbm4b:s4+s16], $0x80, s2, s16, $0xb8;
	[tilespmem:$0x1D000] =	vst v63  }
0x117: {  	_ =	swait.ge [sflag:s18], $0x4000  }
0x118: {  	[sflag:s18] =	ssyncset.done $0x0  }
0x119: {  	s2 =	simm.s32 $0xB00;
	[sflag:s18] =	ssyncadd.s32 $0xFFFFC000  }
0x11a: {  	[spmem:s1] =	stream.indirect.scatter.add.f32 [tilespmem:s13], [sflag:$0x3], $0x80, s2, s16, $0xb8;
	[tilespmem:$0x1D000] =	vst v63  }
0x11b: {  	_ =	swait.ge [sflag:s19], $0x4000  }
0x11c: {  	[sflag:s19] =	ssyncset.done $0x0  }
0x11d: {  	[sflag:s19] =	ssyncadd.s32 $0xFFFFC000  }
0x11e: {  	[spmem:s1] =	stream.indirect.scatter.add.f32 [tilespmem:s17], [sflag:$0x3], $0x80, s5, s16, $0xb8;
	[tilespmem:$0x1D000] =	vst v63  }
0x11f: {  	_ =	swait.ge [sflag:s21], $0x4000  }
0x120: {  	[sflag:s21] =	ssyncset.done $0x0  }
0x121: {  	[sflag:s21] =	ssyncadd.s32 $0xFFFFC000  }
0x122: {  	_ =	swait.ge [sflag:s21], $0x4000  }
0x123: {  	[sflag:s21] =	ssyncset.done $0x0  }
0x124: {  	[sflag:s21] =	ssyncadd.s32 $0xFFFFC000  }
0x125: {  	[tilespmem:s13], [sflag:$0x1] =	stream.indirect.gather [hbm4b:s4+s16], $0x80, s7, s16, $0xb8;
	[tilespmem:$0x1D000] =	vst v63  }
0x126: {  	_ = 	snop  }
0x127: {  	[tilespmem:s17], [sflag:$0x2] =	stream.indirect.gather [hbm4b:s4+s16], $0x80, s8, s16, $0xb8;
	[tilespmem:$0x1D000] =	vst v63  }
0x128: {  	_ =	swait.ge [sflag:s18], $0x4000  }
0x129: {  	[sflag:s18] =	ssyncset.done $0x0  }
0x12a: {  	[sflag:s18] =	ssyncadd.s32 $0xFFFFC000  }
0x12b: {  	[spmem:s1] =	stream.indirect.scatter.add.f32 [tilespmem:s13], [sflag:$0x3], $0x80, s9, s16, $0xb8;
	[tilespmem:$0x1D000] =	vst v63  }
0x12c: {  	_ =	swait.ge [sflag:s19], $0x4000  }
0x12d: {  	[sflag:s19] =	ssyncset.done $0x0  }
0x12e: {  	[sflag:s19] =	ssyncadd.s32 $0xFFFFC000  }
0x12f: {  	[spmem:s1] =	stream.indirect.scatter.add.f32 [tilespmem:s17], [sflag:$0x3], $0x80, s10, s16, $0xb8;
	[tilespmem:$0x1D000] =	vst v63  }
0x130: {  	_ =	swait.ge [sflag:s21], $0x4000  }
0x131: {  	[sflag:s21] =	ssyncset.done $0x0  }
0x132: {  	[sflag:s21] =	ssyncadd.s32 $0xFFFFC000  }
0x133: {  	_ =	swait.ge [sflag:s21], $0x4000  }
0x134: {  	[sflag:s21] =	ssyncset.done $0x0  }
0x135: {  	[sflag:s21] =	ssyncadd.s32 $0xFFFFC000  }
0x136: {  	[tilespmem:s13], [sflag:$0x1] =	stream.indirect.gather [hbm4b:s4+s16], $0x80, s11, s16, $0xb8;
	[tilespmem:$0x1D000] =	vst v63  }
0x137: {  	_ = 	snop  }
0x138: {  	[tilespmem:s17], [sflag:$0x2] =	stream.indirect.gather [hbm4b:s4+s16], $0x80, s12, s16, $0xb8;
	[tilespmem:$0x1D000] =	vst v63  }
0x139: {  	_ =	swait.ge [sflag:s18], $0x4000  }
0x13a: {  	[sflag:s18] =	ssyncset.done $0x0  }
0x13b: {  	[sflag:s18] =	ssyncadd.s32 $0xFFFFC000  }
0x13c: {  	[spmem:s1] =	stream.indirect.scatter.add.f32 [tilespmem:s13], [sflag:$0x3], $0x80, s6, s16, $0xb8;
	[tilespmem:$0x1D000] =	vst v63  }
0x13d: {  	_ =	swait.ge [sflag:s19], $0x4000  }
0x13e: {  	[sflag:s19] =	ssyncset.done $0x0  }
0x13f: {  	[sflag:s19] =	ssyncadd.s32 $0xFFFFC000  }
0x140: {  	[spmem:s1] =	stream.indirect.scatter.add.f32 [tilespmem:s17], [sflag:$0x3], $0x80, s20, s16, $0xb8;
	[tilespmem:$0x1D000] =	vst v63  }
0x141: {  	_ =	swait.ge [sflag:s21], $0x4000  }
0x142: {  	[sflag:s21] =	ssyncset.done $0x0  }
0x143: {  	[sflag:s21] =	ssyncadd.s32 $0xFFFFC000  }
0x144: {  	_ =	swait.ge [sflag:s21], $0x4000  }
0x145: {  	[sflag:s21] =	ssyncset.done $0x0  }
0x146: {  	[sflag:s21] =	ssyncadd.s32 $0xFFFFC000  }
0x147: {  	[tilespmem:s13], [sflag:$0x1] =	stream.indirect.gather [hbm4b:s4+s16], $0x80, s22, s16, $0xb8;
	[tilespmem:$0x1D000] =	vst v63  }
0x148: {  	_ = 	snop  }
0x149: {  	[tilespmem:s17], [sflag:$0x2] =	stream.indirect.gather [hbm4b:s4+s16], $0x80, s23, s16, $0xb8;
	[tilespmem:$0x1D000] =	vst v63  }
0x14a: {  	_ =	swait.ge [sflag:s18], $0x4000  }
0x14b: {  	[sflag:s18] =	ssyncset.done $0x0  }
0x14c: {  	[sflag:s18] =	ssyncadd.s32 $0xFFFFC000  }
0x14d: {  	[spmem:s1] =	stream.indirect.scatter.add.f32 [tilespmem:s13], [sflag:$0x3], $0x80, s24, s16, $0xb8;
	[tilespmem:$0x1D000] =	vst v63  }
0x14e: {  	_ =	swait.ge [sflag:s19], $0x4000  }
0x14f: {  	[sflag:s19] =	ssyncset.done $0x0  }
0x150: {  	[sflag:s19] =	ssyncadd.s32 $0xFFFFC000  }
0x151: {  	[spmem:s1] =	stream.indirect.scatter.add.f32 [tilespmem:s17], [sflag:$0x3], $0x80, s25, s16, $0xb8;
	[tilespmem:$0x1D000] =	vst v63  }
0x152: {  	_ =	swait.ge [sflag:s21], $0x4000  }
0x153: {  	[sflag:s21] =	ssyncset.done $0x0  }
0x154: {  	[sflag:s21] =	ssyncadd.s32 $0xFFFFC000  }
0x155: {  	_ =	swait.ge [sflag:s21], $0x4000  }
0x156: {  	[sflag:s21] =	ssyncset.done $0x0  }
0x157: {  	[sflag:s21] =	ssyncadd.s32 $0xFFFFC000  }
0x158: {  	[tilespmem:s13], [sflag:$0x1] =	stream.indirect.gather [hbm4b:s4+s16], $0x80, s26, s16, $0xb8;
	[tilespmem:$0x1D000] =	vst v63  }
0x159: {  	_ = 	snop  }
0x15a: {  	[tilespmem:s17], [sflag:$0x2] =	stream.indirect.gather [hbm4b:s4+s16], $0x80, s28, s16, $0xb8;
	[tilespmem:$0x1D000] =	vst v63  }
0x15b: {  	_ =	swait.ge [sflag:s18], $0x4000  }
0x15c: {  	[sflag:s18] =	ssyncset.done $0x0  }
0x15d: {  	[sflag:s18] =	ssyncadd.s32 $0xFFFFC000  }
0x15e: {  	[spmem:s1] =	stream.indirect.scatter.add.f32 [tilespmem:s13], [sflag:$0x3], $0x80, s29, s16, $0xb8;
	[tilespmem:$0x1D000] =	vst v63  }
0x15f: {  	_ =	swait.ge [sflag:s19], $0x4000  }
0x160: {  	[sflag:s19] =	ssyncset.done $0x0  }
0x161: {  	p1 =	sne.s32 s31, $0x200;
	[sflag:s19] =	ssyncadd.s32 $0xFFFFC000  }
0x162: {  	[spmem:s1] =	stream.indirect.scatter.add.f32 [tilespmem:s17], [sflag:$0x3], $0x80, s30, s16, $0xb8;
	[tilespmem:$0x1D000] =	vst v63  }
.Ltmp3:
0x163: {  	_ =	swait.ge [sflag:s21], $0x4000;
	(pc) =	sbr.rel @p1 .LBB2_6-.Ltmp3, $4  }
0x164: {  	[sflag:s21] =	ssyncset.done $0x0  }
0x165: {  	[sflag:s21] =	ssyncadd.s32 $0xFFFFC000  }
0x166: {  	_ =	swait.ge [sflag:s21], $0x4000  }
0x167: {  	s31 =	sadd.s32 $0x100, s31;
	[sflag:s21] =	ssyncset.done $0x0  }
.Ltmp4:
0x168: {  	_ = 	snop;
	(pc) =	sbr.rel .LBB2_7-.Ltmp4, $1  }
0x169: {  	_ =	sdelay $0x3  }
.LBB2_2:
0x16a: {  	s31 =	rddreg [dreg:$0x4]  }
0x16b: {  	s31 =	sadd.s32 $0x0, s31  }
0x16c: {  	[tilespmem:s3], [sflag:$0x4] =	stream.linear.gather [hbm4b:s31+s3], $0x800, $0x38;
	[tilespmem:$0x1D000] =	vst v63  }
0x16d: {  	_ =	swait.ge [sflag:s14], $0x800  }
0x16e: {  	s31 =	rddreg [dreg:$0x3];
	[sflag:s14] =	ssyncset.done $0x0  }
0x16f: {  	[sflag:s14] =	ssyncadd.s32 $0xFFFFF800;
	s31 =	sadd.s32 $0x0, s31  }
0x170: {  	[tilespmem:s15], [sflag:$0x4] =	stream.linear.gather [hbm4b:s31+s3], $0x800, $0x38;
	[tilespmem:$0x1D000] =	vst v63  }
0x171: {  	_ =	swait.ge [sflag:s14], $0x800  }
0x172: {  	[sflag:s14] =	ssyncset.done $0x0  }
0x173: {  	[sflag:s14] =	ssyncadd.s32 $0xFFFFF800  }
0x174: {  	[tilespmem:s13], [sflag:$0x1] =	stream.indirect.gather [hbm4b:s4+s16], $0x80, s3, s16, $0xb8;
	[tilespmem:$0x1D000] =	vst v63  }
0x175: {  	_ = 	snop  }
0x176: {  	[tilespmem:s17], [sflag:$0x2] =	stream.indirect.gather [hbm4b:s4+s16], $0x80, s16, s16, $0xb8;
	[tilespmem:$0x1D000] =	vst v63  }
0x177: {  	_ =	swait.ge [sflag:s18], $0x4000  }
0x178: {  	[sflag:s18] =	ssyncset.done $0x0  }
0x179: {  	[sflag:s18] =	ssyncadd.s32 $0xFFFFC000  }
0x17a: {  	[spmem:s1] =	stream.indirect.scatter.add.f32 [tilespmem:s13], [sflag:$0x3], $0x80, s15, s16, $0xb8;
	[tilespmem:$0x1D000] =	vst v63  }
0x17b: {  	_ =	swait.ge [sflag:s19], $0x4000  }
0x17c: {  	[sflag:s19] =	ssyncset.done $0x0  }
0x17d: {  	s0 =	simm.s32 $0x880;
	[sflag:s19] =	ssyncadd.s32 $0xFFFFC000  }
0x17e: {  	[spmem:s1] =	stream.indirect.scatter.add.f32 [tilespmem:s17], [sflag:$0x3], $0x80, s0, s16, $0xb8;
	[tilespmem:$0x1D000] =	vst v63  }
0x17f: {  	_ =	swait.ge [sflag:s21], $0x4000  }
0x180: {  	[sflag:s21] =	ssyncset.done $0x0  }
0x181: {  	[sflag:s21] =	ssyncadd.s32 $0xFFFFC000  }
0x182: {  	_ =	swait.ge [sflag:s21], $0x4000  }
0x183: {  	[sflag:s21] =	ssyncset.done $0x0  }
0x184: {  	s2 =	simm.s32 $0x100;
	[sflag:s21] =	ssyncadd.s32 $0xFFFFC000  }
0x185: {  	[tilespmem:s13], [sflag:$0x1] =	stream.indirect.gather [hbm4b:s4+s16], $0x80, s2, s16, $0xb8;
	[tilespmem:$0x1D000] =	vst v63  }
0x186: {  	s2 =	simm.s32 $0x180  }
0x187: {  	[tilespmem:s17], [sflag:$0x2] =	stream.indirect.gather [hbm4b:s4+s16], $0x80, s2, s16, $0xb8;
	[tilespmem:$0x1D000] =	vst v63  }
0x188: {  	_ =	swait.ge [sflag:s18], $0x4000  }
0x189: {  	[sflag:s18] =	ssyncset.done $0x0  }
0x18a: {  	s2 =	simm.s32 $0x900;
	[sflag:s18] =	ssyncadd.s32 $0xFFFFC000  }
0x18b: {  	[spmem:s1] =	stream.indirect.scatter.add.f32 [tilespmem:s13], [sflag:$0x3], $0x80, s2, s16, $0xb8;
	[tilespmem:$0x1D000] =	vst v63  }
0x18c: {  	_ =	swait.ge [sflag:s19], $0x4000  }
0x18d: {  	[sflag:s19] =	ssyncset.done $0x0  }
0x18e: {  	s2 =	simm.s32 $0x980;
	[sflag:s19] =	ssyncadd.s32 $0xFFFFC000  }
0x18f: {  	[spmem:s1] =	stream.indirect.scatter.add.f32 [tilespmem:s17], [sflag:$0x3], $0x80, s2, s16, $0xb8;
	[tilespmem:$0x1D000] =	vst v63  }
0x190: {  	_ =	swait.ge [sflag:s21], $0x4000  }
0x191: {  	[sflag:s21] =	ssyncset.done $0x0  }
0x192: {  	[sflag:s21] =	ssyncadd.s32 $0xFFFFC000  }
0x193: {  	_ =	swait.ge [sflag:s21], $0x4000  }
0x194: {  	[sflag:s21] =	ssyncset.done $0x0  }
0x195: {  	s2 =	simm.s32 $0x200;
	[sflag:s21] =	ssyncadd.s32 $0xFFFFC000  }
0x196: {  	[tilespmem:s13], [sflag:$0x1] =	stream.indirect.gather [hbm4b:s4+s16], $0x80, s2, s16, $0xb8;
	[tilespmem:$0x1D000] =	vst v63  }
0x197: {  	s2 =	simm.s32 $0x280  }
0x198: {  	[tilespmem:s17], [sflag:$0x2] =	stream.indirect.gather [hbm4b:s4+s16], $0x80, s2, s16, $0xb8;
	[tilespmem:$0x1D000] =	vst v63  }
0x199: {  	_ =	swait.ge [sflag:s18], $0x4000  }
0x19a: {  	[sflag:s18] =	ssyncset.done $0x0  }
0x19b: {  	s2 =	simm.s32 $0xA00;
	[sflag:s18] =	ssyncadd.s32 $0xFFFFC000  }
0x19c: {  	[spmem:s1] =	stream.indirect.scatter.add.f32 [tilespmem:s13], [sflag:$0x3], $0x80, s2, s16, $0xb8;
	[tilespmem:$0x1D000] =	vst v63  }
0x19d: {  	_ =	swait.ge [sflag:s19], $0x4000  }
0x19e: {  	[sflag:s19] =	ssyncset.done $0x0  }
0x19f: {  	s2 =	simm.s32 $0xA80;
	[sflag:s19] =	ssyncadd.s32 $0xFFFFC000  }
0x1a0: {  	[spmem:s1] =	stream.indirect.scatter.add.f32 [tilespmem:s17], [sflag:$0x3], $0x80, s2, s16, $0xb8;
	[tilespmem:$0x1D000] =	vst v63  }
0x1a1: {  	_ =	swait.ge [sflag:s21], $0x4000  }
0x1a2: {  	[sflag:s21] =	ssyncset.done $0x0  }
0x1a3: {  	[sflag:s21] =	ssyncadd.s32 $0xFFFFC000  }
0x1a4: {  	_ =	swait.ge [sflag:s21], $0x4000  }
0x1a5: {  	[sflag:s21] =	ssyncset.done $0x0  }
0x1a6: {  	s2 =	simm.s32 $0x300;
	[sflag:s21] =	ssyncadd.s32 $0xFFFFC000  }
0x1a7: {  	[tilespmem:s13], [sflag:$0x1] =	stream.indirect.gather [hbm4b:s4+s16], $0x80, s2, s16, $0xb8;
	[tilespmem:$0x1D000] =	vst v63  }
0x1a8: {  	s2 =	simm.s32 $0x380  }
0x1a9: {  	[tilespmem:s17], [sflag:$0x2] =	stream.indirect.gather [hbm4b:s4+s16], $0x80, s2, s16, $0xb8;
	[tilespmem:$0x1D000] =	vst v63  }
0x1aa: {  	_ =	swait.ge [sflag:s18], $0x4000  }
0x1ab: {  	[sflag:s18] =	ssyncset.done $0x0  }
0x1ac: {  	s2 =	simm.s32 $0xB00;
	[sflag:s18] =	ssyncadd.s32 $0xFFFFC000  }
0x1ad: {  	[spmem:s1] =	stream.indirect.scatter.add.f32 [tilespmem:s13], [sflag:$0x3], $0x80, s2, s16, $0xb8;
	[tilespmem:$0x1D000] =	vst v63  }
0x1ae: {  	_ =	swait.ge [sflag:s19], $0x4000  }
0x1af: {  	[sflag:s19] =	ssyncset.done $0x0  }
0x1b0: {  	[sflag:s19] =	ssyncadd.s32 $0xFFFFC000  }
0x1b1: {  	[spmem:s1] =	stream.indirect.scatter.add.f32 [tilespmem:s17], [sflag:$0x3], $0x80, s5, s16, $0xb8;
	[tilespmem:$0x1D000] =	vst v63  }
0x1b2: {  	_ =	swait.ge [sflag:s21], $0x4000  }
0x1b3: {  	[sflag:s21] =	ssyncset.done $0x0  }
0x1b4: {  	[sflag:s21] =	ssyncadd.s32 $0xFFFFC000  }
0x1b5: {  	_ =	swait.ge [sflag:s21], $0x4000  }
0x1b6: {  	[sflag:s21] =	ssyncset.done $0x0  }
0x1b7: {  	[sflag:s21] =	ssyncadd.s32 $0xFFFFC000  }
0x1b8: {  	[tilespmem:s13], [sflag:$0x1] =	stream.indirect.gather [hbm4b:s4+s16], $0x80, s7, s16, $0xb8;
	[tilespmem:$0x1D000] =	vst v63  }
0x1b9: {  	_ = 	snop  }
0x1ba: {  	[tilespmem:s17], [sflag:$0x2] =	stream.indirect.gather [hbm4b:s4+s16], $0x80, s8, s16, $0xb8;
	[tilespmem:$0x1D000] =	vst v63  }
0x1bb: {  	_ =	swait.ge [sflag:s18], $0x4000  }
0x1bc: {  	[sflag:s18] =	ssyncset.done $0x0  }
0x1bd: {  	[sflag:s18] =	ssyncadd.s32 $0xFFFFC000  }
0x1be: {  	[spmem:s1] =	stream.indirect.scatter.add.f32 [tilespmem:s13], [sflag:$0x3], $0x80, s9, s16, $0xb8;
	[tilespmem:$0x1D000] =	vst v63  }
0x1bf: {  	_ =	swait.ge [sflag:s19], $0x4000  }
0x1c0: {  	[sflag:s19] =	ssyncset.done $0x0  }
0x1c1: {  	[sflag:s19] =	ssyncadd.s32 $0xFFFFC000  }
0x1c2: {  	[spmem:s1] =	stream.indirect.scatter.add.f32 [tilespmem:s17], [sflag:$0x3], $0x80, s10, s16, $0xb8;
	[tilespmem:$0x1D000] =	vst v63  }
0x1c3: {  	_ =	swait.ge [sflag:s21], $0x4000  }
0x1c4: {  	[sflag:s21] =	ssyncset.done $0x0  }
0x1c5: {  	[sflag:s21] =	ssyncadd.s32 $0xFFFFC000  }
0x1c6: {  	_ =	swait.ge [sflag:s21], $0x4000  }
0x1c7: {  	[sflag:s21] =	ssyncset.done $0x0  }
0x1c8: {  	[sflag:s21] =	ssyncadd.s32 $0xFFFFC000  }
0x1c9: {  	[tilespmem:s13], [sflag:$0x1] =	stream.indirect.gather [hbm4b:s4+s16], $0x80, s11, s16, $0xb8;
	[tilespmem:$0x1D000] =	vst v63  }
0x1ca: {  	_ = 	snop  }
0x1cb: {  	[tilespmem:s17], [sflag:$0x2] =	stream.indirect.gather [hbm4b:s4+s16], $0x80, s12, s16, $0xb8;
	[tilespmem:$0x1D000] =	vst v63  }
0x1cc: {  	_ =	swait.ge [sflag:s18], $0x4000  }
0x1cd: {  	[sflag:s18] =	ssyncset.done $0x0  }
0x1ce: {  	[sflag:s18] =	ssyncadd.s32 $0xFFFFC000  }
0x1cf: {  	[spmem:s1] =	stream.indirect.scatter.add.f32 [tilespmem:s13], [sflag:$0x3], $0x80, s6, s16, $0xb8;
	[tilespmem:$0x1D000] =	vst v63  }
0x1d0: {  	_ =	swait.ge [sflag:s19], $0x4000  }
0x1d1: {  	[sflag:s19] =	ssyncset.done $0x0  }
0x1d2: {  	[sflag:s19] =	ssyncadd.s32 $0xFFFFC000  }
0x1d3: {  	[spmem:s1] =	stream.indirect.scatter.add.f32 [tilespmem:s17], [sflag:$0x3], $0x80, s20, s16, $0xb8;
	[tilespmem:$0x1D000] =	vst v63  }
0x1d4: {  	_ =	swait.ge [sflag:s21], $0x4000  }
0x1d5: {  	[sflag:s21] =	ssyncset.done $0x0  }
0x1d6: {  	[sflag:s21] =	ssyncadd.s32 $0xFFFFC000  }
0x1d7: {  	_ =	swait.ge [sflag:s21], $0x4000  }
0x1d8: {  	[sflag:s21] =	ssyncset.done $0x0  }
0x1d9: {  	[sflag:s21] =	ssyncadd.s32 $0xFFFFC000  }
0x1da: {  	[tilespmem:s13], [sflag:$0x1] =	stream.indirect.gather [hbm4b:s4+s16], $0x80, s22, s16, $0xb8;
	[tilespmem:$0x1D000] =	vst v63  }
0x1db: {  	_ = 	snop  }
0x1dc: {  	[tilespmem:s17], [sflag:$0x2] =	stream.indirect.gather [hbm4b:s4+s16], $0x80, s23, s16, $0xb8;
	[tilespmem:$0x1D000] =	vst v63  }
0x1dd: {  	_ =	swait.ge [sflag:s18], $0x4000  }
0x1de: {  	[sflag:s18] =	ssyncset.done $0x0  }
0x1df: {  	[sflag:s18] =	ssyncadd.s32 $0xFFFFC000  }
0x1e0: {  	[spmem:s1] =	stream.indirect.scatter.add.f32 [tilespmem:s13], [sflag:$0x3], $0x80, s24, s16, $0xb8;
	[tilespmem:$0x1D000] =	vst v63  }
0x1e1: {  	_ =	swait.ge [sflag:s19], $0x4000  }
0x1e2: {  	[sflag:s19] =	ssyncset.done $0x0  }
0x1e3: {  	[sflag:s19] =	ssyncadd.s32 $0xFFFFC000  }
0x1e4: {  	[spmem:s1] =	stream.indirect.scatter.add.f32 [tilespmem:s17], [sflag:$0x3], $0x80, s25, s16, $0xb8;
	[tilespmem:$0x1D000] =	vst v63  }
0x1e5: {  	_ =	swait.ge [sflag:s21], $0x4000  }
0x1e6: {  	[sflag:s21] =	ssyncset.done $0x0  }
0x1e7: {  	[sflag:s21] =	ssyncadd.s32 $0xFFFFC000  }
0x1e8: {  	_ =	swait.ge [sflag:s21], $0x4000  }
0x1e9: {  	[sflag:s21] =	ssyncset.done $0x0  }
0x1ea: {  	[sflag:s21] =	ssyncadd.s32 $0xFFFFC000  }
0x1eb: {  	[tilespmem:s13], [sflag:$0x1] =	stream.indirect.gather [hbm4b:s4+s16], $0x80, s26, s16, $0xb8;
	[tilespmem:$0x1D000] =	vst v63  }
0x1ec: {  	_ = 	snop  }
0x1ed: {  	[tilespmem:s17], [sflag:$0x2] =	stream.indirect.gather [hbm4b:s4+s16], $0x80, s28, s16, $0xb8;
	[tilespmem:$0x1D000] =	vst v63  }
0x1ee: {  	_ =	swait.ge [sflag:s18], $0x4000  }
0x1ef: {  	[sflag:s18] =	ssyncset.done $0x0  }
0x1f0: {  	[sflag:s18] =	ssyncadd.s32 $0xFFFFC000  }
0x1f1: {  	[spmem:s1] =	stream.indirect.scatter.add.f32 [tilespmem:s13], [sflag:$0x3], $0x80, s29, s16, $0xb8;
	[tilespmem:$0x1D000] =	vst v63  }
0x1f2: {  	_ =	swait.ge [sflag:s19], $0x4000  }
0x1f3: {  	[sflag:s19] =	ssyncset.done $0x0  }
0x1f4: {  	[sflag:s19] =	ssyncadd.s32 $0xFFFFC000  }
0x1f5: {  	[spmem:s1] =	stream.indirect.scatter.add.f32 [tilespmem:s17], [sflag:$0x3], $0x80, s30, s16, $0xb8;
	[tilespmem:$0x1D000] =	vst v63  }
0x1f6: {  	_ =	swait.ge [sflag:s21], $0x4000  }
0x1f7: {  	[sflag:s21] =	ssyncset.done $0x0  }
0x1f8: {  	[sflag:s21] =	ssyncadd.s32 $0xFFFFC000  }
0x1f9: {  	_ =	swait.ge [sflag:s21], $0x4000  }
0x1fa: {  	s31 =	simm.s32 $0x100;
	[sflag:s21] =	ssyncset.done $0x0  }
.LBB2_3:
0x1fb: {  	s0 =	rddreg [dreg:$0x4];
	s2 =	smov.u32 s31  }
0x1fc: {  	[sflag:s21] =	ssyncadd.s32 $0xFFFFC000;
	s0 =	sadd.s32 s2, s0  }
0x1fd: {  	[tilespmem:s3], [sflag:$0x4] =	stream.linear.gather [hbm4b:s0+s3], $0x800, $0x38;
	[tilespmem:$0x1D000] =	vst v63  }
0x1fe: {  	_ =	swait.ge [sflag:s14], $0x800  }
0x1ff: {  	s0 =	rddreg [dreg:$0x3];
	[sflag:s14] =	ssyncset.done $0x0  }
0x200: {  	[sflag:s14] =	ssyncadd.s32 $0xFFFFF800;
	s0 =	sadd.s32 s2, s0  }
0x201: {  	[tilespmem:s15], [sflag:$0x4] =	stream.linear.gather [hbm4b:s0+s3], $0x800, $0x38;
	[tilespmem:$0x1D000] =	vst v63  }
0x202: {  	_ =	swait.ge [sflag:s14], $0x800  }
0x203: {  	[sflag:s14] =	ssyncset.done $0x0  }
0x204: {  	[sflag:s14] =	ssyncadd.s32 $0xFFFFF800  }
0x205: {  	[tilespmem:s13], [sflag:$0x1] =	stream.indirect.gather [hbm4b:s4+s16], $0x80, s3, s16, $0xb8;
	[tilespmem:$0x1D000] =	vst v63  }
0x206: {  	_ = 	snop  }
0x207: {  	[tilespmem:s17], [sflag:$0x2] =	stream.indirect.gather [hbm4b:s4+s16], $0x80, s16, s16, $0xb8;
	[tilespmem:$0x1D000] =	vst v63  }
0x208: {  	_ =	swait.ge [sflag:s18], $0x4000  }
0x209: {  	[sflag:s18] =	ssyncset.done $0x0  }
0x20a: {  	[sflag:s18] =	ssyncadd.s32 $0xFFFFC000  }
0x20b: {  	[spmem:s1] =	stream.indirect.scatter.add.f32 [tilespmem:s13], [sflag:$0x3], $0x80, s15, s16, $0xb8;
	[tilespmem:$0x1D000] =	vst v63  }
0x20c: {  	_ =	swait.ge [sflag:s19], $0x4000  }
0x20d: {  	[sflag:s19] =	ssyncset.done $0x0  }
0x20e: {  	s2 =	simm.s32 $0x880;
	[sflag:s19] =	ssyncadd.s32 $0xFFFFC000  }
0x20f: {  	[spmem:s1] =	stream.indirect.scatter.add.f32 [tilespmem:s17], [sflag:$0x3], $0x80, s2, s16, $0xb8;
	[tilespmem:$0x1D000] =	vst v63  }
0x210: {  	_ =	swait.ge [sflag:s21], $0x4000  }
0x211: {  	[sflag:s21] =	ssyncset.done $0x0  }
0x212: {  	[sflag:s21] =	ssyncadd.s32 $0xFFFFC000  }
0x213: {  	_ =	swait.ge [sflag:s21], $0x4000  }
0x214: {  	[sflag:s21] =	ssyncset.done $0x0  }
0x215: {  	s0 =	simm.s32 $0x100;
	[sflag:s21] =	ssyncadd.s32 $0xFFFFC000  }
0x216: {  	[tilespmem:s13], [sflag:$0x1] =	stream.indirect.gather [hbm4b:s4+s16], $0x80, s0, s16, $0xb8;
	[tilespmem:$0x1D000] =	vst v63  }
0x217: {  	s2 =	simm.s32 $0x180  }
0x218: {  	[tilespmem:s17], [sflag:$0x2] =	stream.indirect.gather [hbm4b:s4+s16], $0x80, s2, s16, $0xb8;
	[tilespmem:$0x1D000] =	vst v63  }
0x219: {  	_ =	swait.ge [sflag:s18], $0x4000  }
0x21a: {  	[sflag:s18] =	ssyncset.done $0x0  }
0x21b: {  	s2 =	simm.s32 $0x900;
	[sflag:s18] =	ssyncadd.s32 $0xFFFFC000  }
0x21c: {  	[spmem:s1] =	stream.indirect.scatter.add.f32 [tilespmem:s13], [sflag:$0x3], $0x80, s2, s16, $0xb8;
	[tilespmem:$0x1D000] =	vst v63  }
0x21d: {  	_ =	swait.ge [sflag:s19], $0x4000  }
0x21e: {  	[sflag:s19] =	ssyncset.done $0x0  }
0x21f: {  	s2 =	simm.s32 $0x980;
	[sflag:s19] =	ssyncadd.s32 $0xFFFFC000  }
0x220: {  	[spmem:s1] =	stream.indirect.scatter.add.f32 [tilespmem:s17], [sflag:$0x3], $0x80, s2, s16, $0xb8;
	[tilespmem:$0x1D000] =	vst v63  }
0x221: {  	_ =	swait.ge [sflag:s21], $0x4000  }
0x222: {  	[sflag:s21] =	ssyncset.done $0x0  }
0x223: {  	[sflag:s21] =	ssyncadd.s32 $0xFFFFC000  }
0x224: {  	_ =	swait.ge [sflag:s21], $0x4000  }
0x225: {  	[sflag:s21] =	ssyncset.done $0x0  }
0x226: {  	s2 =	simm.s32 $0x200;
	[sflag:s21] =	ssyncadd.s32 $0xFFFFC000  }
0x227: {  	[tilespmem:s13], [sflag:$0x1] =	stream.indirect.gather [hbm4b:s4+s16], $0x80, s2, s16, $0xb8;
	[tilespmem:$0x1D000] =	vst v63  }
0x228: {  	s2 =	simm.s32 $0x280  }
0x229: {  	[tilespmem:s17], [sflag:$0x2] =	stream.indirect.gather [hbm4b:s4+s16], $0x80, s2, s16, $0xb8;
	[tilespmem:$0x1D000] =	vst v63  }
0x22a: {  	_ =	swait.ge [sflag:s18], $0x4000  }
0x22b: {  	[sflag:s18] =	ssyncset.done $0x0  }
0x22c: {  	s2 =	simm.s32 $0xA00;
	[sflag:s18] =	ssyncadd.s32 $0xFFFFC000  }
0x22d: {  	[spmem:s1] =	stream.indirect.scatter.add.f32 [tilespmem:s13], [sflag:$0x3], $0x80, s2, s16, $0xb8;
	[tilespmem:$0x1D000] =	vst v63  }
0x22e: {  	_ =	swait.ge [sflag:s19], $0x4000  }
0x22f: {  	[sflag:s19] =	ssyncset.done $0x0  }
0x230: {  	s2 =	simm.s32 $0xA80;
	[sflag:s19] =	ssyncadd.s32 $0xFFFFC000  }
0x231: {  	[spmem:s1] =	stream.indirect.scatter.add.f32 [tilespmem:s17], [sflag:$0x3], $0x80, s2, s16, $0xb8;
	[tilespmem:$0x1D000] =	vst v63  }
0x232: {  	_ =	swait.ge [sflag:s21], $0x4000  }
0x233: {  	[sflag:s21] =	ssyncset.done $0x0  }
0x234: {  	[sflag:s21] =	ssyncadd.s32 $0xFFFFC000  }
0x235: {  	_ =	swait.ge [sflag:s21], $0x4000  }
0x236: {  	[sflag:s21] =	ssyncset.done $0x0  }
0x237: {  	s2 =	simm.s32 $0x300;
	[sflag:s21] =	ssyncadd.s32 $0xFFFFC000  }
0x238: {  	[tilespmem:s13], [sflag:$0x1] =	stream.indirect.gather [hbm4b:s4+s16], $0x80, s2, s16, $0xb8;
	[tilespmem:$0x1D000] =	vst v63  }
0x239: {  	s2 =	simm.s32 $0x380  }
0x23a: {  	[tilespmem:s17], [sflag:$0x2] =	stream.indirect.gather [hbm4b:s4+s16], $0x80, s2, s16, $0xb8;
	[tilespmem:$0x1D000] =	vst v63  }
0x23b: {  	_ =	swait.ge [sflag:s18], $0x4000  }
0x23c: {  	[sflag:s18] =	ssyncset.done $0x0  }
0x23d: {  	s2 =	simm.s32 $0xB00;
	[sflag:s18] =	ssyncadd.s32 $0xFFFFC000  }
0x23e: {  	[spmem:s1] =	stream.indirect.scatter.add.f32 [tilespmem:s13], [sflag:$0x3], $0x80, s2, s16, $0xb8;
	[tilespmem:$0x1D000] =	vst v63  }
0x23f: {  	_ =	swait.ge [sflag:s19], $0x4000  }
0x240: {  	[sflag:s19] =	ssyncset.done $0x0  }
0x241: {  	[sflag:s19] =	ssyncadd.s32 $0xFFFFC000  }
0x242: {  	[spmem:s1] =	stream.indirect.scatter.add.f32 [tilespmem:s17], [sflag:$0x3], $0x80, s5, s16, $0xb8;
	[tilespmem:$0x1D000] =	vst v63  }
0x243: {  	_ =	swait.ge [sflag:s21], $0x4000  }
0x244: {  	[sflag:s21] =	ssyncset.done $0x0  }
0x245: {  	[sflag:s21] =	ssyncadd.s32 $0xFFFFC000  }
0x246: {  	_ =	swait.ge [sflag:s21], $0x4000  }
0x247: {  	[sflag:s21] =	ssyncset.done $0x0  }
0x248: {  	[sflag:s21] =	ssyncadd.s32 $0xFFFFC000  }
0x249: {  	[tilespmem:s13], [sflag:$0x1] =	stream.indirect.gather [hbm4b:s4+s16], $0x80, s7, s16, $0xb8;
	[tilespmem:$0x1D000] =	vst v63  }
0x24a: {  	_ = 	snop  }
0x24b: {  	[tilespmem:s17], [sflag:$0x2] =	stream.indirect.gather [hbm4b:s4+s16], $0x80, s8, s16, $0xb8;
	[tilespmem:$0x1D000] =	vst v63  }
0x24c: {  	_ =	swait.ge [sflag:s18], $0x4000  }
0x24d: {  	[sflag:s18] =	ssyncset.done $0x0  }
0x24e: {  	[sflag:s18] =	ssyncadd.s32 $0xFFFFC000  }
0x24f: {  	[spmem:s1] =	stream.indirect.scatter.add.f32 [tilespmem:s13], [sflag:$0x3], $0x80, s9, s16, $0xb8;
	[tilespmem:$0x1D000] =	vst v63  }
0x250: {  	_ =	swait.ge [sflag:s19], $0x4000  }
0x251: {  	[sflag:s19] =	ssyncset.done $0x0  }
0x252: {  	[sflag:s19] =	ssyncadd.s32 $0xFFFFC000  }
0x253: {  	[spmem:s1] =	stream.indirect.scatter.add.f32 [tilespmem:s17], [sflag:$0x3], $0x80, s10, s16, $0xb8;
	[tilespmem:$0x1D000] =	vst v63  }
0x254: {  	_ =	swait.ge [sflag:s21], $0x4000  }
0x255: {  	[sflag:s21] =	ssyncset.done $0x0  }
0x256: {  	[sflag:s21] =	ssyncadd.s32 $0xFFFFC000  }
0x257: {  	_ =	swait.ge [sflag:s21], $0x4000  }
0x258: {  	[sflag:s21] =	ssyncset.done $0x0  }
0x259: {  	[sflag:s21] =	ssyncadd.s32 $0xFFFFC000  }
0x25a: {  	[tilespmem:s13], [sflag:$0x1] =	stream.indirect.gather [hbm4b:s4+s16], $0x80, s11, s16, $0xb8;
	[tilespmem:$0x1D000] =	vst v63  }
0x25b: {  	_ = 	snop  }
0x25c: {  	[tilespmem:s17], [sflag:$0x2] =	stream.indirect.gather [hbm4b:s4+s16], $0x80, s12, s16, $0xb8;
	[tilespmem:$0x1D000] =	vst v63  }
0x25d: {  	_ =	swait.ge [sflag:s18], $0x4000  }
0x25e: {  	[sflag:s18] =	ssyncset.done $0x0  }
0x25f: {  	[sflag:s18] =	ssyncadd.s32 $0xFFFFC000  }
0x260: {  	[spmem:s1] =	stream.indirect.scatter.add.f32 [tilespmem:s13], [sflag:$0x3], $0x80, s6, s16, $0xb8;
	[tilespmem:$0x1D000] =	vst v63  }
0x261: {  	_ =	swait.ge [sflag:s19], $0x4000  }
0x262: {  	[sflag:s19] =	ssyncset.done $0x0  }
0x263: {  	[sflag:s19] =	ssyncadd.s32 $0xFFFFC000  }
0x264: {  	[spmem:s1] =	stream.indirect.scatter.add.f32 [tilespmem:s17], [sflag:$0x3], $0x80, s20, s16, $0xb8;
	[tilespmem:$0x1D000] =	vst v63  }
0x265: {  	_ =	swait.ge [sflag:s21], $0x4000  }
0x266: {  	[sflag:s21] =	ssyncset.done $0x0  }
0x267: {  	[sflag:s21] =	ssyncadd.s32 $0xFFFFC000  }
0x268: {  	_ =	swait.ge [sflag:s21], $0x4000  }
0x269: {  	[sflag:s21] =	ssyncset.done $0x0  }
0x26a: {  	[sflag:s21] =	ssyncadd.s32 $0xFFFFC000  }
0x26b: {  	[tilespmem:s13], [sflag:$0x1] =	stream.indirect.gather [hbm4b:s4+s16], $0x80, s22, s16, $0xb8;
	[tilespmem:$0x1D000] =	vst v63  }
0x26c: {  	_ = 	snop  }
0x26d: {  	[tilespmem:s17], [sflag:$0x2] =	stream.indirect.gather [hbm4b:s4+s16], $0x80, s23, s16, $0xb8;
	[tilespmem:$0x1D000] =	vst v63  }
0x26e: {  	_ =	swait.ge [sflag:s18], $0x4000  }
0x26f: {  	[sflag:s18] =	ssyncset.done $0x0  }
0x270: {  	[sflag:s18] =	ssyncadd.s32 $0xFFFFC000  }
0x271: {  	[spmem:s1] =	stream.indirect.scatter.add.f32 [tilespmem:s13], [sflag:$0x3], $0x80, s24, s16, $0xb8;
	[tilespmem:$0x1D000] =	vst v63  }
0x272: {  	_ =	swait.ge [sflag:s19], $0x4000  }
0x273: {  	[sflag:s19] =	ssyncset.done $0x0  }
0x274: {  	[sflag:s19] =	ssyncadd.s32 $0xFFFFC000  }
0x275: {  	[spmem:s1] =	stream.indirect.scatter.add.f32 [tilespmem:s17], [sflag:$0x3], $0x80, s25, s16, $0xb8;
	[tilespmem:$0x1D000] =	vst v63  }
0x276: {  	_ =	swait.ge [sflag:s21], $0x4000  }
0x277: {  	[sflag:s21] =	ssyncset.done $0x0  }
0x278: {  	[sflag:s21] =	ssyncadd.s32 $0xFFFFC000  }
0x279: {  	_ =	swait.ge [sflag:s21], $0x4000  }
0x27a: {  	[sflag:s21] =	ssyncset.done $0x0  }
0x27b: {  	[sflag:s21] =	ssyncadd.s32 $0xFFFFC000  }
0x27c: {  	[tilespmem:s13], [sflag:$0x1] =	stream.indirect.gather [hbm4b:s4+s16], $0x80, s26, s16, $0xb8;
	[tilespmem:$0x1D000] =	vst v63  }
0x27d: {  	_ = 	snop  }
0x27e: {  	[tilespmem:s17], [sflag:$0x2] =	stream.indirect.gather [hbm4b:s4+s16], $0x80, s28, s16, $0xb8;
	[tilespmem:$0x1D000] =	vst v63  }
0x27f: {  	_ =	swait.ge [sflag:s18], $0x4000  }
0x280: {  	[sflag:s18] =	ssyncset.done $0x0  }
0x281: {  	[sflag:s18] =	ssyncadd.s32 $0xFFFFC000  }
0x282: {  	[spmem:s1] =	stream.indirect.scatter.add.f32 [tilespmem:s13], [sflag:$0x3], $0x80, s29, s16, $0xb8;
	[tilespmem:$0x1D000] =	vst v63  }
0x283: {  	_ =	swait.ge [sflag:s19], $0x4000  }
0x284: {  	[sflag:s19] =	ssyncset.done $0x0  }
0x285: {  	p1 =	seq.s32 s31, $0x600;
	[sflag:s19] =	ssyncadd.s32 $0xFFFFC000  }
0x286: {  	[spmem:s1] =	stream.indirect.scatter.add.f32 [tilespmem:s17], [sflag:$0x3], $0x80, s30, s16, $0xb8;
	[tilespmem:$0x1D000] =	vst v63  }
.Ltmp5:
0x287: {  	_ =	swait.ge [sflag:s21], $0x4000;
	(pc) =	sbr.rel @!p1 .LBB2_3-.Ltmp5, $4  }
0x288: {  	[sflag:s21] =	ssyncset.done $0x0  }
0x289: {  	[sflag:s21] =	ssyncadd.s32 $0xFFFFC000  }
0x28a: {  	_ =	swait.ge [sflag:s21], $0x4000  }
0x28b: {  	s31 =	sadd.s32 $0x100, s31;
	[sflag:s21] =	ssyncset.done $0x0  }
.Ltmp6:
0x28c: {  	(pc) =	sbr.rel .LBB2_8-.Ltmp6, $2  }
0x28d: {  	_ =	sdelay $0x2  }
0x28e: {  	[sflag:s21] =	ssyncadd.s32 $0xFFFFC000  }
.LBB2_9:
0x28f: {  	_ =	sfence.sel $0x180000  }
0x290: {  	[bflag:$0x0] =	sbarrier.arrive $0xFFFF  }
0x291: {  	_ =	strace $0x9000004D  }
0x292: {  	s0 =	stileid.u32;
	[bflag:$0x2] =	sbarrier.arrive $0xFFFF  }
0x293: {  	p0 =	sne.s32 s0, $0x0;
	s0 =	rddreg [dreg:$0x2]  }
0x294: {  	s0 =	sadd.s32 @!p0 $0x100000, s0  }
0x295: {  	[sflag:s0] =	ssyncadd.tile.s32 @!p0 $0x1;
	_ =	shalt  }
.Lfunc_end2:
_tile_overlayer_lowered:
.L_overlay_start_2:
0x296: {  	(tag) =	ssettag $0x2  }
0x297: {  	s0 =	rddreg [dreg:$0x0];
	s2 =	stileid.u32  }
0x298: {  	s1 =	rddreg [dreg:$0x1];
	p0 =	sne.s32 s2, $0x0  }
0x299: {  	s3 =	rddreg [dreg:$0x2];
	[bflag:$0x3] =	sbarrier.arrive $0xFFFF;
	s2 =	simm.s32 @!p0 $0x1C04  }
0x29a: {  	[timem:s3], [sflag:s2] =	dma.local @!p0 [hbm:s0], s1  }
0x29b: {  	s0 =	simm.s32 @!p0 $0x4  }
0x29c: {  	_ =	swait.ge @!p0 [sflag:s0], s1  }
0x29d: {  	s1 =	ssub.s32 @!p0 $0x0, s1;
	[sflag:s0] =	ssyncset.done @!p0 $0x0  }
0x29e: {  	[sflag:s0] =	ssyncadd.s32 @!p0 s1  }
0x29f: {  	[bflag:$0x3] =	sbarrier.arrive $0xFFFF  }
0x2a0: {  	_ =	shalt  }

// kernel: kernel.19.cloned.1.call-start
scs
__scs_entry_jumppad:
0x0: {  	(pc) =	sbr.rel $0x88, $3  }
0x1: {  	(tag) =	ssettag $0x0;
	lr =	simm.s32 $0x1  }
0x2: {  	[smem:$0x3F95] =	sst lr;
	_ =	strace $0xD0000000  }
0x3: {  	_ = 	snop  }
0x4: {  	_ = 	snop  }
0x5: {  	_ = 	snop  }
0x6: {  	_ = 	snop  }
0x7: {  	_ = 	snop  }
__scs_overlays_trampoline_lowered:
0x8: {  	[smem:$0x3FA4] =	sst s0  }
0x9: {  	[smem:$0x3FA5] =	sst s1  }
0xa: {  	[smem:$0x3FA6] =	sst s2  }
0xb: {  	[smem:$0x3FA7] =	sst s3  }
0xc: {  	[smem:$0x3FA8] =	sst s4  }
0xd: {  	[smem:$0x3FA9] =	sst s5  }
0xe: {  	[smem:$0x3FAA] =	sst s6  }
0xf: {  	[smem:$0x3FAB] =	sst s7  }
0x10: {  	[smem:$0x3FAC] =	sst s8  }
0x11: {  	[smem:$0x3FAD] =	sst s9;
	s0 =	simm.s32 @!p0 $0x0  }
0x12: {  	s1 =	sld [smem:$0x3F93];
	s0 =	simm.s32 @p0 $0x1  }
0x13: {  	[smem:$0x3FAE] =	sst s0;
	s0 =	simm.s32 @!p1 $0x0  }
0x14: {  	s2 =	sld [smem:$0x3F92];
	s0 =	simm.s32 @p1 $0x1  }
0x15: {  	[smem:$0x3FAF] =	sst s0;
	s0 =	simm.s32 @!p2 $0x0  }
0x16: {  	s3 =	sld [smem:$0x3FDB];
	s0 =	simm.s32 @p2 $0x1  }
0x17: {  	s4 =	simm.s32 $0x1BF5;
	[smem:$0x3FB1] =	sst s0  }
0x18: {  	s0 =	sld [smem:$0x3F94];
	_ =	swait.ge [sflag:s4], $0x0  }
0x19: {  	s7 =	sld [smem:$0x3F95]  }
0x1a: {  	s8 =	sadd.s32 $0xFFFFE003, lr  }
0x1b: {  	s9 =	sadd.s32 $0xFFFFFEF7, lr;
	s5 =	simm.s32 $0xFFFFFFFF;
	p2 =	slt.u32 s8, $0xFFFFF086  }
0x1c: {  	p1 =	slt.u32 s9, $0xF7A;
	s5 =	simm.s32 @!p2 $0x0  }
0x1d: {  	s5 =	simm.s32 @p1 $0x1;
	p0 =	seq.s32 s7, s2  }
0x1e: {  	s7 =	smul.u32 @!p0 $0xF7A, s2;
	p2 =	seq.s32 @!p0 s5, $0x0  }
0x1f: {  	s9 =	smul.u32 $0xF7A, s1;
	s8 =	simm.s32 @!p0 $0x1BF5;
	p2 =	por !p2, p0  }
0x20: {  	[sflag:s8] =	ssyncset.s32 @!p0 $0xFFFFF086;
	s6 =	sadd.s32 @!p0 s3, s7;
	s7 =	simm.s32 @!p0 $0x108  }
0x21: {  	s3 =	sadd.s32 s3, s9;
	s6 =	sadd.s32 @!p0 $0x88, s6;
	s7 =	simm.s32 @p2 $0x1082  }
0x22: {  	[simem:s7], [sflag:s8] =	dma.local @!p0 [hbm:s6], $0xF7A  }
0x23: {  	s9 =	sor.u32 $0xD0000000, s2;
	s6 =	simm.s32 $0x108;
	_ =	swait.ge @!p0 [sflag:s8], $0x0  }
0x24: {  	s3 =	sadd.s32 $0x88, s3;
	s6 =	simm.s32 @!p1 $0x1082;
	[sflag:s4] =	ssyncset.s32 $0xFFFFF086  }
0x25: {  	[simem:s6], [sflag:s4] =	dma.local [hbm:s3], $0xF7A  }
0x26: {  	[smem:$0x3F95] =	sst s1;
	(tag) =	ssettag s2;
	_ =	strace s9  }
0x27: {  	s1 =	sld [smem:$0x3FA5]  }
0x28: {  	s2 =	sld [smem:$0x3FA6]  }
0x29: {  	s4 =	sld [smem:$0x3FA8]  }
0x2a: {  	p0 =	seq.s32 s5, $0x0;
	s5 =	sld [smem:$0x3FA9]  }
0x2b: {  	s6 =	sld [smem:$0x3FAA]  }
0x2c: {  	s7 =	sld [smem:$0x3FAB]  }
0x2d: {  	s3 =	simm.s32 $0x108;
	s8 =	sld [smem:$0x3FAC]  }
0x2e: {  	s3 =	simm.s32 @!p0 $0x1082;
	s9 =	sld [smem:$0x3FAD]  }
0x2f: {  	lr =	sadd.s32 s0, s3;
	s0 =	sld [smem:$0x3FA4]  }
0x30: {  	s3 =	sld [smem:$0x3FA7]  }
0x31: {  	[smem:$0x3FB0] =	sst s10  }
0x32: {  	s10 =	sld [smem:$0x3FAE];
	_ =	sdelay $0x3  }
0x33: {  	p0 =	seq.s32 s10, $0x1;
	s10 =	sld [smem:$0x3FB0];
	_ =	sdelay $0x3  }
0x34: {  	[smem:$0x3FB0] =	sst s10  }
0x35: {  	s10 =	sld [smem:$0x3FAF];
	_ =	sdelay $0x3  }
0x36: {  	p1 =	seq.s32 s10, $0x1;
	s10 =	sld [smem:$0x3FB0];
	_ =	sdelay $0x3  }
0x37: {  	[smem:$0x3FB0] =	sst s10  }
0x38: {  	s10 =	sld [smem:$0x3FB1]  }
0x39: {  	_ = 	snop;
	(pc) =	sbr.ind lr, $3  }
0x3a: {  	_ = 	snop  }
0x3b: {  	_ = 	snop  }
0x3c: {  	p2 =	seq.s32 s10, $0x1;
	s10 =	sld [smem:$0x3FB0]  }
0x3d: {  	_ =	shalt  }
0x3e: {  	_ =	shalt  }
0x3f: {  	_ =	shalt  }
0x40: {  	_ =	shalt  }
0x41: {  	_ =	shalt  }
0x42: {  	_ =	shalt  }
0x43: {  	_ =	shalt  }
0x44: {  	_ =	shalt  }
0x45: {  	_ =	shalt  }
0x46: {  	_ =	shalt  }
0x47: {  	_ =	shalt  }
0x48: {  	_ =	shalt  }
0x49: {  	_ =	shalt  }
0x4a: {  	_ =	shalt  }
0x4b: {  	_ =	shalt  }
0x4c: {  	_ =	shalt  }
0x4d: {  	_ =	shalt  }
0x4e: {  	_ =	shalt  }
0x4f: {  	_ =	shalt  }
0x50: {  	_ =	shalt  }
0x51: {  	_ =	shalt  }
0x52: {  	_ =	shalt  }
0x53: {  	_ =	shalt  }
0x54: {  	_ =	shalt  }
0x55: {  	_ =	shalt  }
0x56: {  	_ =	shalt  }
0x57: {  	_ =	shalt  }
0x58: {  	_ =	shalt  }
0x59: {  	_ =	shalt  }
0x5a: {  	_ =	shalt  }
0x5b: {  	_ =	shalt  }
0x5c: {  	_ =	shalt  }
0x5d: {  	_ =	shalt  }
0x5e: {  	_ =	shalt  }
0x5f: {  	_ =	shalt  }
0x60: {  	_ =	shalt  }
0x61: {  	_ =	shalt  }
0x62: {  	_ =	shalt  }
0x63: {  	_ =	shalt  }
0x64: {  	_ =	shalt  }
0x65: {  	_ =	shalt  }
0x66: {  	_ =	shalt  }
0x67: {  	_ =	shalt  }
0x68: {  	_ =	shalt  }
0x69: {  	_ =	shalt  }
0x6a: {  	_ =	shalt  }
0x6b: {  	_ =	shalt  }
0x6c: {  	_ =	shalt  }
0x6d: {  	_ =	shalt  }
0x6e: {  	_ =	shalt  }
0x6f: {  	_ =	shalt  }
0x70: {  	_ =	shalt  }
0x71: {  	_ =	shalt  }
0x72: {  	_ =	shalt  }
0x73: {  	_ =	shalt  }
0x74: {  	_ =	shalt  }
0x75: {  	_ =	shalt  }
0x76: {  	_ =	shalt  }
0x77: {  	_ =	shalt  }
0x78: {  	_ =	shalt  }
0x79: {  	_ =	shalt  }
0x7a: {  	_ =	shalt  }
0x7b: {  	_ =	shalt  }
0x7c: {  	_ =	shalt  }
0x7d: {  	_ =	shalt  }
0x7e: {  	_ =	shalt  }
0x7f: {  	_ =	shalt  }
0x80: {  	_ =	shalt  }
0x81: {  	_ =	shalt  }
0x82: {  	_ =	shalt  }
0x83: {  	_ =	shalt  }
0x84: {  	_ =	shalt  }
0x85: {  	_ =	shalt  }
0x86: {  	_ =	shalt  }
0x87: {  	_ =	shalt  }
.Lfunc_end0:
.L_simem_size_0:
called_computation.3_lowered:
.L_overlay_start_0:
0x88: {  	s2 =	sld [smem:$0x3FD9]  }
0x89: {  	s3 =	sld [smem:$0x3FFE];
	_ =	sdelay $0x1  }
0x8a: {  	s1 =	srdreg.scid  }
0x8b: {  	s0 =	sand.u32 $0x1, s1  }
0x8c: {  	s16 =	sshll.u32 s0, $0xA;
	s2 =	sadd.s32 s3, s2  }
0x8d: {  	s2 =	sadd.s32 s2, s16  }
0x8e: {  	[smem:$0x3FBC] =	sst s2  }
0x8f: {  	_ = 	snop  }
0x90: {  	(tm) =	ssettm $0x1  }
0x91: {  	s17 =	sld [smem:$0x3FFB];
	_ =	sdelay $0x3  }
0x92: {  	_ =	strace s17  }
0x93: {  	s2 =	sld [smem:$0x3FFC];
	_ =	sdelay $0x3  }
0x94: {  	_ =	strace s2  }
0x95: {  	s2 =	sld [smem:$0x3FFD];
	_ =	sdelay $0x3  }
0x96: {  	_ =	strace s2  }
0x97: {  	_ =	strace $0x8FFFFFFF  }
0x98: {  	s18 =	sld [smem:$0x3FDB];
	_ =	sdelay $0x1  }
0x99: {  	s19 =	simm.s32 $_scs_section_size  }
0x9a: {  	s4 =	simm.s32 $_size__tile_overlayer_lowered;
	s5 =	simm.s32 $_tile_overlayer_lowered  }
0x9b: {  	s22 =	simm.s32 $0x1BFF;
	s21 =	sshll.u32 s5, $0x1;
	s2 =	sadd.s32 s19, s18  }
0x9c: {  	s6 =	simm.s32 $0x0;
	s20 =	sshll.u32 s4, $0x1;
	s4 =	sadd.s32 s21, s2  }
0x9d: {  	[timem:s6], [sflag:s22] =	dma.local [hbm:s4], s20  }
0x9e: {  	_ =	swait.ge [sflag:s22], s20  }
0x9f: {  	s3 =	ssub.s32 $0x0, s20;
	[sflag:s22] =	ssyncset.done $0x0  }
0xa0: {  	[sflag:s22] =	ssyncadd.s32 s3;
	_ =	sdelay $0x1  }
0xa1: {  	s23 =	simm.s32 $0x1B8B  }
0xa2: {  	_ =	swait.ge [sflag:s23], $0x1  }
0xa3: {  	[sflag:s23] =	ssyncset.done $0x0  }
0xa4: {  	s25 =	simm.s32 $0x1B8E;
	s24 =	sld [smem:$0x3FFE];
	[sflag:s23] =	ssyncadd.s32 $0xFFFFFFFF  }
0xa5: {  	s26 =	simm.s32 $execute0_lowered;
	[smem:$0x3FD2] =	sst s25  }
0xa6: {  	s4 =	sshll.u32 s26, $0x1;
	_ =	strace $0x8000004F;
	[dreg:$0x1] =	wrdreg $0xFFFFFFFF  }
0xa7: {  	s28 =	simm.s32 $_size_execute0_lowered;
	s2 =	sadd.s32 s2, s4;
	[dreg:$0x0] =	wrdreg $0x0  }
0xa8: {  	s4 =	sshll.u32 s28, $0x1;
	[dreg:$0x2] =	wrdreg s2  }
0xa9: {  	[dreg:$0x3] =	wrdreg s4  }
0xaa: {  	[dreg:$0x4] =	wrdreg $0xC0  }
0xab: {  	_ =	task [dreg:s6], $0x5FFFF  }
0xac: {  	[dreg:$0x1] =	wrdreg $0xFFFFFFFF  }
0xad: {  	[dreg:$0x0] =	wrdreg $0x60  }
0xae: {  	[dreg:$0x2] =	wrdreg s24  }
0xaf: {  	[dreg:$0x3] =	wrdreg $0x90000  }
0xb0: {  	[dreg:$0x4] =	wrdreg $0x9  }
0xb1: {  	_ =	task.clear_ibuf [dreg:s6], $0x5FFFF;
	_ =	strace $0x9000004F  }
0xb2: {  	s29 =	simm.s32 $0x9;
	_ =	strace $0x80000051  }
0xb3: {  	_ =	swait.ge [sflag:s29], $0x1  }
0xb4: {  	[sflag:s29] =	ssyncadd.s32 $0xFFFFFFFF  }
0xb5: {  	_ =	strace $0x90000051  }
0xb6: {  	_ =	sfence  }
0xb7: {  	s30 =	sld [smem:$0x0];
	_ =	sdelay $0x2  }
0xb8: {  	s31 =	sshll.u32 s1, $0xD;
	s1 =	sshrl.u32 s1, $0x2  }
0xb9: {  	s3 =	sand.u32 $0x4000, s31;
	s1 =	sadd.s32 s1, s30  }
0xba: {  	s0 =	sor.u32 s3, s0;
	s1 =	sshll.u32 s1, $0x11  }
0xbb: {  	s0 =	sor.u32 s1, s0  }
0xbc: {  	s0 =	sadd.s32 $0x8F2B, s0  }
0xbd: {  	[sflag:s0] =	ssyncadd.remote.s32 $0x1  }
0xbe: {  	_ =	sfence.sel $0xFFFF  }
0xbf: {  	[dreg:$0x0] =	wrdreg $0xFFFFFFFF;
	(pc) =	sbr.abs _section_cstart, $3  }
0xc0: {  	[dreg:$0x1] =	wrdreg $0xFFFFFFFF  }
0xc1: {  	_ =	task.clear_ibuf [dreg:s6], $0x2FFFF;
	_ =	strace $0x9FFFFFFF  }
0xc2: {  	(tm) =	ssettm $0x7FFFFFFF  }
0xc3: {  	_ =	shalt  }
tec
execute0_lowered:
.L_overlay_start_1:
0x0: {  	(tag) =	ssettag $0x1  }
0x1: {  	s0 =	rddreg [dreg:$0x0]  }
0x2: {  	s1 =	rddreg [dreg:$0x1]  }
0x3: {  	s3 =	simm.s32 $0x0;
	s2 =	srdreg.scid;
	s11 =	stileid.u32  }
0x4: {  	s12 =	simm.s32 $0x580;
	s28 =	simm.s32 $0x780;
	s29 =	simm.s32 $0xF00  }
0x5: {  	s30 =	simm.s32 $0xF80;
	[smem:$0x7FF] =	sst s3;
	s7 =	smul.u32 $0x14000, s11  }
0x6: {  	s2 =	sand.u32 $0x1, s2;
	s6 =	sadd.s32 $0x6AE00, s0;
	s9 =	smul.u32 $0x50000, s11  }
0x7: {  	s8 =	sadd.s32 $0xDE00, s0;
	s4 =	sadd.s32 $0x74E00, s0;
	s18 =	smul.u32 $0x700, s11  }
0x8: {  	s10 =	sadd.s32 $0x17E00, s0;
	s20 =	smul.u32 $0x300, s11;
	s11 =	simm.s32 $0x500  }
0x9: {  	s5 =	smul.u32 $0x140000, s2;
	_ =	strace $0x80000050;
	[dreg:$0x7] =	wrdreg s10  }
0xa: {  	s13 =	ssub.s32 $0x2, s2;
	p0 =	seq.s32 s2, $0x1;
	s10 =	simm.s32 $0xC80  }
0xb: {  	s2 =	simm.s32 $0x0;
	s14 =	sshrl.u32 s13, $0x1;
	s9 =	sshrl.u32 s9, $0x2  }
0xc: {  	s21 =	sadd.s32 s18, s8;
	s22 =	sadd.s32 s18, s6;
	s23 =	sadd.s32 s20, s8  }
0xd: {  	s25 =	sadd.s32 s20, s6;
	s18 =	simm.s32 $0x1;
	s8 =	simm.s32 $0x480  }
0xe: {  	s6 =	simm.s32 $0xD00;
	s20 =	simm.s32 $0xD80;
	s5 =	sadd.s32 s7, s5  }
0xf: {  	s15 =	ssub.s32 s13, s14;
	s31 =	sadd.s32 s9, s1;
	[dreg:$0x3] =	wrdreg s21  }
0x10: {  	[dreg:$0x4] =	wrdreg s22;
	s24 =	sadd.s32 $0x7000, s23;
	s26 =	sadd.s32 $0x7000, s25  }
0x11: {  	s13 =	simm.s32 $0x1000;
	s14 =	simm.s32 $0x4;
	s21 =	simm.s32 $0x3  }
0x12: {  	s7 =	simm.s32 $0x400;
	s22 =	simm.s32 $0x600;
	[dreg:$0x5] =	wrdreg s24  }
0x13: {  	s23 =	simm.s32 $0x680;
	s25 =	simm.s32 $0xE80;
	[dreg:$0x6] =	wrdreg s26  }
0x14: {  	s5 =	sshrl.u32 s5, $0x3;
	s16 =	sadd.s32 $0x4000, s31;
	[dreg:$0x8] =	wrdreg s31  }
0x15: {  	s17 =	sadd.s32 $0x8000, s31;
	s9 =	sadd.s32 $0xC000, s31;
	[dreg:$0x9] =	wrdreg s16  }
0x16: {  	s19 =	sadd.s32 $0x10000, s31;
	s24 =	simm.s32 $0xE00;
	[dreg:$0xa] =	wrdreg s17  }
.Ltmp0:
0x17: {  	s26 =	simm.s32 $0x700;
	[dreg:$0xb] =	wrdreg s9;
	(pc) =	sbr.rel .LBB2_1-.Ltmp0, $4  }
0x18: {  	s0 =	sadd.s32 s5, s0;
	[dreg:$0xc] =	wrdreg s19;
	s5 =	smax.u32 s15, $0x1  }
0x19: {  	s15 =	simm.s32 $0x800;
	s16 =	simm.s32 $0x80;
	s17 =	simm.s32 $0x5000  }
0x1a: {  	s19 =	simm.s32 $0x2;
	s0 =	sadd.s32 $0x9CE00, s0;
	[dreg:$0xe] =	wrdreg s5  }
0x1b: {  	s9 =	simm.s32 $0xC00;
	s5 =	simm.s32 $0xB80;
	[dreg:$0xd] =	wrdreg s0  }
.LBB2_7:
0x1c: {  	[sflag:s21] =	ssyncadd.s32 $0xFFFFC000  }
.LBB2_8:
0x1d: {  	s0 =	stileid.u32;
	[bflag:$0x0] =	sbarrier.arrive $0xFFFF  }
0x1e: {  	s0 =	sshll.u32 s0, $0x6;
	s2 =	rddreg [dreg:$0x8]  }
0x1f: {  	s31 =	rddreg [dreg:$0xd];
	s0 =	sor.u32 $0x1C04, s0  }
0x20: {  	[dreg:$0x10] =	wrdreg s0  }
0x21: {  	s2 =	sshrl.u32 s2, $0x3;
	s0 =	rddreg [dreg:$0x10]  }
0x22: {  	[hbm:s31], [sflag:s0] =	dma.local [spmem:s2], $0x2800  }
0x23: {  	s31 =	rddreg [dreg:$0x8];
	_ =	swait.ge [sflag:s14], $0x2800  }
0x24: {  	s0 =	rddreg [dreg:$0xf]  }
0x25: {  	s2 =	sadd.s32 $0x1, s0;
	s0 =	rddreg [dreg:$0xe]  }
0x26: {  	p1 =	sne.s32 s2, s0  }
.Ltmp1:
0x27: {  	_ = 	snop;
	(pc) =	sbr.rel @!p1 .LBB2_9-.Ltmp1, $3  }
0x28: {  	_ =	sdelay $0x1  }
0x29: {  	[sflag:s14] =	ssyncset.done $0x0  }
0x2a: {  	[sflag:s14] =	ssyncadd.s32 $0xFFFFD800  }
.LBB2_1:
0x2b: {  	[dreg:$0xf] =	wrdreg s2  }
0x2c: {  	s0 =	rddreg [dreg:$0x7]  }
0x2d: {  	[tilespmem:s13], [sflag:$0x4] =	stream.linear.gather [hbm4b:s0+s3], $0x4000, $0x38;
	[tilespmem:$0x1D000] =	vst v63  }
0x2e: {  	_ =	swait.ge [sflag:s14], $0x4000  }
0x2f: {  	[sflag:s14] =	ssyncset.done $0x0  }
0x30: {  	[sflag:s14] =	ssyncadd.s32 $0xFFFFC000  }
0x31: {  	[spmem:s31] =	stream.linear.scatter [tilespmem:s13], [sflag:$0x4], $0x4000, $0x38;
	[tilespmem:$0x1D000] =	vst v63  }
0x32: {  	_ =	swait.ge [sflag:s14], $0x4000  }
0x33: {  	[sflag:s14] =	ssyncset.done $0x0  }
0x34: {  	s2 =	rddreg [dreg:$0x9];
	[sflag:s14] =	ssyncadd.s32 $0xFFFFC000  }
0x35: {  	[spmem:s2] =	stream.linear.scatter [tilespmem:s13], [sflag:$0x4], $0x4000, $0x38;
	[tilespmem:$0x1D000] =	vst v63  }
0x36: {  	_ =	swait.ge [sflag:s14], $0x4000  }
0x37: {  	[sflag:s14] =	ssyncset.done $0x0  }
0x38: {  	s31 =	rddreg [dreg:$0xa];
	[sflag:s14] =	ssyncadd.s32 $0xFFFFC000  }
0x39: {  	[spmem:s31] =	stream.linear.scatter [tilespmem:s13], [sflag:$0x4], $0x4000, $0x38;
	[tilespmem:$0x1D000] =	vst v63  }
0x3a: {  	_ =	swait.ge [sflag:s14], $0x4000  }
0x3b: {  	[sflag:s14] =	ssyncset.done $0x0  }
0x3c: {  	s2 =	rddreg [dreg:$0xb];
	[sflag:s14] =	ssyncadd.s32 $0xFFFFC000  }
0x3d: {  	[spmem:s2] =	stream.linear.scatter [tilespmem:s13], [sflag:$0x4], $0x4000, $0x38;
	[tilespmem:$0x1D000] =	vst v63  }
0x3e: {  	_ =	swait.ge [sflag:s14], $0x4000  }
0x3f: {  	[sflag:s14] =	ssyncset.done $0x0  }
0x40: {  	s31 =	rddreg [dreg:$0xc];
	[sflag:s14] =	ssyncadd.s32 $0xFFFFC000  }
0x41: {  	[spmem:s31] =	stream.linear.scatter [tilespmem:s13], [sflag:$0x4], $0x4000, $0x38;
	[tilespmem:$0x1D000] =	vst v63  }
.Ltmp2:
0x42: {  	_ =	swait.ge [sflag:s14], $0x4000;
	(pc) =	sbr.rel @!p0 .LBB2_2-.Ltmp2, $3  }
0x43: {  	[sflag:s14] =	ssyncset.done $0x0  }
0x44: {  	[sflag:s14] =	ssyncadd.s32 $0xFFFFC000  }
0x45: {  	[bflag:$0x0] =	sbarrier.arrive $0xFFFF;
	_ =	sdelay $0x1  }
0x46: {  	s0 =	rddreg [dreg:$0x6]  }
0x47: {  	s0 =	sadd.s32 $0x0, s0  }
0x48: {  	[tilespmem:s3], [sflag:$0x4] =	stream.linear.gather [hbm4b:s0+s3], $0x800, $0x38;
	[tilespmem:$0x1D000] =	vst v63  }
0x49: {  	_ =	swait.ge [sflag:s14], $0x800  }
0x4a: {  	s2 =	rddreg [dreg:$0x5];
	[sflag:s14] =	ssyncset.done $0x0  }
0x4b: {  	[sflag:s14] =	ssyncadd.s32 $0xFFFFF800;
	s0 =	sadd.s32 $0x0, s2  }
0x4c: {  	[tilespmem:s15], [sflag:$0x4] =	stream.linear.gather [hbm4b:s0+s3], $0x800, $0x38;
	[tilespmem:$0x1D000] =	vst v63  }
0x4d: {  	_ =	swait.ge [sflag:s14], $0x800  }
0x4e: {  	[sflag:s14] =	ssyncset.done $0x0  }
0x4f: {  	[sflag:s14] =	ssyncadd.s32 $0xFFFFF800  }
0x50: {  	[tilespmem:s13], [sflag:$0x1] =	stream.indirect.gather [hbm4b:s4+s16], $0x80, s3, s16, $0xb8;
	[tilespmem:$0x1D000] =	vst v63  }
0x51: {  	_ = 	snop  }
0x52: {  	[tilespmem:s17], [sflag:$0x2] =	stream.indirect.gather [hbm4b:s4+s16], $0x80, s16, s16, $0xb8;
	[tilespmem:$0x1D000] =	vst v63  }
0x53: {  	_ =	swait.ge [sflag:s18], $0x4000  }
0x54: {  	[sflag:s18] =	ssyncset.done $0x0  }
0x55: {  	[sflag:s18] =	ssyncadd.s32 $0xFFFFC000  }
0x56: {  	[spmem:s1] =	stream.indirect.scatter.add.f32 [tilespmem:s13], [sflag:$0x3], $0x80, s15, s16, $0xb8;
	[tilespmem:$0x1D000] =	vst v63  }
0x57: {  	_ =	swait.ge [sflag:s19], $0x4000  }
0x58: {  	[sflag:s19] =	ssyncset.done $0x0  }
0x59: {  	s2 =	simm.s32 $0x880;
	[sflag:s19] =	ssyncadd.s32 $0xFFFFC000  }
0x5a: {  	[spmem:s1] =	stream.indirect.scatter.add.f32 [tilespmem:s17], [sflag:$0x3], $0x80, s2, s16, $0xb8;
	[tilespmem:$0x1D000] =	vst v63  }
0x5b: {  	_ =	swait.ge [sflag:s21], $0x4000  }
0x5c: {  	[sflag:s21] =	ssyncset.done $0x0  }
0x5d: {  	[sflag:s21] =	ssyncadd.s32 $0xFFFFC000  }
0x5e: {  	_ =	swait.ge [sflag:s21], $0x4000  }
0x5f: {  	[sflag:s21] =	ssyncset.done $0x0  }
0x60: {  	s2 =	simm.s32 $0x100;
	[sflag:s21] =	ssyncadd.s32 $0xFFFFC000  }
0x61: {  	[tilespmem:s13], [sflag:$0x1] =	stream.indirect.gather [hbm4b:s4+s16], $0x80, s2, s16, $0xb8;
	[tilespmem:$0x1D000] =	vst v63  }
0x62: {  	s2 =	simm.s32 $0x180  }
0x63: {  	[tilespmem:s17], [sflag:$0x2] =	stream.indirect.gather [hbm4b:s4+s16], $0x80, s2, s16, $0xb8;
	[tilespmem:$0x1D000] =	vst v63  }
0x64: {  	_ =	swait.ge [sflag:s18], $0x4000  }
0x65: {  	[sflag:s18] =	ssyncset.done $0x0  }
0x66: {  	s2 =	simm.s32 $0x900;
	[sflag:s18] =	ssyncadd.s32 $0xFFFFC000  }
0x67: {  	[spmem:s1] =	stream.indirect.scatter.add.f32 [tilespmem:s13], [sflag:$0x3], $0x80, s2, s16, $0xb8;
	[tilespmem:$0x1D000] =	vst v63  }
0x68: {  	_ =	swait.ge [sflag:s19], $0x4000  }
0x69: {  	[sflag:s19] =	ssyncset.done $0x0  }
0x6a: {  	s2 =	simm.s32 $0x980;
	[sflag:s19] =	ssyncadd.s32 $0xFFFFC000  }
0x6b: {  	[spmem:s1] =	stream.indirect.scatter.add.f32 [tilespmem:s17], [sflag:$0x3], $0x80, s2, s16, $0xb8;
	[tilespmem:$0x1D000] =	vst v63  }
0x6c: {  	_ =	swait.ge [sflag:s21], $0x4000  }
0x6d: {  	[sflag:s21] =	ssyncset.done $0x0  }
0x6e: {  	[sflag:s21] =	ssyncadd.s32 $0xFFFFC000  }
0x6f: {  	_ =	swait.ge [sflag:s21], $0x4000  }
0x70: {  	[sflag:s21] =	ssyncset.done $0x0  }
0x71: {  	s2 =	simm.s32 $0x200;
	[sflag:s21] =	ssyncadd.s32 $0xFFFFC000  }
0x72: {  	[tilespmem:s13], [sflag:$0x1] =	stream.indirect.gather [hbm4b:s4+s16], $0x80, s2, s16, $0xb8;
	[tilespmem:$0x1D000] =	vst v63  }
0x73: {  	s2 =	simm.s32 $0x280  }
0x74: {  	[tilespmem:s17], [sflag:$0x2] =	stream.indirect.gather [hbm4b:s4+s16], $0x80, s2, s16, $0xb8;
	[tilespmem:$0x1D000] =	vst v63  }
0x75: {  	_ =	swait.ge [sflag:s18], $0x4000  }
0x76: {  	[sflag:s18] =	ssyncset.done $0x0  }
0x77: {  	s2 =	simm.s32 $0xA00;
	[sflag:s18] =	ssyncadd.s32 $0xFFFFC000  }
0x78: {  	[spmem:s1] =	stream.indirect.scatter.add.f32 [tilespmem:s13], [sflag:$0x3], $0x80, s2, s16, $0xb8;
	[tilespmem:$0x1D000] =	vst v63  }
0x79: {  	_ =	swait.ge [sflag:s19], $0x4000  }
0x7a: {  	[sflag:s19] =	ssyncset.done $0x0  }
0x7b: {  	s2 =	simm.s32 $0xA80;
	[sflag:s19] =	ssyncadd.s32 $0xFFFFC000  }
0x7c: {  	[spmem:s1] =	stream.indirect.scatter.add.f32 [tilespmem:s17], [sflag:$0x3], $0x80, s2, s16, $0xb8;
	[tilespmem:$0x1D000] =	vst v63  }
0x7d: {  	_ =	swait.ge [sflag:s21], $0x4000  }
0x7e: {  	[sflag:s21] =	ssyncset.done $0x0  }
0x7f: {  	[sflag:s21] =	ssyncadd.s32 $0xFFFFC000  }
0x80: {  	_ =	swait.ge [sflag:s21], $0x4000  }
0x81: {  	[sflag:s21] =	ssyncset.done $0x0  }
0x82: {  	s2 =	simm.s32 $0x300;
	[sflag:s21] =	ssyncadd.s32 $0xFFFFC000  }
0x83: {  	[tilespmem:s13], [sflag:$0x1] =	stream.indirect.gather [hbm4b:s4+s16], $0x80, s2, s16, $0xb8;
	[tilespmem:$0x1D000] =	vst v63  }
0x84: {  	s2 =	simm.s32 $0x380  }
0x85: {  	[tilespmem:s17], [sflag:$0x2] =	stream.indirect.gather [hbm4b:s4+s16], $0x80, s2, s16, $0xb8;
	[tilespmem:$0x1D000] =	vst v63  }
0x86: {  	_ =	swait.ge [sflag:s18], $0x4000  }
0x87: {  	[sflag:s18] =	ssyncset.done $0x0  }
0x88: {  	s2 =	simm.s32 $0xB00;
	[sflag:s18] =	ssyncadd.s32 $0xFFFFC000  }
0x89: {  	[spmem:s1] =	stream.indirect.scatter.add.f32 [tilespmem:s13], [sflag:$0x3], $0x80, s2, s16, $0xb8;
	[tilespmem:$0x1D000] =	vst v63  }
0x8a: {  	_ =	swait.ge [sflag:s19], $0x4000  }
0x8b: {  	[sflag:s19] =	ssyncset.done $0x0  }
0x8c: {  	[sflag:s19] =	ssyncadd.s32 $0xFFFFC000  }
0x8d: {  	[spmem:s1] =	stream.indirect.scatter.add.f32 [tilespmem:s17], [sflag:$0x3], $0x80, s5, s16, $0xb8;
	[tilespmem:$0x1D000] =	vst v63  }
0x8e: {  	_ =	swait.ge [sflag:s21], $0x4000  }
0x8f: {  	[sflag:s21] =	ssyncset.done $0x0  }
0x90: {  	[sflag:s21] =	ssyncadd.s32 $0xFFFFC000  }
0x91: {  	_ =	swait.ge [sflag:s21], $0x4000  }
0x92: {  	[sflag:s21] =	ssyncset.done $0x0  }
0x93: {  	[sflag:s21] =	ssyncadd.s32 $0xFFFFC000  }
0x94: {  	[tilespmem:s13], [sflag:$0x1] =	stream.indirect.gather [hbm4b:s4+s16], $0x80, s7, s16, $0xb8;
	[tilespmem:$0x1D000] =	vst v63  }
0x95: {  	_ = 	snop  }
0x96: {  	[tilespmem:s17], [sflag:$0x2] =	stream.indirect.gather [hbm4b:s4+s16], $0x80, s8, s16, $0xb8;
	[tilespmem:$0x1D000] =	vst v63  }
0x97: {  	_ =	swait.ge [sflag:s18], $0x4000  }
0x98: {  	[sflag:s18] =	ssyncset.done $0x0  }
0x99: {  	[sflag:s18] =	ssyncadd.s32 $0xFFFFC000  }
0x9a: {  	[spmem:s1] =	stream.indirect.scatter.add.f32 [tilespmem:s13], [sflag:$0x3], $0x80, s9, s16, $0xb8;
	[tilespmem:$0x1D000] =	vst v63  }
0x9b: {  	_ =	swait.ge [sflag:s19], $0x4000  }
0x9c: {  	[sflag:s19] =	ssyncset.done $0x0  }
0x9d: {  	[sflag:s19] =	ssyncadd.s32 $0xFFFFC000  }
0x9e: {  	[spmem:s1] =	stream.indirect.scatter.add.f32 [tilespmem:s17], [sflag:$0x3], $0x80, s10, s16, $0xb8;
	[tilespmem:$0x1D000] =	vst v63  }
0x9f: {  	_ =	swait.ge [sflag:s21], $0x4000  }
0xa0: {  	[sflag:s21] =	ssyncset.done $0x0  }
0xa1: {  	[sflag:s21] =	ssyncadd.s32 $0xFFFFC000  }
0xa2: {  	_ =	swait.ge [sflag:s21], $0x4000  }
0xa3: {  	[sflag:s21] =	ssyncset.done $0x0  }
0xa4: {  	[sflag:s21] =	ssyncadd.s32 $0xFFFFC000  }
0xa5: {  	[tilespmem:s13], [sflag:$0x1] =	stream.indirect.gather [hbm4b:s4+s16], $0x80, s11, s16, $0xb8;
	[tilespmem:$0x1D000] =	vst v63  }
0xa6: {  	_ = 	snop  }
0xa7: {  	[tilespmem:s17], [sflag:$0x2] =	stream.indirect.gather [hbm4b:s4+s16], $0x80, s12, s16, $0xb8;
	[tilespmem:$0x1D000] =	vst v63  }
0xa8: {  	_ =	swait.ge [sflag:s18], $0x4000  }
0xa9: {  	[sflag:s18] =	ssyncset.done $0x0  }
0xaa: {  	[sflag:s18] =	ssyncadd.s32 $0xFFFFC000  }
0xab: {  	[spmem:s1] =	stream.indirect.scatter.add.f32 [tilespmem:s13], [sflag:$0x3], $0x80, s6, s16, $0xb8;
	[tilespmem:$0x1D000] =	vst v63  }
0xac: {  	_ =	swait.ge [sflag:s19], $0x4000  }
0xad: {  	[sflag:s19] =	ssyncset.done $0x0  }
0xae: {  	[sflag:s19] =	ssyncadd.s32 $0xFFFFC000  }
0xaf: {  	[spmem:s1] =	stream.indirect.scatter.add.f32 [tilespmem:s17], [sflag:$0x3], $0x80, s20, s16, $0xb8;
	[tilespmem:$0x1D000] =	vst v63  }
0xb0: {  	_ =	swait.ge [sflag:s21], $0x4000  }
0xb1: {  	[sflag:s21] =	ssyncset.done $0x0  }
0xb2: {  	[sflag:s21] =	ssyncadd.s32 $0xFFFFC000  }
0xb3: {  	_ =	swait.ge [sflag:s21], $0x4000  }
0xb4: {  	[sflag:s21] =	ssyncset.done $0x0  }
0xb5: {  	[sflag:s21] =	ssyncadd.s32 $0xFFFFC000  }
0xb6: {  	[tilespmem:s13], [sflag:$0x1] =	stream.indirect.gather [hbm4b:s4+s16], $0x80, s22, s16, $0xb8;
	[tilespmem:$0x1D000] =	vst v63  }
0xb7: {  	_ = 	snop  }
0xb8: {  	[tilespmem:s17], [sflag:$0x2] =	stream.indirect.gather [hbm4b:s4+s16], $0x80, s23, s16, $0xb8;
	[tilespmem:$0x1D000] =	vst v63  }
0xb9: {  	_ =	swait.ge [sflag:s18], $0x4000  }
0xba: {  	[sflag:s18] =	ssyncset.done $0x0  }
0xbb: {  	[sflag:s18] =	ssyncadd.s32 $0xFFFFC000  }
0xbc: {  	[spmem:s1] =	stream.indirect.scatter.add.f32 [tilespmem:s13], [sflag:$0x3], $0x80, s24, s16, $0xb8;
	[tilespmem:$0x1D000] =	vst v63  }
0xbd: {  	_ =	swait.ge [sflag:s19], $0x4000  }
0xbe: {  	[sflag:s19] =	ssyncset.done $0x0  }
0xbf: {  	[sflag:s19] =	ssyncadd.s32 $0xFFFFC000  }
0xc0: {  	[spmem:s1] =	stream.indirect.scatter.add.f32 [tilespmem:s17], [sflag:$0x3], $0x80, s25, s16, $0xb8;
	[tilespmem:$0x1D000] =	vst v63  }
0xc1: {  	_ =	swait.ge [sflag:s21], $0x4000  }
0xc2: {  	[sflag:s21] =	ssyncset.done $0x0  }
0xc3: {  	[sflag:s21] =	ssyncadd.s32 $0xFFFFC000  }
0xc4: {  	_ =	swait.ge [sflag:s21], $0x4000  }
0xc5: {  	[sflag:s21] =	ssyncset.done $0x0  }
0xc6: {  	[sflag:s21] =	ssyncadd.s32 $0xFFFFC000  }
0xc7: {  	[tilespmem:s13], [sflag:$0x1] =	stream.indirect.gather [hbm4b:s4+s16], $0x80, s26, s16, $0xb8;
	[tilespmem:$0x1D000] =	vst v63  }
0xc8: {  	_ = 	snop  }
0xc9: {  	[tilespmem:s17], [sflag:$0x2] =	stream.indirect.gather [hbm4b:s4+s16], $0x80, s28, s16, $0xb8;
	[tilespmem:$0x1D000] =	vst v63  }
0xca: {  	_ =	swait.ge [sflag:s18], $0x4000  }
0xcb: {  	[sflag:s18] =	ssyncset.done $0x0  }
0xcc: {  	[sflag:s18] =	ssyncadd.s32 $0xFFFFC000  }
0xcd: {  	[spmem:s1] =	stream.indirect.scatter.add.f32 [tilespmem:s13], [sflag:$0x3], $0x80, s29, s16, $0xb8;
	[tilespmem:$0x1D000] =	vst v63  }
0xce: {  	_ =	swait.ge [sflag:s19], $0x4000  }
0xcf: {  	[sflag:s19] =	ssyncset.done $0x0  }
0xd0: {  	[sflag:s19] =	ssyncadd.s32 $0xFFFFC000  }
0xd1: {  	[spmem:s1] =	stream.indirect.scatter.add.f32 [tilespmem:s17], [sflag:$0x3], $0x80, s30, s16, $0xb8;
	[tilespmem:$0x1D000] =	vst v63  }
0xd2: {  	_ =	swait.ge [sflag:s21], $0x4000  }
0xd3: {  	[sflag:s21] =	ssyncset.done $0x0  }
0xd4: {  	[sflag:s21] =	ssyncadd.s32 $0xFFFFC000  }
0xd5: {  	_ =	swait.ge [sflag:s21], $0x4000  }
0xd6: {  	s31 =	simm.s32 $0x100;
	[sflag:s21] =	ssyncset.done $0x0  }
.LBB2_6:
0xd7: {  	s0 =	rddreg [dreg:$0x6];
	s2 =	smov.u32 s31  }
0xd8: {  	[sflag:s21] =	ssyncadd.s32 $0xFFFFC000;
	s0 =	sadd.s32 s2, s0  }
0xd9: {  	[tilespmem:s3], [sflag:$0x4] =	stream.linear.gather [hbm4b:s0+s3], $0x800, $0x38;
	[tilespmem:$0x1D000] =	vst v63  }
0xda: {  	_ =	swait.ge [sflag:s14], $0x800  }
0xdb: {  	s0 =	rddreg [dreg:$0x5];
	[sflag:s14] =	ssyncset.done $0x0  }
0xdc: {  	[sflag:s14] =	ssyncadd.s32 $0xFFFFF800;
	s0 =	sadd.s32 s2, s0  }
0xdd: {  	[tilespmem:s15], [sflag:$0x4] =	stream.linear.gather [hbm4b:s0+s3], $0x800, $0x38;
	[tilespmem:$0x1D000] =	vst v63  }
0xde: {  	_ =	swait.ge [sflag:s14], $0x800  }
0xdf: {  	[sflag:s14] =	ssyncset.done $0x0  }
0xe0: {  	[sflag:s14] =	ssyncadd.s32 $0xFFFFF800  }
0xe1: {  	[tilespmem:s13], [sflag:$0x1] =	stream.indirect.gather [hbm4b:s4+s16], $0x80, s3, s16, $0xb8;
	[tilespmem:$0x1D000] =	vst v63  }
0xe2: {  	_ = 	snop  }
0xe3: {  	[tilespmem:s17], [sflag:$0x2] =	stream.indirect.gather [hbm4b:s4+s16], $0x80, s16, s16, $0xb8;
	[tilespmem:$0x1D000] =	vst v63  }
0xe4: {  	_ =	swait.ge [sflag:s18], $0x4000  }
0xe5: {  	[sflag:s18] =	ssyncset.done $0x0  }
0xe6: {  	[sflag:s18] =	ssyncadd.s32 $0xFFFFC000  }
0xe7: {  	[spmem:s1] =	stream.indirect.scatter.add.f32 [tilespmem:s13], [sflag:$0x3], $0x80, s15, s16, $0xb8;
	[tilespmem:$0x1D000] =	vst v63  }
0xe8: {  	_ =	swait.ge [sflag:s19], $0x4000  }
0xe9: {  	[sflag:s19] =	ssyncset.done $0x0  }
0xea: {  	s2 =	simm.s32 $0x880;
	[sflag:s19] =	ssyncadd.s32 $0xFFFFC000  }
0xeb: {  	[spmem:s1] =	stream.indirect.scatter.add.f32 [tilespmem:s17], [sflag:$0x3], $0x80, s2, s16, $0xb8;
	[tilespmem:$0x1D000] =	vst v63  }
0xec: {  	_ =	swait.ge [sflag:s21], $0x4000  }
0xed: {  	[sflag:s21] =	ssyncset.done $0x0  }
0xee: {  	[sflag:s21] =	ssyncadd.s32 $0xFFFFC000  }
0xef: {  	_ =	swait.ge [sflag:s21], $0x4000  }
0xf0: {  	[sflag:s21] =	ssyncset.done $0x0  }
0xf1: {  	s0 =	simm.s32 $0x100;
	[sflag:s21] =	ssyncadd.s32 $0xFFFFC000  }
0xf2: {  	[tilespmem:s13], [sflag:$0x1] =	stream.indirect.gather [hbm4b:s4+s16], $0x80, s0, s16, $0xb8;
	[tilespmem:$0x1D000] =	vst v63  }
0xf3: {  	s2 =	simm.s32 $0x180  }
0xf4: {  	[tilespmem:s17], [sflag:$0x2] =	stream.indirect.gather [hbm4b:s4+s16], $0x80, s2, s16, $0xb8;
	[tilespmem:$0x1D000] =	vst v63  }
0xf5: {  	_ =	swait.ge [sflag:s18], $0x4000  }
0xf6: {  	[sflag:s18] =	ssyncset.done $0x0  }
0xf7: {  	s2 =	simm.s32 $0x900;
	[sflag:s18] =	ssyncadd.s32 $0xFFFFC000  }
0xf8: {  	[spmem:s1] =	stream.indirect.scatter.add.f32 [tilespmem:s13], [sflag:$0x3], $0x80, s2, s16, $0xb8;
	[tilespmem:$0x1D000] =	vst v63  }
0xf9: {  	_ =	swait.ge [sflag:s19], $0x4000  }
0xfa: {  	[sflag:s19] =	ssyncset.done $0x0  }
0xfb: {  	s2 =	simm.s32 $0x980;
	[sflag:s19] =	ssyncadd.s32 $0xFFFFC000  }
0xfc: {  	[spmem:s1] =	stream.indirect.scatter.add.f32 [tilespmem:s17], [sflag:$0x3], $0x80, s2, s16, $0xb8;
	[tilespmem:$0x1D000] =	vst v63  }
0xfd: {  	_ =	swait.ge [sflag:s21], $0x4000  }
0xfe: {  	[sflag:s21] =	ssyncset.done $0x0  }
0xff: {  	[sflag:s21] =	ssyncadd.s32 $0xFFFFC000  }
0x100: {  	_ =	swait.ge [sflag:s21], $0x4000  }
0x101: {  	[sflag:s21] =	ssyncset.done $0x0  }
0x102: {  	s2 =	simm.s32 $0x200;
	[sflag:s21] =	ssyncadd.s32 $0xFFFFC000  }
0x103: {  	[tilespmem:s13], [sflag:$0x1] =	stream.indirect.gather [hbm4b:s4+s16], $0x80, s2, s16, $0xb8;
	[tilespmem:$0x1D000] =	vst v63  }
0x104: {  	s2 =	simm.s32 $0x280  }
0x105: {  	[tilespmem:s17], [sflag:$0x2] =	stream.indirect.gather [hbm4b:s4+s16], $0x80, s2, s16, $0xb8;
	[tilespmem:$0x1D000] =	vst v63  }
0x106: {  	_ =	swait.ge [sflag:s18], $0x4000  }
0x107: {  	[sflag:s18] =	ssyncset.done $0x0  }
0x108: {  	s2 =	simm.s32 $0xA00;
	[sflag:s18] =	ssyncadd.s32 $0xFFFFC000  }
0x109: {  	[spmem:s1] =	stream.indirect.scatter.add.f32 [tilespmem:s13], [sflag:$0x3], $0x80, s2, s16, $0xb8;
	[tilespmem:$0x1D000] =	vst v63  }
0x10a: {  	_ =	swait.ge [sflag:s19], $0x4000  }
0x10b: {  	[sflag:s19] =	ssyncset.done $0x0  }
0x10c: {  	s2 =	simm.s32 $0xA80;
	[sflag:s19] =	ssyncadd.s32 $0xFFFFC000  }
0x10d: {  	[spmem:s1] =	stream.indirect.scatter.add.f32 [tilespmem:s17], [sflag:$0x3], $0x80, s2, s16, $0xb8;
	[tilespmem:$0x1D000] =	vst v63  }
0x10e: {  	_ =	swait.ge [sflag:s21], $0x4000  }
0x10f: {  	[sflag:s21] =	ssyncset.done $0x0  }
0x110: {  	[sflag:s21] =	ssyncadd.s32 $0xFFFFC000  }
0x111: {  	_ =	swait.ge [sflag:s21], $0x4000  }
0x112: {  	[sflag:s21] =	ssyncset.done $0x0  }
0x113: {  	s2 =	simm.s32 $0x300;
	[sflag:s21] =	ssyncadd.s32 $0xFFFFC000  }
0x114: {  	[tilespmem:s13], [sflag:$0x1] =	stream.indirect.gather [hbm4b:s4+s16], $0x80, s2, s16, $0xb8;
	[tilespmem:$0x1D000] =	vst v63  }
0x115: {  	s2 =	simm.s32 $0x380  }
0x116: {  	[tilespmem:s17], [sflag:$0x2] =	stream.indirect.gather [hbm4b:s4+s16], $0x80, s2, s16, $0xb8;
	[tilespmem:$0x1D000] =	vst v63  }
0x117: {  	_ =	swait.ge [sflag:s18], $0x4000  }
0x118: {  	[sflag:s18] =	ssyncset.done $0x0  }
0x119: {  	s2 =	simm.s32 $0xB00;
	[sflag:s18] =	ssyncadd.s32 $0xFFFFC000  }
0x11a: {  	[spmem:s1] =	stream.indirect.scatter.add.f32 [tilespmem:s13], [sflag:$0x3], $0x80, s2, s16, $0xb8;
	[tilespmem:$0x1D000] =	vst v63  }
0x11b: {  	_ =	swait.ge [sflag:s19], $0x4000  }
0x11c: {  	[sflag:s19] =	ssyncset.done $0x0  }
0x11d: {  	[sflag:s19] =	ssyncadd.s32 $0xFFFFC000  }
0x11e: {  	[spmem:s1] =	stream.indirect.scatter.add.f32 [tilespmem:s17], [sflag:$0x3], $0x80, s5, s16, $0xb8;
	[tilespmem:$0x1D000] =	vst v63  }
0x11f: {  	_ =	swait.ge [sflag:s21], $0x4000  }
0x120: {  	[sflag:s21] =	ssyncset.done $0x0  }
0x121: {  	[sflag:s21] =	ssyncadd.s32 $0xFFFFC000  }
0x122: {  	_ =	swait.ge [sflag:s21], $0x4000  }
0x123: {  	[sflag:s21] =	ssyncset.done $0x0  }
0x124: {  	[sflag:s21] =	ssyncadd.s32 $0xFFFFC000  }
0x125: {  	[tilespmem:s13], [sflag:$0x1] =	stream.indirect.gather [hbm4b:s4+s16], $0x80, s7, s16, $0xb8;
	[tilespmem:$0x1D000] =	vst v63  }
0x126: {  	_ = 	snop  }
0x127: {  	[tilespmem:s17], [sflag:$0x2] =	stream.indirect.gather [hbm4b:s4+s16], $0x80, s8, s16, $0xb8;
	[tilespmem:$0x1D000] =	vst v63  }
0x128: {  	_ =	swait.ge [sflag:s18], $0x4000  }
0x129: {  	[sflag:s18] =	ssyncset.done $0x0  }
0x12a: {  	[sflag:s18] =	ssyncadd.s32 $0xFFFFC000  }
0x12b: {  	[spmem:s1] =	stream.indirect.scatter.add.f32 [tilespmem:s13], [sflag:$0x3], $0x80, s9, s16, $0xb8;
	[tilespmem:$0x1D000] =	vst v63  }
0x12c: {  	_ =	swait.ge [sflag:s19], $0x4000  }
0x12d: {  	[sflag:s19] =	ssyncset.done $0x0  }
0x12e: {  	[sflag:s19] =	ssyncadd.s32 $0xFFFFC000  }
0x12f: {  	[spmem:s1] =	stream.indirect.scatter.add.f32 [tilespmem:s17], [sflag:$0x3], $0x80, s10, s16, $0xb8;
	[tilespmem:$0x1D000] =	vst v63  }
0x130: {  	_ =	swait.ge [sflag:s21], $0x4000  }
0x131: {  	[sflag:s21] =	ssyncset.done $0x0  }
0x132: {  	[sflag:s21] =	ssyncadd.s32 $0xFFFFC000  }
0x133: {  	_ =	swait.ge [sflag:s21], $0x4000  }
0x134: {  	[sflag:s21] =	ssyncset.done $0x0  }
0x135: {  	[sflag:s21] =	ssyncadd.s32 $0xFFFFC000  }
0x136: {  	[tilespmem:s13], [sflag:$0x1] =	stream.indirect.gather [hbm4b:s4+s16], $0x80, s11, s16, $0xb8;
	[tilespmem:$0x1D000] =	vst v63  }
0x137: {  	_ = 	snop  }
0x138: {  	[tilespmem:s17], [sflag:$0x2] =	stream.indirect.gather [hbm4b:s4+s16], $0x80, s12, s16, $0xb8;
	[tilespmem:$0x1D000] =	vst v63  }
0x139: {  	_ =	swait.ge [sflag:s18], $0x4000  }
0x13a: {  	[sflag:s18] =	ssyncset.done $0x0  }
0x13b: {  	[sflag:s18] =	ssyncadd.s32 $0xFFFFC000  }
0x13c: {  	[spmem:s1] =	stream.indirect.scatter.add.f32 [tilespmem:s13], [sflag:$0x3], $0x80, s6, s16, $0xb8;
	[tilespmem:$0x1D000] =	vst v63  }
0x13d: {  	_ =	swait.ge [sflag:s19], $0x4000  }
0x13e: {  	[sflag:s19] =	ssyncset.done $0x0  }
0x13f: {  	[sflag:s19] =	ssyncadd.s32 $0xFFFFC000  }
0x140: {  	[spmem:s1] =	stream.indirect.scatter.add.f32 [tilespmem:s17], [sflag:$0x3], $0x80, s20, s16, $0xb8;
	[tilespmem:$0x1D000] =	vst v63  }
0x141: {  	_ =	swait.ge [sflag:s21], $0x4000  }
0x142: {  	[sflag:s21] =	ssyncset.done $0x0  }
0x143: {  	[sflag:s21] =	ssyncadd.s32 $0xFFFFC000  }
0x144: {  	_ =	swait.ge [sflag:s21], $0x4000  }
0x145: {  	[sflag:s21] =	ssyncset.done $0x0  }
0x146: {  	[sflag:s21] =	ssyncadd.s32 $0xFFFFC000  }
0x147: {  	[tilespmem:s13], [sflag:$0x1] =	stream.indirect.gather [hbm4b:s4+s16], $0x80, s22, s16, $0xb8;
	[tilespmem:$0x1D000] =	vst v63  }
0x148: {  	_ = 	snop  }
0x149: {  	[tilespmem:s17], [sflag:$0x2] =	stream.indirect.gather [hbm4b:s4+s16], $0x80, s23, s16, $0xb8;
	[tilespmem:$0x1D000] =	vst v63  }
0x14a: {  	_ =	swait.ge [sflag:s18], $0x4000  }
0x14b: {  	[sflag:s18] =	ssyncset.done $0x0  }
0x14c: {  	[sflag:s18] =	ssyncadd.s32 $0xFFFFC000  }
0x14d: {  	[spmem:s1] =	stream.indirect.scatter.add.f32 [tilespmem:s13], [sflag:$0x3], $0x80, s24, s16, $0xb8;
	[tilespmem:$0x1D000] =	vst v63  }
0x14e: {  	_ =	swait.ge [sflag:s19], $0x4000  }
0x14f: {  	[sflag:s19] =	ssyncset.done $0x0  }
0x150: {  	[sflag:s19] =	ssyncadd.s32 $0xFFFFC000  }
0x151: {  	[spmem:s1] =	stream.indirect.scatter.add.f32 [tilespmem:s17], [sflag:$0x3], $0x80, s25, s16, $0xb8;
	[tilespmem:$0x1D000] =	vst v63  }
0x152: {  	_ =	swait.ge [sflag:s21], $0x4000  }
0x153: {  	[sflag:s21] =	ssyncset.done $0x0  }
0x154: {  	[sflag:s21] =	ssyncadd.s32 $0xFFFFC000  }
0x155: {  	_ =	swait.ge [sflag:s21], $0x4000  }
0x156: {  	[sflag:s21] =	ssyncset.done $0x0  }
0x157: {  	[sflag:s21] =	ssyncadd.s32 $0xFFFFC000  }
0x158: {  	[tilespmem:s13], [sflag:$0x1] =	stream.indirect.gather [hbm4b:s4+s16], $0x80, s26, s16, $0xb8;
	[tilespmem:$0x1D000] =	vst v63  }
0x159: {  	_ = 	snop  }
0x15a: {  	[tilespmem:s17], [sflag:$0x2] =	stream.indirect.gather [hbm4b:s4+s16], $0x80, s28, s16, $0xb8;
	[tilespmem:$0x1D000] =	vst v63  }
0x15b: {  	_ =	swait.ge [sflag:s18], $0x4000  }
0x15c: {  	[sflag:s18] =	ssyncset.done $0x0  }
0x15d: {  	[sflag:s18] =	ssyncadd.s32 $0xFFFFC000  }
0x15e: {  	[spmem:s1] =	stream.indirect.scatter.add.f32 [tilespmem:s13], [sflag:$0x3], $0x80, s29, s16, $0xb8;
	[tilespmem:$0x1D000] =	vst v63  }
0x15f: {  	_ =	swait.ge [sflag:s19], $0x4000  }
0x160: {  	[sflag:s19] =	ssyncset.done $0x0  }
0x161: {  	p1 =	sne.s32 s31, $0x200;
	[sflag:s19] =	ssyncadd.s32 $0xFFFFC000  }
0x162: {  	[spmem:s1] =	stream.indirect.scatter.add.f32 [tilespmem:s17], [sflag:$0x3], $0x80, s30, s16, $0xb8;
	[tilespmem:$0x1D000] =	vst v63  }
.Ltmp3:
0x163: {  	_ =	swait.ge [sflag:s21], $0x4000;
	(pc) =	sbr.rel @p1 .LBB2_6-.Ltmp3, $4  }
0x164: {  	[sflag:s21] =	ssyncset.done $0x0  }
0x165: {  	[sflag:s21] =	ssyncadd.s32 $0xFFFFC000  }
0x166: {  	_ =	swait.ge [sflag:s21], $0x4000  }
0x167: {  	s31 =	sadd.s32 $0x100, s31;
	[sflag:s21] =	ssyncset.done $0x0  }
.Ltmp4:
0x168: {  	_ = 	snop;
	(pc) =	sbr.rel .LBB2_7-.Ltmp4, $1  }
0x169: {  	_ =	sdelay $0x3  }
.LBB2_2:
0x16a: {  	s31 =	rddreg [dreg:$0x4]  }
0x16b: {  	s31 =	sadd.s32 $0x0, s31  }
0x16c: {  	[tilespmem:s3], [sflag:$0x4] =	stream.linear.gather [hbm4b:s31+s3], $0x800, $0x38;
	[tilespmem:$0x1D000] =	vst v63  }
0x16d: {  	_ =	swait.ge [sflag:s14], $0x800  }
0x16e: {  	s31 =	rddreg [dreg:$0x3];
	[sflag:s14] =	ssyncset.done $0x0  }
0x16f: {  	[sflag:s14] =	ssyncadd.s32 $0xFFFFF800;
	s31 =	sadd.s32 $0x0, s31  }
0x170: {  	[tilespmem:s15], [sflag:$0x4] =	stream.linear.gather [hbm4b:s31+s3], $0x800, $0x38;
	[tilespmem:$0x1D000] =	vst v63  }
0x171: {  	_ =	swait.ge [sflag:s14], $0x800  }
0x172: {  	[sflag:s14] =	ssyncset.done $0x0  }
0x173: {  	[sflag:s14] =	ssyncadd.s32 $0xFFFFF800  }
0x174: {  	[tilespmem:s13], [sflag:$0x1] =	stream.indirect.gather [hbm4b:s4+s16], $0x80, s3, s16, $0xb8;
	[tilespmem:$0x1D000] =	vst v63  }
0x175: {  	_ = 	snop  }
0x176: {  	[tilespmem:s17], [sflag:$0x2] =	stream.indirect.gather [hbm4b:s4+s16], $0x80, s16, s16, $0xb8;
	[tilespmem:$0x1D000] =	vst v63  }
0x177: {  	_ =	swait.ge [sflag:s18], $0x4000  }
0x178: {  	[sflag:s18] =	ssyncset.done $0x0  }
0x179: {  	[sflag:s18] =	ssyncadd.s32 $0xFFFFC000  }
0x17a: {  	[spmem:s1] =	stream.indirect.scatter.add.f32 [tilespmem:s13], [sflag:$0x3], $0x80, s15, s16, $0xb8;
	[tilespmem:$0x1D000] =	vst v63  }
0x17b: {  	_ =	swait.ge [sflag:s19], $0x4000  }
0x17c: {  	[sflag:s19] =	ssyncset.done $0x0  }
0x17d: {  	s0 =	simm.s32 $0x880;
	[sflag:s19] =	ssyncadd.s32 $0xFFFFC000  }
0x17e: {  	[spmem:s1] =	stream.indirect.scatter.add.f32 [tilespmem:s17], [sflag:$0x3], $0x80, s0, s16, $0xb8;
	[tilespmem:$0x1D000] =	vst v63  }
0x17f: {  	_ =	swait.ge [sflag:s21], $0x4000  }
0x180: {  	[sflag:s21] =	ssyncset.done $0x0  }
0x181: {  	[sflag:s21] =	ssyncadd.s32 $0xFFFFC000  }
0x182: {  	_ =	swait.ge [sflag:s21], $0x4000  }
0x183: {  	[sflag:s21] =	ssyncset.done $0x0  }
0x184: {  	s2 =	simm.s32 $0x100;
	[sflag:s21] =	ssyncadd.s32 $0xFFFFC000  }
0x185: {  	[tilespmem:s13], [sflag:$0x1] =	stream.indirect.gather [hbm4b:s4+s16], $0x80, s2, s16, $0xb8;
	[tilespmem:$0x1D000] =	vst v63  }
0x186: {  	s2 =	simm.s32 $0x180  }
0x187: {  	[tilespmem:s17], [sflag:$0x2] =	stream.indirect.gather [hbm4b:s4+s16], $0x80, s2, s16, $0xb8;
	[tilespmem:$0x1D000] =	vst v63  }
0x188: {  	_ =	swait.ge [sflag:s18], $0x4000  }
0x189: {  	[sflag:s18] =	ssyncset.done $0x0  }
0x18a: {  	s2 =	simm.s32 $0x900;
	[sflag:s18] =	ssyncadd.s32 $0xFFFFC000  }
0x18b: {  	[spmem:s1] =	stream.indirect.scatter.add.f32 [tilespmem:s13], [sflag:$0x3], $0x80, s2, s16, $0xb8;
	[tilespmem:$0x1D000] =	vst v63  }
0x18c: {  	_ =	swait.ge [sflag:s19], $0x4000  }
0x18d: {  	[sflag:s19] =	ssyncset.done $0x0  }
0x18e: {  	s2 =	simm.s32 $0x980;
	[sflag:s19] =	ssyncadd.s32 $0xFFFFC000  }
0x18f: {  	[spmem:s1] =	stream.indirect.scatter.add.f32 [tilespmem:s17], [sflag:$0x3], $0x80, s2, s16, $0xb8;
	[tilespmem:$0x1D000] =	vst v63  }
0x190: {  	_ =	swait.ge [sflag:s21], $0x4000  }
0x191: {  	[sflag:s21] =	ssyncset.done $0x0  }
0x192: {  	[sflag:s21] =	ssyncadd.s32 $0xFFFFC000  }
0x193: {  	_ =	swait.ge [sflag:s21], $0x4000  }
0x194: {  	[sflag:s21] =	ssyncset.done $0x0  }
0x195: {  	s2 =	simm.s32 $0x200;
	[sflag:s21] =	ssyncadd.s32 $0xFFFFC000  }
0x196: {  	[tilespmem:s13], [sflag:$0x1] =	stream.indirect.gather [hbm4b:s4+s16], $0x80, s2, s16, $0xb8;
	[tilespmem:$0x1D000] =	vst v63  }
0x197: {  	s2 =	simm.s32 $0x280  }
0x198: {  	[tilespmem:s17], [sflag:$0x2] =	stream.indirect.gather [hbm4b:s4+s16], $0x80, s2, s16, $0xb8;
	[tilespmem:$0x1D000] =	vst v63  }
0x199: {  	_ =	swait.ge [sflag:s18], $0x4000  }
0x19a: {  	[sflag:s18] =	ssyncset.done $0x0  }
0x19b: {  	s2 =	simm.s32 $0xA00;
	[sflag:s18] =	ssyncadd.s32 $0xFFFFC000  }
0x19c: {  	[spmem:s1] =	stream.indirect.scatter.add.f32 [tilespmem:s13], [sflag:$0x3], $0x80, s2, s16, $0xb8;
	[tilespmem:$0x1D000] =	vst v63  }
0x19d: {  	_ =	swait.ge [sflag:s19], $0x4000  }
0x19e: {  	[sflag:s19] =	ssyncset.done $0x0  }
0x19f: {  	s2 =	simm.s32 $0xA80;
	[sflag:s19] =	ssyncadd.s32 $0xFFFFC000  }
0x1a0: {  	[spmem:s1] =	stream.indirect.scatter.add.f32 [tilespmem:s17], [sflag:$0x3], $0x80, s2, s16, $0xb8;
	[tilespmem:$0x1D000] =	vst v63  }
0x1a1: {  	_ =	swait.ge [sflag:s21], $0x4000  }
0x1a2: {  	[sflag:s21] =	ssyncset.done $0x0  }
0x1a3: {  	[sflag:s21] =	ssyncadd.s32 $0xFFFFC000  }
0x1a4: {  	_ =	swait.ge [sflag:s21], $0x4000  }
0x1a5: {  	[sflag:s21] =	ssyncset.done $0x0  }
0x1a6: {  	s2 =	simm.s32 $0x300;
	[sflag:s21] =	ssyncadd.s32 $0xFFFFC000  }
0x1a7: {  	[tilespmem:s13], [sflag:$0x1] =	stream.indirect.gather [hbm4b:s4+s16], $0x80, s2, s16, $0xb8;
	[tilespmem:$0x1D000] =	vst v63  }
0x1a8: {  	s2 =	simm.s32 $0x380  }
0x1a9: {  	[tilespmem:s17], [sflag:$0x2] =	stream.indirect.gather [hbm4b:s4+s16], $0x80, s2, s16, $0xb8;
	[tilespmem:$0x1D000] =	vst v63  }
0x1aa: {  	_ =	swait.ge [sflag:s18], $0x4000  }
0x1ab: {  	[sflag:s18] =	ssyncset.done $0x0  }
0x1ac: {  	s2 =	simm.s32 $0xB00;
	[sflag:s18] =	ssyncadd.s32 $0xFFFFC000  }
0x1ad: {  	[spmem:s1] =	stream.indirect.scatter.add.f32 [tilespmem:s13], [sflag:$0x3], $0x80, s2, s16, $0xb8;
	[tilespmem:$0x1D000] =	vst v63  }
0x1ae: {  	_ =	swait.ge [sflag:s19], $0x4000  }
0x1af: {  	[sflag:s19] =	ssyncset.done $0x0  }
0x1b0: {  	[sflag:s19] =	ssyncadd.s32 $0xFFFFC000  }
0x1b1: {  	[spmem:s1] =	stream.indirect.scatter.add.f32 [tilespmem:s17], [sflag:$0x3], $0x80, s5, s16, $0xb8;
	[tilespmem:$0x1D000] =	vst v63  }
0x1b2: {  	_ =	swait.ge [sflag:s21], $0x4000  }
0x1b3: {  	[sflag:s21] =	ssyncset.done $0x0  }
0x1b4: {  	[sflag:s21] =	ssyncadd.s32 $0xFFFFC000  }
0x1b5: {  	_ =	swait.ge [sflag:s21], $0x4000  }
0x1b6: {  	[sflag:s21] =	ssyncset.done $0x0  }
0x1b7: {  	[sflag:s21] =	ssyncadd.s32 $0xFFFFC000  }
0x1b8: {  	[tilespmem:s13], [sflag:$0x1] =	stream.indirect.gather [hbm4b:s4+s16], $0x80, s7, s16, $0xb8;
	[tilespmem:$0x1D000] =	vst v63  }
0x1b9: {  	_ = 	snop  }
0x1ba: {  	[tilespmem:s17], [sflag:$0x2] =	stream.indirect.gather [hbm4b:s4+s16], $0x80, s8, s16, $0xb8;
	[tilespmem:$0x1D000] =	vst v63  }
0x1bb: {  	_ =	swait.ge [sflag:s18], $0x4000  }
0x1bc: {  	[sflag:s18] =	ssyncset.done $0x0  }
0x1bd: {  	[sflag:s18] =	ssyncadd.s32 $0xFFFFC000  }
0x1be: {  	[spmem:s1] =	stream.indirect.scatter.add.f32 [tilespmem:s13], [sflag:$0x3], $0x80, s9, s16, $0xb8;
	[tilespmem:$0x1D000] =	vst v63  }
0x1bf: {  	_ =	swait.ge [sflag:s19], $0x4000  }
0x1c0: {  	[sflag:s19] =	ssyncset.done $0x0  }
0x1c1: {  	[sflag:s19] =	ssyncadd.s32 $0xFFFFC000  }
0x1c2: {  	[spmem:s1] =	stream.indirect.scatter.add.f32 [tilespmem:s17], [sflag:$0x3], $0x80, s10, s16, $0xb8;
	[tilespmem:$0x1D000] =	vst v63  }
0x1c3: {  	_ =	swait.ge [sflag:s21], $0x4000  }
0x1c4: {  	[sflag:s21] =	ssyncset.done $0x0  }
0x1c5: {  	[sflag:s21] =	ssyncadd.s32 $0xFFFFC000  }
0x1c6: {  	_ =	swait.ge [sflag:s21], $0x4000  }
0x1c7: {  	[sflag:s21] =	ssyncset.done $0x0  }
0x1c8: {  	[sflag:s21] =	ssyncadd.s32 $0xFFFFC000  }
0x1c9: {  	[tilespmem:s13], [sflag:$0x1] =	stream.indirect.gather [hbm4b:s4+s16], $0x80, s11, s16, $0xb8;
	[tilespmem:$0x1D000] =	vst v63  }
0x1ca: {  	_ = 	snop  }
0x1cb: {  	[tilespmem:s17], [sflag:$0x2] =	stream.indirect.gather [hbm4b:s4+s16], $0x80, s12, s16, $0xb8;
	[tilespmem:$0x1D000] =	vst v63  }
0x1cc: {  	_ =	swait.ge [sflag:s18], $0x4000  }
0x1cd: {  	[sflag:s18] =	ssyncset.done $0x0  }
0x1ce: {  	[sflag:s18] =	ssyncadd.s32 $0xFFFFC000  }
0x1cf: {  	[spmem:s1] =	stream.indirect.scatter.add.f32 [tilespmem:s13], [sflag:$0x3], $0x80, s6, s16, $0xb8;
	[tilespmem:$0x1D000] =	vst v63  }
0x1d0: {  	_ =	swait.ge [sflag:s19], $0x4000  }
0x1d1: {  	[sflag:s19] =	ssyncset.done $0x0  }
0x1d2: {  	[sflag:s19] =	ssyncadd.s32 $0xFFFFC000  }
0x1d3: {  	[spmem:s1] =	stream.indirect.scatter.add.f32 [tilespmem:s17], [sflag:$0x3], $0x80, s20, s16, $0xb8;
	[tilespmem:$0x1D000] =	vst v63  }
0x1d4: {  	_ =	swait.ge [sflag:s21], $0x4000  }
0x1d5: {  	[sflag:s21] =	ssyncset.done $0x0  }
0x1d6: {  	[sflag:s21] =	ssyncadd.s32 $0xFFFFC000  }
0x1d7: {  	_ =	swait.ge [sflag:s21], $0x4000  }
0x1d8: {  	[sflag:s21] =	ssyncset.done $0x0  }
0x1d9: {  	[sflag:s21] =	ssyncadd.s32 $0xFFFFC000  }
0x1da: {  	[tilespmem:s13], [sflag:$0x1] =	stream.indirect.gather [hbm4b:s4+s16], $0x80, s22, s16, $0xb8;
	[tilespmem:$0x1D000] =	vst v63  }
0x1db: {  	_ = 	snop  }
0x1dc: {  	[tilespmem:s17], [sflag:$0x2] =	stream.indirect.gather [hbm4b:s4+s16], $0x80, s23, s16, $0xb8;
	[tilespmem:$0x1D000] =	vst v63  }
0x1dd: {  	_ =	swait.ge [sflag:s18], $0x4000  }
0x1de: {  	[sflag:s18] =	ssyncset.done $0x0  }
0x1df: {  	[sflag:s18] =	ssyncadd.s32 $0xFFFFC000  }
0x1e0: {  	[spmem:s1] =	stream.indirect.scatter.add.f32 [tilespmem:s13], [sflag:$0x3], $0x80, s24, s16, $0xb8;
	[tilespmem:$0x1D000] =	vst v63  }
0x1e1: {  	_ =	swait.ge [sflag:s19], $0x4000  }
0x1e2: {  	[sflag:s19] =	ssyncset.done $0x0  }
0x1e3: {  	[sflag:s19] =	ssyncadd.s32 $0xFFFFC000  }
0x1e4: {  	[spmem:s1] =	stream.indirect.scatter.add.f32 [tilespmem:s17], [sflag:$0x3], $0x80, s25, s16, $0xb8;
	[tilespmem:$0x1D000] =	vst v63  }
0x1e5: {  	_ =	swait.ge [sflag:s21], $0x4000  }
0x1e6: {  	[sflag:s21] =	ssyncset.done $0x0  }
0x1e7: {  	[sflag:s21] =	ssyncadd.s32 $0xFFFFC000  }
0x1e8: {  	_ =	swait.ge [sflag:s21], $0x4000  }
0x1e9: {  	[sflag:s21] =	ssyncset.done $0x0  }
0x1ea: {  	[sflag:s21] =	ssyncadd.s32 $0xFFFFC000  }
0x1eb: {  	[tilespmem:s13], [sflag:$0x1] =	stream.indirect.gather [hbm4b:s4+s16], $0x80, s26, s16, $0xb8;
	[tilespmem:$0x1D000] =	vst v63  }
0x1ec: {  	_ = 	snop  }
0x1ed: {  	[tilespmem:s17], [sflag:$0x2] =	stream.indirect.gather [hbm4b:s4+s16], $0x80, s28, s16, $0xb8;
	[tilespmem:$0x1D000] =	vst v63  }
0x1ee: {  	_ =	swait.ge [sflag:s18], $0x4000  }
0x1ef: {  	[sflag:s18] =	ssyncset.done $0x0  }
0x1f0: {  	[sflag:s18] =	ssyncadd.s32 $0xFFFFC000  }
0x1f1: {  	[spmem:s1] =	stream.indirect.scatter.add.f32 [tilespmem:s13], [sflag:$0x3], $0x80, s29, s16, $0xb8;
	[tilespmem:$0x1D000] =	vst v63  }
0x1f2: {  	_ =	swait.ge [sflag:s19], $0x4000  }
0x1f3: {  	[sflag:s19] =	ssyncset.done $0x0  }
0x1f4: {  	[sflag:s19] =	ssyncadd.s32 $0xFFFFC000  }
0x1f5: {  	[spmem:s1] =	stream.indirect.scatter.add.f32 [tilespmem:s17], [sflag:$0x3], $0x80, s30, s16, $0xb8;
	[tilespmem:$0x1D000] =	vst v63  }
0x1f6: {  	_ =	swait.ge [sflag:s21], $0x4000  }
0x1f7: {  	[sflag:s21] =	ssyncset.done $0x0  }
0x1f8: {  	[sflag:s21] =	ssyncadd.s32 $0xFFFFC000  }
0x1f9: {  	_ =	swait.ge [sflag:s21], $0x4000  }
0x1fa: {  	s31 =	simm.s32 $0x100;
	[sflag:s21] =	ssyncset.done $0x0  }
.LBB2_3:
0x1fb: {  	s0 =	rddreg [dreg:$0x4];
	s2 =	smov.u32 s31  }
0x1fc: {  	[sflag:s21] =	ssyncadd.s32 $0xFFFFC000;
	s0 =	sadd.s32 s2, s0  }
0x1fd: {  	[tilespmem:s3], [sflag:$0x4] =	stream.linear.gather [hbm4b:s0+s3], $0x800, $0x38;
	[tilespmem:$0x1D000] =	vst v63  }
0x1fe: {  	_ =	swait.ge [sflag:s14], $0x800  }
0x1ff: {  	s0 =	rddreg [dreg:$0x3];
	[sflag:s14] =	ssyncset.done $0x0  }
0x200: {  	[sflag:s14] =	ssyncadd.s32 $0xFFFFF800;
	s0 =	sadd.s32 s2, s0  }
0x201: {  	[tilespmem:s15], [sflag:$0x4] =	stream.linear.gather [hbm4b:s0+s3], $0x800, $0x38;
	[tilespmem:$0x1D000] =	vst v63  }
0x202: {  	_ =	swait.ge [sflag:s14], $0x800  }
0x203: {  	[sflag:s14] =	ssyncset.done $0x0  }
0x204: {  	[sflag:s14] =	ssyncadd.s32 $0xFFFFF800  }
0x205: {  	[tilespmem:s13], [sflag:$0x1] =	stream.indirect.gather [hbm4b:s4+s16], $0x80, s3, s16, $0xb8;
	[tilespmem:$0x1D000] =	vst v63  }
0x206: {  	_ = 	snop  }
0x207: {  	[tilespmem:s17], [sflag:$0x2] =	stream.indirect.gather [hbm4b:s4+s16], $0x80, s16, s16, $0xb8;
	[tilespmem:$0x1D000] =	vst v63  }
0x208: {  	_ =	swait.ge [sflag:s18], $0x4000  }
0x209: {  	[sflag:s18] =	ssyncset.done $0x0  }
0x20a: {  	[sflag:s18] =	ssyncadd.s32 $0xFFFFC000  }
0x20b: {  	[spmem:s1] =	stream.indirect.scatter.add.f32 [tilespmem:s13], [sflag:$0x3], $0x80, s15, s16, $0xb8;
	[tilespmem:$0x1D000] =	vst v63  }
0x20c: {  	_ =	swait.ge [sflag:s19], $0x4000  }
0x20d: {  	[sflag:s19] =	ssyncset.done $0x0  }
0x20e: {  	s2 =	simm.s32 $0x880;
	[sflag:s19] =	ssyncadd.s32 $0xFFFFC000  }
0x20f: {  	[spmem:s1] =	stream.indirect.scatter.add.f32 [tilespmem:s17], [sflag:$0x3], $0x80, s2, s16, $0xb8;
	[tilespmem:$0x1D000] =	vst v63  }
0x210: {  	_ =	swait.ge [sflag:s21], $0x4000  }
0x211: {  	[sflag:s21] =	ssyncset.done $0x0  }
0x212: {  	[sflag:s21] =	ssyncadd.s32 $0xFFFFC000  }
0x213: {  	_ =	swait.ge [sflag:s21], $0x4000  }
0x214: {  	[sflag:s21] =	ssyncset.done $0x0  }
0x215: {  	s0 =	simm.s32 $0x100;
	[sflag:s21] =	ssyncadd.s32 $0xFFFFC000  }
0x216: {  	[tilespmem:s13], [sflag:$0x1] =	stream.indirect.gather [hbm4b:s4+s16], $0x80, s0, s16, $0xb8;
	[tilespmem:$0x1D000] =	vst v63  }
0x217: {  	s2 =	simm.s32 $0x180  }
0x218: {  	[tilespmem:s17], [sflag:$0x2] =	stream.indirect.gather [hbm4b:s4+s16], $0x80, s2, s16, $0xb8;
	[tilespmem:$0x1D000] =	vst v63  }
0x219: {  	_ =	swait.ge [sflag:s18], $0x4000  }
0x21a: {  	[sflag:s18] =	ssyncset.done $0x0  }
0x21b: {  	s2 =	simm.s32 $0x900;
	[sflag:s18] =	ssyncadd.s32 $0xFFFFC000  }
0x21c: {  	[spmem:s1] =	stream.indirect.scatter.add.f32 [tilespmem:s13], [sflag:$0x3], $0x80, s2, s16, $0xb8;
	[tilespmem:$0x1D000] =	vst v63  }
0x21d: {  	_ =	swait.ge [sflag:s19], $0x4000  }
0x21e: {  	[sflag:s19] =	ssyncset.done $0x0  }
0x21f: {  	s2 =	simm.s32 $0x980;
	[sflag:s19] =	ssyncadd.s32 $0xFFFFC000  }
0x220: {  	[spmem:s1] =	stream.indirect.scatter.add.f32 [tilespmem:s17], [sflag:$0x3], $0x80, s2, s16, $0xb8;
	[tilespmem:$0x1D000] =	vst v63  }
0x221: {  	_ =	swait.ge [sflag:s21], $0x4000  }
0x222: {  	[sflag:s21] =	ssyncset.done $0x0  }
0x223: {  	[sflag:s21] =	ssyncadd.s32 $0xFFFFC000  }
0x224: {  	_ =	swait.ge [sflag:s21], $0x4000  }
0x225: {  	[sflag:s21] =	ssyncset.done $0x0  }
0x226: {  	s2 =	simm.s32 $0x200;
	[sflag:s21] =	ssyncadd.s32 $0xFFFFC000  }
0x227: {  	[tilespmem:s13], [sflag:$0x1] =	stream.indirect.gather [hbm4b:s4+s16], $0x80, s2, s16, $0xb8;
	[tilespmem:$0x1D000] =	vst v63  }
0x228: {  	s2 =	simm.s32 $0x280  }
0x229: {  	[tilespmem:s17], [sflag:$0x2] =	stream.indirect.gather [hbm4b:s4+s16], $0x80, s2, s16, $0xb8;
	[tilespmem:$0x1D000] =	vst v63  }
0x22a: {  	_ =	swait.ge [sflag:s18], $0x4000  }
0x22b: {  	[sflag:s18] =	ssyncset.done $0x0  }
0x22c: {  	s2 =	simm.s32 $0xA00;
	[sflag:s18] =	ssyncadd.s32 $0xFFFFC000  }
0x22d: {  	[spmem:s1] =	stream.indirect.scatter.add.f32 [tilespmem:s13], [sflag:$0x3], $0x80, s2, s16, $0xb8;
	[tilespmem:$0x1D000] =	vst v63  }
0x22e: {  	_ =	swait.ge [sflag:s19], $0x4000  }
0x22f: {  	[sflag:s19] =	ssyncset.done $0x0  }
0x230: {  	s2 =	simm.s32 $0xA80;
	[sflag:s19] =	ssyncadd.s32 $0xFFFFC000  }
0x231: {  	[spmem:s1] =	stream.indirect.scatter.add.f32 [tilespmem:s17], [sflag:$0x3], $0x80, s2, s16, $0xb8;
	[tilespmem:$0x1D000] =	vst v63  }
0x232: {  	_ =	swait.ge [sflag:s21], $0x4000  }
0x233: {  	[sflag:s21] =	ssyncset.done $0x0  }
0x234: {  	[sflag:s21] =	ssyncadd.s32 $0xFFFFC000  }
0x235: {  	_ =	swait.ge [sflag:s21], $0x4000  }
0x236: {  	[sflag:s21] =	ssyncset.done $0x0  }
0x237: {  	s2 =	simm.s32 $0x300;
	[sflag:s21] =	ssyncadd.s32 $0xFFFFC000  }
0x238: {  	[tilespmem:s13], [sflag:$0x1] =	stream.indirect.gather [hbm4b:s4+s16], $0x80, s2, s16, $0xb8;
	[tilespmem:$0x1D000] =	vst v63  }
0x239: {  	s2 =	simm.s32 $0x380  }
0x23a: {  	[tilespmem:s17], [sflag:$0x2] =	stream.indirect.gather [hbm4b:s4+s16], $0x80, s2, s16, $0xb8;
	[tilespmem:$0x1D000] =	vst v63  }
0x23b: {  	_ =	swait.ge [sflag:s18], $0x4000  }
0x23c: {  	[sflag:s18] =	ssyncset.done $0x0  }
0x23d: {  	s2 =	simm.s32 $0xB00;
	[sflag:s18] =	ssyncadd.s32 $0xFFFFC000  }
0x23e: {  	[spmem:s1] =	stream.indirect.scatter.add.f32 [tilespmem:s13], [sflag:$0x3], $0x80, s2, s16, $0xb8;
	[tilespmem:$0x1D000] =	vst v63  }
0x23f: {  	_ =	swait.ge [sflag:s19], $0x4000  }
0x240: {  	[sflag:s19] =	ssyncset.done $0x0  }
0x241: {  	[sflag:s19] =	ssyncadd.s32 $0xFFFFC000  }
0x242: {  	[spmem:s1] =	stream.indirect.scatter.add.f32 [tilespmem:s17], [sflag:$0x3], $0x80, s5, s16, $0xb8;
	[tilespmem:$0x1D000] =	vst v63  }
0x243: {  	_ =	swait.ge [sflag:s21], $0x4000  }
0x244: {  	[sflag:s21] =	ssyncset.done $0x0  }
0x245: {  	[sflag:s21] =	ssyncadd.s32 $0xFFFFC000  }
0x246: {  	_ =	swait.ge [sflag:s21], $0x4000  }
0x247: {  	[sflag:s21] =	ssyncset.done $0x0  }
0x248: {  	[sflag:s21] =	ssyncadd.s32 $0xFFFFC000  }
0x249: {  	[tilespmem:s13], [sflag:$0x1] =	stream.indirect.gather [hbm4b:s4+s16], $0x80, s7, s16, $0xb8;
	[tilespmem:$0x1D000] =	vst v63  }
0x24a: {  	_ = 	snop  }
0x24b: {  	[tilespmem:s17], [sflag:$0x2] =	stream.indirect.gather [hbm4b:s4+s16], $0x80, s8, s16, $0xb8;
	[tilespmem:$0x1D000] =	vst v63  }
0x24c: {  	_ =	swait.ge [sflag:s18], $0x4000  }
0x24d: {  	[sflag:s18] =	ssyncset.done $0x0  }
0x24e: {  	[sflag:s18] =	ssyncadd.s32 $0xFFFFC000  }
0x24f: {  	[spmem:s1] =	stream.indirect.scatter.add.f32 [tilespmem:s13], [sflag:$0x3], $0x80, s9, s16, $0xb8;
	[tilespmem:$0x1D000] =	vst v63  }
0x250: {  	_ =	swait.ge [sflag:s19], $0x4000  }
0x251: {  	[sflag:s19] =	ssyncset.done $0x0  }
0x252: {  	[sflag:s19] =	ssyncadd.s32 $0xFFFFC000  }
0x253: {  	[spmem:s1] =	stream.indirect.scatter.add.f32 [tilespmem:s17], [sflag:$0x3], $0x80, s10, s16, $0xb8;
	[tilespmem:$0x1D000] =	vst v63  }
0x254: {  	_ =	swait.ge [sflag:s21], $0x4000  }
0x255: {  	[sflag:s21] =	ssyncset.done $0x0  }
0x256: {  	[sflag:s21] =	ssyncadd.s32 $0xFFFFC000  }
0x257: {  	_ =	swait.ge [sflag:s21], $0x4000  }
0x258: {  	[sflag:s21] =	ssyncset.done $0x0  }
0x259: {  	[sflag:s21] =	ssyncadd.s32 $0xFFFFC000  }
0x25a: {  	[tilespmem:s13], [sflag:$0x1] =	stream.indirect.gather [hbm4b:s4+s16], $0x80, s11, s16, $0xb8;
	[tilespmem:$0x1D000] =	vst v63  }
0x25b: {  	_ = 	snop  }
0x25c: {  	[tilespmem:s17], [sflag:$0x2] =	stream.indirect.gather [hbm4b:s4+s16], $0x80, s12, s16, $0xb8;
	[tilespmem:$0x1D000] =	vst v63  }
0x25d: {  	_ =	swait.ge [sflag:s18], $0x4000  }
0x25e: {  	[sflag:s18] =	ssyncset.done $0x0  }
0x25f: {  	[sflag:s18] =	ssyncadd.s32 $0xFFFFC000  }
0x260: {  	[spmem:s1] =	stream.indirect.scatter.add.f32 [tilespmem:s13], [sflag:$0x3], $0x80, s6, s16, $0xb8;
	[tilespmem:$0x1D000] =	vst v63  }
0x261: {  	_ =	swait.ge [sflag:s19], $0x4000  }
0x262: {  	[sflag:s19] =	ssyncset.done $0x0  }
0x263: {  	[sflag:s19] =	ssyncadd.s32 $0xFFFFC000  }
0x264: {  	[spmem:s1] =	stream.indirect.scatter.add.f32 [tilespmem:s17], [sflag:$0x3], $0x80, s20, s16, $0xb8;
	[tilespmem:$0x1D000] =	vst v63  }
0x265: {  	_ =	swait.ge [sflag:s21], $0x4000  }
0x266: {  	[sflag:s21] =	ssyncset.done $0x0  }
0x267: {  	[sflag:s21] =	ssyncadd.s32 $0xFFFFC000  }
0x268: {  	_ =	swait.ge [sflag:s21], $0x4000  }
0x269: {  	[sflag:s21] =	ssyncset.done $0x0  }
0x26a: {  	[sflag:s21] =	ssyncadd.s32 $0xFFFFC000  }
0x26b: {  	[tilespmem:s13], [sflag:$0x1] =	stream.indirect.gather [hbm4b:s4+s16], $0x80, s22, s16, $0xb8;
	[tilespmem:$0x1D000] =	vst v63  }
0x26c: {  	_ = 	snop  }
0x26d: {  	[tilespmem:s17], [sflag:$0x2] =	stream.indirect.gather [hbm4b:s4+s16], $0x80, s23, s16, $0xb8;
	[tilespmem:$0x1D000] =	vst v63  }
0x26e: {  	_ =	swait.ge [sflag:s18], $0x4000  }
0x26f: {  	[sflag:s18] =	ssyncset.done $0x0  }
0x270: {  	[sflag:s18] =	ssyncadd.s32 $0xFFFFC000  }
0x271: {  	[spmem:s1] =	stream.indirect.scatter.add.f32 [tilespmem:s13], [sflag:$0x3], $0x80, s24, s16, $0xb8;
	[tilespmem:$0x1D000] =	vst v63  }
0x272: {  	_ =	swait.ge [sflag:s19], $0x4000  }
0x273: {  	[sflag:s19] =	ssyncset.done $0x0  }
0x274: {  	[sflag:s19] =	ssyncadd.s32 $0xFFFFC000  }
0x275: {  	[spmem:s1] =	stream.indirect.scatter.add.f32 [tilespmem:s17], [sflag:$0x3], $0x80, s25, s16, $0xb8;
	[tilespmem:$0x1D000] =	vst v63  }
0x276: {  	_ =	swait.ge [sflag:s21], $0x4000  }
0x277: {  	[sflag:s21] =	ssyncset.done $0x0  }
0x278: {  	[sflag:s21] =	ssyncadd.s32 $0xFFFFC000  }
0x279: {  	_ =	swait.ge [sflag:s21], $0x4000  }
0x27a: {  	[sflag:s21] =	ssyncset.done $0x0  }
0x27b: {  	[sflag:s21] =	ssyncadd.s32 $0xFFFFC000  }
0x27c: {  	[tilespmem:s13], [sflag:$0x1] =	stream.indirect.gather [hbm4b:s4+s16], $0x80, s26, s16, $0xb8;
	[tilespmem:$0x1D000] =	vst v63  }
0x27d: {  	_ = 	snop  }
0x27e: {  	[tilespmem:s17], [sflag:$0x2] =	stream.indirect.gather [hbm4b:s4+s16], $0x80, s28, s16, $0xb8;
	[tilespmem:$0x1D000] =	vst v63  }
0x27f: {  	_ =	swait.ge [sflag:s18], $0x4000  }
0x280: {  	[sflag:s18] =	ssyncset.done $0x0  }
0x281: {  	[sflag:s18] =	ssyncadd.s32 $0xFFFFC000  }
0x282: {  	[spmem:s1] =	stream.indirect.scatter.add.f32 [tilespmem:s13], [sflag:$0x3], $0x80, s29, s16, $0xb8;
	[tilespmem:$0x1D000] =	vst v63  }
0x283: {  	_ =	swait.ge [sflag:s19], $0x4000  }
0x284: {  	[sflag:s19] =	ssyncset.done $0x0  }
0x285: {  	p1 =	seq.s32 s31, $0x600;
	[sflag:s19] =	ssyncadd.s32 $0xFFFFC000  }
0x286: {  	[spmem:s1] =	stream.indirect.scatter.add.f32 [tilespmem:s17], [sflag:$0x3], $0x80, s30, s16, $0xb8;
	[tilespmem:$0x1D000] =	vst v63  }
.Ltmp5:
0x287: {  	_ =	swait.ge [sflag:s21], $0x4000;
	(pc) =	sbr.rel @!p1 .LBB2_3-.Ltmp5, $4  }
0x288: {  	[sflag:s21] =	ssyncset.done $0x0  }
0x289: {  	[sflag:s21] =	ssyncadd.s32 $0xFFFFC000  }
0x28a: {  	_ =	swait.ge [sflag:s21], $0x4000  }
0x28b: {  	s31 =	sadd.s32 $0x100, s31;
	[sflag:s21] =	ssyncset.done $0x0  }
.Ltmp6:
0x28c: {  	(pc) =	sbr.rel .LBB2_8-.Ltmp6, $2  }
0x28d: {  	_ =	sdelay $0x2  }
0x28e: {  	[sflag:s21] =	ssyncadd.s32 $0xFFFFC000  }
.LBB2_9:
0x28f: {  	_ =	sfence.sel $0x180000  }
0x290: {  	[bflag:$0x0] =	sbarrier.arrive $0xFFFF  }
0x291: {  	_ =	strace $0x90000050  }
0x292: {  	s0 =	stileid.u32;
	[bflag:$0x2] =	sbarrier.arrive $0xFFFF  }
0x293: {  	p0 =	sne.s32 s0, $0x0;
	s0 =	rddreg [dreg:$0x2]  }
0x294: {  	s0 =	sadd.s32 @!p0 $0x100000, s0  }
0x295: {  	[sflag:s0] =	ssyncadd.tile.s32 @!p0 $0x1;
	_ =	shalt  }
.Lfunc_end2:
_tile_overlayer_lowered:
.L_overlay_start_2:
0x296: {  	(tag) =	ssettag $0x2  }
0x297: {  	s0 =	rddreg [dreg:$0x0];
	s2 =	stileid.u32  }
0x298: {  	s1 =	rddreg [dreg:$0x1];
	p0 =	sne.s32 s2, $0x0  }
0x299: {  	s3 =	rddreg [dreg:$0x2];
	[bflag:$0x3] =	sbarrier.arrive $0xFFFF;
	s2 =	simm.s32 @!p0 $0x1C04  }
0x29a: {  	[timem:s3], [sflag:s2] =	dma.local @!p0 [hbm:s0], s1  }
0x29b: {  	s0 =	simm.s32 @!p0 $0x4  }
0x29c: {  	_ =	swait.ge @!p0 [sflag:s0], s1  }
0x29d: {  	s1 =	ssub.s32 @!p0 $0x0, s1;
	[sflag:s0] =	ssyncset.done @!p0 $0x0  }
0x29e: {  	[sflag:s0] =	ssyncadd.s32 @!p0 s1  }
0x29f: {  	[bflag:$0x3] =	sbarrier.arrive $0xFFFF  }
0x2a0: {  	_ =	shalt  }

</sc_bundles>
